<compile_context>
chip_gen: v7x
topology: tpu7x:2x2x1
jax: 0.10.2.dev20260603
libtpu: 0.0.44.dev20260713+nightly
codegen_flags: <defaults>
</compile_context>

<pallas_src>
import functools

import jax
import jax.numpy as jnp
from jax import lax
from jax.experimental import pallas as pl
from jax.experimental.pallas import tpu as pltpu
from jax.experimental.pallas import tpu_sc as plsc

N = 10000
NP = 10240
E = 320000
D_IN = 128
D_EDGE = 16
HID = 32

NC = 2
NS = 16
NW = NC * NS
E_PER_W = E // NW
CHUNK = 2000
NCH = E_PER_W // CHUNK
SLICE = NP // NS

_mesh = plsc.VectorSubcoreMesh(core_axis_name="c", subcore_axis_name="s")


def _fill_1d(buf, n, val):
    def body(i, carry):
        buf[pl.ds(i * 16, 16)] = jnp.full((16,), val, jnp.float32)
        return carry
    lax.fori_loop(0, n // 16, body, 0)


CH = 1000
NCH_C = E_PER_W // CH
DEG_CH = (E // NS) // CH


@functools.partial(
    pl.kernel,
    mesh=_mesh,
    compiler_params=pltpu.CompilerParams(use_tc_tiling_on_sc=False,
                                         needs_layout_passes=False),
    out_type=[
        jax.ShapeDtypeStruct((NC, NP, HID), jnp.float32),
        jax.ShapeDtypeStruct((NP, HID), jnp.float32),
        jax.ShapeDtypeStruct((NP, HID), jnp.float32),
        jax.ShapeDtypeStruct((NP,), jnp.float32),
    ],
    scratch_types=[
        pltpu.VMEM((CH,), jnp.int32),
        pltpu.VMEM((CH,), jnp.int32),
        pltpu.VMEM((CH,), jnp.int32),
        pltpu.VMEM((CH,), jnp.int32),
        pltpu.VMEM((CH,), jnp.float32),
        pltpu.VMEM((CH, HID), jnp.float32),
        pltpu.VMEM((CH, HID), jnp.float32),
        pltpu.VMEM((SLICE,), jnp.float32),
        pltpu.VMEM((SLICE, HID), jnp.float32),
        pltpu.VMEM_SHARED((NP,), jnp.float32),
        pltpu.VMEM_SHARED((NP, HID), jnp.float32),
        pltpu.SemaphoreType.DMA,
        pltpu.SemaphoreType.DMA,
        pltpu.SemaphoreType.DMA,
        pltpu.SemaphoreType.DMA,
    ],
)
def _mega_sc(xenc_hbm, ei_hbm,
             s_hbm, y0_hbm, y1_hbm, dinv_hbm,
             ra_v, rb_v, ca_v, cb_v, ones_v, rows0_v, rows1_v,
             dbuf_v, ybuf_v, sh_deg, sh_s,
             sem_a0, sem_a1, sem_g0, sem_g1):
    c = lax.axis_index("c")
    s = lax.axis_index("s")
    wid = s * NC + c
    cbufs = [ca_v, cb_v]
    rbufs = [ra_v, rb_v]
    rowbufs = [rows0_v, rows1_v]
    sems_a = [sem_a0, sem_a1]
    sems_g = [sem_g0, sem_g1]
    _fill_1d(ones_v, CH, 1.0)
    _fill_1d(dbuf_v, SLICE, 0.0)

    def zbody(i, carry):
        ybuf_v[i, pl.ds(0, 16)] = jnp.zeros((16,), jnp.float32)
        ybuf_v[i, pl.ds(16, 16)] = jnp.zeros((16,), jnp.float32)
        return carry
    lax.fori_loop(0, SLICE, zbody, 0)
    pltpu.sync_copy(dbuf_v, sh_deg.at[pl.ds(s * SLICE, SLICE)])
    pltpu.sync_copy(ybuf_v, sh_s.at[pl.ds(s * SLICE, SLICE), :])
    plsc.subcore_barrier()
    abase = s * (E // NS)
    h = [None, None]
    h[0] = pltpu.async_copy(ei_hbm.at[1, pl.ds(abase, CH)], cbufs[0], sems_a[0])
    for k in range(DEG_CH):
        b = k % 2
        if k + 1 < DEG_CH:
            h[1 - b] = pltpu.async_copy(
                ei_hbm.at[1, pl.ds(abase + (k + 1) * CH, CH)],
                cbufs[1 - b], sems_a[1 - b])
        h[b].wait()
        pltpu.sync_copy(ones_v, sh_deg.at[cbufs[b]], add=True)
    plsc.subcore_barrier()
    pltpu.sync_copy(sh_deg.at[pl.ds(s * SLICE, SLICE)], dbuf_v)

    def nr(i, carry):
        d = dbuf_v[pl.ds(i * 16, 16)] + 1.0
        xi = plsc.bitcast(d, jnp.int32)
        xi = jnp.full((16,), 0x5F3759DF, jnp.int32) \
            - lax.shift_right_logical(xi, jnp.ones((16,), jnp.int32))
        xx = plsc.bitcast(xi, jnp.float32)
        for _ in range(4):
            xx = xx * (1.5 - 0.5 * d * xx * xx)
        dbuf_v[pl.ds(i * 16, 16)] = xx
        return carry
    lax.fori_loop(0, SLICE // 16, nr, 0)
    @pl.when(c == 0)
    def _():
        pltpu.sync_copy(dbuf_v, dinv_hbm.at[pl.ds(s * SLICE, SLICE)])
    pltpu.sync_copy(xenc_hbm.at[pl.ds(s * SLICE, SLICE), :], ybuf_v)

    def scale_row(i, carry):
        splat = jnp.zeros((16,), jnp.int32) + i
        dv = plsc.load_gather(dbuf_v, [splat])
        ybuf_v[i, pl.ds(0, 16)] = ybuf_v[i, pl.ds(0, 16)] * dv
        ybuf_v[i, pl.ds(16, 16)] = ybuf_v[i, pl.ds(16, 16)] * dv
        return carry
    lax.fori_loop(0, SLICE, scale_row, 0)

    @pl.when(c == 0)
    def _():
        pltpu.sync_copy(ybuf_v, y0_hbm.at[pl.ds(s * SLICE, SLICE), :])

    @pl.when(c == 1)
    def _():
        pltpu.sync_copy(ybuf_v, y1_hbm.at[pl.ds(s * SLICE, SLICE), :])
    plsc.subcore_barrier()
    cbase = wid * E_PER_W

    def phase_c(y_hbm):
        hg = [None, None]
        pltpu.sync_copy(ei_hbm.at[0, pl.ds(cbase, CH)], rbufs[0])
        pltpu.sync_copy(ei_hbm.at[1, pl.ds(cbase, CH)], cbufs[0])
        hg[0] = pltpu.async_copy(y_hbm.at[rbufs[0]], rowbufs[0], sems_g[0])
        for k in range(NCH_C):
            b = k % 2
            if k + 1 < NCH_C:
                pltpu.sync_copy(
                    ei_hbm.at[0, pl.ds(cbase + (k + 1) * CH, CH)],
                    rbufs[1 - b])
                pltpu.sync_copy(
                    ei_hbm.at[1, pl.ds(cbase + (k + 1) * CH, CH)],
                    cbufs[1 - b])
                hg[1 - b] = pltpu.async_copy(y_hbm.at[rbufs[1 - b]],
                                             rowbufs[1 - b], sems_g[1 - b])
            hg[b].wait()
            pltpu.sync_copy(rowbufs[b], sh_s.at[cbufs[b]], add=True)

    @pl.when(c == 0)
    def _():
        phase_c(y0_hbm)

    @pl.when(c == 1)
    def _():
        phase_c(y1_hbm)
    plsc.subcore_barrier()
    pltpu.sync_copy(sh_s.at[pl.ds(s * SLICE, SLICE), :], ybuf_v)
    pltpu.sync_copy(ybuf_v, s_hbm.at[c, pl.ds(s * SLICE, SLICE), :])


@functools.partial(
    pl.kernel,
    mesh=_mesh,
    compiler_params=pltpu.CompilerParams(use_tc_tiling_on_sc=False,
                                         needs_layout_passes=False),
    out_type=jax.ShapeDtypeStruct((E,), jnp.float32),
    scratch_types=[
        pltpu.VMEM((NP,), jnp.float32),
        pltpu.VMEM((NP,), jnp.float32),
        pltpu.VMEM((CHUNK,), jnp.int32),
        pltpu.VMEM((CHUNK,), jnp.int32),
        pltpu.VMEM((CHUNK,), jnp.int32),
        pltpu.VMEM((CHUNK,), jnp.int32),
        pltpu.VMEM((CHUNK,), jnp.float32),
        pltpu.VMEM((CHUNK,), jnp.float32),
        pltpu.VMEM((CHUNK,), jnp.float32),
        pltpu.VMEM((CHUNK,), jnp.float32),
        pltpu.SemaphoreType.DMA,
        pltpu.SemaphoreType.DMA,
        pltpu.SemaphoreType.DMA,
        pltpu.SemaphoreType.DMA,
        pltpu.SemaphoreType.DMA,
        pltpu.SemaphoreType.DMA,
        pltpu.SemaphoreType.DMA,
        pltpu.SemaphoreType.DMA,
        pltpu.SemaphoreType.DMA,
        pltpu.SemaphoreType.DMA,
    ],
)
def _edgeout_sc(u_hbm, v_hbm, eb_hbm, ei_hbm, out_hbm,
                u_v, v_v, r0_v, r1_v, c0_v, c1_v, e0_v, e1_v, o0_v, o1_v,
                sem_u, sem_v, sem_r0, sem_r1, sem_c0, sem_c1, sem_e0,
                sem_e1, sem_o0, sem_o1):
    c = lax.axis_index("c")
    s = lax.axis_index("s")
    wid = s * NC + c
    rbufs, cbufs, ebufs, obufs = [r0_v, r1_v], [c0_v, c1_v], \
        [e0_v, e1_v], [o0_v, o1_v]
    sems_r, sems_c, sems_e, sems_o = [sem_r0, sem_r1], [sem_c0, sem_c1], \
        [sem_e0, sem_e1], [sem_o0, sem_o1]
    hu = pltpu.async_copy(u_hbm, u_v, sem_u)
    hv = pltpu.async_copy(v_hbm, v_v, sem_v)

    def pref(k, b):
        base = wid * E_PER_W + k * CHUNK
        return (
            pltpu.async_copy(ei_hbm.at[0, pl.ds(base, CHUNK)], rbufs[b],
                             sems_r[b]),
            pltpu.async_copy(ei_hbm.at[1, pl.ds(base, CHUNK)], cbufs[b],
                             sems_c[b]),
            pltpu.async_copy(eb_hbm.at[pl.ds(base, CHUNK)], ebufs[b],
                             sems_e[b]),
        )

    hin = [None, None]
    hout = [None, None]
    hin[0] = pref(0, 0)
    hu.wait()
    hv.wait()
    for k in range(NCH):
        b = k % 2
        if k + 1 < NCH:
            hin[1 - b] = pref(k + 1, 1 - b)
        for hh in hin[b]:
            hh.wait()
        if hout[b] is not None:
            hout[b].wait()
        ridx_v, cidx_v, eb_v, o_v = rbufs[b], cbufs[b], ebufs[b], obufs[b]

        def body(j, carry):
            r = ridx_v[pl.ds(j * 16, 16)]
            cc = cidx_v[pl.ds(j * 16, 16)]
            g = (plsc.load_gather(u_v, [r])
                 + plsc.load_gather(v_v, [cc])
                 + eb_v[pl.ds(j * 16, 16)])
            o_v[pl.ds(j * 16, 16)] = g
            return carry
        lax.fori_loop(0, CHUNK // 16, body, 0)
        base = wid * E_PER_W + k * CHUNK
        hout[b] = pltpu.async_copy(o_v, out_hbm.at[pl.ds(base, CHUNK)],
                                   sems_o[b])
    for hh in hout:
        if hh is not None:
            hh.wait()


_BE = 6400


def _xenc_body(x_ref, wne_ref, bne_ref, xenc_ref):
    xw = jnp.dot(x_ref[...], wne_ref[...], preferred_element_type=jnp.float32)
    xenc_ref[...] = jnp.maximum(xw + bne_ref[...], 0.0)


def _xenc_tc(x_pad, W_ne, b_ne2):
    return pl.pallas_call(
        _xenc_body,
        out_shape=jax.ShapeDtypeStruct((NP, HID), jnp.float32),
    )(x_pad, W_ne, b_ne2)


def _eb_body(eat_ref, wee_ref, bee_ref, wout_ref, bout_ref, eb_ref):
    tt = lax.dot_general(wee_ref[...], eat_ref[...],
                         (((0,), (0,)), ((), ())),
                         preferred_element_type=jnp.float32)
    tt = jnp.maximum(tt + bee_ref[...], 0.0)
    w3 = wout_ref[2 * HID:3 * HID, :]
    st = lax.dot_general(w3, tt, (((0,), (0,)), ((), ())),
                         preferred_element_type=jnp.float32) + bout_ref[...]
    i = pl.program_id(0)
    eb_ref[pl.ds(i * _BE, _BE)] = jnp.reshape(st, (_BE,))


def _eb_tc(ea_t, W_ee, b_ee_col, W_out, b_out2):
    return pl.pallas_call(
        _eb_body,
        grid=(E // _BE,),
        in_specs=[
            pl.BlockSpec((D_EDGE, _BE), lambda i: (0, i)),
            pl.BlockSpec((D_EDGE, HID), lambda i: (0, 0)),
            pl.BlockSpec((HID, 1), lambda i: (0, 0)),
            pl.BlockSpec((3 * HID, 1), lambda i: (0, 0)),
            pl.BlockSpec((1, 1), lambda i: (0, 0)),
        ],
        out_specs=pl.BlockSpec((E,), lambda i: (0,)),
        out_shape=jax.ShapeDtypeStruct((E,), jnp.float32),
    )(ea_t, W_ee, b_ee_col, W_out, b_out2)


def _huv_body(s_ref, y_ref, dinv_ref, wz_ref, lzw_ref, lzb_ref, bz_ref,
              wh_ref, lhw_ref, lhb_ref, bh_ref, wout_ref, u_ref, v_ref):
    agg = (s_ref[0] + s_ref[1] + y_ref[...]) * dinv_ref[...]
    lzw = lzw_ref[0:HID, :]
    lhw = lhw_ref[0:HID, :]
    mz = jnp.dot(wz_ref[...], lzw, preferred_element_type=jnp.float32)
    cz = jnp.dot(bz_ref[...], lzw, preferred_element_type=jnp.float32) \
        + lzb_ref[...]
    mh = jnp.dot(wh_ref[...], lhw, preferred_element_type=jnp.float32)
    ch = jnp.dot(bh_ref[...], lhw, preferred_element_type=jnp.float32) \
        + lhb_ref[...]
    z = jax.nn.sigmoid(
        jnp.dot(agg, mz, preferred_element_type=jnp.float32) + cz)
    ht = jnp.tanh(jnp.dot(agg, mh, preferred_element_type=jnp.float32) + ch)
    h = (1.0 - z) * ht
    u_ref[...] = jnp.reshape(
        jnp.dot(h, wout_ref[0:HID, :], preferred_element_type=jnp.float32),
        (NP,))
    v_ref[...] = jnp.reshape(
        jnp.dot(h, wout_ref[HID:2 * HID, :],
                preferred_element_type=jnp.float32), (NP,))


def _huv_tc(S, y, dinv, Wz, LzW, Lzb2, bz2, Wh, LhW, Lhb2, bh2, W_out):
    return pl.pallas_call(
        _huv_body,
        out_shape=[
            jax.ShapeDtypeStruct((NP,), jnp.float32),
            jax.ShapeDtypeStruct((NP,), jnp.float32),
        ],
    )(S, y, dinv, Wz, LzW, Lzb2, bz2, Wh, LhW, Lhb2, bh2, W_out)


def kernel(x, edge_index, edge_attr, W_ne, b_ne, W_ee, b_ee, Wz, bz, LzW,
           Lzb, Wr, br, LrW, Lrb, Wh, bh, LhW, Lhb, W_out, b_out):
    ei = edge_index.astype(jnp.int32)
    x_pad = jnp.pad(x, ((0, NP - N), (0, 0)))

    x_enc = _xenc_tc(x_pad, W_ne, b_ne.reshape(1, HID))
    S, y0, _y1, dinv = _mega_sc(x_enc, ei)
    eb = _eb_tc(edge_attr.T, W_ee, b_ee.reshape(HID, 1), W_out,
                b_out.reshape(1, 1))
    u1, v1 = _huv_tc(S, y0, dinv.reshape(NP, 1), Wz, LzW,
                     Lzb.reshape(1, HID), bz.reshape(1, HID), Wh, LhW,
                     Lhb.reshape(1, HID), bh.reshape(1, HID), W_out)
    out = _edgeout_sc(u1, v1, eb, ei)
    return out.reshape(E, 1)

# --- scband reference (transcript-rebuilt; emitter-appended) ---
"""Pipeline reference for scband-temporal-gcn-85409719648313 (READ-ONLY COPY).

The authoritative reference and input builder live on the scoring server;
editing this copy changes nothing except your own understanding.
"""

import jax, jax.numpy as jnp
import numpy as np

N_NODES = 10000
N_EDGES = 320000
D_NODE = 128
D_EDGE = 16
HID = 32


def _gcn_conv(x, row, col, W, b, n):
    # GCNConv: x' = D^{-1/2} (A + I) D^{-1/2} (x W) + b
    xw = x @ W
    loop = jnp.arange(n, dtype=row.dtype)
    r = jnp.concatenate([row, loop])
    c = jnp.concatenate([col, loop])
    deg = jnp.zeros((n,), xw.dtype).at[c].add(1.0)
    dinv = jnp.where(deg > 0, jax.lax.rsqrt(deg), 0.0)
    norm = dinv[r] * dinv[c]
    out = jnp.zeros_like(xw).at[c].add(xw[r] * norm[:, None])
    return out + b


def setup_inputs(seed: int = 0) -> dict:
    key = jax.random.key(seed)
    ks = [jax.random.fold_in(key, i) for i in range(32)]
    inp = {}
    inp['x'] = jax.random.normal(ks[0], (N_NODES, D_NODE), dtype=jnp.float32)
    inp['edge_index'] = jax.random.randint(ks[1], (2, N_EDGES), 0, N_NODES, dtype=jnp.int64)
    inp['edge_attr'] = jax.random.normal(ks[2], (N_EDGES, D_EDGE), dtype=jnp.float32)
    # node_encoder: Linear(128, 32)
    inp['W_ne'] = jax.random.normal(ks[3], (D_NODE, HID), dtype=jnp.float32) * 0.05
    inp['b_ne'] = jnp.zeros((HID,), dtype=jnp.float32)
    # edge_encoder: Linear(16, 32)
    inp['W_ee'] = jax.random.normal(ks[4], (D_EDGE, HID), dtype=jnp.float32) * 0.05
    inp['b_ee'] = jnp.zeros((HID,), dtype=jnp.float32)
    # TGCN cell params: GCNConv + Linear for z, r, h gates
    inp['Wz'] = jax.random.normal(ks[5], (HID, HID), dtype=jnp.float32) * 0.05
    inp['bz'] = jnp.zeros((HID,), dtype=jnp.float32)
    inp['LzW'] = jax.random.normal(ks[6], (2 * HID, HID), dtype=jnp.float32) * 0.05
    inp['Lzb'] = jnp.zeros((HID,), dtype=jnp.float32)
    inp['Wr'] = jax.random.normal(ks[7], (HID, HID), dtype=jnp.float32) * 0.05
    inp['br'] = jnp.zeros((HID,), dtype=jnp.float32)
    inp['LrW'] = jax.random.normal(ks[8], (2 * HID, HID), dtype=jnp.float32) * 0.05
    inp['Lrb'] = jnp.zeros((HID,), dtype=jnp.float32)
    inp['Wh'] = jax.random.normal(ks[9], (HID, HID), dtype=jnp.float32) * 0.05
    inp['bh'] = jnp.zeros((HID,), dtype=jnp.float32)
    inp['LhW'] = jax.random.normal(ks[10], (2 * HID, HID), dtype=jnp.float32) * 0.05
    inp['Lhb'] = jnp.zeros((HID,), dtype=jnp.float32)
    # final linear: Linear(96, 1)
    inp['W_out'] = jax.random.normal(ks[11], (3 * HID, 1), dtype=jnp.float32) * 0.05
    inp['b_out'] = jnp.zeros((1,), dtype=jnp.float32)
    return inp


def reference(x, edge_index, edge_attr, W_ne, b_ne, W_ee, b_ee, Wz, bz, LzW, Lzb, Wr, br, LrW, Lrb, Wh, bh, LhW, Lhb, W_out, b_out):
    n = x.shape[0]
    row, col = edge_index[0], edge_index[1]
    x_enc = jax.nn.relu(x @ W_ne + b_ne)
    e_enc = jax.nn.relu(edge_attr @ W_ee + b_ee)
    # TGCN cell with H0 = zeros
    H = jnp.zeros((n, HID), dtype=x_enc.dtype)
    Z = jax.nn.sigmoid(jnp.concatenate([_gcn_conv(x_enc, row, col, Wz, bz, n), H], axis=1) @ LzW + Lzb)
    R = jax.nn.sigmoid(jnp.concatenate([_gcn_conv(x_enc, row, col, Wr, br, n), H], axis=1) @ LrW + Lrb)
    H_tilde = jnp.tanh(jnp.concatenate([_gcn_conv(x_enc, row, col, Wh, bh, n), H * R], axis=1) @ LhW + Lhb)
    H = Z * H + (1.0 - Z) * H_tilde
    edge_h = jnp.concatenate([H[row], H[col]], axis=1)
    combined = jnp.concatenate([edge_h, e_enc], axis=1)
    return combined @ W_out + b_out

if __name__ == "__main__":
    import jax
    _d = setup_inputs()
    print(jax.jit(kernel)(*tuple(_d.values())))

</pallas_src>

<mosaic_0001>
#map = affine_map<(d0, d1) -> (0, 0)>
#map1 = affine_map<(d0, d1) -> (0, 0, 0)>
#map2 = affine_map<(d0, d1) -> (0)>
module attributes {stable_mosaic.version = 14 : i64} {
  func.func @_mega_sc(%arg0: i32, %arg1: i32, %arg2: memref<10240x32xf32, #tpu.memory_space<hbm>>, %arg3: memref<2x320000xi32, #tpu.memory_space<hbm>>, %arg4: memref<2x10240x32xf32, #tpu.memory_space<hbm>>, %arg5: memref<10240x32xf32, #tpu.memory_space<hbm>>, %arg6: memref<10240x32xf32, #tpu.memory_space<hbm>>, %arg7: memref<10240xf32, #tpu.memory_space<hbm>>, %arg8: memref<1000xi32, #tpu.memory_space<vmem>>, %arg9: memref<1000xi32, #tpu.memory_space<vmem>>, %arg10: memref<1000xi32, #tpu.memory_space<vmem>>, %arg11: memref<1000xi32, #tpu.memory_space<vmem>>, %arg12: memref<1000xf32, #tpu.memory_space<vmem>>, %arg13: memref<1000x32xf32, #tpu.memory_space<vmem>>, %arg14: memref<1000x32xf32, #tpu.memory_space<vmem>>, %arg15: memref<640xf32, #tpu.memory_space<vmem>>, %arg16: memref<640x32xf32, #tpu.memory_space<vmem>>, %arg17: memref<10240xf32, #tpu.memory_space<vmem_shared>>, %arg18: memref<10240x32xf32, #tpu.memory_space<vmem_shared>>, %arg19: memref<!tpu.dma_semaphore, #tpu.memory_space<semaphore_mem>>, %arg20: memref<!tpu.dma_semaphore, #tpu.memory_space<semaphore_mem>>, %arg21: memref<!tpu.dma_semaphore, #tpu.memory_space<semaphore_mem>>, %arg22: memref<!tpu.dma_semaphore, #tpu.memory_space<semaphore_mem>>) attributes {dimension_semantics = [#tpu.dimension_semantics<core_parallel>, #tpu.dimension_semantics<subcore_parallel>], iteration_bounds = array<i64: 2, 16>, scalar_prefetch = 0 : i64, scratch_operands = 15 : i64, tpu.core_type = #tpu.core_type<sc_vector_subcore>, window_params = [{transform_indices = #map}, {transform_indices = #map}, {transform_indices = #map1}, {transform_indices = #map}, {transform_indices = #map}, {transform_indices = #map2}]} {
    %mul3A = arith.constant 2 : i32
    %mul3A_0 = arith.muli %arg1, %mul3A : i32
    %add3A = arith.addi %mul3A_0, %arg0 : i32
    %scan3A = arith.constant 0 : i32
    %scan3A_1 = arith.constant 0 : i32
    %scan3A_2 = arith.constant 62 : i32
    %scan3A_3 = arith.addi %scan3A_1, %scan3A_2 : i32
    %scan3A_4 = arith.constant 1 : i32
    scf.for %scan3A_307 = %scan3A_1 to %scan3A_3 step %scan3A_4  : i32 {
      %broadcast_in_dim3A = arith.constant 1.000000e+00 : f32
      %broadcast_in_dim3A_308 = vector.broadcast %broadcast_in_dim3A : f32 to vector<16xf32>
      %mul3A_309 = arith.constant 16 : i32
      %mul3A_310 = arith.muli %scan3A_307, %mul3A_309 : i32
      %swap3A = arith.index_cast %mul3A_310 : i32 to index
      %swap3A_311 = tpu.vector_load %arg12[%swap3A] {strides = array<i32>} : memref<1000xf32, #tpu.memory_space<vmem>>, vector<16xf32>,
      tpu.vector_store %arg12[%swap3A], %broadcast_in_dim3A_308 {strides = array<i32>} : memref<1000xf32, #tpu.memory_space<vmem>>, vector<16xf32>,
    }
    %scan3A_5 = arith.constant 62 : i32
    %scan3A_6 = arith.constant 0 : i32
    %scan3A_7 = arith.constant 0 : i32
    %scan3A_8 = arith.constant 40 : i32
    %scan3A_9 = arith.addi %scan3A_7, %scan3A_8 : i32
    %scan3A_10 = arith.constant 1 : i32
    scf.for %scan3A_307 = %scan3A_7 to %scan3A_9 step %scan3A_10  : i32 {
      %broadcast_in_dim3A = arith.constant 0.000000e+00 : f32
      %broadcast_in_dim3A_308 = vector.broadcast %broadcast_in_dim3A : f32 to vector<16xf32>
      %mul3A_309 = arith.constant 16 : i32
      %mul3A_310 = arith.muli %scan3A_307, %mul3A_309 : i32
      %swap3A = arith.index_cast %mul3A_310 : i32 to index
      %swap3A_311 = tpu.vector_load %arg15[%swap3A] {strides = array<i32>} : memref<640xf32, #tpu.memory_space<vmem>>, vector<16xf32>,
      tpu.vector_store %arg15[%swap3A], %broadcast_in_dim3A_308 {strides = array<i32>} : memref<640xf32, #tpu.memory_space<vmem>>, vector<16xf32>,
    }
    %scan3A_11 = arith.constant 40 : i32
    %scan3A_12 = arith.constant 0 : i32
    %scan3A_13 = arith.constant 0 : i32
    %scan3A_14 = arith.constant 640 : i32
    %scan3A_15 = arith.addi %scan3A_13, %scan3A_14 : i32
    %scan3A_16 = arith.constant 1 : i32
    scf.for %scan3A_307 = %scan3A_13 to %scan3A_15 step %scan3A_16  : i32 {
      %broadcast_in_dim3A = arith.constant 0.000000e+00 : f32
      %broadcast_in_dim3A_308 = vector.broadcast %broadcast_in_dim3A : f32 to vector<16xf32>
      %swap3A = arith.index_cast %scan3A_307 : i32 to index
      %swap3A_309 = arith.constant 0 : index
      %swap3A_310 = tpu.vector_load %arg16[%swap3A, %swap3A_309] {strides = array<i32>} : memref<640x32xf32, #tpu.memory_space<vmem>>, vector<16xf32>,
      tpu.vector_store %arg16[%swap3A, %swap3A_309], %broadcast_in_dim3A_308 {strides = array<i32>} : memref<640x32xf32, #tpu.memory_space<vmem>>, vector<16xf32>,
      %broadcast_in_dim3A_311 = arith.constant 0.000000e+00 : f32
      %broadcast_in_dim3A_312 = vector.broadcast %broadcast_in_dim3A_311 : f32 to vector<16xf32>
      %swap3A_313 = arith.index_cast %scan3A_307 : i32 to index
      %swap3A_314 = arith.constant 16 : index
      %swap3A_315 = tpu.vector_load %arg16[%swap3A_313, %swap3A_314] {strides = array<i32>} : memref<640x32xf32, #tpu.memory_space<vmem>>, vector<16xf32>,
      tpu.vector_store %arg16[%swap3A_313, %swap3A_314], %broadcast_in_dim3A_312 {strides = array<i32>} : memref<640x32xf32, #tpu.memory_space<vmem>>, vector<16xf32>,
    }
    %scan3A_17 = arith.constant 640 : i32
    %mul3A_18 = arith.constant 640 : i32
    %mul3A_19 = arith.muli %arg1, %mul3A_18 : i32
    "tpu.region"() ({
      %run_scoped3A = tpu.sem_alloc : memref<!tpu.dma_semaphore, #tpu.memory_space<semaphore_mem>>
      %dma_start3A_307 = tpu.memref_slice %arg17[%mul3A_19] : memref<10240xf32, #tpu.memory_space<vmem_shared>> -> memref<640xf32, #tpu.memory_space<vmem_shared>>
      %dma_start3A_308 = tpu.memref_slice %arg17[%mul3A_19] : memref<10240xf32, #tpu.memory_space<vmem_shared>> -> memref<640xf32, #tpu.memory_space<vmem_shared>>
      tpu.enqueue_dma source(%arg15 : memref<640xf32, #tpu.memory_space<vmem>>) target(%dma_start3A_308 : memref<640xf32, #tpu.memory_space<vmem_shared>>) target_semaphore(%run_scoped3A : memref<!tpu.dma_semaphore, #tpu.memory_space<semaphore_mem>>)
      %dma_wait3A_309 = tpu.memref_slice %arg17[%mul3A_19] : memref<10240xf32, #tpu.memory_space<vmem_shared>> -> memref<640xf32, #tpu.memory_space<vmem_shared>>
      %dma_wait3A_310 = tpu.memref_slice %arg17[%mul3A_19] : memref<10240xf32, #tpu.memory_space<vmem_shared>> -> memref<640xf32, #tpu.memory_space<vmem_shared>>
      tpu.wait_dma2 semaphore(%run_scoped3A : memref<!tpu.dma_semaphore, #tpu.memory_space<semaphore_mem>>) src(%arg15 : memref<640xf32, #tpu.memory_space<vmem>>) dst(%dma_wait3A_310 : memref<640xf32, #tpu.memory_space<vmem_shared>>)
      tpu.yield
    }) : () -> ()
    %mul3A_20 = arith.constant 640 : i32
    %mul3A_21 = arith.muli %arg1, %mul3A_20 : i32
    "tpu.region"() ({
      %run_scoped3A = tpu.sem_alloc : memref<!tpu.dma_semaphore, #tpu.memory_space<semaphore_mem>>
      %dma_start3A_307 = arith.constant 0 : i32
      %dma_start3A_308 = tpu.memref_slice %arg18[%mul3A_21, %dma_start3A_307] : memref<10240x32xf32, #tpu.memory_space<vmem_shared>> -> memref<640x32xf32, #tpu.memory_space<vmem_shared>>
      %dma_start3A_309 = arith.constant 0 : i32
      %dma_start3A_310 = tpu.memref_slice %arg18[%mul3A_21, %dma_start3A_309] : memref<10240x32xf32, #tpu.memory_space<vmem_shared>> -> memref<640x32xf32, #tpu.memory_space<vmem_shared>>
      tpu.enqueue_dma source(%arg16 : memref<640x32xf32, #tpu.memory_space<vmem>>) target(%dma_start3A_310 : memref<640x32xf32, #tpu.memory_space<vmem_shared>>) target_semaphore(%run_scoped3A : memref<!tpu.dma_semaphore, #tpu.memory_space<semaphore_mem>>)
      %dma_wait3A_311 = arith.constant 0 : i32
      %dma_wait3A_312 = tpu.memref_slice %arg18[%mul3A_21, %dma_wait3A_311] : memref<10240x32xf32, #tpu.memory_space<vmem_shared>> -> memref<640x32xf32, #tpu.memory_space<vmem_shared>>
      %dma_wait3A_313 = arith.constant 0 : i32
      %dma_wait3A_314 = tpu.memref_slice %arg18[%mul3A_21, %dma_wait3A_313] : memref<10240x32xf32, #tpu.memory_space<vmem_shared>> -> memref<640x32xf32, #tpu.memory_space<vmem_shared>>
      tpu.wait_dma2 semaphore(%run_scoped3A : memref<!tpu.dma_semaphore, #tpu.memory_space<semaphore_mem>>) src(%arg16 : memref<640x32xf32, #tpu.memory_space<vmem>>) dst(%dma_wait3A_314 : memref<640x32xf32, #tpu.memory_space<vmem_shared>>)
      tpu.yield
    }) : () -> ()
    %barrier3A = arith.constant 0 : index
    tpu.barrier barrier_id(%barrier3A)
    %mul3A_22 = arith.constant 20000 : i32
    %mul3A_23 = arith.muli %arg1, %mul3A_22 : i32
    %dma_start3A = arith.constant 1 : i32
    %dma_start3A_24 = tpu.memref_slice %arg3[%dma_start3A, %mul3A_23] : memref<2x320000xi32, #tpu.memory_space<hbm>> -> memref<1x1000xi32, #tpu.memory_space<hbm>>
    %dma_start3A_25 = tpu.memref_squeeze %dma_start3A_24 : memref<1x1000xi32, #tpu.memory_space<hbm>> -> memref<1000xi32, #tpu.memory_space<hbm>>
    %dma_start3A_26 = tpu.memref_slice %arg3[%dma_start3A, %mul3A_23] : memref<2x320000xi32, #tpu.memory_space<hbm>> -> memref<1x1000xi32, #tpu.memory_space<hbm>>
    %dma_start3A_27 = tpu.memref_squeeze %dma_start3A_26 : memref<1x1000xi32, #tpu.memory_space<hbm>> -> memref<1000xi32, #tpu.memory_space<hbm>>
    tpu.enqueue_dma source(%dma_start3A_27 : memref<1000xi32, #tpu.memory_space<hbm>>) target(%arg10 : memref<1000xi32, #tpu.memory_space<vmem>>) target_semaphore(%arg19 : memref<!tpu.dma_semaphore, #tpu.memory_space<semaphore_mem>>)
    %add3A_28 = arith.constant 1000 : i32
    %add3A_29 = arith.addi %mul3A_23, %add3A_28 : i32
    %dma_start3A_30 = arith.constant 1 : i32
    %dma_start3A_31 = tpu.memref_slice %arg3[%dma_start3A_30, %add3A_29] : memref<2x320000xi32, #tpu.memory_space<hbm>> -> memref<1x1000xi32, #tpu.memory_space<hbm>>
    %dma_start3A_32 = tpu.memref_squeeze %dma_start3A_31 : memref<1x1000xi32, #tpu.memory_space<hbm>> -> memref<1000xi32, #tpu.memory_space<hbm>>
    %dma_start3A_33 = tpu.memref_slice %arg3[%dma_start3A_30, %add3A_29] : memref<2x320000xi32, #tpu.memory_space<hbm>> -> memref<1x1000xi32, #tpu.memory_space<hbm>>
    %dma_start3A_34 = tpu.memref_squeeze %dma_start3A_33 : memref<1x1000xi32, #tpu.memory_space<hbm>> -> memref<1000xi32, #tpu.memory_space<hbm>>
    tpu.enqueue_dma source(%dma_start3A_34 : memref<1000xi32, #tpu.memory_space<hbm>>) target(%arg11 : memref<1000xi32, #tpu.memory_space<vmem>>) target_semaphore(%arg20 : memref<!tpu.dma_semaphore, #tpu.memory_space<semaphore_mem>>)
    %dma_wait3A = arith.constant 1 : i32
    %dma_wait3A_35 = tpu.memref_slice %arg3[%dma_wait3A, %mul3A_23] : memref<2x320000xi32, #tpu.memory_space<hbm>> -> memref<1x1000xi32, #tpu.memory_space<hbm>>
    %dma_wait3A_36 = tpu.memref_squeeze %dma_wait3A_35 : memref<1x1000xi32, #tpu.memory_space<hbm>> -> memref<1000xi32, #tpu.memory_space<hbm>>
    %dma_wait3A_37 = tpu.memref_slice %arg3[%dma_wait3A, %mul3A_23] : memref<2x320000xi32, #tpu.memory_space<hbm>> -> memref<1x1000xi32, #tpu.memory_space<hbm>>
    %dma_wait3A_38 = tpu.memref_squeeze %dma_wait3A_37 : memref<1x1000xi32, #tpu.memory_space<hbm>> -> memref<1000xi32, #tpu.memory_space<hbm>>
    tpu.wait_dma2 semaphore(%arg19 : memref<!tpu.dma_semaphore, #tpu.memory_space<semaphore_mem>>) src(%dma_wait3A_38 : memref<1000xi32, #tpu.memory_space<hbm>>) dst(%arg10 : memref<1000xi32, #tpu.memory_space<vmem>>)
    "tpu.region"() ({
      %run_scoped3A = tpu.sem_alloc : memref<!tpu.dma_semaphore, #tpu.memory_space<semaphore_mem>>
      %dma_start3A_307 = arith.constant 0 : i32
      %dma_start3A_308 = tpu.memref_slice %arg17[%dma_start3A_307] : memref<10240xf32, #tpu.memory_space<vmem_shared>> -> memref<10240xf32, #tpu.memory_space<vmem_shared>>
      tpu.enqueue_indirect_dma source(%arg12 : memref<1000xf32, #tpu.memory_space<vmem>>) target(%dma_start3A_308 : memref<10240xf32, #tpu.memory_space<vmem_shared>>) offsets(%arg10 : memref<1000xi32, #tpu.memory_space<vmem>>) semaphore(%run_scoped3A : memref<!tpu.dma_semaphore, #tpu.memory_space<semaphore_mem>>) {add = true}
      %dma_wait3A_309 = arith.constant 0 : i32
      %dma_wait3A_310 = tpu.memref_slice %arg17[%dma_wait3A_309] : memref<10240xf32, #tpu.memory_space<vmem_shared>> -> memref<10240xf32, #tpu.memory_space<vmem_shared>>
      tpu.wait_indirect_dma semaphore(%run_scoped3A : memref<!tpu.dma_semaphore, #tpu.memory_space<semaphore_mem>>) src(%arg12 : memref<1000xf32, #tpu.memory_space<vmem>>) dst(%dma_wait3A_310 : memref<10240xf32, #tpu.memory_space<vmem_shared>>)
      tpu.yield
    }) : () -> ()
    %add3A_39 = arith.constant 2000 : i32
    %add3A_40 = arith.addi %mul3A_23, %add3A_39 : i32
    %dma_start3A_41 = arith.constant 1 : i32
    %dma_start3A_42 = tpu.memref_slice %arg3[%dma_start3A_41, %add3A_40] : memref<2x320000xi32, #tpu.memory_space<hbm>> -> memref<1x1000xi32, #tpu.memory_space<hbm>>
    %dma_start3A_43 = tpu.memref_squeeze %dma_start3A_42 : memref<1x1000xi32, #tpu.memory_space<hbm>> -> memref<1000xi32, #tpu.memory_space<hbm>>
    %dma_start3A_44 = tpu.memref_slice %arg3[%dma_start3A_41, %add3A_40] : memref<2x320000xi32, #tpu.memory_space<hbm>> -> memref<1x1000xi32, #tpu.memory_space<hbm>>
    %dma_start3A_45 = tpu.memref_squeeze %dma_start3A_44 : memref<1x1000xi32, #tpu.memory_space<hbm>> -> memref<1000xi32, #tpu.memory_space<hbm>>
    tpu.enqueue_dma source(%dma_start3A_45 : memref<1000xi32, #tpu.memory_space<hbm>>) target(%arg10 : memref<1000xi32, #tpu.memory_space<vmem>>) target_semaphore(%arg19 : memref<!tpu.dma_semaphore, #tpu.memory_space<semaphore_mem>>)
    %dma_wait3A_46 = arith.constant 1 : i32
    %dma_wait3A_47 = tpu.memref_slice %arg3[%dma_wait3A_46, %add3A_29] : memref<2x320000xi32, #tpu.memory_space<hbm>> -> memref<1x1000xi32, #tpu.memory_space<hbm>>
    %dma_wait3A_48 = tpu.memref_squeeze %dma_wait3A_47 : memref<1x1000xi32, #tpu.memory_space<hbm>> -> memref<1000xi32, #tpu.memory_space<hbm>>
    %dma_wait3A_49 = tpu.memref_slice %arg3[%dma_wait3A_46, %add3A_29] : memref<2x320000xi32, #tpu.memory_space<hbm>> -> memref<1x1000xi32, #tpu.memory_space<hbm>>
    %dma_wait3A_50 = tpu.memref_squeeze %dma_wait3A_49 : memref<1x1000xi32, #tpu.memory_space<hbm>> -> memref<1000xi32, #tpu.memory_space<hbm>>
    tpu.wait_dma2 semaphore(%arg20 : memref<!tpu.dma_semaphore, #tpu.memory_space<semaphore_mem>>) src(%dma_wait3A_50 : memref<1000xi32, #tpu.memory_space<hbm>>) dst(%arg11 : memref<1000xi32, #tpu.memory_space<vmem>>)
    "tpu.region"() ({
      %run_scoped3A = tpu.sem_alloc : memref<!tpu.dma_semaphore, #tpu.memory_space<semaphore_mem>>
      %dma_start3A_307 = arith.constant 0 : i32
      %dma_start3A_308 = tpu.memref_slice %arg17[%dma_start3A_307] : memref<10240xf32, #tpu.memory_space<vmem_shared>> -> memref<10240xf32, #tpu.memory_space<vmem_shared>>
      tpu.enqueue_indirect_dma source(%arg12 : memref<1000xf32, #tpu.memory_space<vmem>>) target(%dma_start3A_308 : memref<10240xf32, #tpu.memory_space<vmem_shared>>) offsets(%arg11 : memref<1000xi32, #tpu.memory_space<vmem>>) semaphore(%run_scoped3A : memref<!tpu.dma_semaphore, #tpu.memory_space<semaphore_mem>>) {add = true}
      %dma_wait3A_309 = arith.constant 0 : i32
      %dma_wait3A_310 = tpu.memref_slice %arg17[%dma_wait3A_309] : memref<10240xf32, #tpu.memory_space<vmem_shared>> -> memref<10240xf32, #tpu.memory_space<vmem_shared>>
      tpu.wait_indirect_dma semaphore(%run_scoped3A : memref<!tpu.dma_semaphore, #tpu.memory_space<semaphore_mem>>) src(%arg12 : memref<1000xf32, #tpu.memory_space<vmem>>) dst(%dma_wait3A_310 : memref<10240xf32, #tpu.memory_space<vmem_shared>>)
      tpu.yield
    }) : () -> ()
    %add3A_51 = arith.constant 3000 : i32
    %add3A_52 = arith.addi %mul3A_23, %add3A_51 : i32
    %dma_start3A_53 = arith.constant 1 : i32
    %dma_start3A_54 = tpu.memref_slice %arg3[%dma_start3A_53, %add3A_52] : memref<2x320000xi32, #tpu.memory_space<hbm>> -> memref<1x1000xi32, #tpu.memory_space<hbm>>
    %dma_start3A_55 = tpu.memref_squeeze %dma_start3A_54 : memref<1x1000xi32, #tpu.memory_space<hbm>> -> memref<1000xi32, #tpu.memory_space<hbm>>
    %dma_start3A_56 = tpu.memref_slice %arg3[%dma_start3A_53, %add3A_52] : memref<2x320000xi32, #tpu.memory_space<hbm>> -> memref<1x1000xi32, #tpu.memory_space<hbm>>
    %dma_start3A_57 = tpu.memref_squeeze %dma_start3A_56 : memref<1x1000xi32, #tpu.memory_space<hbm>> -> memref<1000xi32, #tpu.memory_space<hbm>>
    tpu.enqueue_dma source(%dma_start3A_57 : memref<1000xi32, #tpu.memory_space<hbm>>) target(%arg11 : memref<1000xi32, #tpu.memory_space<vmem>>) target_semaphore(%arg20 : memref<!tpu.dma_semaphore, #tpu.memory_space<semaphore_mem>>)
    %dma_wait3A_58 = arith.constant 1 : i32
    %dma_wait3A_59 = tpu.memref_slice %arg3[%dma_wait3A_58, %add3A_40] : memref<2x320000xi32, #tpu.memory_space<hbm>> -> memref<1x1000xi32, #tpu.memory_space<hbm>>
    %dma_wait3A_60 = tpu.memref_squeeze %dma_wait3A_59 : memref<1x1000xi32, #tpu.memory_space<hbm>> -> memref<1000xi32, #tpu.memory_space<hbm>>
    %dma_wait3A_61 = tpu.memref_slice %arg3[%dma_wait3A_58, %add3A_40] : memref<2x320000xi32, #tpu.memory_space<hbm>> -> memref<1x1000xi32, #tpu.memory_space<hbm>>
    %dma_wait3A_62 = tpu.memref_squeeze %dma_wait3A_61 : memref<1x1000xi32, #tpu.memory_space<hbm>> -> memref<1000xi32, #tpu.memory_space<hbm>>
    tpu.wait_dma2 semaphore(%arg19 : memref<!tpu.dma_semaphore, #tpu.memory_space<semaphore_mem>>) src(%dma_wait3A_62 : memref<1000xi32, #tpu.memory_space<hbm>>) dst(%arg10 : memref<1000xi32, #tpu.memory_space<vmem>>)
    "tpu.region"() ({
      %run_scoped3A = tpu.sem_alloc : memref<!tpu.dma_semaphore, #tpu.memory_space<semaphore_mem>>
      %dma_start3A_307 = arith.constant 0 : i32
      %dma_start3A_308 = tpu.memref_slice %arg17[%dma_start3A_307] : memref<10240xf32, #tpu.memory_space<vmem_shared>> -> memref<10240xf32, #tpu.memory_space<vmem_shared>>
      tpu.enqueue_indirect_dma source(%arg12 : memref<1000xf32, #tpu.memory_space<vmem>>) target(%dma_start3A_308 : memref<10240xf32, #tpu.memory_space<vmem_shared>>) offsets(%arg10 : memref<1000xi32, #tpu.memory_space<vmem>>) semaphore(%run_scoped3A : memref<!tpu.dma_semaphore, #tpu.memory_space<semaphore_mem>>) {add = true}
      %dma_wait3A_309 = arith.constant 0 : i32
      %dma_wait3A_310 = tpu.memref_slice %arg17[%dma_wait3A_309] : memref<10240xf32, #tpu.memory_space<vmem_shared>> -> memref<10240xf32, #tpu.memory_space<vmem_shared>>
      tpu.wait_indirect_dma semaphore(%run_scoped3A : memref<!tpu.dma_semaphore, #tpu.memory_space<semaphore_mem>>) src(%arg12 : memref<1000xf32, #tpu.memory_space<vmem>>) dst(%dma_wait3A_310 : memref<10240xf32, #tpu.memory_space<vmem_shared>>)
      tpu.yield
    }) : () -> ()
    %add3A_63 = arith.constant 4000 : i32
    %add3A_64 = arith.addi %mul3A_23, %add3A_63 : i32
    %dma_start3A_65 = arith.constant 1 : i32
    %dma_start3A_66 = tpu.memref_slice %arg3[%dma_start3A_65, %add3A_64] : memref<2x320000xi32, #tpu.memory_space<hbm>> -> memref<1x1000xi32, #tpu.memory_space<hbm>>
    %dma_start3A_67 = tpu.memref_squeeze %dma_start3A_66 : memref<1x1000xi32, #tpu.memory_space<hbm>> -> memref<1000xi32, #tpu.memory_space<hbm>>
    %dma_start3A_68 = tpu.memref_slice %arg3[%dma_start3A_65, %add3A_64] : memref<2x320000xi32, #tpu.memory_space<hbm>> -> memref<1x1000xi32, #tpu.memory_space<hbm>>
    %dma_start3A_69 = tpu.memref_squeeze %dma_start3A_68 : memref<1x1000xi32, #tpu.memory_space<hbm>> -> memref<1000xi32, #tpu.memory_space<hbm>>
    tpu.enqueue_dma source(%dma_start3A_69 : memref<1000xi32, #tpu.memory_space<hbm>>) target(%arg10 : memref<1000xi32, #tpu.memory_space<vmem>>) target_semaphore(%arg19 : memref<!tpu.dma_semaphore, #tpu.memory_space<semaphore_mem>>)
    %dma_wait3A_70 = arith.constant 1 : i32
    %dma_wait3A_71 = tpu.memref_slice %arg3[%dma_wait3A_70, %add3A_52] : memref<2x320000xi32, #tpu.memory_space<hbm>> -> memref<1x1000xi32, #tpu.memory_space<hbm>>
    %dma_wait3A_72 = tpu.memref_squeeze %dma_wait3A_71 : memref<1x1000xi32, #tpu.memory_space<hbm>> -> memref<1000xi32, #tpu.memory_space<hbm>>
    %dma_wait3A_73 = tpu.memref_slice %arg3[%dma_wait3A_70, %add3A_52] : memref<2x320000xi32, #tpu.memory_space<hbm>> -> memref<1x1000xi32, #tpu.memory_space<hbm>>
    %dma_wait3A_74 = tpu.memref_squeeze %dma_wait3A_73 : memref<1x1000xi32, #tpu.memory_space<hbm>> -> memref<1000xi32, #tpu.memory_space<hbm>>
    tpu.wait_dma2 semaphore(%arg20 : memref<!tpu.dma_semaphore, #tpu.memory_space<semaphore_mem>>) src(%dma_wait3A_74 : memref<1000xi32, #tpu.memory_space<hbm>>) dst(%arg11 : memref<1000xi32, #tpu.memory_space<vmem>>)
    "tpu.region"() ({
      %run_scoped3A = tpu.sem_alloc : memref<!tpu.dma_semaphore, #tpu.memory_space<semaphore_mem>>
      %dma_start3A_307 = arith.constant 0 : i32
      %dma_start3A_308 = tpu.memref_slice %arg17[%dma_start3A_307] : memref<10240xf32, #tpu.memory_space<vmem_shared>> -> memref<10240xf32, #tpu.memory_space<vmem_shared>>
      tpu.enqueue_indirect_dma source(%arg12 : memref<1000xf32, #tpu.memory_space<vmem>>) target(%dma_start3A_308 : memref<10240xf32, #tpu.memory_space<vmem_shared>>) offsets(%arg11 : memref<1000xi32, #tpu.memory_space<vmem>>) semaphore(%run_scoped3A : memref<!tpu.dma_semaphore, #tpu.memory_space<semaphore_mem>>) {add = true}
      %dma_wait3A_309 = arith.constant 0 : i32
      %dma_wait3A_310 = tpu.memref_slice %arg17[%dma_wait3A_309] : memref<10240xf32, #tpu.memory_space<vmem_shared>> -> memref<10240xf32, #tpu.memory_space<vmem_shared>>
      tpu.wait_indirect_dma semaphore(%run_scoped3A : memref<!tpu.dma_semaphore, #tpu.memory_space<semaphore_mem>>) src(%arg12 : memref<1000xf32, #tpu.memory_space<vmem>>) dst(%dma_wait3A_310 : memref<10240xf32, #tpu.memory_space<vmem_shared>>)
      tpu.yield
    }) : () -> ()
    %add3A_75 = arith.constant 5000 : i32
    %add3A_76 = arith.addi %mul3A_23, %add3A_75 : i32
    %dma_start3A_77 = arith.constant 1 : i32
    %dma_start3A_78 = tpu.memref_slice %arg3[%dma_start3A_77, %add3A_76] : memref<2x320000xi32, #tpu.memory_space<hbm>> -> memref<1x1000xi32, #tpu.memory_space<hbm>>
    %dma_start3A_79 = tpu.memref_squeeze %dma_start3A_78 : memref<1x1000xi32, #tpu.memory_space<hbm>> -> memref<1000xi32, #tpu.memory_space<hbm>>
    %dma_start3A_80 = tpu.memref_slice %arg3[%dma_start3A_77, %add3A_76] : memref<2x320000xi32, #tpu.memory_space<hbm>> -> memref<1x1000xi32, #tpu.memory_space<hbm>>
    %dma_start3A_81 = tpu.memref_squeeze %dma_start3A_80 : memref<1x1000xi32, #tpu.memory_space<hbm>> -> memref<1000xi32, #tpu.memory_space<hbm>>
    tpu.enqueue_dma source(%dma_start3A_81 : memref<1000xi32, #tpu.memory_space<hbm>>) target(%arg11 : memref<1000xi32, #tpu.memory_space<vmem>>) target_semaphore(%arg20 : memref<!tpu.dma_semaphore, #tpu.memory_space<semaphore_mem>>)
    %dma_wait3A_82 = arith.constant 1 : i32
    %dma_wait3A_83 = tpu.memref_slice %arg3[%dma_wait3A_82, %add3A_64] : memref<2x320000xi32, #tpu.memory_space<hbm>> -> memref<1x1000xi32, #tpu.memory_space<hbm>>
    %dma_wait3A_84 = tpu.memref_squeeze %dma_wait3A_83 : memref<1x1000xi32, #tpu.memory_space<hbm>> -> memref<1000xi32, #tpu.memory_space<hbm>>
    %dma_wait3A_85 = tpu.memref_slice %arg3[%dma_wait3A_82, %add3A_64] : memref<2x320000xi32, #tpu.memory_space<hbm>> -> memref<1x1000xi32, #tpu.memory_space<hbm>>
    %dma_wait3A_86 = tpu.memref_squeeze %dma_wait3A_85 : memref<1x1000xi32, #tpu.memory_space<hbm>> -> memref<1000xi32, #tpu.memory_space<hbm>>
    tpu.wait_dma2 semaphore(%arg19 : memref<!tpu.dma_semaphore, #tpu.memory_space<semaphore_mem>>) src(%dma_wait3A_86 : memref<1000xi32, #tpu.memory_space<hbm>>) dst(%arg10 : memref<1000xi32, #tpu.memory_space<vmem>>)
    "tpu.region"() ({
      %run_scoped3A = tpu.sem_alloc : memref<!tpu.dma_semaphore, #tpu.memory_space<semaphore_mem>>
      %dma_start3A_307 = arith.constant 0 : i32
      %dma_start3A_308 = tpu.memref_slice %arg17[%dma_start3A_307] : memref<10240xf32, #tpu.memory_space<vmem_shared>> -> memref<10240xf32, #tpu.memory_space<vmem_shared>>
      tpu.enqueue_indirect_dma source(%arg12 : memref<1000xf32, #tpu.memory_space<vmem>>) target(%dma_start3A_308 : memref<10240xf32, #tpu.memory_space<vmem_shared>>) offsets(%arg10 : memref<1000xi32, #tpu.memory_space<vmem>>) semaphore(%run_scoped3A : memref<!tpu.dma_semaphore, #tpu.memory_space<semaphore_mem>>) {add = true}
      %dma_wait3A_309 = arith.constant 0 : i32
      %dma_wait3A_310 = tpu.memref_slice %arg17[%dma_wait3A_309] : memref<10240xf32, #tpu.memory_space<vmem_shared>> -> memref<10240xf32, #tpu.memory_space<vmem_shared>>
      tpu.wait_indirect_dma semaphore(%run_scoped3A : memref<!tpu.dma_semaphore, #tpu.memory_space<semaphore_mem>>) src(%arg12 : memref<1000xf32, #tpu.memory_space<vmem>>) dst(%dma_wait3A_310 : memref<10240xf32, #tpu.memory_space<vmem_shared>>)
      tpu.yield
    }) : () -> ()
    %add3A_87 = arith.constant 6000 : i32
    %add3A_88 = arith.addi %mul3A_23, %add3A_87 : i32
    %dma_start3A_89 = arith.constant 1 : i32
    %dma_start3A_90 = tpu.memref_slice %arg3[%dma_start3A_89, %add3A_88] : memref<2x320000xi32, #tpu.memory_space<hbm>> -> memref<1x1000xi32, #tpu.memory_space<hbm>>
    %dma_start3A_91 = tpu.memref_squeeze %dma_start3A_90 : memref<1x1000xi32, #tpu.memory_space<hbm>> -> memref<1000xi32, #tpu.memory_space<hbm>>
    %dma_start3A_92 = tpu.memref_slice %arg3[%dma_start3A_89, %add3A_88] : memref<2x320000xi32, #tpu.memory_space<hbm>> -> memref<1x1000xi32, #tpu.memory_space<hbm>>
    %dma_start3A_93 = tpu.memref_squeeze %dma_start3A_92 : memref<1x1000xi32, #tpu.memory_space<hbm>> -> memref<1000xi32, #tpu.memory_space<hbm>>
    tpu.enqueue_dma source(%dma_start3A_93 : memref<1000xi32, #tpu.memory_space<hbm>>) target(%arg10 : memref<1000xi32, #tpu.memory_space<vmem>>) target_semaphore(%arg19 : memref<!tpu.dma_semaphore, #tpu.memory_space<semaphore_mem>>)
    %dma_wait3A_94 = arith.constant 1 : i32
    %dma_wait3A_95 = tpu.memref_slice %arg3[%dma_wait3A_94, %add3A_76] : memref<2x320000xi32, #tpu.memory_space<hbm>> -> memref<1x1000xi32, #tpu.memory_space<hbm>>
    %dma_wait3A_96 = tpu.memref_squeeze %dma_wait3A_95 : memref<1x1000xi32, #tpu.memory_space<hbm>> -> memref<1000xi32, #tpu.memory_space<hbm>>
    %dma_wait3A_97 = tpu.memref_slice %arg3[%dma_wait3A_94, %add3A_76] : memref<2x320000xi32, #tpu.memory_space<hbm>> -> memref<1x1000xi32, #tpu.memory_space<hbm>>
    %dma_wait3A_98 = tpu.memref_squeeze %dma_wait3A_97 : memref<1x1000xi32, #tpu.memory_space<hbm>> -> memref<1000xi32, #tpu.memory_space<hbm>>
    tpu.wait_dma2 semaphore(%arg20 : memref<!tpu.dma_semaphore, #tpu.memory_space<semaphore_mem>>) src(%dma_wait3A_98 : memref<1000xi32, #tpu.memory_space<hbm>>) dst(%arg11 : memref<1000xi32, #tpu.memory_space<vmem>>)
    "tpu.region"() ({
      %run_scoped3A = tpu.sem_alloc : memref<!tpu.dma_semaphore, #tpu.memory_space<semaphore_mem>>
      %dma_start3A_307 = arith.constant 0 : i32
      %dma_start3A_308 = tpu.memref_slice %arg17[%dma_start3A_307] : memref<10240xf32, #tpu.memory_space<vmem_shared>> -> memref<10240xf32, #tpu.memory_space<vmem_shared>>
      tpu.enqueue_indirect_dma source(%arg12 : memref<1000xf32, #tpu.memory_space<vmem>>) target(%dma_start3A_308 : memref<10240xf32, #tpu.memory_space<vmem_shared>>) offsets(%arg11 : memref<1000xi32, #tpu.memory_space<vmem>>) semaphore(%run_scoped3A : memref<!tpu.dma_semaphore, #tpu.memory_space<semaphore_mem>>) {add = true}
      %dma_wait3A_309 = arith.constant 0 : i32
      %dma_wait3A_310 = tpu.memref_slice %arg17[%dma_wait3A_309] : memref<10240xf32, #tpu.memory_space<vmem_shared>> -> memref<10240xf32, #tpu.memory_space<vmem_shared>>
      tpu.wait_indirect_dma semaphore(%run_scoped3A : memref<!tpu.dma_semaphore, #tpu.memory_space<semaphore_mem>>) src(%arg12 : memref<1000xf32, #tpu.memory_space<vmem>>) dst(%dma_wait3A_310 : memref<10240xf32, #tpu.memory_space<vmem_shared>>)
      tpu.yield
    }) : () -> ()
    %add3A_99 = arith.constant 7000 : i32
    %add3A_100 = arith.addi %mul3A_23, %add3A_99 : i32
    %dma_start3A_101 = arith.constant 1 : i32
    %dma_start3A_102 = tpu.memref_slice %arg3[%dma_start3A_101, %add3A_100] : memref<2x320000xi32, #tpu.memory_space<hbm>> -> memref<1x1000xi32, #tpu.memory_space<hbm>>
    %dma_start3A_103 = tpu.memref_squeeze %dma_start3A_102 : memref<1x1000xi32, #tpu.memory_space<hbm>> -> memref<1000xi32, #tpu.memory_space<hbm>>
    %dma_start3A_104 = tpu.memref_slice %arg3[%dma_start3A_101, %add3A_100] : memref<2x320000xi32, #tpu.memory_space<hbm>> -> memref<1x1000xi32, #tpu.memory_space<hbm>>
    %dma_start3A_105 = tpu.memref_squeeze %dma_start3A_104 : memref<1x1000xi32, #tpu.memory_space<hbm>> -> memref<1000xi32, #tpu.memory_space<hbm>>
    tpu.enqueue_dma source(%dma_start3A_105 : memref<1000xi32, #tpu.memory_space<hbm>>) target(%arg11 : memref<1000xi32, #tpu.memory_space<vmem>>) target_semaphore(%arg20 : memref<!tpu.dma_semaphore, #tpu.memory_space<semaphore_mem>>)
    %dma_wait3A_106 = arith.constant 1 : i32
    %dma_wait3A_107 = tpu.memref_slice %arg3[%dma_wait3A_106, %add3A_88] : memref<2x320000xi32, #tpu.memory_space<hbm>> -> memref<1x1000xi32, #tpu.memory_space<hbm>>
    %dma_wait3A_108 = tpu.memref_squeeze %dma_wait3A_107 : memref<1x1000xi32, #tpu.memory_space<hbm>> -> memref<1000xi32, #tpu.memory_space<hbm>>
    %dma_wait3A_109 = tpu.memref_slice %arg3[%dma_wait3A_106, %add3A_88] : memref<2x320000xi32, #tpu.memory_space<hbm>> -> memref<1x1000xi32, #tpu.memory_space<hbm>>
    %dma_wait3A_110 = tpu.memref_squeeze %dma_wait3A_109 : memref<1x1000xi32, #tpu.memory_space<hbm>> -> memref<1000xi32, #tpu.memory_space<hbm>>
    tpu.wait_dma2 semaphore(%arg19 : memref<!tpu.dma_semaphore, #tpu.memory_space<semaphore_mem>>) src(%dma_wait3A_110 : memref<1000xi32, #tpu.memory_space<hbm>>) dst(%arg10 : memref<1000xi32, #tpu.memory_space<vmem>>)
    "tpu.region"() ({
      %run_scoped3A = tpu.sem_alloc : memref<!tpu.dma_semaphore, #tpu.memory_space<semaphore_mem>>
      %dma_start3A_307 = arith.constant 0 : i32
      %dma_start3A_308 = tpu.memref_slice %arg17[%dma_start3A_307] : memref<10240xf32, #tpu.memory_space<vmem_shared>> -> memref<10240xf32, #tpu.memory_space<vmem_shared>>
      tpu.enqueue_indirect_dma source(%arg12 : memref<1000xf32, #tpu.memory_space<vmem>>) target(%dma_start3A_308 : memref<10240xf32, #tpu.memory_space<vmem_shared>>) offsets(%arg10 : memref<1000xi32, #tpu.memory_space<vmem>>) semaphore(%run_scoped3A : memref<!tpu.dma_semaphore, #tpu.memory_space<semaphore_mem>>) {add = true}
      %dma_wait3A_309 = arith.constant 0 : i32
      %dma_wait3A_310 = tpu.memref_slice %arg17[%dma_wait3A_309] : memref<10240xf32, #tpu.memory_space<vmem_shared>> -> memref<10240xf32, #tpu.memory_space<vmem_shared>>
      tpu.wait_indirect_dma semaphore(%run_scoped3A : memref<!tpu.dma_semaphore, #tpu.memory_space<semaphore_mem>>) src(%arg12 : memref<1000xf32, #tpu.memory_space<vmem>>) dst(%dma_wait3A_310 : memref<10240xf32, #tpu.memory_space<vmem_shared>>)
      tpu.yield
    }) : () -> ()
    %add3A_111 = arith.constant 8000 : i32
    %add3A_112 = arith.addi %mul3A_23, %add3A_111 : i32
    %dma_start3A_113 = arith.constant 1 : i32
    %dma_start3A_114 = tpu.memref_slice %arg3[%dma_start3A_113, %add3A_112] : memref<2x320000xi32, #tpu.memory_space<hbm>> -> memref<1x1000xi32, #tpu.memory_space<hbm>>
    %dma_start3A_115 = tpu.memref_squeeze %dma_start3A_114 : memref<1x1000xi32, #tpu.memory_space<hbm>> -> memref<1000xi32, #tpu.memory_space<hbm>>
    %dma_start3A_116 = tpu.memref_slice %arg3[%dma_start3A_113, %add3A_112] : memref<2x320000xi32, #tpu.memory_space<hbm>> -> memref<1x1000xi32, #tpu.memory_space<hbm>>
    %dma_start3A_117 = tpu.memref_squeeze %dma_start3A_116 : memref<1x1000xi32, #tpu.memory_space<hbm>> -> memref<1000xi32, #tpu.memory_space<hbm>>
    tpu.enqueue_dma source(%dma_start3A_117 : memref<1000xi32, #tpu.memory_space<hbm>>) target(%arg10 : memref<1000xi32, #tpu.memory_space<vmem>>) target_semaphore(%arg19 : memref<!tpu.dma_semaphore, #tpu.memory_space<semaphore_mem>>)
    %dma_wait3A_118 = arith.constant 1 : i32
    %dma_wait3A_119 = tpu.memref_slice %arg3[%dma_wait3A_118, %add3A_100] : memref<2x320000xi32, #tpu.memory_space<hbm>> -> memref<1x1000xi32, #tpu.memory_space<hbm>>
    %dma_wait3A_120 = tpu.memref_squeeze %dma_wait3A_119 : memref<1x1000xi32, #tpu.memory_space<hbm>> -> memref<1000xi32, #tpu.memory_space<hbm>>
    %dma_wait3A_121 = tpu.memref_slice %arg3[%dma_wait3A_118, %add3A_100] : memref<2x320000xi32, #tpu.memory_space<hbm>> -> memref<1x1000xi32, #tpu.memory_space<hbm>>
    %dma_wait3A_122 = tpu.memref_squeeze %dma_wait3A_121 : memref<1x1000xi32, #tpu.memory_space<hbm>> -> memref<1000xi32, #tpu.memory_space<hbm>>
    tpu.wait_dma2 semaphore(%arg20 : memref<!tpu.dma_semaphore, #tpu.memory_space<semaphore_mem>>) src(%dma_wait3A_122 : memref<1000xi32, #tpu.memory_space<hbm>>) dst(%arg11 : memref<1000xi32, #tpu.memory_space<vmem>>)
    "tpu.region"() ({
      %run_scoped3A = tpu.sem_alloc : memref<!tpu.dma_semaphore, #tpu.memory_space<semaphore_mem>>
      %dma_start3A_307 = arith.constant 0 : i32
      %dma_start3A_308 = tpu.memref_slice %arg17[%dma_start3A_307] : memref<10240xf32, #tpu.memory_space<vmem_shared>> -> memref<10240xf32, #tpu.memory_space<vmem_shared>>
      tpu.enqueue_indirect_dma source(%arg12 : memref<1000xf32, #tpu.memory_space<vmem>>) target(%dma_start3A_308 : memref<10240xf32, #tpu.memory_space<vmem_shared>>) offsets(%arg11 : memref<1000xi32, #tpu.memory_space<vmem>>) semaphore(%run_scoped3A : memref<!tpu.dma_semaphore, #tpu.memory_space<semaphore_mem>>) {add = true}
      %dma_wait3A_309 = arith.constant 0 : i32
      %dma_wait3A_310 = tpu.memref_slice %arg17[%dma_wait3A_309] : memref<10240xf32, #tpu.memory_space<vmem_shared>> -> memref<10240xf32, #tpu.memory_space<vmem_shared>>
      tpu.wait_indirect_dma semaphore(%run_scoped3A : memref<!tpu.dma_semaphore, #tpu.memory_space<semaphore_mem>>) src(%arg12 : memref<1000xf32, #tpu.memory_space<vmem>>) dst(%dma_wait3A_310 : memref<10240xf32, #tpu.memory_space<vmem_shared>>)
      tpu.yield
    }) : () -> ()
    %add3A_123 = arith.constant 9000 : i32
    %add3A_124 = arith.addi %mul3A_23, %add3A_123 : i32
    %dma_start3A_125 = arith.constant 1 : i32
    %dma_start3A_126 = tpu.memref_slice %arg3[%dma_start3A_125, %add3A_124] : memref<2x320000xi32, #tpu.memory_space<hbm>> -> memref<1x1000xi32, #tpu.memory_space<hbm>>
    %dma_start3A_127 = tpu.memref_squeeze %dma_start3A_126 : memref<1x1000xi32, #tpu.memory_space<hbm>> -> memref<1000xi32, #tpu.memory_space<hbm>>
    %dma_start3A_128 = tpu.memref_slice %arg3[%dma_start3A_125, %add3A_124] : memref<2x320000xi32, #tpu.memory_space<hbm>> -> memref<1x1000xi32, #tpu.memory_space<hbm>>
    %dma_start3A_129 = tpu.memref_squeeze %dma_start3A_128 : memref<1x1000xi32, #tpu.memory_space<hbm>> -> memref<1000xi32, #tpu.memory_space<hbm>>
    tpu.enqueue_dma source(%dma_start3A_129 : memref<1000xi32, #tpu.memory_space<hbm>>) target(%arg11 : memref<1000xi32, #tpu.memory_space<vmem>>) target_semaphore(%arg20 : memref<!tpu.dma_semaphore, #tpu.memory_space<semaphore_mem>>)
    %dma_wait3A_130 = arith.constant 1 : i32
    %dma_wait3A_131 = tpu.memref_slice %arg3[%dma_wait3A_130, %add3A_112] : memref<2x320000xi32, #tpu.memory_space<hbm>> -> memref<1x1000xi32, #tpu.memory_space<hbm>>
    %dma_wait3A_132 = tpu.memref_squeeze %dma_wait3A_131 : memref<1x1000xi32, #tpu.memory_space<hbm>> -> memref<1000xi32, #tpu.memory_space<hbm>>
    %dma_wait3A_133 = tpu.memref_slice %arg3[%dma_wait3A_130, %add3A_112] : memref<2x320000xi32, #tpu.memory_space<hbm>> -> memref<1x1000xi32, #tpu.memory_space<hbm>>
    %dma_wait3A_134 = tpu.memref_squeeze %dma_wait3A_133 : memref<1x1000xi32, #tpu.memory_space<hbm>> -> memref<1000xi32, #tpu.memory_space<hbm>>
    tpu.wait_dma2 semaphore(%arg19 : memref<!tpu.dma_semaphore, #tpu.memory_space<semaphore_mem>>) src(%dma_wait3A_134 : memref<1000xi32, #tpu.memory_space<hbm>>) dst(%arg10 : memref<1000xi32, #tpu.memory_space<vmem>>)
    "tpu.region"() ({
      %run_scoped3A = tpu.sem_alloc : memref<!tpu.dma_semaphore, #tpu.memory_space<semaphore_mem>>
      %dma_start3A_307 = arith.constant 0 : i32
      %dma_start3A_308 = tpu.memref_slice %arg17[%dma_start3A_307] : memref<10240xf32, #tpu.memory_space<vmem_shared>> -> memref<10240xf32, #tpu.memory_space<vmem_shared>>
      tpu.enqueue_indirect_dma source(%arg12 : memref<1000xf32, #tpu.memory_space<vmem>>) target(%dma_start3A_308 : memref<10240xf32, #tpu.memory_space<vmem_shared>>) offsets(%arg10 : memref<1000xi32, #tpu.memory_space<vmem>>) semaphore(%run_scoped3A : memref<!tpu.dma_semaphore, #tpu.memory_space<semaphore_mem>>) {add = true}
      %dma_wait3A_309 = arith.constant 0 : i32
      %dma_wait3A_310 = tpu.memref_slice %arg17[%dma_wait3A_309] : memref<10240xf32, #tpu.memory_space<vmem_shared>> -> memref<10240xf32, #tpu.memory_space<vmem_shared>>
      tpu.wait_indirect_dma semaphore(%run_scoped3A : memref<!tpu.dma_semaphore, #tpu.memory_space<semaphore_mem>>) src(%arg12 : memref<1000xf32, #tpu.memory_space<vmem>>) dst(%dma_wait3A_310 : memref<10240xf32, #tpu.memory_space<vmem_shared>>)
      tpu.yield
    }) : () -> ()
    %add3A_135 = arith.constant 10000 : i32
    %add3A_136 = arith.addi %mul3A_23, %add3A_135 : i32
    %dma_start3A_137 = arith.constant 1 : i32
    %dma_start3A_138 = tpu.memref_slice %arg3[%dma_start3A_137, %add3A_136] : memref<2x320000xi32, #tpu.memory_space<hbm>> -> memref<1x1000xi32, #tpu.memory_space<hbm>>
    %dma_start3A_139 = tpu.memref_squeeze %dma_start3A_138 : memref<1x1000xi32, #tpu.memory_space<hbm>> -> memref<1000xi32, #tpu.memory_space<hbm>>
    %dma_start3A_140 = tpu.memref_slice %arg3[%dma_start3A_137, %add3A_136] : memref<2x320000xi32, #tpu.memory_space<hbm>> -> memref<1x1000xi32, #tpu.memory_space<hbm>>
    %dma_start3A_141 = tpu.memref_squeeze %dma_start3A_140 : memref<1x1000xi32, #tpu.memory_space<hbm>> -> memref<1000xi32, #tpu.memory_space<hbm>>
    tpu.enqueue_dma source(%dma_start3A_141 : memref<1000xi32, #tpu.memory_space<hbm>>) target(%arg10 : memref<1000xi32, #tpu.memory_space<vmem>>) target_semaphore(%arg19 : memref<!tpu.dma_semaphore, #tpu.memory_space<semaphore_mem>>)
    %dma_wait3A_142 = arith.constant 1 : i32
    %dma_wait3A_143 = tpu.memref_slice %arg3[%dma_wait3A_142, %add3A_124] : memref<2x320000xi32, #tpu.memory_space<hbm>> -> memref<1x1000xi32, #tpu.memory_space<hbm>>
    %dma_wait3A_144 = tpu.memref_squeeze %dma_wait3A_143 : memref<1x1000xi32, #tpu.memory_space<hbm>> -> memref<1000xi32, #tpu.memory_space<hbm>>
    %dma_wait3A_145 = tpu.memref_slice %arg3[%dma_wait3A_142, %add3A_124] : memref<2x320000xi32, #tpu.memory_space<hbm>> -> memref<1x1000xi32, #tpu.memory_space<hbm>>
    %dma_wait3A_146 = tpu.memref_squeeze %dma_wait3A_145 : memref<1x1000xi32, #tpu.memory_space<hbm>> -> memref<1000xi32, #tpu.memory_space<hbm>>
    tpu.wait_dma2 semaphore(%arg20 : memref<!tpu.dma_semaphore, #tpu.memory_space<semaphore_mem>>) src(%dma_wait3A_146 : memref<1000xi32, #tpu.memory_space<hbm>>) dst(%arg11 : memref<1000xi32, #tpu.memory_space<vmem>>)
    "tpu.region"() ({
      %run_scoped3A = tpu.sem_alloc : memref<!tpu.dma_semaphore, #tpu.memory_space<semaphore_mem>>
      %dma_start3A_307 = arith.constant 0 : i32
      %dma_start3A_308 = tpu.memref_slice %arg17[%dma_start3A_307] : memref<10240xf32, #tpu.memory_space<vmem_shared>> -> memref<10240xf32, #tpu.memory_space<vmem_shared>>
      tpu.enqueue_indirect_dma source(%arg12 : memref<1000xf32, #tpu.memory_space<vmem>>) target(%dma_start3A_308 : memref<10240xf32, #tpu.memory_space<vmem_shared>>) offsets(%arg11 : memref<1000xi32, #tpu.memory_space<vmem>>) semaphore(%run_scoped3A : memref<!tpu.dma_semaphore, #tpu.memory_space<semaphore_mem>>) {add = true}
      %dma_wait3A_309 = arith.constant 0 : i32
      %dma_wait3A_310 = tpu.memref_slice %arg17[%dma_wait3A_309] : memref<10240xf32, #tpu.memory_space<vmem_shared>> -> memref<10240xf32, #tpu.memory_space<vmem_shared>>
      tpu.wait_indirect_dma semaphore(%run_scoped3A : memref<!tpu.dma_semaphore, #tpu.memory_space<semaphore_mem>>) src(%arg12 : memref<1000xf32, #tpu.memory_space<vmem>>) dst(%dma_wait3A_310 : memref<10240xf32, #tpu.memory_space<vmem_shared>>)
      tpu.yield
    }) : () -> ()
    %add3A_147 = arith.constant 11000 : i32
    %add3A_148 = arith.addi %mul3A_23, %add3A_147 : i32
    %dma_start3A_149 = arith.constant 1 : i32
    %dma_start3A_150 = tpu.memref_slice %arg3[%dma_start3A_149, %add3A_148] : memref<2x320000xi32, #tpu.memory_space<hbm>> -> memref<1x1000xi32, #tpu.memory_space<hbm>>
    %dma_start3A_151 = tpu.memref_squeeze %dma_start3A_150 : memref<1x1000xi32, #tpu.memory_space<hbm>> -> memref<1000xi32, #tpu.memory_space<hbm>>
    %dma_start3A_152 = tpu.memref_slice %arg3[%dma_start3A_149, %add3A_148] : memref<2x320000xi32, #tpu.memory_space<hbm>> -> memref<1x1000xi32, #tpu.memory_space<hbm>>
    %dma_start3A_153 = tpu.memref_squeeze %dma_start3A_152 : memref<1x1000xi32, #tpu.memory_space<hbm>> -> memref<1000xi32, #tpu.memory_space<hbm>>
    tpu.enqueue_dma source(%dma_start3A_153 : memref<1000xi32, #tpu.memory_space<hbm>>) target(%arg11 : memref<1000xi32, #tpu.memory_space<vmem>>) target_semaphore(%arg20 : memref<!tpu.dma_semaphore, #tpu.memory_space<semaphore_mem>>)
    %dma_wait3A_154 = arith.constant 1 : i32
    %dma_wait3A_155 = tpu.memref_slice %arg3[%dma_wait3A_154, %add3A_136] : memref<2x320000xi32, #tpu.memory_space<hbm>> -> memref<1x1000xi32, #tpu.memory_space<hbm>>
    %dma_wait3A_156 = tpu.memref_squeeze %dma_wait3A_155 : memref<1x1000xi32, #tpu.memory_space<hbm>> -> memref<1000xi32, #tpu.memory_space<hbm>>
    %dma_wait3A_157 = tpu.memref_slice %arg3[%dma_wait3A_154, %add3A_136] : memref<2x320000xi32, #tpu.memory_space<hbm>> -> memref<1x1000xi32, #tpu.memory_space<hbm>>
    %dma_wait3A_158 = tpu.memref_squeeze %dma_wait3A_157 : memref<1x1000xi32, #tpu.memory_space<hbm>> -> memref<1000xi32, #tpu.memory_space<hbm>>
    tpu.wait_dma2 semaphore(%arg19 : memref<!tpu.dma_semaphore, #tpu.memory_space<semaphore_mem>>) src(%dma_wait3A_158 : memref<1000xi32, #tpu.memory_space<hbm>>) dst(%arg10 : memref<1000xi32, #tpu.memory_space<vmem>>)
    "tpu.region"() ({
      %run_scoped3A = tpu.sem_alloc : memref<!tpu.dma_semaphore, #tpu.memory_space<semaphore_mem>>
      %dma_start3A_307 = arith.constant 0 : i32
      %dma_start3A_308 = tpu.memref_slice %arg17[%dma_start3A_307] : memref<10240xf32, #tpu.memory_space<vmem_shared>> -> memref<10240xf32, #tpu.memory_space<vmem_shared>>
      tpu.enqueue_indirect_dma source(%arg12 : memref<1000xf32, #tpu.memory_space<vmem>>) target(%dma_start3A_308 : memref<10240xf32, #tpu.memory_space<vmem_shared>>) offsets(%arg10 : memref<1000xi32, #tpu.memory_space<vmem>>) semaphore(%run_scoped3A : memref<!tpu.dma_semaphore, #tpu.memory_space<semaphore_mem>>) {add = true}
      %dma_wait3A_309 = arith.constant 0 : i32
      %dma_wait3A_310 = tpu.memref_slice %arg17[%dma_wait3A_309] : memref<10240xf32, #tpu.memory_space<vmem_shared>> -> memref<10240xf32, #tpu.memory_space<vmem_shared>>
      tpu.wait_indirect_dma semaphore(%run_scoped3A : memref<!tpu.dma_semaphore, #tpu.memory_space<semaphore_mem>>) src(%arg12 : memref<1000xf32, #tpu.memory_space<vmem>>) dst(%dma_wait3A_310 : memref<10240xf32, #tpu.memory_space<vmem_shared>>)
      tpu.yield
    }) : () -> ()
    %add3A_159 = arith.constant 12000 : i32
    %add3A_160 = arith.addi %mul3A_23, %add3A_159 : i32
    %dma_start3A_161 = arith.constant 1 : i32
    %dma_start3A_162 = tpu.memref_slice %arg3[%dma_start3A_161, %add3A_160] : memref<2x320000xi32, #tpu.memory_space<hbm>> -> memref<1x1000xi32, #tpu.memory_space<hbm>>
    %dma_start3A_163 = tpu.memref_squeeze %dma_start3A_162 : memref<1x1000xi32, #tpu.memory_space<hbm>> -> memref<1000xi32, #tpu.memory_space<hbm>>
    %dma_start3A_164 = tpu.memref_slice %arg3[%dma_start3A_161, %add3A_160] : memref<2x320000xi32, #tpu.memory_space<hbm>> -> memref<1x1000xi32, #tpu.memory_space<hbm>>
    %dma_start3A_165 = tpu.memref_squeeze %dma_start3A_164 : memref<1x1000xi32, #tpu.memory_space<hbm>> -> memref<1000xi32, #tpu.memory_space<hbm>>
    tpu.enqueue_dma source(%dma_start3A_165 : memref<1000xi32, #tpu.memory_space<hbm>>) target(%arg10 : memref<1000xi32, #tpu.memory_space<vmem>>) target_semaphore(%arg19 : memref<!tpu.dma_semaphore, #tpu.memory_space<semaphore_mem>>)
    %dma_wait3A_166 = arith.constant 1 : i32
    %dma_wait3A_167 = tpu.memref_slice %arg3[%dma_wait3A_166, %add3A_148] : memref<2x320000xi32, #tpu.memory_space<hbm>> -> memref<1x1000xi32, #tpu.memory_space<hbm>>
    %dma_wait3A_168 = tpu.memref_squeeze %dma_wait3A_167 : memref<1x1000xi32, #tpu.memory_space<hbm>> -> memref<1000xi32, #tpu.memory_space<hbm>>
    %dma_wait3A_169 = tpu.memref_slice %arg3[%dma_wait3A_166, %add3A_148] : memref<2x320000xi32, #tpu.memory_space<hbm>> -> memref<1x1000xi32, #tpu.memory_space<hbm>>
    %dma_wait3A_170 = tpu.memref_squeeze %dma_wait3A_169 : memref<1x1000xi32, #tpu.memory_space<hbm>> -> memref<1000xi32, #tpu.memory_space<hbm>>
    tpu.wait_dma2 semaphore(%arg20 : memref<!tpu.dma_semaphore, #tpu.memory_space<semaphore_mem>>) src(%dma_wait3A_170 : memref<1000xi32, #tpu.memory_space<hbm>>) dst(%arg11 : memref<1000xi32, #tpu.memory_space<vmem>>)
    "tpu.region"() ({
      %run_scoped3A = tpu.sem_alloc : memref<!tpu.dma_semaphore, #tpu.memory_space<semaphore_mem>>
      %dma_start3A_307 = arith.constant 0 : i32
      %dma_start3A_308 = tpu.memref_slice %arg17[%dma_start3A_307] : memref<10240xf32, #tpu.memory_space<vmem_shared>> -> memref<10240xf32, #tpu.memory_space<vmem_shared>>
      tpu.enqueue_indirect_dma source(%arg12 : memref<1000xf32, #tpu.memory_space<vmem>>) target(%dma_start3A_308 : memref<10240xf32, #tpu.memory_space<vmem_shared>>) offsets(%arg11 : memref<1000xi32, #tpu.memory_space<vmem>>) semaphore(%run_scoped3A : memref<!tpu.dma_semaphore, #tpu.memory_space<semaphore_mem>>) {add = true}
      %dma_wait3A_309 = arith.constant 0 : i32
      %dma_wait3A_310 = tpu.memref_slice %arg17[%dma_wait3A_309] : memref<10240xf32, #tpu.memory_space<vmem_shared>> -> memref<10240xf32, #tpu.memory_space<vmem_shared>>
      tpu.wait_indirect_dma semaphore(%run_scoped3A : memref<!tpu.dma_semaphore, #tpu.memory_space<semaphore_mem>>) src(%arg12 : memref<1000xf32, #tpu.memory_space<vmem>>) dst(%dma_wait3A_310 : memref<10240xf32, #tpu.memory_space<vmem_shared>>)
      tpu.yield
    }) : () -> ()
    %add3A_171 = arith.constant 13000 : i32
    %add3A_172 = arith.addi %mul3A_23, %add3A_171 : i32
    %dma_start3A_173 = arith.constant 1 : i32
    %dma_start3A_174 = tpu.memref_slice %arg3[%dma_start3A_173, %add3A_172] : memref<2x320000xi32, #tpu.memory_space<hbm>> -> memref<1x1000xi32, #tpu.memory_space<hbm>>
    %dma_start3A_175 = tpu.memref_squeeze %dma_start3A_174 : memref<1x1000xi32, #tpu.memory_space<hbm>> -> memref<1000xi32, #tpu.memory_space<hbm>>
    %dma_start3A_176 = tpu.memref_slice %arg3[%dma_start3A_173, %add3A_172] : memref<2x320000xi32, #tpu.memory_space<hbm>> -> memref<1x1000xi32, #tpu.memory_space<hbm>>
    %dma_start3A_177 = tpu.memref_squeeze %dma_start3A_176 : memref<1x1000xi32, #tpu.memory_space<hbm>> -> memref<1000xi32, #tpu.memory_space<hbm>>
    tpu.enqueue_dma source(%dma_start3A_177 : memref<1000xi32, #tpu.memory_space<hbm>>) target(%arg11 : memref<1000xi32, #tpu.memory_space<vmem>>) target_semaphore(%arg20 : memref<!tpu.dma_semaphore, #tpu.memory_space<semaphore_mem>>)
    %dma_wait3A_178 = arith.constant 1 : i32
    %dma_wait3A_179 = tpu.memref_slice %arg3[%dma_wait3A_178, %add3A_160] : memref<2x320000xi32, #tpu.memory_space<hbm>> -> memref<1x1000xi32, #tpu.memory_space<hbm>>
    %dma_wait3A_180 = tpu.memref_squeeze %dma_wait3A_179 : memref<1x1000xi32, #tpu.memory_space<hbm>> -> memref<1000xi32, #tpu.memory_space<hbm>>
    %dma_wait3A_181 = tpu.memref_slice %arg3[%dma_wait3A_178, %add3A_160] : memref<2x320000xi32, #tpu.memory_space<hbm>> -> memref<1x1000xi32, #tpu.memory_space<hbm>>
    %dma_wait3A_182 = tpu.memref_squeeze %dma_wait3A_181 : memref<1x1000xi32, #tpu.memory_space<hbm>> -> memref<1000xi32, #tpu.memory_space<hbm>>
    tpu.wait_dma2 semaphore(%arg19 : memref<!tpu.dma_semaphore, #tpu.memory_space<semaphore_mem>>) src(%dma_wait3A_182 : memref<1000xi32, #tpu.memory_space<hbm>>) dst(%arg10 : memref<1000xi32, #tpu.memory_space<vmem>>)
    "tpu.region"() ({
      %run_scoped3A = tpu.sem_alloc : memref<!tpu.dma_semaphore, #tpu.memory_space<semaphore_mem>>
      %dma_start3A_307 = arith.constant 0 : i32
      %dma_start3A_308 = tpu.memref_slice %arg17[%dma_start3A_307] : memref<10240xf32, #tpu.memory_space<vmem_shared>> -> memref<10240xf32, #tpu.memory_space<vmem_shared>>
      tpu.enqueue_indirect_dma source(%arg12 : memref<1000xf32, #tpu.memory_space<vmem>>) target(%dma_start3A_308 : memref<10240xf32, #tpu.memory_space<vmem_shared>>) offsets(%arg10 : memref<1000xi32, #tpu.memory_space<vmem>>) semaphore(%run_scoped3A : memref<!tpu.dma_semaphore, #tpu.memory_space<semaphore_mem>>) {add = true}
      %dma_wait3A_309 = arith.constant 0 : i32
      %dma_wait3A_310 = tpu.memref_slice %arg17[%dma_wait3A_309] : memref<10240xf32, #tpu.memory_space<vmem_shared>> -> memref<10240xf32, #tpu.memory_space<vmem_shared>>
      tpu.wait_indirect_dma semaphore(%run_scoped3A : memref<!tpu.dma_semaphore, #tpu.memory_space<semaphore_mem>>) src(%arg12 : memref<1000xf32, #tpu.memory_space<vmem>>) dst(%dma_wait3A_310 : memref<10240xf32, #tpu.memory_space<vmem_shared>>)
      tpu.yield
    }) : () -> ()
    %add3A_183 = arith.constant 14000 : i32
    %add3A_184 = arith.addi %mul3A_23, %add3A_183 : i32
    %dma_start3A_185 = arith.constant 1 : i32
    %dma_start3A_186 = tpu.memref_slice %arg3[%dma_start3A_185, %add3A_184] : memref<2x320000xi32, #tpu.memory_space<hbm>> -> memref<1x1000xi32, #tpu.memory_space<hbm>>
    %dma_start3A_187 = tpu.memref_squeeze %dma_start3A_186 : memref<1x1000xi32, #tpu.memory_space<hbm>> -> memref<1000xi32, #tpu.memory_space<hbm>>
    %dma_start3A_188 = tpu.memref_slice %arg3[%dma_start3A_185, %add3A_184] : memref<2x320000xi32, #tpu.memory_space<hbm>> -> memref<1x1000xi32, #tpu.memory_space<hbm>>
    %dma_start3A_189 = tpu.memref_squeeze %dma_start3A_188 : memref<1x1000xi32, #tpu.memory_space<hbm>> -> memref<1000xi32, #tpu.memory_space<hbm>>
    tpu.enqueue_dma source(%dma_start3A_189 : memref<1000xi32, #tpu.memory_space<hbm>>) target(%arg10 : memref<1000xi32, #tpu.memory_space<vmem>>) target_semaphore(%arg19 : memref<!tpu.dma_semaphore, #tpu.memory_space<semaphore_mem>>)
    %dma_wait3A_190 = arith.constant 1 : i32
    %dma_wait3A_191 = tpu.memref_slice %arg3[%dma_wait3A_190, %add3A_172] : memref<2x320000xi32, #tpu.memory_space<hbm>> -> memref<1x1000xi32, #tpu.memory_space<hbm>>
    %dma_wait3A_192 = tpu.memref_squeeze %dma_wait3A_191 : memref<1x1000xi32, #tpu.memory_space<hbm>> -> memref<1000xi32, #tpu.memory_space<hbm>>
    %dma_wait3A_193 = tpu.memref_slice %arg3[%dma_wait3A_190, %add3A_172] : memref<2x320000xi32, #tpu.memory_space<hbm>> -> memref<1x1000xi32, #tpu.memory_space<hbm>>
    %dma_wait3A_194 = tpu.memref_squeeze %dma_wait3A_193 : memref<1x1000xi32, #tpu.memory_space<hbm>> -> memref<1000xi32, #tpu.memory_space<hbm>>
    tpu.wait_dma2 semaphore(%arg20 : memref<!tpu.dma_semaphore, #tpu.memory_space<semaphore_mem>>) src(%dma_wait3A_194 : memref<1000xi32, #tpu.memory_space<hbm>>) dst(%arg11 : memref<1000xi32, #tpu.memory_space<vmem>>)
    "tpu.region"() ({
      %run_scoped3A = tpu.sem_alloc : memref<!tpu.dma_semaphore, #tpu.memory_space<semaphore_mem>>
      %dma_start3A_307 = arith.constant 0 : i32
      %dma_start3A_308 = tpu.memref_slice %arg17[%dma_start3A_307] : memref<10240xf32, #tpu.memory_space<vmem_shared>> -> memref<10240xf32, #tpu.memory_space<vmem_shared>>
      tpu.enqueue_indirect_dma source(%arg12 : memref<1000xf32, #tpu.memory_space<vmem>>) target(%dma_start3A_308 : memref<10240xf32, #tpu.memory_space<vmem_shared>>) offsets(%arg11 : memref<1000xi32, #tpu.memory_space<vmem>>) semaphore(%run_scoped3A : memref<!tpu.dma_semaphore, #tpu.memory_space<semaphore_mem>>) {add = true}
      %dma_wait3A_309 = arith.constant 0 : i32
      %dma_wait3A_310 = tpu.memref_slice %arg17[%dma_wait3A_309] : memref<10240xf32, #tpu.memory_space<vmem_shared>> -> memref<10240xf32, #tpu.memory_space<vmem_shared>>
      tpu.wait_indirect_dma semaphore(%run_scoped3A : memref<!tpu.dma_semaphore, #tpu.memory_space<semaphore_mem>>) src(%arg12 : memref<1000xf32, #tpu.memory_space<vmem>>) dst(%dma_wait3A_310 : memref<10240xf32, #tpu.memory_space<vmem_shared>>)
      tpu.yield
    }) : () -> ()
    %add3A_195 = arith.constant 15000 : i32
    %add3A_196 = arith.addi %mul3A_23, %add3A_195 : i32
    %dma_start3A_197 = arith.constant 1 : i32
    %dma_start3A_198 = tpu.memref_slice %arg3[%dma_start3A_197, %add3A_196] : memref<2x320000xi32, #tpu.memory_space<hbm>> -> memref<1x1000xi32, #tpu.memory_space<hbm>>
    %dma_start3A_199 = tpu.memref_squeeze %dma_start3A_198 : memref<1x1000xi32, #tpu.memory_space<hbm>> -> memref<1000xi32, #tpu.memory_space<hbm>>
    %dma_start3A_200 = tpu.memref_slice %arg3[%dma_start3A_197, %add3A_196] : memref<2x320000xi32, #tpu.memory_space<hbm>> -> memref<1x1000xi32, #tpu.memory_space<hbm>>
    %dma_start3A_201 = tpu.memref_squeeze %dma_start3A_200 : memref<1x1000xi32, #tpu.memory_space<hbm>> -> memref<1000xi32, #tpu.memory_space<hbm>>
    tpu.enqueue_dma source(%dma_start3A_201 : memref<1000xi32, #tpu.memory_space<hbm>>) target(%arg11 : memref<1000xi32, #tpu.memory_space<vmem>>) target_semaphore(%arg20 : memref<!tpu.dma_semaphore, #tpu.memory_space<semaphore_mem>>)
    %dma_wait3A_202 = arith.constant 1 : i32
    %dma_wait3A_203 = tpu.memref_slice %arg3[%dma_wait3A_202, %add3A_184] : memref<2x320000xi32, #tpu.memory_space<hbm>> -> memref<1x1000xi32, #tpu.memory_space<hbm>>
    %dma_wait3A_204 = tpu.memref_squeeze %dma_wait3A_203 : memref<1x1000xi32, #tpu.memory_space<hbm>> -> memref<1000xi32, #tpu.memory_space<hbm>>
    %dma_wait3A_205 = tpu.memref_slice %arg3[%dma_wait3A_202, %add3A_184] : memref<2x320000xi32, #tpu.memory_space<hbm>> -> memref<1x1000xi32, #tpu.memory_space<hbm>>
    %dma_wait3A_206 = tpu.memref_squeeze %dma_wait3A_205 : memref<1x1000xi32, #tpu.memory_space<hbm>> -> memref<1000xi32, #tpu.memory_space<hbm>>
    tpu.wait_dma2 semaphore(%arg19 : memref<!tpu.dma_semaphore, #tpu.memory_space<semaphore_mem>>) src(%dma_wait3A_206 : memref<1000xi32, #tpu.memory_space<hbm>>) dst(%arg10 : memref<1000xi32, #tpu.memory_space<vmem>>)
    "tpu.region"() ({
      %run_scoped3A = tpu.sem_alloc : memref<!tpu.dma_semaphore, #tpu.memory_space<semaphore_mem>>
      %dma_start3A_307 = arith.constant 0 : i32
      %dma_start3A_308 = tpu.memref_slice %arg17[%dma_start3A_307] : memref<10240xf32, #tpu.memory_space<vmem_shared>> -> memref<10240xf32, #tpu.memory_space<vmem_shared>>
      tpu.enqueue_indirect_dma source(%arg12 : memref<1000xf32, #tpu.memory_space<vmem>>) target(%dma_start3A_308 : memref<10240xf32, #tpu.memory_space<vmem_shared>>) offsets(%arg10 : memref<1000xi32, #tpu.memory_space<vmem>>) semaphore(%run_scoped3A : memref<!tpu.dma_semaphore, #tpu.memory_space<semaphore_mem>>) {add = true}
      %dma_wait3A_309 = arith.constant 0 : i32
      %dma_wait3A_310 = tpu.memref_slice %arg17[%dma_wait3A_309] : memref<10240xf32, #tpu.memory_space<vmem_shared>> -> memref<10240xf32, #tpu.memory_space<vmem_shared>>
      tpu.wait_indirect_dma semaphore(%run_scoped3A : memref<!tpu.dma_semaphore, #tpu.memory_space<semaphore_mem>>) src(%arg12 : memref<1000xf32, #tpu.memory_space<vmem>>) dst(%dma_wait3A_310 : memref<10240xf32, #tpu.memory_space<vmem_shared>>)
      tpu.yield
    }) : () -> ()
    %add3A_207 = arith.constant 16000 : i32
    %add3A_208 = arith.addi %mul3A_23, %add3A_207 : i32
    %dma_start3A_209 = arith.constant 1 : i32
    %dma_start3A_210 = tpu.memref_slice %arg3[%dma_start3A_209, %add3A_208] : memref<2x320000xi32, #tpu.memory_space<hbm>> -> memref<1x1000xi32, #tpu.memory_space<hbm>>
    %dma_start3A_211 = tpu.memref_squeeze %dma_start3A_210 : memref<1x1000xi32, #tpu.memory_space<hbm>> -> memref<1000xi32, #tpu.memory_space<hbm>>
    %dma_start3A_212 = tpu.memref_slice %arg3[%dma_start3A_209, %add3A_208] : memref<2x320000xi32, #tpu.memory_space<hbm>> -> memref<1x1000xi32, #tpu.memory_space<hbm>>
    %dma_start3A_213 = tpu.memref_squeeze %dma_start3A_212 : memref<1x1000xi32, #tpu.memory_space<hbm>> -> memref<1000xi32, #tpu.memory_space<hbm>>
    tpu.enqueue_dma source(%dma_start3A_213 : memref<1000xi32, #tpu.memory_space<hbm>>) target(%arg10 : memref<1000xi32, #tpu.memory_space<vmem>>) target_semaphore(%arg19 : memref<!tpu.dma_semaphore, #tpu.memory_space<semaphore_mem>>)
    %dma_wait3A_214 = arith.constant 1 : i32
    %dma_wait3A_215 = tpu.memref_slice %arg3[%dma_wait3A_214, %add3A_196] : memref<2x320000xi32, #tpu.memory_space<hbm>> -> memref<1x1000xi32, #tpu.memory_space<hbm>>
    %dma_wait3A_216 = tpu.memref_squeeze %dma_wait3A_215 : memref<1x1000xi32, #tpu.memory_space<hbm>> -> memref<1000xi32, #tpu.memory_space<hbm>>
    %dma_wait3A_217 = tpu.memref_slice %arg3[%dma_wait3A_214, %add3A_196] : memref<2x320000xi32, #tpu.memory_space<hbm>> -> memref<1x1000xi32, #tpu.memory_space<hbm>>
    %dma_wait3A_218 = tpu.memref_squeeze %dma_wait3A_217 : memref<1x1000xi32, #tpu.memory_space<hbm>> -> memref<1000xi32, #tpu.memory_space<hbm>>
    tpu.wait_dma2 semaphore(%arg20 : memref<!tpu.dma_semaphore, #tpu.memory_space<semaphore_mem>>) src(%dma_wait3A_218 : memref<1000xi32, #tpu.memory_space<hbm>>) dst(%arg11 : memref<1000xi32, #tpu.memory_space<vmem>>)
    "tpu.region"() ({
      %run_scoped3A = tpu.sem_alloc : memref<!tpu.dma_semaphore, #tpu.memory_space<semaphore_mem>>
      %dma_start3A_307 = arith.constant 0 : i32
      %dma_start3A_308 = tpu.memref_slice %arg17[%dma_start3A_307] : memref<10240xf32, #tpu.memory_space<vmem_shared>> -> memref<10240xf32, #tpu.memory_space<vmem_shared>>
      tpu.enqueue_indirect_dma source(%arg12 : memref<1000xf32, #tpu.memory_space<vmem>>) target(%dma_start3A_308 : memref<10240xf32, #tpu.memory_space<vmem_shared>>) offsets(%arg11 : memref<1000xi32, #tpu.memory_space<vmem>>) semaphore(%run_scoped3A : memref<!tpu.dma_semaphore, #tpu.memory_space<semaphore_mem>>) {add = true}
      %dma_wait3A_309 = arith.constant 0 : i32
      %dma_wait3A_310 = tpu.memref_slice %arg17[%dma_wait3A_309] : memref<10240xf32, #tpu.memory_space<vmem_shared>> -> memref<10240xf32, #tpu.memory_space<vmem_shared>>
      tpu.wait_indirect_dma semaphore(%run_scoped3A : memref<!tpu.dma_semaphore, #tpu.memory_space<semaphore_mem>>) src(%arg12 : memref<1000xf32, #tpu.memory_space<vmem>>) dst(%dma_wait3A_310 : memref<10240xf32, #tpu.memory_space<vmem_shared>>)
      tpu.yield
    }) : () -> ()
    %add3A_219 = arith.constant 17000 : i32
    %add3A_220 = arith.addi %mul3A_23, %add3A_219 : i32
    %dma_start3A_221 = arith.constant 1 : i32
    %dma_start3A_222 = tpu.memref_slice %arg3[%dma_start3A_221, %add3A_220] : memref<2x320000xi32, #tpu.memory_space<hbm>> -> memref<1x1000xi32, #tpu.memory_space<hbm>>
    %dma_start3A_223 = tpu.memref_squeeze %dma_start3A_222 : memref<1x1000xi32, #tpu.memory_space<hbm>> -> memref<1000xi32, #tpu.memory_space<hbm>>
    %dma_start3A_224 = tpu.memref_slice %arg3[%dma_start3A_221, %add3A_220] : memref<2x320000xi32, #tpu.memory_space<hbm>> -> memref<1x1000xi32, #tpu.memory_space<hbm>>
    %dma_start3A_225 = tpu.memref_squeeze %dma_start3A_224 : memref<1x1000xi32, #tpu.memory_space<hbm>> -> memref<1000xi32, #tpu.memory_space<hbm>>
    tpu.enqueue_dma source(%dma_start3A_225 : memref<1000xi32, #tpu.memory_space<hbm>>) target(%arg11 : memref<1000xi32, #tpu.memory_space<vmem>>) target_semaphore(%arg20 : memref<!tpu.dma_semaphore, #tpu.memory_space<semaphore_mem>>)
    %dma_wait3A_226 = arith.constant 1 : i32
    %dma_wait3A_227 = tpu.memref_slice %arg3[%dma_wait3A_226, %add3A_208] : memref<2x320000xi32, #tpu.memory_space<hbm>> -> memref<1x1000xi32, #tpu.memory_space<hbm>>
    %dma_wait3A_228 = tpu.memref_squeeze %dma_wait3A_227 : memref<1x1000xi32, #tpu.memory_space<hbm>> -> memref<1000xi32, #tpu.memory_space<hbm>>
    %dma_wait3A_229 = tpu.memref_slice %arg3[%dma_wait3A_226, %add3A_208] : memref<2x320000xi32, #tpu.memory_space<hbm>> -> memref<1x1000xi32, #tpu.memory_space<hbm>>
    %dma_wait3A_230 = tpu.memref_squeeze %dma_wait3A_229 : memref<1x1000xi32, #tpu.memory_space<hbm>> -> memref<1000xi32, #tpu.memory_space<hbm>>
    tpu.wait_dma2 semaphore(%arg19 : memref<!tpu.dma_semaphore, #tpu.memory_space<semaphore_mem>>) src(%dma_wait3A_230 : memref<1000xi32, #tpu.memory_space<hbm>>) dst(%arg10 : memref<1000xi32, #tpu.memory_space<vmem>>)
    "tpu.region"() ({
      %run_scoped3A = tpu.sem_alloc : memref<!tpu.dma_semaphore, #tpu.memory_space<semaphore_mem>>
      %dma_start3A_307 = arith.constant 0 : i32
      %dma_start3A_308 = tpu.memref_slice %arg17[%dma_start3A_307] : memref<10240xf32, #tpu.memory_space<vmem_shared>> -> memref<10240xf32, #tpu.memory_space<vmem_shared>>
      tpu.enqueue_indirect_dma source(%arg12 : memref<1000xf32, #tpu.memory_space<vmem>>) target(%dma_start3A_308 : memref<10240xf32, #tpu.memory_space<vmem_shared>>) offsets(%arg10 : memref<1000xi32, #tpu.memory_space<vmem>>) semaphore(%run_scoped3A : memref<!tpu.dma_semaphore, #tpu.memory_space<semaphore_mem>>) {add = true}
      %dma_wait3A_309 = arith.constant 0 : i32
      %dma_wait3A_310 = tpu.memref_slice %arg17[%dma_wait3A_309] : memref<10240xf32, #tpu.memory_space<vmem_shared>> -> memref<10240xf32, #tpu.memory_space<vmem_shared>>
      tpu.wait_indirect_dma semaphore(%run_scoped3A : memref<!tpu.dma_semaphore, #tpu.memory_space<semaphore_mem>>) src(%arg12 : memref<1000xf32, #tpu.memory_space<vmem>>) dst(%dma_wait3A_310 : memref<10240xf32, #tpu.memory_space<vmem_shared>>)
      tpu.yield
    }) : () -> ()
    %add3A_231 = arith.constant 18000 : i32
    %add3A_232 = arith.addi %mul3A_23, %add3A_231 : i32
    %dma_start3A_233 = arith.constant 1 : i32
    %dma_start3A_234 = tpu.memref_slice %arg3[%dma_start3A_233, %add3A_232] : memref<2x320000xi32, #tpu.memory_space<hbm>> -> memref<1x1000xi32, #tpu.memory_space<hbm>>
    %dma_start3A_235 = tpu.memref_squeeze %dma_start3A_234 : memref<1x1000xi32, #tpu.memory_space<hbm>> -> memref<1000xi32, #tpu.memory_space<hbm>>
    %dma_start3A_236 = tpu.memref_slice %arg3[%dma_start3A_233, %add3A_232] : memref<2x320000xi32, #tpu.memory_space<hbm>> -> memref<1x1000xi32, #tpu.memory_space<hbm>>
    %dma_start3A_237 = tpu.memref_squeeze %dma_start3A_236 : memref<1x1000xi32, #tpu.memory_space<hbm>> -> memref<1000xi32, #tpu.memory_space<hbm>>
    tpu.enqueue_dma source(%dma_start3A_237 : memref<1000xi32, #tpu.memory_space<hbm>>) target(%arg10 : memref<1000xi32, #tpu.memory_space<vmem>>) target_semaphore(%arg19 : memref<!tpu.dma_semaphore, #tpu.memory_space<semaphore_mem>>)
    %dma_wait3A_238 = arith.constant 1 : i32
    %dma_wait3A_239 = tpu.memref_slice %arg3[%dma_wait3A_238, %add3A_220] : memref<2x320000xi32, #tpu.memory_space<hbm>> -> memref<1x1000xi32, #tpu.memory_space<hbm>>
    %dma_wait3A_240 = tpu.memref_squeeze %dma_wait3A_239 : memref<1x1000xi32, #tpu.memory_space<hbm>> -> memref<1000xi32, #tpu.memory_space<hbm>>
    %dma_wait3A_241 = tpu.memref_slice %arg3[%dma_wait3A_238, %add3A_220] : memref<2x320000xi32, #tpu.memory_space<hbm>> -> memref<1x1000xi32, #tpu.memory_space<hbm>>
    %dma_wait3A_242 = tpu.memref_squeeze %dma_wait3A_241 : memref<1x1000xi32, #tpu.memory_space<hbm>> -> memref<1000xi32, #tpu.memory_space<hbm>>
    tpu.wait_dma2 semaphore(%arg20 : memref<!tpu.dma_semaphore, #tpu.memory_space<semaphore_mem>>) src(%dma_wait3A_242 : memref<1000xi32, #tpu.memory_space<hbm>>) dst(%arg11 : memref<1000xi32, #tpu.memory_space<vmem>>)
    "tpu.region"() ({
      %run_scoped3A = tpu.sem_alloc : memref<!tpu.dma_semaphore, #tpu.memory_space<semaphore_mem>>
      %dma_start3A_307 = arith.constant 0 : i32
      %dma_start3A_308 = tpu.memref_slice %arg17[%dma_start3A_307] : memref<10240xf32, #tpu.memory_space<vmem_shared>> -> memref<10240xf32, #tpu.memory_space<vmem_shared>>
      tpu.enqueue_indirect_dma source(%arg12 : memref<1000xf32, #tpu.memory_space<vmem>>) target(%dma_start3A_308 : memref<10240xf32, #tpu.memory_space<vmem_shared>>) offsets(%arg11 : memref<1000xi32, #tpu.memory_space<vmem>>) semaphore(%run_scoped3A : memref<!tpu.dma_semaphore, #tpu.memory_space<semaphore_mem>>) {add = true}
      %dma_wait3A_309 = arith.constant 0 : i32
      %dma_wait3A_310 = tpu.memref_slice %arg17[%dma_wait3A_309] : memref<10240xf32, #tpu.memory_space<vmem_shared>> -> memref<10240xf32, #tpu.memory_space<vmem_shared>>
      tpu.wait_indirect_dma semaphore(%run_scoped3A : memref<!tpu.dma_semaphore, #tpu.memory_space<semaphore_mem>>) src(%arg12 : memref<1000xf32, #tpu.memory_space<vmem>>) dst(%dma_wait3A_310 : memref<10240xf32, #tpu.memory_space<vmem_shared>>)
      tpu.yield
    }) : () -> ()
    %add3A_243 = arith.constant 19000 : i32
    %add3A_244 = arith.addi %mul3A_23, %add3A_243 : i32
    %dma_start3A_245 = arith.constant 1 : i32
    %dma_start3A_246 = tpu.memref_slice %arg3[%dma_start3A_245, %add3A_244] : memref<2x320000xi32, #tpu.memory_space<hbm>> -> memref<1x1000xi32, #tpu.memory_space<hbm>>
    %dma_start3A_247 = tpu.memref_squeeze %dma_start3A_246 : memref<1x1000xi32, #tpu.memory_space<hbm>> -> memref<1000xi32, #tpu.memory_space<hbm>>
    %dma_start3A_248 = tpu.memref_slice %arg3[%dma_start3A_245, %add3A_244] : memref<2x320000xi32, #tpu.memory_space<hbm>> -> memref<1x1000xi32, #tpu.memory_space<hbm>>
    %dma_start3A_249 = tpu.memref_squeeze %dma_start3A_248 : memref<1x1000xi32, #tpu.memory_space<hbm>> -> memref<1000xi32, #tpu.memory_space<hbm>>
    tpu.enqueue_dma source(%dma_start3A_249 : memref<1000xi32, #tpu.memory_space<hbm>>) target(%arg11 : memref<1000xi32, #tpu.memory_space<vmem>>) target_semaphore(%arg20 : memref<!tpu.dma_semaphore, #tpu.memory_space<semaphore_mem>>)
    %dma_wait3A_250 = arith.constant 1 : i32
    %dma_wait3A_251 = tpu.memref_slice %arg3[%dma_wait3A_250, %add3A_232] : memref<2x320000xi32, #tpu.memory_space<hbm>> -> memref<1x1000xi32, #tpu.memory_space<hbm>>
    %dma_wait3A_252 = tpu.memref_squeeze %dma_wait3A_251 : memref<1x1000xi32, #tpu.memory_space<hbm>> -> memref<1000xi32, #tpu.memory_space<hbm>>
    %dma_wait3A_253 = tpu.memref_slice %arg3[%dma_wait3A_250, %add3A_232] : memref<2x320000xi32, #tpu.memory_space<hbm>> -> memref<1x1000xi32, #tpu.memory_space<hbm>>
    %dma_wait3A_254 = tpu.memref_squeeze %dma_wait3A_253 : memref<1x1000xi32, #tpu.memory_space<hbm>> -> memref<1000xi32, #tpu.memory_space<hbm>>
    tpu.wait_dma2 semaphore(%arg19 : memref<!tpu.dma_semaphore, #tpu.memory_space<semaphore_mem>>) src(%dma_wait3A_254 : memref<1000xi32, #tpu.memory_space<hbm>>) dst(%arg10 : memref<1000xi32, #tpu.memory_space<vmem>>)
    "tpu.region"() ({
      %run_scoped3A = tpu.sem_alloc : memref<!tpu.dma_semaphore, #tpu.memory_space<semaphore_mem>>
      %dma_start3A_307 = arith.constant 0 : i32
      %dma_start3A_308 = tpu.memref_slice %arg17[%dma_start3A_307] : memref<10240xf32, #tpu.memory_space<vmem_shared>> -> memref<10240xf32, #tpu.memory_space<vmem_shared>>
      tpu.enqueue_indirect_dma source(%arg12 : memref<1000xf32, #tpu.memory_space<vmem>>) target(%dma_start3A_308 : memref<10240xf32, #tpu.memory_space<vmem_shared>>) offsets(%arg10 : memref<1000xi32, #tpu.memory_space<vmem>>) semaphore(%run_scoped3A : memref<!tpu.dma_semaphore, #tpu.memory_space<semaphore_mem>>) {add = true}
      %dma_wait3A_309 = arith.constant 0 : i32
      %dma_wait3A_310 = tpu.memref_slice %arg17[%dma_wait3A_309] : memref<10240xf32, #tpu.memory_space<vmem_shared>> -> memref<10240xf32, #tpu.memory_space<vmem_shared>>
      tpu.wait_indirect_dma semaphore(%run_scoped3A : memref<!tpu.dma_semaphore, #tpu.memory_space<semaphore_mem>>) src(%arg12 : memref<1000xf32, #tpu.memory_space<vmem>>) dst(%dma_wait3A_310 : memref<10240xf32, #tpu.memory_space<vmem_shared>>)
      tpu.yield
    }) : () -> ()
    %dma_wait3A_255 = arith.constant 1 : i32
    %dma_wait3A_256 = tpu.memref_slice %arg3[%dma_wait3A_255, %add3A_244] : memref<2x320000xi32, #tpu.memory_space<hbm>> -> memref<1x1000xi32, #tpu.memory_space<hbm>>
    %dma_wait3A_257 = tpu.memref_squeeze %dma_wait3A_256 : memref<1x1000xi32, #tpu.memory_space<hbm>> -> memref<1000xi32, #tpu.memory_space<hbm>>
    %dma_wait3A_258 = tpu.memref_slice %arg3[%dma_wait3A_255, %add3A_244] : memref<2x320000xi32, #tpu.memory_space<hbm>> -> memref<1x1000xi32, #tpu.memory_space<hbm>>
    %dma_wait3A_259 = tpu.memref_squeeze %dma_wait3A_258 : memref<1x1000xi32, #tpu.memory_space<hbm>> -> memref<1000xi32, #tpu.memory_space<hbm>>
    tpu.wait_dma2 semaphore(%arg20 : memref<!tpu.dma_semaphore, #tpu.memory_space<semaphore_mem>>) src(%dma_wait3A_259 : memref<1000xi32, #tpu.memory_space<hbm>>) dst(%arg11 : memref<1000xi32, #tpu.memory_space<vmem>>)
    "tpu.region"() ({
      %run_scoped3A = tpu.sem_alloc : memref<!tpu.dma_semaphore, #tpu.memory_space<semaphore_mem>>
      %dma_start3A_307 = arith.constant 0 : i32
      %dma_start3A_308 = tpu.memref_slice %arg17[%dma_start3A_307] : memref<10240xf32, #tpu.memory_space<vmem_shared>> -> memref<10240xf32, #tpu.memory_space<vmem_shared>>
      tpu.enqueue_indirect_dma source(%arg12 : memref<1000xf32, #tpu.memory_space<vmem>>) target(%dma_start3A_308 : memref<10240xf32, #tpu.memory_space<vmem_shared>>) offsets(%arg11 : memref<1000xi32, #tpu.memory_space<vmem>>) semaphore(%run_scoped3A : memref<!tpu.dma_semaphore, #tpu.memory_space<semaphore_mem>>) {add = true}
      %dma_wait3A_309 = arith.constant 0 : i32
      %dma_wait3A_310 = tpu.memref_slice %arg17[%dma_wait3A_309] : memref<10240xf32, #tpu.memory_space<vmem_shared>> -> memref<10240xf32, #tpu.memory_space<vmem_shared>>
      tpu.wait_indirect_dma semaphore(%run_scoped3A : memref<!tpu.dma_semaphore, #tpu.memory_space<semaphore_mem>>) src(%arg12 : memref<1000xf32, #tpu.memory_space<vmem>>) dst(%dma_wait3A_310 : memref<10240xf32, #tpu.memory_space<vmem_shared>>)
      tpu.yield
    }) : () -> ()
    %barrier3A_260 = arith.constant 0 : index
    tpu.barrier barrier_id(%barrier3A_260)
    %mul3A_261 = arith.constant 640 : i32
    %mul3A_262 = arith.muli %arg1, %mul3A_261 : i32
    "tpu.region"() ({
      %run_scoped3A = tpu.sem_alloc : memref<!tpu.dma_semaphore, #tpu.memory_space<semaphore_mem>>
      %dma_start3A_307 = tpu.memref_slice %arg17[%mul3A_262] : memref<10240xf32, #tpu.memory_space<vmem_shared>> -> memref<640xf32, #tpu.memory_space<vmem_shared>>
      %dma_start3A_308 = tpu.memref_slice %arg17[%mul3A_262] : memref<10240xf32, #tpu.memory_space<vmem_shared>> -> memref<640xf32, #tpu.memory_space<vmem_shared>>
      tpu.enqueue_dma source(%dma_start3A_308 : memref<640xf32, #tpu.memory_space<vmem_shared>>) target(%arg15 : memref<640xf32, #tpu.memory_space<vmem>>) target_semaphore(%run_scoped3A : memref<!tpu.dma_semaphore, #tpu.memory_space<semaphore_mem>>)
      %dma_wait3A_309 = tpu.memref_slice %arg17[%mul3A_262] : memref<10240xf32, #tpu.memory_space<vmem_shared>> -> memref<640xf32, #tpu.memory_space<vmem_shared>>
      %dma_wait3A_310 = tpu.memref_slice %arg17[%mul3A_262] : memref<10240xf32, #tpu.memory_space<vmem_shared>> -> memref<640xf32, #tpu.memory_space<vmem_shared>>
      tpu.wait_dma2 semaphore(%run_scoped3A : memref<!tpu.dma_semaphore, #tpu.memory_space<semaphore_mem>>) src(%dma_wait3A_310 : memref<640xf32, #tpu.memory_space<vmem_shared>>) dst(%arg15 : memref<640xf32, #tpu.memory_space<vmem>>)
      tpu.yield
    }) : () -> ()
    %scan3A_263 = arith.constant 0 : i32
    %scan3A_264 = arith.constant 0 : i32
    %scan3A_265 = arith.constant 40 : i32
    %scan3A_266 = arith.addi %scan3A_264, %scan3A_265 : i32
    %scan3A_267 = arith.constant 1 : i32
    scf.for %scan3A_307 = %scan3A_264 to %scan3A_266 step %scan3A_267  : i32 {
      %mul3A_308 = arith.constant 16 : i32
      %mul3A_309 = arith.muli %scan3A_307, %mul3A_308 : i32
      %get3A = arith.index_cast %mul3A_309 : i32 to index
      %get3A_310 = tpu.vector_load %arg15[%get3A] {strides = array<i32>} : memref<640xf32, #tpu.memory_space<vmem>>, vector<16xf32>,
      %add3A_311 = arith.constant 1.000000e+00 : f32
      %add3A_312 = vector.broadcast %add3A_311 : f32 to vector<16xf32>
      %add3A_313 = arith.addf %get3A_310, %add3A_312 : vector<16xf32>
      %bitcast3A = vector.bitcast %add3A_313 : vector<16xf32> to vector<16xi32>
      %broadcast_in_dim3A = arith.constant 1597463007 : i32
      %broadcast_in_dim3A_314 = vector.broadcast %broadcast_in_dim3A : i32 to vector<16xi32>
      %broadcast_in_dim3A_315 = arith.constant 1 : i32
      %broadcast_in_dim3A_316 = vector.broadcast %broadcast_in_dim3A_315 : i32 to vector<16xi32>
      %shift_right_logical3A = arith.shrui %bitcast3A, %broadcast_in_dim3A_316 : vector<16xi32>
      %sub3A = arith.subi %broadcast_in_dim3A_314, %shift_right_logical3A : vector<16xi32>
      %bitcast3A_317 = vector.bitcast %sub3A : vector<16xi32> to vector<16xf32>
      %mul3A_318 = arith.constant 5.000000e-01 : f32
      %mul3A_319 = vector.broadcast %mul3A_318 : f32 to vector<16xf32>
      %mul3A_320 = arith.mulf %mul3A_319, %add3A_313 : vector<16xf32>
      %mul3A_321 = arith.mulf %mul3A_320, %bitcast3A_317 : vector<16xf32>
      %mul3A_322 = arith.mulf %mul3A_321, %bitcast3A_317 : vector<16xf32>
      %sub3A_323 = arith.constant 1.500000e+00 : f32
      %sub3A_324 = vector.broadcast %sub3A_323 : f32 to vector<16xf32>
      %sub3A_325 = arith.subf %sub3A_324, %mul3A_322 : vector<16xf32>
      %mul3A_326 = arith.mulf %bitcast3A_317, %sub3A_325 : vector<16xf32>
      %mul3A_327 = arith.constant 5.000000e-01 : f32
      %mul3A_328 = vector.broadcast %mul3A_327 : f32 to vector<16xf32>
      %mul3A_329 = arith.mulf %mul3A_328, %add3A_313 : vector<16xf32>
      %mul3A_330 = arith.mulf %mul3A_329, %mul3A_326 : vector<16xf32>
      %mul3A_331 = arith.mulf %mul3A_330, %mul3A_326 : vector<16xf32>
      %sub3A_332 = arith.constant 1.500000e+00 : f32
      %sub3A_333 = vector.broadcast %sub3A_332 : f32 to vector<16xf32>
      %sub3A_334 = arith.subf %sub3A_333, %mul3A_331 : vector<16xf32>
      %mul3A_335 = arith.mulf %mul3A_326, %sub3A_334 : vector<16xf32>
      %mul3A_336 = arith.constant 5.000000e-01 : f32
      %mul3A_337 = vector.broadcast %mul3A_336 : f32 to vector<16xf32>
      %mul3A_338 = arith.mulf %mul3A_337, %add3A_313 : vector<16xf32>
      %mul3A_339 = arith.mulf %mul3A_338, %mul3A_335 : vector<16xf32>
      %mul3A_340 = arith.mulf %mul3A_339, %mul3A_335 : vector<16xf32>
      %sub3A_341 = arith.constant 1.500000e+00 : f32
      %sub3A_342 = vector.broadcast %sub3A_341 : f32 to vector<16xf32>
      %sub3A_343 = arith.subf %sub3A_342, %mul3A_340 : vector<16xf32>
      %mul3A_344 = arith.mulf %mul3A_335, %sub3A_343 : vector<16xf32>
      %mul3A_345 = arith.constant 5.000000e-01 : f32
      %mul3A_346 = vector.broadcast %mul3A_345 : f32 to vector<16xf32>
      %mul3A_347 = arith.mulf %mul3A_346, %add3A_313 : vector<16xf32>
      %mul3A_348 = arith.mulf %mul3A_347, %mul3A_344 : vector<16xf32>
      %mul3A_349 = arith.mulf %mul3A_348, %mul3A_344 : vector<16xf32>
      %sub3A_350 = arith.constant 1.500000e+00 : f32
      %sub3A_351 = vector.broadcast %sub3A_350 : f32 to vector<16xf32>
      %sub3A_352 = arith.subf %sub3A_351, %mul3A_349 : vector<16xf32>
      %mul3A_353 = arith.mulf %mul3A_344, %sub3A_352 : vector<16xf32>
      %mul3A_354 = arith.constant 16 : i32
      %mul3A_355 = arith.muli %scan3A_307, %mul3A_354 : i32
      %swap3A = arith.index_cast %mul3A_355 : i32 to index
      %swap3A_356 = tpu.vector_load %arg15[%swap3A] {strides = array<i32>} : memref<640xf32, #tpu.memory_space<vmem>>, vector<16xf32>,
      tpu.vector_store %arg15[%swap3A], %mul3A_353 {strides = array<i32>} : memref<640xf32, #tpu.memory_space<vmem>>, vector<16xf32>,
    }
    %scan3A_268 = arith.constant 40 : i32
    %eq3A = arith.constant 0 : i32
    %eq3A_269 = arith.cmpi eq, %arg0, %eq3A : i32
    %convert_element_type3A = arith.extui %eq3A_269 : i1 to i32
    %cond3A = arith.constant 0 : i32
    %cond3A_270 = arith.cmpi ne, %convert_element_type3A, %cond3A : i32
    scf.if %cond3A_270 {
      %mul3A_307 = arith.constant 640 : i32
      %mul3A_308 = arith.muli %arg1, %mul3A_307 : i32
      "tpu.region"() ({
        %run_scoped3A = tpu.sem_alloc : memref<!tpu.dma_semaphore, #tpu.memory_space<semaphore_mem>>
        %dma_start3A_309 = tpu.memref_slice %arg7[%mul3A_308] : memref<10240xf32, #tpu.memory_space<hbm>> -> memref<640xf32, #tpu.memory_space<hbm>>
        %dma_start3A_310 = tpu.memref_slice %arg7[%mul3A_308] : memref<10240xf32, #tpu.memory_space<hbm>> -> memref<640xf32, #tpu.memory_space<hbm>>
        tpu.enqueue_dma source(%arg15 : memref<640xf32, #tpu.memory_space<vmem>>) target(%dma_start3A_310 : memref<640xf32, #tpu.memory_space<hbm>>) target_semaphore(%run_scoped3A : memref<!tpu.dma_semaphore, #tpu.memory_space<semaphore_mem>>)
        %dma_wait3A_311 = tpu.memref_slice %arg7[%mul3A_308] : memref<10240xf32, #tpu.memory_space<hbm>> -> memref<640xf32, #tpu.memory_space<hbm>>
        %dma_wait3A_312 = tpu.memref_slice %arg7[%mul3A_308] : memref<10240xf32, #tpu.memory_space<hbm>> -> memref<640xf32, #tpu.memory_space<hbm>>
        tpu.wait_dma2 semaphore(%run_scoped3A : memref<!tpu.dma_semaphore, #tpu.memory_space<semaphore_mem>>) src(%arg15 : memref<640xf32, #tpu.memory_space<vmem>>) dst(%dma_wait3A_312 : memref<640xf32, #tpu.memory_space<hbm>>)
        tpu.yield
      }) : () -> ()
    } else {
    }
    %mul3A_271 = arith.constant 640 : i32
    %mul3A_272 = arith.muli %arg1, %mul3A_271 : i32
    "tpu.region"() ({
      %run_scoped3A = tpu.sem_alloc : memref<!tpu.dma_semaphore, #tpu.memory_space<semaphore_mem>>
      %dma_start3A_307 = arith.constant 0 : i32
      %dma_start3A_308 = tpu.memref_slice %arg2[%mul3A_272, %dma_start3A_307] : memref<10240x32xf32, #tpu.memory_space<hbm>> -> memref<640x32xf32, #tpu.memory_space<hbm>>
      %dma_start3A_309 = arith.constant 0 : i32
      %dma_start3A_310 = tpu.memref_slice %arg2[%mul3A_272, %dma_start3A_309] : memref<10240x32xf32, #tpu.memory_space<hbm>> -> memref<640x32xf32, #tpu.memory_space<hbm>>
      tpu.enqueue_dma source(%dma_start3A_310 : memref<640x32xf32, #tpu.memory_space<hbm>>) target(%arg16 : memref<640x32xf32, #tpu.memory_space<vmem>>) target_semaphore(%run_scoped3A : memref<!tpu.dma_semaphore, #tpu.memory_space<semaphore_mem>>)
      %dma_wait3A_311 = arith.constant 0 : i32
      %dma_wait3A_312 = tpu.memref_slice %arg2[%mul3A_272, %dma_wait3A_311] : memref<10240x32xf32, #tpu.memory_space<hbm>> -> memref<640x32xf32, #tpu.memory_space<hbm>>
      %dma_wait3A_313 = arith.constant 0 : i32
      %dma_wait3A_314 = tpu.memref_slice %arg2[%mul3A_272, %dma_wait3A_313] : memref<10240x32xf32, #tpu.memory_space<hbm>> -> memref<640x32xf32, #tpu.memory_space<hbm>>
      tpu.wait_dma2 semaphore(%run_scoped3A : memref<!tpu.dma_semaphore, #tpu.memory_space<semaphore_mem>>) src(%dma_wait3A_314 : memref<640x32xf32, #tpu.memory_space<hbm>>) dst(%arg16 : memref<640x32xf32, #tpu.memory_space<vmem>>)
      tpu.yield
    }) : () -> ()
    %scan3A_273 = arith.constant 0 : i32
    %scan3A_274 = arith.constant 0 : i32
    %scan3A_275 = arith.constant 640 : i32
    %scan3A_276 = arith.addi %scan3A_274, %scan3A_275 : i32
    %scan3A_277 = arith.constant 1 : i32
    scf.for %scan3A_307 = %scan3A_274 to %scan3A_276 step %scan3A_277  : i32 {
      %broadcast_in_dim3A = arith.constant 0 : i32
      %broadcast_in_dim3A_308 = vector.broadcast %broadcast_in_dim3A : i32 to vector<16xi32>
      %add3A_309 = vector.broadcast %scan3A_307 : i32 to vector<16xi32>
      %add3A_310 = arith.addi %broadcast_in_dim3A_308, %add3A_309 : vector<16xi32>
      %gather3A = tpu.vector_load_idx %arg15[%add3A_310] : memref<640xf32, #tpu.memory_space<vmem>>[vector<16xi32>], vector<16xf32>,
      %get3A = arith.index_cast %scan3A_307 : i32 to index
      %get3A_311 = arith.constant 0 : index
      %get3A_312 = tpu.vector_load %arg16[%get3A, %get3A_311] {strides = array<i32>} : memref<640x32xf32, #tpu.memory_space<vmem>>, vector<16xf32>,
      %mul3A_313 = arith.mulf %get3A_312, %gather3A : vector<16xf32>
      %swap3A = arith.index_cast %scan3A_307 : i32 to index
      %swap3A_314 = arith.constant 0 : index
      %swap3A_315 = tpu.vector_load %arg16[%swap3A, %swap3A_314] {strides = array<i32>} : memref<640x32xf32, #tpu.memory_space<vmem>>, vector<16xf32>,
      tpu.vector_store %arg16[%swap3A, %swap3A_314], %mul3A_313 {strides = array<i32>} : memref<640x32xf32, #tpu.memory_space<vmem>>, vector<16xf32>,
      %get3A_316 = arith.index_cast %scan3A_307 : i32 to index
      %get3A_317 = arith.constant 16 : index
      %get3A_318 = tpu.vector_load %arg16[%get3A_316, %get3A_317] {strides = array<i32>} : memref<640x32xf32, #tpu.memory_space<vmem>>, vector<16xf32>,
      %mul3A_319 = arith.mulf %get3A_318, %gather3A : vector<16xf32>
      %swap3A_320 = arith.index_cast %scan3A_307 : i32 to index
      %swap3A_321 = arith.constant 16 : index
      %swap3A_322 = tpu.vector_load %arg16[%swap3A_320, %swap3A_321] {strides = array<i32>} : memref<640x32xf32, #tpu.memory_space<vmem>>, vector<16xf32>,
      tpu.vector_store %arg16[%swap3A_320, %swap3A_321], %mul3A_319 {strides = array<i32>} : memref<640x32xf32, #tpu.memory_space<vmem>>, vector<16xf32>,
    }
    %scan3A_278 = arith.constant 640 : i32
    %eq3A_279 = arith.constant 0 : i32
    %eq3A_280 = arith.cmpi eq, %arg0, %eq3A_279 : i32
    %convert_element_type3A_281 = arith.extui %eq3A_280 : i1 to i32
    %cond3A_282 = arith.constant 0 : i32
    %cond3A_283 = arith.cmpi ne, %convert_element_type3A_281, %cond3A_282 : i32
    scf.if %cond3A_283 {
      %mul3A_307 = arith.constant 640 : i32
      %mul3A_308 = arith.muli %arg1, %mul3A_307 : i32
      "tpu.region"() ({
        %run_scoped3A = tpu.sem_alloc : memref<!tpu.dma_semaphore, #tpu.memory_space<semaphore_mem>>
        %dma_start3A_309 = arith.constant 0 : i32
        %dma_start3A_310 = tpu.memref_slice %arg5[%mul3A_308, %dma_start3A_309] : memref<10240x32xf32, #tpu.memory_space<hbm>> -> memref<640x32xf32, #tpu.memory_space<hbm>>
        %dma_start3A_311 = arith.constant 0 : i32
        %dma_start3A_312 = tpu.memref_slice %arg5[%mul3A_308, %dma_start3A_311] : memref<10240x32xf32, #tpu.memory_space<hbm>> -> memref<640x32xf32, #tpu.memory_space<hbm>>
        tpu.enqueue_dma source(%arg16 : memref<640x32xf32, #tpu.memory_space<vmem>>) target(%dma_start3A_312 : memref<640x32xf32, #tpu.memory_space<hbm>>) target_semaphore(%run_scoped3A : memref<!tpu.dma_semaphore, #tpu.memory_space<semaphore_mem>>)
        %dma_wait3A_313 = arith.constant 0 : i32
        %dma_wait3A_314 = tpu.memref_slice %arg5[%mul3A_308, %dma_wait3A_313] : memref<10240x32xf32, #tpu.memory_space<hbm>> -> memref<640x32xf32, #tpu.memory_space<hbm>>
        %dma_wait3A_315 = arith.constant 0 : i32
        %dma_wait3A_316 = tpu.memref_slice %arg5[%mul3A_308, %dma_wait3A_315] : memref<10240x32xf32, #tpu.memory_space<hbm>> -> memref<640x32xf32, #tpu.memory_space<hbm>>
        tpu.wait_dma2 semaphore(%run_scoped3A : memref<!tpu.dma_semaphore, #tpu.memory_space<semaphore_mem>>) src(%arg16 : memref<640x32xf32, #tpu.memory_space<vmem>>) dst(%dma_wait3A_316 : memref<640x32xf32, #tpu.memory_space<hbm>>)
        tpu.yield
      }) : () -> ()
    } else {
    }
    %eq3A_284 = arith.constant 1 : i32
    %eq3A_285 = arith.cmpi eq, %arg0, %eq3A_284 : i32
    %convert_element_type3A_286 = arith.extui %eq3A_285 : i1 to i32
    %cond3A_287 = arith.constant 0 : i32
    %cond3A_288 = arith.cmpi ne, %convert_element_type3A_286, %cond3A_287 : i32
    scf.if %cond3A_288 {
      %mul3A_307 = arith.constant 640 : i32
      %mul3A_308 = arith.muli %arg1, %mul3A_307 : i32
      "tpu.region"() ({
        %run_scoped3A = tpu.sem_alloc : memref<!tpu.dma_semaphore, #tpu.memory_space<semaphore_mem>>
        %dma_start3A_309 = arith.constant 0 : i32
        %dma_start3A_310 = tpu.memref_slice %arg6[%mul3A_308, %dma_start3A_309] : memref<10240x32xf32, #tpu.memory_space<hbm>> -> memref<640x32xf32, #tpu.memory_space<hbm>>
        %dma_start3A_311 = arith.constant 0 : i32
        %dma_start3A_312 = tpu.memref_slice %arg6[%mul3A_308, %dma_start3A_311] : memref<10240x32xf32, #tpu.memory_space<hbm>> -> memref<640x32xf32, #tpu.memory_space<hbm>>
        tpu.enqueue_dma source(%arg16 : memref<640x32xf32, #tpu.memory_space<vmem>>) target(%dma_start3A_312 : memref<640x32xf32, #tpu.memory_space<hbm>>) target_semaphore(%run_scoped3A : memref<!tpu.dma_semaphore, #tpu.memory_space<semaphore_mem>>)
        %dma_wait3A_313 = arith.constant 0 : i32
        %dma_wait3A_314 = tpu.memref_slice %arg6[%mul3A_308, %dma_wait3A_313] : memref<10240x32xf32, #tpu.memory_space<hbm>> -> memref<640x32xf32, #tpu.memory_space<hbm>>
        %dma_wait3A_315 = arith.constant 0 : i32
        %dma_wait3A_316 = tpu.memref_slice %arg6[%mul3A_308, %dma_wait3A_315] : memref<10240x32xf32, #tpu.memory_space<hbm>> -> memref<640x32xf32, #tpu.memory_space<hbm>>
        tpu.wait_dma2 semaphore(%run_scoped3A : memref<!tpu.dma_semaphore, #tpu.memory_space<semaphore_mem>>) src(%arg16 : memref<640x32xf32, #tpu.memory_space<vmem>>) dst(%dma_wait3A_316 : memref<640x32xf32, #tpu.memory_space<hbm>>)
        tpu.yield
      }) : () -> ()
    } else {
    }
    %barrier3A_289 = arith.constant 0 : index
    tpu.barrier barrier_id(%barrier3A_289)
    %mul3A_290 = arith.constant 10000 : i32
    %mul3A_291 = arith.muli %add3A, %mul3A_290 : i32
    %eq3A_292 = arith.constant 0 : i32
    %eq3A_293 = arith.cmpi eq, %arg0, %eq3A_292 : i32
    %convert_element_type3A_294 = arith.extui %eq3A_293 : i1 to i32
    %cond3A_295 = arith.constant 0 : i32
    %cond3A_296 = arith.cmpi ne, %convert_element_type3A_294, %cond3A_295 : i32
    scf.if %cond3A_296 {
      %run_scoped3A = arith.constant 0 : i32
      "tpu.region"() ({
        %run_scoped3A_422 = tpu.sem_alloc : memref<!tpu.dma_semaphore, #tpu.memory_space<semaphore_mem>>
        %dma_start3A_423 = tpu.memref_slice %arg3[%run_scoped3A, %mul3A_291] : memref<2x320000xi32, #tpu.memory_space<hbm>> -> memref<1x1000xi32, #tpu.memory_space<hbm>>
        %dma_start3A_424 = tpu.memref_squeeze %dma_start3A_423 : memref<1x1000xi32, #tpu.memory_space<hbm>> -> memref<1000xi32, #tpu.memory_space<hbm>>
        %dma_start3A_425 = tpu.memref_slice %arg3[%run_scoped3A, %mul3A_291] : memref<2x320000xi32, #tpu.memory_space<hbm>> -> memref<1x1000xi32, #tpu.memory_space<hbm>>
        %dma_start3A_426 = tpu.memref_squeeze %dma_start3A_425 : memref<1x1000xi32, #tpu.memory_space<hbm>> -> memref<1000xi32, #tpu.memory_space<hbm>>
        tpu.enqueue_dma source(%dma_start3A_426 : memref<1000xi32, #tpu.memory_space<hbm>>) target(%arg8 : memref<1000xi32, #tpu.memory_space<vmem>>) target_semaphore(%run_scoped3A_422 : memref<!tpu.dma_semaphore, #tpu.memory_space<semaphore_mem>>)
        %dma_wait3A_427 = tpu.memref_slice %arg3[%run_scoped3A, %mul3A_291] : memref<2x320000xi32, #tpu.memory_space<hbm>> -> memref<1x1000xi32, #tpu.memory_space<hbm>>
        %dma_wait3A_428 = tpu.memref_squeeze %dma_wait3A_427 : memref<1x1000xi32, #tpu.memory_space<hbm>> -> memref<1000xi32, #tpu.memory_space<hbm>>
        %dma_wait3A_429 = tpu.memref_slice %arg3[%run_scoped3A, %mul3A_291] : memref<2x320000xi32, #tpu.memory_space<hbm>> -> memref<1x1000xi32, #tpu.memory_space<hbm>>
        %dma_wait3A_430 = tpu.memref_squeeze %dma_wait3A_429 : memref<1x1000xi32, #tpu.memory_space<hbm>> -> memref<1000xi32, #tpu.memory_space<hbm>>
        tpu.wait_dma2 semaphore(%run_scoped3A_422 : memref<!tpu.dma_semaphore, #tpu.memory_space<semaphore_mem>>) src(%dma_wait3A_430 : memref<1000xi32, #tpu.memory_space<hbm>>) dst(%arg8 : memref<1000xi32, #tpu.memory_space<vmem>>)
        tpu.yield
      }) : () -> ()
      %run_scoped3A_307 = arith.constant 1 : i32
      "tpu.region"() ({
        %run_scoped3A_422 = tpu.sem_alloc : memref<!tpu.dma_semaphore, #tpu.memory_space<semaphore_mem>>
        %dma_start3A_423 = tpu.memref_slice %arg3[%run_scoped3A_307, %mul3A_291] : memref<2x320000xi32, #tpu.memory_space<hbm>> -> memref<1x1000xi32, #tpu.memory_space<hbm>>
        %dma_start3A_424 = tpu.memref_squeeze %dma_start3A_423 : memref<1x1000xi32, #tpu.memory_space<hbm>> -> memref<1000xi32, #tpu.memory_space<hbm>>
        %dma_start3A_425 = tpu.memref_slice %arg3[%run_scoped3A_307, %mul3A_291] : memref<2x320000xi32, #tpu.memory_space<hbm>> -> memref<1x1000xi32, #tpu.memory_space<hbm>>
        %dma_start3A_426 = tpu.memref_squeeze %dma_start3A_425 : memref<1x1000xi32, #tpu.memory_space<hbm>> -> memref<1000xi32, #tpu.memory_space<hbm>>
        tpu.enqueue_dma source(%dma_start3A_426 : memref<1000xi32, #tpu.memory_space<hbm>>) target(%arg10 : memref<1000xi32, #tpu.memory_space<vmem>>) target_semaphore(%run_scoped3A_422 : memref<!tpu.dma_semaphore, #tpu.memory_space<semaphore_mem>>)
        %dma_wait3A_427 = tpu.memref_slice %arg3[%run_scoped3A_307, %mul3A_291] : memref<2x320000xi32, #tpu.memory_space<hbm>> -> memref<1x1000xi32, #tpu.memory_space<hbm>>
        %dma_wait3A_428 = tpu.memref_squeeze %dma_wait3A_427 : memref<1x1000xi32, #tpu.memory_space<hbm>> -> memref<1000xi32, #tpu.memory_space<hbm>>
        %dma_wait3A_429 = tpu.memref_slice %arg3[%run_scoped3A_307, %mul3A_291] : memref<2x320000xi32, #tpu.memory_space<hbm>> -> memref<1x1000xi32, #tpu.memory_space<hbm>>
        %dma_wait3A_430 = tpu.memref_squeeze %dma_wait3A_429 : memref<1x1000xi32, #tpu.memory_space<hbm>> -> memref<1000xi32, #tpu.memory_space<hbm>>
        tpu.wait_dma2 semaphore(%run_scoped3A_422 : memref<!tpu.dma_semaphore, #tpu.memory_space<semaphore_mem>>) src(%dma_wait3A_430 : memref<1000xi32, #tpu.memory_space<hbm>>) dst(%arg10 : memref<1000xi32, #tpu.memory_space<vmem>>)
        tpu.yield
      }) : () -> ()
      %dma_start3A_308 = arith.constant 0 : i32
      %dma_start3A_309 = arith.constant 0 : i32
      %dma_start3A_310 = tpu.memref_slice %arg5[%dma_start3A_308, %dma_start3A_309] : memref<10240x32xf32, #tpu.memory_space<hbm>> -> memref<10240x32xf32, #tpu.memory_space<hbm>>
      tpu.enqueue_indirect_dma source(%dma_start3A_310 : memref<10240x32xf32, #tpu.memory_space<hbm>>) target(%arg13 : memref<1000x32xf32, #tpu.memory_space<vmem>>) offsets(%arg8 : memref<1000xi32, #tpu.memory_space<vmem>>) semaphore(%arg21 : memref<!tpu.dma_semaphore, #tpu.memory_space<semaphore_mem>>)
      %add3A_311 = arith.constant 1000 : i32
      %add3A_312 = arith.addi %mul3A_291, %add3A_311 : i32
      %run_scoped3A_313 = arith.constant 0 : i32
      "tpu.region"() ({
        %run_scoped3A_422 = tpu.sem_alloc : memref<!tpu.dma_semaphore, #tpu.memory_space<semaphore_mem>>
        %dma_start3A_423 = tpu.memref_slice %arg3[%run_scoped3A_313, %add3A_312] : memref<2x320000xi32, #tpu.memory_space<hbm>> -> memref<1x1000xi32, #tpu.memory_space<hbm>>
        %dma_start3A_424 = tpu.memref_squeeze %dma_start3A_423 : memref<1x1000xi32, #tpu.memory_space<hbm>> -> memref<1000xi32, #tpu.memory_space<hbm>>
        %dma_start3A_425 = tpu.memref_slice %arg3[%run_scoped3A_313, %add3A_312] : memref<2x320000xi32, #tpu.memory_space<hbm>> -> memref<1x1000xi32, #tpu.memory_space<hbm>>
        %dma_start3A_426 = tpu.memref_squeeze %dma_start3A_425 : memref<1x1000xi32, #tpu.memory_space<hbm>> -> memref<1000xi32, #tpu.memory_space<hbm>>
        tpu.enqueue_dma source(%dma_start3A_426 : memref<1000xi32, #tpu.memory_space<hbm>>) target(%arg9 : memref<1000xi32, #tpu.memory_space<vmem>>) target_semaphore(%run_scoped3A_422 : memref<!tpu.dma_semaphore, #tpu.memory_space<semaphore_mem>>)
        %dma_wait3A_427 = tpu.memref_slice %arg3[%run_scoped3A_313, %add3A_312] : memref<2x320000xi32, #tpu.memory_space<hbm>> -> memref<1x1000xi32, #tpu.memory_space<hbm>>
        %dma_wait3A_428 = tpu.memref_squeeze %dma_wait3A_427 : memref<1x1000xi32, #tpu.memory_space<hbm>> -> memref<1000xi32, #tpu.memory_space<hbm>>
        %dma_wait3A_429 = tpu.memref_slice %arg3[%run_scoped3A_313, %add3A_312] : memref<2x320000xi32, #tpu.memory_space<hbm>> -> memref<1x1000xi32, #tpu.memory_space<hbm>>
        %dma_wait3A_430 = tpu.memref_squeeze %dma_wait3A_429 : memref<1x1000xi32, #tpu.memory_space<hbm>> -> memref<1000xi32, #tpu.memory_space<hbm>>
        tpu.wait_dma2 semaphore(%run_scoped3A_422 : memref<!tpu.dma_semaphore, #tpu.memory_space<semaphore_mem>>) src(%dma_wait3A_430 : memref<1000xi32, #tpu.memory_space<hbm>>) dst(%arg9 : memref<1000xi32, #tpu.memory_space<vmem>>)
        tpu.yield
      }) : () -> ()
      %add3A_314 = arith.constant 1000 : i32
      %add3A_315 = arith.addi %mul3A_291, %add3A_314 : i32
      %run_scoped3A_316 = arith.constant 1 : i32
      "tpu.region"() ({
        %run_scoped3A_422 = tpu.sem_alloc : memref<!tpu.dma_semaphore, #tpu.memory_space<semaphore_mem>>
        %dma_start3A_423 = tpu.memref_slice %arg3[%run_scoped3A_316, %add3A_315] : memref<2x320000xi32, #tpu.memory_space<hbm>> -> memref<1x1000xi32, #tpu.memory_space<hbm>>
        %dma_start3A_424 = tpu.memref_squeeze %dma_start3A_423 : memref<1x1000xi32, #tpu.memory_space<hbm>> -> memref<1000xi32, #tpu.memory_space<hbm>>
        %dma_start3A_425 = tpu.memref_slice %arg3[%run_scoped3A_316, %add3A_315] : memref<2x320000xi32, #tpu.memory_space<hbm>> -> memref<1x1000xi32, #tpu.memory_space<hbm>>
        %dma_start3A_426 = tpu.memref_squeeze %dma_start3A_425 : memref<1x1000xi32, #tpu.memory_space<hbm>> -> memref<1000xi32, #tpu.memory_space<hbm>>
        tpu.enqueue_dma source(%dma_start3A_426 : memref<1000xi32, #tpu.memory_space<hbm>>) target(%arg11 : memref<1000xi32, #tpu.memory_space<vmem>>) target_semaphore(%run_scoped3A_422 : memref<!tpu.dma_semaphore, #tpu.memory_space<semaphore_mem>>)
        %dma_wait3A_427 = tpu.memref_slice %arg3[%run_scoped3A_316, %add3A_315] : memref<2x320000xi32, #tpu.memory_space<hbm>> -> memref<1x1000xi32, #tpu.memory_space<hbm>>
        %dma_wait3A_428 = tpu.memref_squeeze %dma_wait3A_427 : memref<1x1000xi32, #tpu.memory_space<hbm>> -> memref<1000xi32, #tpu.memory_space<hbm>>
        %dma_wait3A_429 = tpu.memref_slice %arg3[%run_scoped3A_316, %add3A_315] : memref<2x320000xi32, #tpu.memory_space<hbm>> -> memref<1x1000xi32, #tpu.memory_space<hbm>>
        %dma_wait3A_430 = tpu.memref_squeeze %dma_wait3A_429 : memref<1x1000xi32, #tpu.memory_space<hbm>> -> memref<1000xi32, #tpu.memory_space<hbm>>
        tpu.wait_dma2 semaphore(%run_scoped3A_422 : memref<!tpu.dma_semaphore, #tpu.memory_space<semaphore_mem>>) src(%dma_wait3A_430 : memref<1000xi32, #tpu.memory_space<hbm>>) dst(%arg11 : memref<1000xi32, #tpu.memory_space<vmem>>)
        tpu.yield
      }) : () -> ()
      %dma_start3A_317 = arith.constant 0 : i32
      %dma_start3A_318 = arith.constant 0 : i32
      %dma_start3A_319 = tpu.memref_slice %arg5[%dma_start3A_317, %dma_start3A_318] : memref<10240x32xf32, #tpu.memory_space<hbm>> -> memref<10240x32xf32, #tpu.memory_space<hbm>>
      tpu.enqueue_indirect_dma source(%dma_start3A_319 : memref<10240x32xf32, #tpu.memory_space<hbm>>) target(%arg14 : memref<1000x32xf32, #tpu.memory_space<vmem>>) offsets(%arg9 : memref<1000xi32, #tpu.memory_space<vmem>>) semaphore(%arg22 : memref<!tpu.dma_semaphore, #tpu.memory_space<semaphore_mem>>)
      %dma_wait3A_320 = arith.constant 0 : i32
      %dma_wait3A_321 = arith.constant 0 : i32
      %dma_wait3A_322 = tpu.memref_slice %arg5[%dma_wait3A_320, %dma_wait3A_321] : memref<10240x32xf32, #tpu.memory_space<hbm>> -> memref<10240x32xf32, #tpu.memory_space<hbm>>
      tpu.wait_indirect_dma semaphore(%arg21 : memref<!tpu.dma_semaphore, #tpu.memory_space<semaphore_mem>>) src(%dma_wait3A_322 : memref<10240x32xf32, #tpu.memory_space<hbm>>) dst(%arg13 : memref<1000x32xf32, #tpu.memory_space<vmem>>)
      "tpu.region"() ({
        %run_scoped3A_422 = tpu.sem_alloc : memref<!tpu.dma_semaphore, #tpu.memory_space<semaphore_mem>>
        %dma_start3A_423 = arith.constant 0 : i32
        %dma_start3A_424 = arith.constant 0 : i32
        %dma_start3A_425 = tpu.memref_slice %arg18[%dma_start3A_423, %dma_start3A_424] : memref<10240x32xf32, #tpu.memory_space<vmem_shared>> -> memref<10240x32xf32, #tpu.memory_space<vmem_shared>>
        tpu.enqueue_indirect_dma source(%arg13 : memref<1000x32xf32, #tpu.memory_space<vmem>>) target(%dma_start3A_425 : memref<10240x32xf32, #tpu.memory_space<vmem_shared>>) offsets(%arg10 : memref<1000xi32, #tpu.memory_space<vmem>>) semaphore(%run_scoped3A_422 : memref<!tpu.dma_semaphore, #tpu.memory_space<semaphore_mem>>) {add = true}
        %dma_wait3A_426 = arith.constant 0 : i32
        %dma_wait3A_427 = arith.constant 0 : i32
        %dma_wait3A_428 = tpu.memref_slice %arg18[%dma_wait3A_426, %dma_wait3A_427] : memref<10240x32xf32, #tpu.memory_space<vmem_shared>> -> memref<10240x32xf32, #tpu.memory_space<vmem_shared>>
        tpu.wait_indirect_dma semaphore(%run_scoped3A_422 : memref<!tpu.dma_semaphore, #tpu.memory_space<semaphore_mem>>) src(%arg13 : memref<1000x32xf32, #tpu.memory_space<vmem>>) dst(%dma_wait3A_428 : memref<10240x32xf32, #tpu.memory_space<vmem_shared>>)
        tpu.yield
      }) : () -> ()
      %add3A_323 = arith.constant 2000 : i32
      %add3A_324 = arith.addi %mul3A_291, %add3A_323 : i32
      %run_scoped3A_325 = arith.constant 0 : i32
      "tpu.region"() ({
        %run_scoped3A_422 = tpu.sem_alloc : memref<!tpu.dma_semaphore, #tpu.memory_space<semaphore_mem>>
        %dma_start3A_423 = tpu.memref_slice %arg3[%run_scoped3A_325, %add3A_324] : memref<2x320000xi32, #tpu.memory_space<hbm>> -> memref<1x1000xi32, #tpu.memory_space<hbm>>
        %dma_start3A_424 = tpu.memref_squeeze %dma_start3A_423 : memref<1x1000xi32, #tpu.memory_space<hbm>> -> memref<1000xi32, #tpu.memory_space<hbm>>
        %dma_start3A_425 = tpu.memref_slice %arg3[%run_scoped3A_325, %add3A_324] : memref<2x320000xi32, #tpu.memory_space<hbm>> -> memref<1x1000xi32, #tpu.memory_space<hbm>>
        %dma_start3A_426 = tpu.memref_squeeze %dma_start3A_425 : memref<1x1000xi32, #tpu.memory_space<hbm>> -> memref<1000xi32, #tpu.memory_space<hbm>>
        tpu.enqueue_dma source(%dma_start3A_426 : memref<1000xi32, #tpu.memory_space<hbm>>) target(%arg8 : memref<1000xi32, #tpu.memory_space<vmem>>) target_semaphore(%run_scoped3A_422 : memref<!tpu.dma_semaphore, #tpu.memory_space<semaphore_mem>>)
        %dma_wait3A_427 = tpu.memref_slice %arg3[%run_scoped3A_325, %add3A_324] : memref<2x320000xi32, #tpu.memory_space<hbm>> -> memref<1x1000xi32, #tpu.memory_space<hbm>>
        %dma_wait3A_428 = tpu.memref_squeeze %dma_wait3A_427 : memref<1x1000xi32, #tpu.memory_space<hbm>> -> memref<1000xi32, #tpu.memory_space<hbm>>
        %dma_wait3A_429 = tpu.memref_slice %arg3[%run_scoped3A_325, %add3A_324] : memref<2x320000xi32, #tpu.memory_space<hbm>> -> memref<1x1000xi32, #tpu.memory_space<hbm>>
        %dma_wait3A_430 = tpu.memref_squeeze %dma_wait3A_429 : memref<1x1000xi32, #tpu.memory_space<hbm>> -> memref<1000xi32, #tpu.memory_space<hbm>>
        tpu.wait_dma2 semaphore(%run_scoped3A_422 : memref<!tpu.dma_semaphore, #tpu.memory_space<semaphore_mem>>) src(%dma_wait3A_430 : memref<1000xi32, #tpu.memory_space<hbm>>) dst(%arg8 : memref<1000xi32, #tpu.memory_space<vmem>>)
        tpu.yield
      }) : () -> ()
      %add3A_326 = arith.constant 2000 : i32
      %add3A_327 = arith.addi %mul3A_291, %add3A_326 : i32
      %run_scoped3A_328 = arith.constant 1 : i32
      "tpu.region"() ({
        %run_scoped3A_422 = tpu.sem_alloc : memref<!tpu.dma_semaphore, #tpu.memory_space<semaphore_mem>>
        %dma_start3A_423 = tpu.memref_slice %arg3[%run_scoped3A_328, %add3A_327] : memref<2x320000xi32, #tpu.memory_space<hbm>> -> memref<1x1000xi32, #tpu.memory_space<hbm>>
        %dma_start3A_424 = tpu.memref_squeeze %dma_start3A_423 : memref<1x1000xi32, #tpu.memory_space<hbm>> -> memref<1000xi32, #tpu.memory_space<hbm>>
        %dma_start3A_425 = tpu.memref_slice %arg3[%run_scoped3A_328, %add3A_327] : memref<2x320000xi32, #tpu.memory_space<hbm>> -> memref<1x1000xi32, #tpu.memory_space<hbm>>
        %dma_start3A_426 = tpu.memref_squeeze %dma_start3A_425 : memref<1x1000xi32, #tpu.memory_space<hbm>> -> memref<1000xi32, #tpu.memory_space<hbm>>
        tpu.enqueue_dma source(%dma_start3A_426 : memref<1000xi32, #tpu.memory_space<hbm>>) target(%arg10 : memref<1000xi32, #tpu.memory_space<vmem>>) target_semaphore(%run_scoped3A_422 : memref<!tpu.dma_semaphore, #tpu.memory_space<semaphore_mem>>)
        %dma_wait3A_427 = tpu.memref_slice %arg3[%run_scoped3A_328, %add3A_327] : memref<2x320000xi32, #tpu.memory_space<hbm>> -> memref<1x1000xi32, #tpu.memory_space<hbm>>
        %dma_wait3A_428 = tpu.memref_squeeze %dma_wait3A_427 : memref<1x1000xi32, #tpu.memory_space<hbm>> -> memref<1000xi32, #tpu.memory_space<hbm>>
        %dma_wait3A_429 = tpu.memref_slice %arg3[%run_scoped3A_328, %add3A_327] : memref<2x320000xi32, #tpu.memory_space<hbm>> -> memref<1x1000xi32, #tpu.memory_space<hbm>>
        %dma_wait3A_430 = tpu.memref_squeeze %dma_wait3A_429 : memref<1x1000xi32, #tpu.memory_space<hbm>> -> memref<1000xi32, #tpu.memory_space<hbm>>
        tpu.wait_dma2 semaphore(%run_scoped3A_422 : memref<!tpu.dma_semaphore, #tpu.memory_space<semaphore_mem>>) src(%dma_wait3A_430 : memref<1000xi32, #tpu.memory_space<hbm>>) dst(%arg10 : memref<1000xi32, #tpu.memory_space<vmem>>)
        tpu.yield
      }) : () -> ()
      %dma_start3A_329 = arith.constant 0 : i32
      %dma_start3A_330 = arith.constant 0 : i32
      %dma_start3A_331 = tpu.memref_slice %arg5[%dma_start3A_329, %dma_start3A_330] : memref<10240x32xf32, #tpu.memory_space<hbm>> -> memref<10240x32xf32, #tpu.memory_space<hbm>>
      tpu.enqueue_indirect_dma source(%dma_start3A_331 : memref<10240x32xf32, #tpu.memory_space<hbm>>) target(%arg13 : memref<1000x32xf32, #tpu.memory_space<vmem>>) offsets(%arg8 : memref<1000xi32, #tpu.memory_space<vmem>>) semaphore(%arg21 : memref<!tpu.dma_semaphore, #tpu.memory_space<semaphore_mem>>)
      %dma_wait3A_332 = arith.constant 0 : i32
      %dma_wait3A_333 = arith.constant 0 : i32
      %dma_wait3A_334 = tpu.memref_slice %arg5[%dma_wait3A_332, %dma_wait3A_333] : memref<10240x32xf32, #tpu.memory_space<hbm>> -> memref<10240x32xf32, #tpu.memory_space<hbm>>
      tpu.wait_indirect_dma semaphore(%arg22 : memref<!tpu.dma_semaphore, #tpu.memory_space<semaphore_mem>>) src(%dma_wait3A_334 : memref<10240x32xf32, #tpu.memory_space<hbm>>) dst(%arg14 : memref<1000x32xf32, #tpu.memory_space<vmem>>)
      "tpu.region"() ({
        %run_scoped3A_422 = tpu.sem_alloc : memref<!tpu.dma_semaphore, #tpu.memory_space<semaphore_mem>>
        %dma_start3A_423 = arith.constant 0 : i32
        %dma_start3A_424 = arith.constant 0 : i32
        %dma_start3A_425 = tpu.memref_slice %arg18[%dma_start3A_423, %dma_start3A_424] : memref<10240x32xf32, #tpu.memory_space<vmem_shared>> -> memref<10240x32xf32, #tpu.memory_space<vmem_shared>>
        tpu.enqueue_indirect_dma source(%arg14 : memref<1000x32xf32, #tpu.memory_space<vmem>>) target(%dma_start3A_425 : memref<10240x32xf32, #tpu.memory_space<vmem_shared>>) offsets(%arg11 : memref<1000xi32, #tpu.memory_space<vmem>>) semaphore(%run_scoped3A_422 : memref<!tpu.dma_semaphore, #tpu.memory_space<semaphore_mem>>) {add = true}
        %dma_wait3A_426 = arith.constant 0 : i32
        %dma_wait3A_427 = arith.constant 0 : i32
        %dma_wait3A_428 = tpu.memref_slice %arg18[%dma_wait3A_426, %dma_wait3A_427] : memref<10240x32xf32, #tpu.memory_space<vmem_shared>> -> memref<10240x32xf32, #tpu.memory_space<vmem_shared>>
        tpu.wait_indirect_dma semaphore(%run_scoped3A_422 : memref<!tpu.dma_semaphore, #tpu.memory_space<semaphore_mem>>) src(%arg14 : memref<1000x32xf32, #tpu.memory_space<vmem>>) dst(%dma_wait3A_428 : memref<10240x32xf32, #tpu.memory_space<vmem_shared>>)
        tpu.yield
      }) : () -> ()
      %add3A_335 = arith.constant 3000 : i32
      %add3A_336 = arith.addi %mul3A_291, %add3A_335 : i32
      %run_scoped3A_337 = arith.constant 0 : i32
      "tpu.region"() ({
        %run_scoped3A_422 = tpu.sem_alloc : memref<!tpu.dma_semaphore, #tpu.memory_space<semaphore_mem>>
        %dma_start3A_423 = tpu.memref_slice %arg3[%run_scoped3A_337, %add3A_336] : memref<2x320000xi32, #tpu.memory_space<hbm>> -> memref<1x1000xi32, #tpu.memory_space<hbm>>
        %dma_start3A_424 = tpu.memref_squeeze %dma_start3A_423 : memref<1x1000xi32, #tpu.memory_space<hbm>> -> memref<1000xi32, #tpu.memory_space<hbm>>
        %dma_start3A_425 = tpu.memref_slice %arg3[%run_scoped3A_337, %add3A_336] : memref<2x320000xi32, #tpu.memory_space<hbm>> -> memref<1x1000xi32, #tpu.memory_space<hbm>>
        %dma_start3A_426 = tpu.memref_squeeze %dma_start3A_425 : memref<1x1000xi32, #tpu.memory_space<hbm>> -> memref<1000xi32, #tpu.memory_space<hbm>>
        tpu.enqueue_dma source(%dma_start3A_426 : memref<1000xi32, #tpu.memory_space<hbm>>) target(%arg9 : memref<1000xi32, #tpu.memory_space<vmem>>) target_semaphore(%run_scoped3A_422 : memref<!tpu.dma_semaphore, #tpu.memory_space<semaphore_mem>>)
        %dma_wait3A_427 = tpu.memref_slice %arg3[%run_scoped3A_337, %add3A_336] : memref<2x320000xi32, #tpu.memory_space<hbm>> -> memref<1x1000xi32, #tpu.memory_space<hbm>>
        %dma_wait3A_428 = tpu.memref_squeeze %dma_wait3A_427 : memref<1x1000xi32, #tpu.memory_space<hbm>> -> memref<1000xi32, #tpu.memory_space<hbm>>
        %dma_wait3A_429 = tpu.memref_slice %arg3[%run_scoped3A_337, %add3A_336] : memref<2x320000xi32, #tpu.memory_space<hbm>> -> memref<1x1000xi32, #tpu.memory_space<hbm>>
        %dma_wait3A_430 = tpu.memref_squeeze %dma_wait3A_429 : memref<1x1000xi32, #tpu.memory_space<hbm>> -> memref<1000xi32, #tpu.memory_space<hbm>>
        tpu.wait_dma2 semaphore(%run_scoped3A_422 : memref<!tpu.dma_semaphore, #tpu.memory_space<semaphore_mem>>) src(%dma_wait3A_430 : memref<1000xi32, #tpu.memory_space<hbm>>) dst(%arg9 : memref<1000xi32, #tpu.memory_space<vmem>>)
        tpu.yield
      }) : () -> ()
      %add3A_338 = arith.constant 3000 : i32
      %add3A_339 = arith.addi %mul3A_291, %add3A_338 : i32
      %run_scoped3A_340 = arith.constant 1 : i32
      "tpu.region"() ({
        %run_scoped3A_422 = tpu.sem_alloc : memref<!tpu.dma_semaphore, #tpu.memory_space<semaphore_mem>>
        %dma_start3A_423 = tpu.memref_slice %arg3[%run_scoped3A_340, %add3A_339] : memref<2x320000xi32, #tpu.memory_space<hbm>> -> memref<1x1000xi32, #tpu.memory_space<hbm>>
        %dma_start3A_424 = tpu.memref_squeeze %dma_start3A_423 : memref<1x1000xi32, #tpu.memory_space<hbm>> -> memref<1000xi32, #tpu.memory_space<hbm>>
        %dma_start3A_425 = tpu.memref_slice %arg3[%run_scoped3A_340, %add3A_339] : memref<2x320000xi32, #tpu.memory_space<hbm>> -> memref<1x1000xi32, #tpu.memory_space<hbm>>
        %dma_start3A_426 = tpu.memref_squeeze %dma_start3A_425 : memref<1x1000xi32, #tpu.memory_space<hbm>> -> memref<1000xi32, #tpu.memory_space<hbm>>
        tpu.enqueue_dma source(%dma_start3A_426 : memref<1000xi32, #tpu.memory_space<hbm>>) target(%arg11 : memref<1000xi32, #tpu.memory_space<vmem>>) target_semaphore(%run_scoped3A_422 : memref<!tpu.dma_semaphore, #tpu.memory_space<semaphore_mem>>)
        %dma_wait3A_427 = tpu.memref_slice %arg3[%run_scoped3A_340, %add3A_339] : memref<2x320000xi32, #tpu.memory_space<hbm>> -> memref<1x1000xi32, #tpu.memory_space<hbm>>
        %dma_wait3A_428 = tpu.memref_squeeze %dma_wait3A_427 : memref<1x1000xi32, #tpu.memory_space<hbm>> -> memref<1000xi32, #tpu.memory_space<hbm>>
        %dma_wait3A_429 = tpu.memref_slice %arg3[%run_scoped3A_340, %add3A_339] : memref<2x320000xi32, #tpu.memory_space<hbm>> -> memref<1x1000xi32, #tpu.memory_space<hbm>>
        %dma_wait3A_430 = tpu.memref_squeeze %dma_wait3A_429 : memref<1x1000xi32, #tpu.memory_space<hbm>> -> memref<1000xi32, #tpu.memory_space<hbm>>
        tpu.wait_dma2 semaphore(%run_scoped3A_422 : memref<!tpu.dma_semaphore, #tpu.memory_space<semaphore_mem>>) src(%dma_wait3A_430 : memref<1000xi32, #tpu.memory_space<hbm>>) dst(%arg11 : memref<1000xi32, #tpu.memory_space<vmem>>)
        tpu.yield
      }) : () -> ()
      %dma_start3A_341 = arith.constant 0 : i32
      %dma_start3A_342 = arith.constant 0 : i32
      %dma_start3A_343 = tpu.memref_slice %arg5[%dma_start3A_341, %dma_start3A_342] : memref<10240x32xf32, #tpu.memory_space<hbm>> -> memref<10240x32xf32, #tpu.memory_space<hbm>>
      tpu.enqueue_indirect_dma source(%dma_start3A_343 : memref<10240x32xf32, #tpu.memory_space<hbm>>) target(%arg14 : memref<1000x32xf32, #tpu.memory_space<vmem>>) offsets(%arg9 : memref<1000xi32, #tpu.memory_space<vmem>>) semaphore(%arg22 : memref<!tpu.dma_semaphore, #tpu.memory_space<semaphore_mem>>)
      %dma_wait3A_344 = arith.constant 0 : i32
      %dma_wait3A_345 = arith.constant 0 : i32
      %dma_wait3A_346 = tpu.memref_slice %arg5[%dma_wait3A_344, %dma_wait3A_345] : memref<10240x32xf32, #tpu.memory_space<hbm>> -> memref<10240x32xf32, #tpu.memory_space<hbm>>
      tpu.wait_indirect_dma semaphore(%arg21 : memref<!tpu.dma_semaphore, #tpu.memory_space<semaphore_mem>>) src(%dma_wait3A_346 : memref<10240x32xf32, #tpu.memory_space<hbm>>) dst(%arg13 : memref<1000x32xf32, #tpu.memory_space<vmem>>)
      "tpu.region"() ({
        %run_scoped3A_422 = tpu.sem_alloc : memref<!tpu.dma_semaphore, #tpu.memory_space<semaphore_mem>>
        %dma_start3A_423 = arith.constant 0 : i32
        %dma_start3A_424 = arith.constant 0 : i32
        %dma_start3A_425 = tpu.memref_slice %arg18[%dma_start3A_423, %dma_start3A_424] : memref<10240x32xf32, #tpu.memory_space<vmem_shared>> -> memref<10240x32xf32, #tpu.memory_space<vmem_shared>>
        tpu.enqueue_indirect_dma source(%arg13 : memref<1000x32xf32, #tpu.memory_space<vmem>>) target(%dma_start3A_425 : memref<10240x32xf32, #tpu.memory_space<vmem_shared>>) offsets(%arg10 : memref<1000xi32, #tpu.memory_space<vmem>>) semaphore(%run_scoped3A_422 : memref<!tpu.dma_semaphore, #tpu.memory_space<semaphore_mem>>) {add = true}
        %dma_wait3A_426 = arith.constant 0 : i32
        %dma_wait3A_427 = arith.constant 0 : i32
        %dma_wait3A_428 = tpu.memref_slice %arg18[%dma_wait3A_426, %dma_wait3A_427] : memref<10240x32xf32, #tpu.memory_space<vmem_shared>> -> memref<10240x32xf32, #tpu.memory_space<vmem_shared>>
        tpu.wait_indirect_dma semaphore(%run_scoped3A_422 : memref<!tpu.dma_semaphore, #tpu.memory_space<semaphore_mem>>) src(%arg13 : memref<1000x32xf32, #tpu.memory_space<vmem>>) dst(%dma_wait3A_428 : memref<10240x32xf32, #tpu.memory_space<vmem_shared>>)
        tpu.yield
      }) : () -> ()
      %add3A_347 = arith.constant 4000 : i32
      %add3A_348 = arith.addi %mul3A_291, %add3A_347 : i32
      %run_scoped3A_349 = arith.constant 0 : i32
      "tpu.region"() ({
        %run_scoped3A_422 = tpu.sem_alloc : memref<!tpu.dma_semaphore, #tpu.memory_space<semaphore_mem>>
        %dma_start3A_423 = tpu.memref_slice %arg3[%run_scoped3A_349, %add3A_348] : memref<2x320000xi32, #tpu.memory_space<hbm>> -> memref<1x1000xi32, #tpu.memory_space<hbm>>
        %dma_start3A_424 = tpu.memref_squeeze %dma_start3A_423 : memref<1x1000xi32, #tpu.memory_space<hbm>> -> memref<1000xi32, #tpu.memory_space<hbm>>
        %dma_start3A_425 = tpu.memref_slice %arg3[%run_scoped3A_349, %add3A_348] : memref<2x320000xi32, #tpu.memory_space<hbm>> -> memref<1x1000xi32, #tpu.memory_space<hbm>>
        %dma_start3A_426 = tpu.memref_squeeze %dma_start3A_425 : memref<1x1000xi32, #tpu.memory_space<hbm>> -> memref<1000xi32, #tpu.memory_space<hbm>>
        tpu.enqueue_dma source(%dma_start3A_426 : memref<1000xi32, #tpu.memory_space<hbm>>) target(%arg8 : memref<1000xi32, #tpu.memory_space<vmem>>) target_semaphore(%run_scoped3A_422 : memref<!tpu.dma_semaphore, #tpu.memory_space<semaphore_mem>>)
        %dma_wait3A_427 = tpu.memref_slice %arg3[%run_scoped3A_349, %add3A_348] : memref<2x320000xi32, #tpu.memory_space<hbm>> -> memref<1x1000xi32, #tpu.memory_space<hbm>>
        %dma_wait3A_428 = tpu.memref_squeeze %dma_wait3A_427 : memref<1x1000xi32, #tpu.memory_space<hbm>> -> memref<1000xi32, #tpu.memory_space<hbm>>
        %dma_wait3A_429 = tpu.memref_slice %arg3[%run_scoped3A_349, %add3A_348] : memref<2x320000xi32, #tpu.memory_space<hbm>> -> memref<1x1000xi32, #tpu.memory_space<hbm>>
        %dma_wait3A_430 = tpu.memref_squeeze %dma_wait3A_429 : memref<1x1000xi32, #tpu.memory_space<hbm>> -> memref<1000xi32, #tpu.memory_space<hbm>>
        tpu.wait_dma2 semaphore(%run_scoped3A_422 : memref<!tpu.dma_semaphore, #tpu.memory_space<semaphore_mem>>) src(%dma_wait3A_430 : memref<1000xi32, #tpu.memory_space<hbm>>) dst(%arg8 : memref<1000xi32, #tpu.memory_space<vmem>>)
        tpu.yield
      }) : () -> ()
      %add3A_350 = arith.constant 4000 : i32
      %add3A_351 = arith.addi %mul3A_291, %add3A_350 : i32
      %run_scoped3A_352 = arith.constant 1 : i32
      "tpu.region"() ({
        %run_scoped3A_422 = tpu.sem_alloc : memref<!tpu.dma_semaphore, #tpu.memory_space<semaphore_mem>>
        %dma_start3A_423 = tpu.memref_slice %arg3[%run_scoped3A_352, %add3A_351] : memref<2x320000xi32, #tpu.memory_space<hbm>> -> memref<1x1000xi32, #tpu.memory_space<hbm>>
        %dma_start3A_424 = tpu.memref_squeeze %dma_start3A_423 : memref<1x1000xi32, #tpu.memory_space<hbm>> -> memref<1000xi32, #tpu.memory_space<hbm>>
        %dma_start3A_425 = tpu.memref_slice %arg3[%run_scoped3A_352, %add3A_351] : memref<2x320000xi32, #tpu.memory_space<hbm>> -> memref<1x1000xi32, #tpu.memory_space<hbm>>
        %dma_start3A_426 = tpu.memref_squeeze %dma_start3A_425 : memref<1x1000xi32, #tpu.memory_space<hbm>> -> memref<1000xi32, #tpu.memory_space<hbm>>
        tpu.enqueue_dma source(%dma_start3A_426 : memref<1000xi32, #tpu.memory_space<hbm>>) target(%arg10 : memref<1000xi32, #tpu.memory_space<vmem>>) target_semaphore(%run_scoped3A_422 : memref<!tpu.dma_semaphore, #tpu.memory_space<semaphore_mem>>)
        %dma_wait3A_427 = tpu.memref_slice %arg3[%run_scoped3A_352, %add3A_351] : memref<2x320000xi32, #tpu.memory_space<hbm>> -> memref<1x1000xi32, #tpu.memory_space<hbm>>
        %dma_wait3A_428 = tpu.memref_squeeze %dma_wait3A_427 : memref<1x1000xi32, #tpu.memory_space<hbm>> -> memref<1000xi32, #tpu.memory_space<hbm>>
        %dma_wait3A_429 = tpu.memref_slice %arg3[%run_scoped3A_352, %add3A_351] : memref<2x320000xi32, #tpu.memory_space<hbm>> -> memref<1x1000xi32, #tpu.memory_space<hbm>>
        %dma_wait3A_430 = tpu.memref_squeeze %dma_wait3A_429 : memref<1x1000xi32, #tpu.memory_space<hbm>> -> memref<1000xi32, #tpu.memory_space<hbm>>
        tpu.wait_dma2 semaphore(%run_scoped3A_422 : memref<!tpu.dma_semaphore, #tpu.memory_space<semaphore_mem>>) src(%dma_wait3A_430 : memref<1000xi32, #tpu.memory_space<hbm>>) dst(%arg10 : memref<1000xi32, #tpu.memory_space<vmem>>)
        tpu.yield
      }) : () -> ()
      %dma_start3A_353 = arith.constant 0 : i32
      %dma_start3A_354 = arith.constant 0 : i32
      %dma_start3A_355 = tpu.memref_slice %arg5[%dma_start3A_353, %dma_start3A_354] : memref<10240x32xf32, #tpu.memory_space<hbm>> -> memref<10240x32xf32, #tpu.memory_space<hbm>>
      tpu.enqueue_indirect_dma source(%dma_start3A_355 : memref<10240x32xf32, #tpu.memory_space<hbm>>) target(%arg13 : memref<1000x32xf32, #tpu.memory_space<vmem>>) offsets(%arg8 : memref<1000xi32, #tpu.memory_space<vmem>>) semaphore(%arg21 : memref<!tpu.dma_semaphore, #tpu.memory_space<semaphore_mem>>)
      %dma_wait3A_356 = arith.constant 0 : i32
      %dma_wait3A_357 = arith.constant 0 : i32
      %dma_wait3A_358 = tpu.memref_slice %arg5[%dma_wait3A_356, %dma_wait3A_357] : memref<10240x32xf32, #tpu.memory_space<hbm>> -> memref<10240x32xf32, #tpu.memory_space<hbm>>
      tpu.wait_indirect_dma semaphore(%arg22 : memref<!tpu.dma_semaphore, #tpu.memory_space<semaphore_mem>>) src(%dma_wait3A_358 : memref<10240x32xf32, #tpu.memory_space<hbm>>) dst(%arg14 : memref<1000x32xf32, #tpu.memory_space<vmem>>)
      "tpu.region"() ({
        %run_scoped3A_422 = tpu.sem_alloc : memref<!tpu.dma_semaphore, #tpu.memory_space<semaphore_mem>>
        %dma_start3A_423 = arith.constant 0 : i32
        %dma_start3A_424 = arith.constant 0 : i32
        %dma_start3A_425 = tpu.memref_slice %arg18[%dma_start3A_423, %dma_start3A_424] : memref<10240x32xf32, #tpu.memory_space<vmem_shared>> -> memref<10240x32xf32, #tpu.memory_space<vmem_shared>>
        tpu.enqueue_indirect_dma source(%arg14 : memref<1000x32xf32, #tpu.memory_space<vmem>>) target(%dma_start3A_425 : memref<10240x32xf32, #tpu.memory_space<vmem_shared>>) offsets(%arg11 : memref<1000xi32, #tpu.memory_space<vmem>>) semaphore(%run_scoped3A_422 : memref<!tpu.dma_semaphore, #tpu.memory_space<semaphore_mem>>) {add = true}
        %dma_wait3A_426 = arith.constant 0 : i32
        %dma_wait3A_427 = arith.constant 0 : i32
        %dma_wait3A_428 = tpu.memref_slice %arg18[%dma_wait3A_426, %dma_wait3A_427] : memref<10240x32xf32, #tpu.memory_space<vmem_shared>> -> memref<10240x32xf32, #tpu.memory_space<vmem_shared>>
        tpu.wait_indirect_dma semaphore(%run_scoped3A_422 : memref<!tpu.dma_semaphore, #tpu.memory_space<semaphore_mem>>) src(%arg14 : memref<1000x32xf32, #tpu.memory_space<vmem>>) dst(%dma_wait3A_428 : memref<10240x32xf32, #tpu.memory_space<vmem_shared>>)
        tpu.yield
      }) : () -> ()
      %add3A_359 = arith.constant 5000 : i32
      %add3A_360 = arith.addi %mul3A_291, %add3A_359 : i32
      %run_scoped3A_361 = arith.constant 0 : i32
      "tpu.region"() ({
        %run_scoped3A_422 = tpu.sem_alloc : memref<!tpu.dma_semaphore, #tpu.memory_space<semaphore_mem>>
        %dma_start3A_423 = tpu.memref_slice %arg3[%run_scoped3A_361, %add3A_360] : memref<2x320000xi32, #tpu.memory_space<hbm>> -> memref<1x1000xi32, #tpu.memory_space<hbm>>
        %dma_start3A_424 = tpu.memref_squeeze %dma_start3A_423 : memref<1x1000xi32, #tpu.memory_space<hbm>> -> memref<1000xi32, #tpu.memory_space<hbm>>
        %dma_start3A_425 = tpu.memref_slice %arg3[%run_scoped3A_361, %add3A_360] : memref<2x320000xi32, #tpu.memory_space<hbm>> -> memref<1x1000xi32, #tpu.memory_space<hbm>>
        %dma_start3A_426 = tpu.memref_squeeze %dma_start3A_425 : memref<1x1000xi32, #tpu.memory_space<hbm>> -> memref<1000xi32, #tpu.memory_space<hbm>>
        tpu.enqueue_dma source(%dma_start3A_426 : memref<1000xi32, #tpu.memory_space<hbm>>) target(%arg9 : memref<1000xi32, #tpu.memory_space<vmem>>) target_semaphore(%run_scoped3A_422 : memref<!tpu.dma_semaphore, #tpu.memory_space<semaphore_mem>>)
        %dma_wait3A_427 = tpu.memref_slice %arg3[%run_scoped3A_361, %add3A_360] : memref<2x320000xi32, #tpu.memory_space<hbm>> -> memref<1x1000xi32, #tpu.memory_space<hbm>>
        %dma_wait3A_428 = tpu.memref_squeeze %dma_wait3A_427 : memref<1x1000xi32, #tpu.memory_space<hbm>> -> memref<1000xi32, #tpu.memory_space<hbm>>
        %dma_wait3A_429 = tpu.memref_slice %arg3[%run_scoped3A_361, %add3A_360] : memref<2x320000xi32, #tpu.memory_space<hbm>> -> memref<1x1000xi32, #tpu.memory_space<hbm>>
        %dma_wait3A_430 = tpu.memref_squeeze %dma_wait3A_429 : memref<1x1000xi32, #tpu.memory_space<hbm>> -> memref<1000xi32, #tpu.memory_space<hbm>>
        tpu.wait_dma2 semaphore(%run_scoped3A_422 : memref<!tpu.dma_semaphore, #tpu.memory_space<semaphore_mem>>) src(%dma_wait3A_430 : memref<1000xi32, #tpu.memory_space<hbm>>) dst(%arg9 : memref<1000xi32, #tpu.memory_space<vmem>>)
        tpu.yield
      }) : () -> ()
      %add3A_362 = arith.constant 5000 : i32
      %add3A_363 = arith.addi %mul3A_291, %add3A_362 : i32
      %run_scoped3A_364 = arith.constant 1 : i32
      "tpu.region"() ({
        %run_scoped3A_422 = tpu.sem_alloc : memref<!tpu.dma_semaphore, #tpu.memory_space<semaphore_mem>>
        %dma_start3A_423 = tpu.memref_slice %arg3[%run_scoped3A_364, %add3A_363] : memref<2x320000xi32, #tpu.memory_space<hbm>> -> memref<1x1000xi32, #tpu.memory_space<hbm>>
        %dma_start3A_424 = tpu.memref_squeeze %dma_start3A_423 : memref<1x1000xi32, #tpu.memory_space<hbm>> -> memref<1000xi32, #tpu.memory_space<hbm>>
        %dma_start3A_425 = tpu.memref_slice %arg3[%run_scoped3A_364, %add3A_363] : memref<2x320000xi32, #tpu.memory_space<hbm>> -> memref<1x1000xi32, #tpu.memory_space<hbm>>
        %dma_start3A_426 = tpu.memref_squeeze %dma_start3A_425 : memref<1x1000xi32, #tpu.memory_space<hbm>> -> memref<1000xi32, #tpu.memory_space<hbm>>
        tpu.enqueue_dma source(%dma_start3A_426 : memref<1000xi32, #tpu.memory_space<hbm>>) target(%arg11 : memref<1000xi32, #tpu.memory_space<vmem>>) target_semaphore(%run_scoped3A_422 : memref<!tpu.dma_semaphore, #tpu.memory_space<semaphore_mem>>)
        %dma_wait3A_427 = tpu.memref_slice %arg3[%run_scoped3A_364, %add3A_363] : memref<2x320000xi32, #tpu.memory_space<hbm>> -> memref<1x1000xi32, #tpu.memory_space<hbm>>
        %dma_wait3A_428 = tpu.memref_squeeze %dma_wait3A_427 : memref<1x1000xi32, #tpu.memory_space<hbm>> -> memref<1000xi32, #tpu.memory_space<hbm>>
        %dma_wait3A_429 = tpu.memref_slice %arg3[%run_scoped3A_364, %add3A_363] : memref<2x320000xi32, #tpu.memory_space<hbm>> -> memref<1x1000xi32, #tpu.memory_space<hbm>>
        %dma_wait3A_430 = tpu.memref_squeeze %dma_wait3A_429 : memref<1x1000xi32, #tpu.memory_space<hbm>> -> memref<1000xi32, #tpu.memory_space<hbm>>
        tpu.wait_dma2 semaphore(%run_scoped3A_422 : memref<!tpu.dma_semaphore, #tpu.memory_space<semaphore_mem>>) src(%dma_wait3A_430 : memref<1000xi32, #tpu.memory_space<hbm>>) dst(%arg11 : memref<1000xi32, #tpu.memory_space<vmem>>)
        tpu.yield
      }) : () -> ()
      %dma_start3A_365 = arith.constant 0 : i32
      %dma_start3A_366 = arith.constant 0 : i32
      %dma_start3A_367 = tpu.memref_slice %arg5[%dma_start3A_365, %dma_start3A_366] : memref<10240x32xf32, #tpu.memory_space<hbm>> -> memref<10240x32xf32, #tpu.memory_space<hbm>>
      tpu.enqueue_indirect_dma source(%dma_start3A_367 : memref<10240x32xf32, #tpu.memory_space<hbm>>) target(%arg14 : memref<1000x32xf32, #tpu.memory_space<vmem>>) offsets(%arg9 : memref<1000xi32, #tpu.memory_space<vmem>>) semaphore(%arg22 : memref<!tpu.dma_semaphore, #tpu.memory_space<semaphore_mem>>)
      %dma_wait3A_368 = arith.constant 0 : i32
      %dma_wait3A_369 = arith.constant 0 : i32
      %dma_wait3A_370 = tpu.memref_slice %arg5[%dma_wait3A_368, %dma_wait3A_369] : memref<10240x32xf32, #tpu.memory_space<hbm>> -> memref<10240x32xf32, #tpu.memory_space<hbm>>
      tpu.wait_indirect_dma semaphore(%arg21 : memref<!tpu.dma_semaphore, #tpu.memory_space<semaphore_mem>>) src(%dma_wait3A_370 : memref<10240x32xf32, #tpu.memory_space<hbm>>) dst(%arg13 : memref<1000x32xf32, #tpu.memory_space<vmem>>)
      "tpu.region"() ({
        %run_scoped3A_422 = tpu.sem_alloc : memref<!tpu.dma_semaphore, #tpu.memory_space<semaphore_mem>>
        %dma_start3A_423 = arith.constant 0 : i32
        %dma_start3A_424 = arith.constant 0 : i32
        %dma_start3A_425 = tpu.memref_slice %arg18[%dma_start3A_423, %dma_start3A_424] : memref<10240x32xf32, #tpu.memory_space<vmem_shared>> -> memref<10240x32xf32, #tpu.memory_space<vmem_shared>>
        tpu.enqueue_indirect_dma source(%arg13 : memref<1000x32xf32, #tpu.memory_space<vmem>>) target(%dma_start3A_425 : memref<10240x32xf32, #tpu.memory_space<vmem_shared>>) offsets(%arg10 : memref<1000xi32, #tpu.memory_space<vmem>>) semaphore(%run_scoped3A_422 : memref<!tpu.dma_semaphore, #tpu.memory_space<semaphore_mem>>) {add = true}
        %dma_wait3A_426 = arith.constant 0 : i32
        %dma_wait3A_427 = arith.constant 0 : i32
        %dma_wait3A_428 = tpu.memref_slice %arg18[%dma_wait3A_426, %dma_wait3A_427] : memref<10240x32xf32, #tpu.memory_space<vmem_shared>> -> memref<10240x32xf32, #tpu.memory_space<vmem_shared>>
        tpu.wait_indirect_dma semaphore(%run_scoped3A_422 : memref<!tpu.dma_semaphore, #tpu.memory_space<semaphore_mem>>) src(%arg13 : memref<1000x32xf32, #tpu.memory_space<vmem>>) dst(%dma_wait3A_428 : memref<10240x32xf32, #tpu.memory_space<vmem_shared>>)
        tpu.yield
      }) : () -> ()
      %add3A_371 = arith.constant 6000 : i32
      %add3A_372 = arith.addi %mul3A_291, %add3A_371 : i32
      %run_scoped3A_373 = arith.constant 0 : i32
      "tpu.region"() ({
        %run_scoped3A_422 = tpu.sem_alloc : memref<!tpu.dma_semaphore, #tpu.memory_space<semaphore_mem>>
        %dma_start3A_423 = tpu.memref_slice %arg3[%run_scoped3A_373, %add3A_372] : memref<2x320000xi32, #tpu.memory_space<hbm>> -> memref<1x1000xi32, #tpu.memory_space<hbm>>
        %dma_start3A_424 = tpu.memref_squeeze %dma_start3A_423 : memref<1x1000xi32, #tpu.memory_space<hbm>> -> memref<1000xi32, #tpu.memory_space<hbm>>
        %dma_start3A_425 = tpu.memref_slice %arg3[%run_scoped3A_373, %add3A_372] : memref<2x320000xi32, #tpu.memory_space<hbm>> -> memref<1x1000xi32, #tpu.memory_space<hbm>>
        %dma_start3A_426 = tpu.memref_squeeze %dma_start3A_425 : memref<1x1000xi32, #tpu.memory_space<hbm>> -> memref<1000xi32, #tpu.memory_space<hbm>>
        tpu.enqueue_dma source(%dma_start3A_426 : memref<1000xi32, #tpu.memory_space<hbm>>) target(%arg8 : memref<1000xi32, #tpu.memory_space<vmem>>) target_semaphore(%run_scoped3A_422 : memref<!tpu.dma_semaphore, #tpu.memory_space<semaphore_mem>>)
        %dma_wait3A_427 = tpu.memref_slice %arg3[%run_scoped3A_373, %add3A_372] : memref<2x320000xi32, #tpu.memory_space<hbm>> -> memref<1x1000xi32, #tpu.memory_space<hbm>>
        %dma_wait3A_428 = tpu.memref_squeeze %dma_wait3A_427 : memref<1x1000xi32, #tpu.memory_space<hbm>> -> memref<1000xi32, #tpu.memory_space<hbm>>
        %dma_wait3A_429 = tpu.memref_slice %arg3[%run_scoped3A_373, %add3A_372] : memref<2x320000xi32, #tpu.memory_space<hbm>> -> memref<1x1000xi32, #tpu.memory_space<hbm>>
        %dma_wait3A_430 = tpu.memref_squeeze %dma_wait3A_429 : memref<1x1000xi32, #tpu.memory_space<hbm>> -> memref<1000xi32, #tpu.memory_space<hbm>>
        tpu.wait_dma2 semaphore(%run_scoped3A_422 : memref<!tpu.dma_semaphore, #tpu.memory_space<semaphore_mem>>) src(%dma_wait3A_430 : memref<1000xi32, #tpu.memory_space<hbm>>) dst(%arg8 : memref<1000xi32, #tpu.memory_space<vmem>>)
        tpu.yield
      }) : () -> ()
      %add3A_374 = arith.constant 6000 : i32
      %add3A_375 = arith.addi %mul3A_291, %add3A_374 : i32
      %run_scoped3A_376 = arith.constant 1 : i32
      "tpu.region"() ({
        %run_scoped3A_422 = tpu.sem_alloc : memref<!tpu.dma_semaphore, #tpu.memory_space<semaphore_mem>>
        %dma_start3A_423 = tpu.memref_slice %arg3[%run_scoped3A_376, %add3A_375] : memref<2x320000xi32, #tpu.memory_space<hbm>> -> memref<1x1000xi32, #tpu.memory_space<hbm>>
        %dma_start3A_424 = tpu.memref_squeeze %dma_start3A_423 : memref<1x1000xi32, #tpu.memory_space<hbm>> -> memref<1000xi32, #tpu.memory_space<hbm>>
        %dma_start3A_425 = tpu.memref_slice %arg3[%run_scoped3A_376, %add3A_375] : memref<2x320000xi32, #tpu.memory_space<hbm>> -> memref<1x1000xi32, #tpu.memory_space<hbm>>
        %dma_start3A_426 = tpu.memref_squeeze %dma_start3A_425 : memref<1x1000xi32, #tpu.memory_space<hbm>> -> memref<1000xi32, #tpu.memory_space<hbm>>
        tpu.enqueue_dma source(%dma_start3A_426 : memref<1000xi32, #tpu.memory_space<hbm>>) target(%arg10 : memref<1000xi32, #tpu.memory_space<vmem>>) target_semaphore(%run_scoped3A_422 : memref<!tpu.dma_semaphore, #tpu.memory_space<semaphore_mem>>)
        %dma_wait3A_427 = tpu.memref_slice %arg3[%run_scoped3A_376, %add3A_375] : memref<2x320000xi32, #tpu.memory_space<hbm>> -> memref<1x1000xi32, #tpu.memory_space<hbm>>
        %dma_wait3A_428 = tpu.memref_squeeze %dma_wait3A_427 : memref<1x1000xi32, #tpu.memory_space<hbm>> -> memref<1000xi32, #tpu.memory_space<hbm>>
        %dma_wait3A_429 = tpu.memref_slice %arg3[%run_scoped3A_376, %add3A_375] : memref<2x320000xi32, #tpu.memory_space<hbm>> -> memref<1x1000xi32, #tpu.memory_space<hbm>>
        %dma_wait3A_430 = tpu.memref_squeeze %dma_wait3A_429 : memref<1x1000xi32, #tpu.memory_space<hbm>> -> memref<1000xi32, #tpu.memory_space<hbm>>
        tpu.wait_dma2 semaphore(%run_scoped3A_422 : memref<!tpu.dma_semaphore, #tpu.memory_space<semaphore_mem>>) src(%dma_wait3A_430 : memref<1000xi32, #tpu.memory_space<hbm>>) dst(%arg10 : memref<1000xi32, #tpu.memory_space<vmem>>)
        tpu.yield
      }) : () -> ()
      %dma_start3A_377 = arith.constant 0 : i32
      %dma_start3A_378 = arith.constant 0 : i32
      %dma_start3A_379 = tpu.memref_slice %arg5[%dma_start3A_377, %dma_start3A_378] : memref<10240x32xf32, #tpu.memory_space<hbm>> -> memref<10240x32xf32, #tpu.memory_space<hbm>>
      tpu.enqueue_indirect_dma source(%dma_start3A_379 : memref<10240x32xf32, #tpu.memory_space<hbm>>) target(%arg13 : memref<1000x32xf32, #tpu.memory_space<vmem>>) offsets(%arg8 : memref<1000xi32, #tpu.memory_space<vmem>>) semaphore(%arg21 : memref<!tpu.dma_semaphore, #tpu.memory_space<semaphore_mem>>)
      %dma_wait3A_380 = arith.constant 0 : i32
      %dma_wait3A_381 = arith.constant 0 : i32
      %dma_wait3A_382 = tpu.memref_slice %arg5[%dma_wait3A_380, %dma_wait3A_381] : memref<10240x32xf32, #tpu.memory_space<hbm>> -> memref<10240x32xf32, #tpu.memory_space<hbm>>
      tpu.wait_indirect_dma semaphore(%arg22 : memref<!tpu.dma_semaphore, #tpu.memory_space<semaphore_mem>>) src(%dma_wait3A_382 : memref<10240x32xf32, #tpu.memory_space<hbm>>) dst(%arg14 : memref<1000x32xf32, #tpu.memory_space<vmem>>)
      "tpu.region"() ({
        %run_scoped3A_422 = tpu.sem_alloc : memref<!tpu.dma_semaphore, #tpu.memory_space<semaphore_mem>>
        %dma_start3A_423 = arith.constant 0 : i32
        %dma_start3A_424 = arith.constant 0 : i32
        %dma_start3A_425 = tpu.memref_slice %arg18[%dma_start3A_423, %dma_start3A_424] : memref<10240x32xf32, #tpu.memory_space<vmem_shared>> -> memref<10240x32xf32, #tpu.memory_space<vmem_shared>>
        tpu.enqueue_indirect_dma source(%arg14 : memref<1000x32xf32, #tpu.memory_space<vmem>>) target(%dma_start3A_425 : memref<10240x32xf32, #tpu.memory_space<vmem_shared>>) offsets(%arg11 : memref<1000xi32, #tpu.memory_space<vmem>>) semaphore(%run_scoped3A_422 : memref<!tpu.dma_semaphore, #tpu.memory_space<semaphore_mem>>) {add = true}
        %dma_wait3A_426 = arith.constant 0 : i32
        %dma_wait3A_427 = arith.constant 0 : i32
        %dma_wait3A_428 = tpu.memref_slice %arg18[%dma_wait3A_426, %dma_wait3A_427] : memref<10240x32xf32, #tpu.memory_space<vmem_shared>> -> memref<10240x32xf32, #tpu.memory_space<vmem_shared>>
        tpu.wait_indirect_dma semaphore(%run_scoped3A_422 : memref<!tpu.dma_semaphore, #tpu.memory_space<semaphore_mem>>) src(%arg14 : memref<1000x32xf32, #tpu.memory_space<vmem>>) dst(%dma_wait3A_428 : memref<10240x32xf32, #tpu.memory_space<vmem_shared>>)
        tpu.yield
      }) : () -> ()
      %add3A_383 = arith.constant 7000 : i32
      %add3A_384 = arith.addi %mul3A_291, %add3A_383 : i32
      %run_scoped3A_385 = arith.constant 0 : i32
      "tpu.region"() ({
        %run_scoped3A_422 = tpu.sem_alloc : memref<!tpu.dma_semaphore, #tpu.memory_space<semaphore_mem>>
        %dma_start3A_423 = tpu.memref_slice %arg3[%run_scoped3A_385, %add3A_384] : memref<2x320000xi32, #tpu.memory_space<hbm>> -> memref<1x1000xi32, #tpu.memory_space<hbm>>
        %dma_start3A_424 = tpu.memref_squeeze %dma_start3A_423 : memref<1x1000xi32, #tpu.memory_space<hbm>> -> memref<1000xi32, #tpu.memory_space<hbm>>
        %dma_start3A_425 = tpu.memref_slice %arg3[%run_scoped3A_385, %add3A_384] : memref<2x320000xi32, #tpu.memory_space<hbm>> -> memref<1x1000xi32, #tpu.memory_space<hbm>>
        %dma_start3A_426 = tpu.memref_squeeze %dma_start3A_425 : memref<1x1000xi32, #tpu.memory_space<hbm>> -> memref<1000xi32, #tpu.memory_space<hbm>>
        tpu.enqueue_dma source(%dma_start3A_426 : memref<1000xi32, #tpu.memory_space<hbm>>) target(%arg9 : memref<1000xi32, #tpu.memory_space<vmem>>) target_semaphore(%run_scoped3A_422 : memref<!tpu.dma_semaphore, #tpu.memory_space<semaphore_mem>>)
        %dma_wait3A_427 = tpu.memref_slice %arg3[%run_scoped3A_385, %add3A_384] : memref<2x320000xi32, #tpu.memory_space<hbm>> -> memref<1x1000xi32, #tpu.memory_space<hbm>>
        %dma_wait3A_428 = tpu.memref_squeeze %dma_wait3A_427 : memref<1x1000xi32, #tpu.memory_space<hbm>> -> memref<1000xi32, #tpu.memory_space<hbm>>
        %dma_wait3A_429 = tpu.memref_slice %arg3[%run_scoped3A_385, %add3A_384] : memref<2x320000xi32, #tpu.memory_space<hbm>> -> memref<1x1000xi32, #tpu.memory_space<hbm>>
        %dma_wait3A_430 = tpu.memref_squeeze %dma_wait3A_429 : memref<1x1000xi32, #tpu.memory_space<hbm>> -> memref<1000xi32, #tpu.memory_space<hbm>>
        tpu.wait_dma2 semaphore(%run_scoped3A_422 : memref<!tpu.dma_semaphore, #tpu.memory_space<semaphore_mem>>) src(%dma_wait3A_430 : memref<1000xi32, #tpu.memory_space<hbm>>) dst(%arg9 : memref<1000xi32, #tpu.memory_space<vmem>>)
        tpu.yield
      }) : () -> ()
      %add3A_386 = arith.constant 7000 : i32
      %add3A_387 = arith.addi %mul3A_291, %add3A_386 : i32
      %run_scoped3A_388 = arith.constant 1 : i32
      "tpu.region"() ({
        %run_scoped3A_422 = tpu.sem_alloc : memref<!tpu.dma_semaphore, #tpu.memory_space<semaphore_mem>>
        %dma_start3A_423 = tpu.memref_slice %arg3[%run_scoped3A_388, %add3A_387] : memref<2x320000xi32, #tpu.memory_space<hbm>> -> memref<1x1000xi32, #tpu.memory_space<hbm>>
        %dma_start3A_424 = tpu.memref_squeeze %dma_start3A_423 : memref<1x1000xi32, #tpu.memory_space<hbm>> -> memref<1000xi32, #tpu.memory_space<hbm>>
        %dma_start3A_425 = tpu.memref_slice %arg3[%run_scoped3A_388, %add3A_387] : memref<2x320000xi32, #tpu.memory_space<hbm>> -> memref<1x1000xi32, #tpu.memory_space<hbm>>
        %dma_start3A_426 = tpu.memref_squeeze %dma_start3A_425 : memref<1x1000xi32, #tpu.memory_space<hbm>> -> memref<1000xi32, #tpu.memory_space<hbm>>
        tpu.enqueue_dma source(%dma_start3A_426 : memref<1000xi32, #tpu.memory_space<hbm>>) target(%arg11 : memref<1000xi32, #tpu.memory_space<vmem>>) target_semaphore(%run_scoped3A_422 : memref<!tpu.dma_semaphore, #tpu.memory_space<semaphore_mem>>)
        %dma_wait3A_427 = tpu.memref_slice %arg3[%run_scoped3A_388, %add3A_387] : memref<2x320000xi32, #tpu.memory_space<hbm>> -> memref<1x1000xi32, #tpu.memory_space<hbm>>
        %dma_wait3A_428 = tpu.memref_squeeze %dma_wait3A_427 : memref<1x1000xi32, #tpu.memory_space<hbm>> -> memref<1000xi32, #tpu.memory_space<hbm>>
        %dma_wait3A_429 = tpu.memref_slice %arg3[%run_scoped3A_388, %add3A_387] : memref<2x320000xi32, #tpu.memory_space<hbm>> -> memref<1x1000xi32, #tpu.memory_space<hbm>>
        %dma_wait3A_430 = tpu.memref_squeeze %dma_wait3A_429 : memref<1x1000xi32, #tpu.memory_space<hbm>> -> memref<1000xi32, #tpu.memory_space<hbm>>
        tpu.wait_dma2 semaphore(%run_scoped3A_422 : memref<!tpu.dma_semaphore, #tpu.memory_space<semaphore_mem>>) src(%dma_wait3A_430 : memref<1000xi32, #tpu.memory_space<hbm>>) dst(%arg11 : memref<1000xi32, #tpu.memory_space<vmem>>)
        tpu.yield
      }) : () -> ()
      %dma_start3A_389 = arith.constant 0 : i32
      %dma_start3A_390 = arith.constant 0 : i32
      %dma_start3A_391 = tpu.memref_slice %arg5[%dma_start3A_389, %dma_start3A_390] : memref<10240x32xf32, #tpu.memory_space<hbm>> -> memref<10240x32xf32, #tpu.memory_space<hbm>>
      tpu.enqueue_indirect_dma source(%dma_start3A_391 : memref<10240x32xf32, #tpu.memory_space<hbm>>) target(%arg14 : memref<1000x32xf32, #tpu.memory_space<vmem>>) offsets(%arg9 : memref<1000xi32, #tpu.memory_space<vmem>>) semaphore(%arg22 : memref<!tpu.dma_semaphore, #tpu.memory_space<semaphore_mem>>)
      %dma_wait3A_392 = arith.constant 0 : i32
      %dma_wait3A_393 = arith.constant 0 : i32
      %dma_wait3A_394 = tpu.memref_slice %arg5[%dma_wait3A_392, %dma_wait3A_393] : memref<10240x32xf32, #tpu.memory_space<hbm>> -> memref<10240x32xf32, #tpu.memory_space<hbm>>
      tpu.wait_indirect_dma semaphore(%arg21 : memref<!tpu.dma_semaphore, #tpu.memory_space<semaphore_mem>>) src(%dma_wait3A_394 : memref<10240x32xf32, #tpu.memory_space<hbm>>) dst(%arg13 : memref<1000x32xf32, #tpu.memory_space<vmem>>)
      "tpu.region"() ({
        %run_scoped3A_422 = tpu.sem_alloc : memref<!tpu.dma_semaphore, #tpu.memory_space<semaphore_mem>>
        %dma_start3A_423 = arith.constant 0 : i32
        %dma_start3A_424 = arith.constant 0 : i32
        %dma_start3A_425 = tpu.memref_slice %arg18[%dma_start3A_423, %dma_start3A_424] : memref<10240x32xf32, #tpu.memory_space<vmem_shared>> -> memref<10240x32xf32, #tpu.memory_space<vmem_shared>>
        tpu.enqueue_indirect_dma source(%arg13 : memref<1000x32xf32, #tpu.memory_space<vmem>>) target(%dma_start3A_425 : memref<10240x32xf32, #tpu.memory_space<vmem_shared>>) offsets(%arg10 : memref<1000xi32, #tpu.memory_space<vmem>>) semaphore(%run_scoped3A_422 : memref<!tpu.dma_semaphore, #tpu.memory_space<semaphore_mem>>) {add = true}
        %dma_wait3A_426 = arith.constant 0 : i32
        %dma_wait3A_427 = arith.constant 0 : i32
        %dma_wait3A_428 = tpu.memref_slice %arg18[%dma_wait3A_426, %dma_wait3A_427] : memref<10240x32xf32, #tpu.memory_space<vmem_shared>> -> memref<10240x32xf32, #tpu.memory_space<vmem_shared>>
        tpu.wait_indirect_dma semaphore(%run_scoped3A_422 : memref<!tpu.dma_semaphore, #tpu.memory_space<semaphore_mem>>) src(%arg13 : memref<1000x32xf32, #tpu.memory_space<vmem>>) dst(%dma_wait3A_428 : memref<10240x32xf32, #tpu.memory_space<vmem_shared>>)
        tpu.yield
      }) : () -> ()
      %add3A_395 = arith.constant 8000 : i32
      %add3A_396 = arith.addi %mul3A_291, %add3A_395 : i32
      %run_scoped3A_397 = arith.constant 0 : i32
      "tpu.region"() ({
        %run_scoped3A_422 = tpu.sem_alloc : memref<!tpu.dma_semaphore, #tpu.memory_space<semaphore_mem>>
        %dma_start3A_423 = tpu.memref_slice %arg3[%run_scoped3A_397, %add3A_396] : memref<2x320000xi32, #tpu.memory_space<hbm>> -> memref<1x1000xi32, #tpu.memory_space<hbm>>
        %dma_start3A_424 = tpu.memref_squeeze %dma_start3A_423 : memref<1x1000xi32, #tpu.memory_space<hbm>> -> memref<1000xi32, #tpu.memory_space<hbm>>
        %dma_start3A_425 = tpu.memref_slice %arg3[%run_scoped3A_397, %add3A_396] : memref<2x320000xi32, #tpu.memory_space<hbm>> -> memref<1x1000xi32, #tpu.memory_space<hbm>>
        %dma_start3A_426 = tpu.memref_squeeze %dma_start3A_425 : memref<1x1000xi32, #tpu.memory_space<hbm>> -> memref<1000xi32, #tpu.memory_space<hbm>>
        tpu.enqueue_dma source(%dma_start3A_426 : memref<1000xi32, #tpu.memory_space<hbm>>) target(%arg8 : memref<1000xi32, #tpu.memory_space<vmem>>) target_semaphore(%run_scoped3A_422 : memref<!tpu.dma_semaphore, #tpu.memory_space<semaphore_mem>>)
        %dma_wait3A_427 = tpu.memref_slice %arg3[%run_scoped3A_397, %add3A_396] : memref<2x320000xi32, #tpu.memory_space<hbm>> -> memref<1x1000xi32, #tpu.memory_space<hbm>>
        %dma_wait3A_428 = tpu.memref_squeeze %dma_wait3A_427 : memref<1x1000xi32, #tpu.memory_space<hbm>> -> memref<1000xi32, #tpu.memory_space<hbm>>
        %dma_wait3A_429 = tpu.memref_slice %arg3[%run_scoped3A_397, %add3A_396] : memref<2x320000xi32, #tpu.memory_space<hbm>> -> memref<1x1000xi32, #tpu.memory_space<hbm>>
        %dma_wait3A_430 = tpu.memref_squeeze %dma_wait3A_429 : memref<1x1000xi32, #tpu.memory_space<hbm>> -> memref<1000xi32, #tpu.memory_space<hbm>>
        tpu.wait_dma2 semaphore(%run_scoped3A_422 : memref<!tpu.dma_semaphore, #tpu.memory_space<semaphore_mem>>) src(%dma_wait3A_430 : memref<1000xi32, #tpu.memory_space<hbm>>) dst(%arg8 : memref<1000xi32, #tpu.memory_space<vmem>>)
        tpu.yield
      }) : () -> ()
      %add3A_398 = arith.constant 8000 : i32
      %add3A_399 = arith.addi %mul3A_291, %add3A_398 : i32
      %run_scoped3A_400 = arith.constant 1 : i32
      "tpu.region"() ({
        %run_scoped3A_422 = tpu.sem_alloc : memref<!tpu.dma_semaphore, #tpu.memory_space<semaphore_mem>>
        %dma_start3A_423 = tpu.memref_slice %arg3[%run_scoped3A_400, %add3A_399] : memref<2x320000xi32, #tpu.memory_space<hbm>> -> memref<1x1000xi32, #tpu.memory_space<hbm>>
        %dma_start3A_424 = tpu.memref_squeeze %dma_start3A_423 : memref<1x1000xi32, #tpu.memory_space<hbm>> -> memref<1000xi32, #tpu.memory_space<hbm>>
        %dma_start3A_425 = tpu.memref_slice %arg3[%run_scoped3A_400, %add3A_399] : memref<2x320000xi32, #tpu.memory_space<hbm>> -> memref<1x1000xi32, #tpu.memory_space<hbm>>
        %dma_start3A_426 = tpu.memref_squeeze %dma_start3A_425 : memref<1x1000xi32, #tpu.memory_space<hbm>> -> memref<1000xi32, #tpu.memory_space<hbm>>
        tpu.enqueue_dma source(%dma_start3A_426 : memref<1000xi32, #tpu.memory_space<hbm>>) target(%arg10 : memref<1000xi32, #tpu.memory_space<vmem>>) target_semaphore(%run_scoped3A_422 : memref<!tpu.dma_semaphore, #tpu.memory_space<semaphore_mem>>)
        %dma_wait3A_427 = tpu.memref_slice %arg3[%run_scoped3A_400, %add3A_399] : memref<2x320000xi32, #tpu.memory_space<hbm>> -> memref<1x1000xi32, #tpu.memory_space<hbm>>
        %dma_wait3A_428 = tpu.memref_squeeze %dma_wait3A_427 : memref<1x1000xi32, #tpu.memory_space<hbm>> -> memref<1000xi32, #tpu.memory_space<hbm>>
        %dma_wait3A_429 = tpu.memref_slice %arg3[%run_scoped3A_400, %add3A_399] : memref<2x320000xi32, #tpu.memory_space<hbm>> -> memref<1x1000xi32, #tpu.memory_space<hbm>>
        %dma_wait3A_430 = tpu.memref_squeeze %dma_wait3A_429 : memref<1x1000xi32, #tpu.memory_space<hbm>> -> memref<1000xi32, #tpu.memory_space<hbm>>
        tpu.wait_dma2 semaphore(%run_scoped3A_422 : memref<!tpu.dma_semaphore, #tpu.memory_space<semaphore_mem>>) src(%dma_wait3A_430 : memref<1000xi32, #tpu.memory_space<hbm>>) dst(%arg10 : memref<1000xi32, #tpu.memory_space<vmem>>)
        tpu.yield
      }) : () -> ()
      %dma_start3A_401 = arith.constant 0 : i32
      %dma_start3A_402 = arith.constant 0 : i32
      %dma_start3A_403 = tpu.memref_slice %arg5[%dma_start3A_401, %dma_start3A_402] : memref<10240x32xf32, #tpu.memory_space<hbm>> -> memref<10240x32xf32, #tpu.memory_space<hbm>>
      tpu.enqueue_indirect_dma source(%dma_start3A_403 : memref<10240x32xf32, #tpu.memory_space<hbm>>) target(%arg13 : memref<1000x32xf32, #tpu.memory_space<vmem>>) offsets(%arg8 : memref<1000xi32, #tpu.memory_space<vmem>>) semaphore(%arg21 : memref<!tpu.dma_semaphore, #tpu.memory_space<semaphore_mem>>)
      %dma_wait3A_404 = arith.constant 0 : i32
      %dma_wait3A_405 = arith.constant 0 : i32
      %dma_wait3A_406 = tpu.memref_slice %arg5[%dma_wait3A_404, %dma_wait3A_405] : memref<10240x32xf32, #tpu.memory_space<hbm>> -> memref<10240x32xf32, #tpu.memory_space<hbm>>
      tpu.wait_indirect_dma semaphore(%arg22 : memref<!tpu.dma_semaphore, #tpu.memory_space<semaphore_mem>>) src(%dma_wait3A_406 : memref<10240x32xf32, #tpu.memory_space<hbm>>) dst(%arg14 : memref<1000x32xf32, #tpu.memory_space<vmem>>)
      "tpu.region"() ({
        %run_scoped3A_422 = tpu.sem_alloc : memref<!tpu.dma_semaphore, #tpu.memory_space<semaphore_mem>>
        %dma_start3A_423 = arith.constant 0 : i32
        %dma_start3A_424 = arith.constant 0 : i32
        %dma_start3A_425 = tpu.memref_slice %arg18[%dma_start3A_423, %dma_start3A_424] : memref<10240x32xf32, #tpu.memory_space<vmem_shared>> -> memref<10240x32xf32, #tpu.memory_space<vmem_shared>>
        tpu.enqueue_indirect_dma source(%arg14 : memref<1000x32xf32, #tpu.memory_space<vmem>>) target(%dma_start3A_425 : memref<10240x32xf32, #tpu.memory_space<vmem_shared>>) offsets(%arg11 : memref<1000xi32, #tpu.memory_space<vmem>>) semaphore(%run_scoped3A_422 : memref<!tpu.dma_semaphore, #tpu.memory_space<semaphore_mem>>) {add = true}
        %dma_wait3A_426 = arith.constant 0 : i32
        %dma_wait3A_427 = arith.constant 0 : i32
        %dma_wait3A_428 = tpu.memref_slice %arg18[%dma_wait3A_426, %dma_wait3A_427] : memref<10240x32xf32, #tpu.memory_space<vmem_shared>> -> memref<10240x32xf32, #tpu.memory_space<vmem_shared>>
        tpu.wait_indirect_dma semaphore(%run_scoped3A_422 : memref<!tpu.dma_semaphore, #tpu.memory_space<semaphore_mem>>) src(%arg14 : memref<1000x32xf32, #tpu.memory_space<vmem>>) dst(%dma_wait3A_428 : memref<10240x32xf32, #tpu.memory_space<vmem_shared>>)
        tpu.yield
      }) : () -> ()
      %add3A_407 = arith.constant 9000 : i32
      %add3A_408 = arith.addi %mul3A_291, %add3A_407 : i32
      %run_scoped3A_409 = arith.constant 0 : i32
      "tpu.region"() ({
        %run_scoped3A_422 = tpu.sem_alloc : memref<!tpu.dma_semaphore, #tpu.memory_space<semaphore_mem>>
        %dma_start3A_423 = tpu.memref_slice %arg3[%run_scoped3A_409, %add3A_408] : memref<2x320000xi32, #tpu.memory_space<hbm>> -> memref<1x1000xi32, #tpu.memory_space<hbm>>
        %dma_start3A_424 = tpu.memref_squeeze %dma_start3A_423 : memref<1x1000xi32, #tpu.memory_space<hbm>> -> memref<1000xi32, #tpu.memory_space<hbm>>
        %dma_start3A_425 = tpu.memref_slice %arg3[%run_scoped3A_409, %add3A_408] : memref<2x320000xi32, #tpu.memory_space<hbm>> -> memref<1x1000xi32, #tpu.memory_space<hbm>>
        %dma_start3A_426 = tpu.memref_squeeze %dma_start3A_425 : memref<1x1000xi32, #tpu.memory_space<hbm>> -> memref<1000xi32, #tpu.memory_space<hbm>>
        tpu.enqueue_dma source(%dma_start3A_426 : memref<1000xi32, #tpu.memory_space<hbm>>) target(%arg9 : memref<1000xi32, #tpu.memory_space<vmem>>) target_semaphore(%run_scoped3A_422 : memref<!tpu.dma_semaphore, #tpu.memory_space<semaphore_mem>>)
        %dma_wait3A_427 = tpu.memref_slice %arg3[%run_scoped3A_409, %add3A_408] : memref<2x320000xi32, #tpu.memory_space<hbm>> -> memref<1x1000xi32, #tpu.memory_space<hbm>>
        %dma_wait3A_428 = tpu.memref_squeeze %dma_wait3A_427 : memref<1x1000xi32, #tpu.memory_space<hbm>> -> memref<1000xi32, #tpu.memory_space<hbm>>
        %dma_wait3A_429 = tpu.memref_slice %arg3[%run_scoped3A_409, %add3A_408] : memref<2x320000xi32, #tpu.memory_space<hbm>> -> memref<1x1000xi32, #tpu.memory_space<hbm>>
        %dma_wait3A_430 = tpu.memref_squeeze %dma_wait3A_429 : memref<1x1000xi32, #tpu.memory_space<hbm>> -> memref<1000xi32, #tpu.memory_space<hbm>>
        tpu.wait_dma2 semaphore(%run_scoped3A_422 : memref<!tpu.dma_semaphore, #tpu.memory_space<semaphore_mem>>) src(%dma_wait3A_430 : memref<1000xi32, #tpu.memory_space<hbm>>) dst(%arg9 : memref<1000xi32, #tpu.memory_space<vmem>>)
        tpu.yield
      }) : () -> ()
      %add3A_410 = arith.constant 9000 : i32
      %add3A_411 = arith.addi %mul3A_291, %add3A_410 : i32
      %run_scoped3A_412 = arith.constant 1 : i32
      "tpu.region"() ({
        %run_scoped3A_422 = tpu.sem_alloc : memref<!tpu.dma_semaphore, #tpu.memory_space<semaphore_mem>>
        %dma_start3A_423 = tpu.memref_slice %arg3[%run_scoped3A_412, %add3A_411] : memref<2x320000xi32, #tpu.memory_space<hbm>> -> memref<1x1000xi32, #tpu.memory_space<hbm>>
        %dma_start3A_424 = tpu.memref_squeeze %dma_start3A_423 : memref<1x1000xi32, #tpu.memory_space<hbm>> -> memref<1000xi32, #tpu.memory_space<hbm>>
        %dma_start3A_425 = tpu.memref_slice %arg3[%run_scoped3A_412, %add3A_411] : memref<2x320000xi32, #tpu.memory_space<hbm>> -> memref<1x1000xi32, #tpu.memory_space<hbm>>
        %dma_start3A_426 = tpu.memref_squeeze %dma_start3A_425 : memref<1x1000xi32, #tpu.memory_space<hbm>> -> memref<1000xi32, #tpu.memory_space<hbm>>
        tpu.enqueue_dma source(%dma_start3A_426 : memref<1000xi32, #tpu.memory_space<hbm>>) target(%arg11 : memref<1000xi32, #tpu.memory_space<vmem>>) target_semaphore(%run_scoped3A_422 : memref<!tpu.dma_semaphore, #tpu.memory_space<semaphore_mem>>)
        %dma_wait3A_427 = tpu.memref_slice %arg3[%run_scoped3A_412, %add3A_411] : memref<2x320000xi32, #tpu.memory_space<hbm>> -> memref<1x1000xi32, #tpu.memory_space<hbm>>
        %dma_wait3A_428 = tpu.memref_squeeze %dma_wait3A_427 : memref<1x1000xi32, #tpu.memory_space<hbm>> -> memref<1000xi32, #tpu.memory_space<hbm>>
        %dma_wait3A_429 = tpu.memref_slice %arg3[%run_scoped3A_412, %add3A_411] : memref<2x320000xi32, #tpu.memory_space<hbm>> -> memref<1x1000xi32, #tpu.memory_space<hbm>>
        %dma_wait3A_430 = tpu.memref_squeeze %dma_wait3A_429 : memref<1x1000xi32, #tpu.memory_space<hbm>> -> memref<1000xi32, #tpu.memory_space<hbm>>
        tpu.wait_dma2 semaphore(%run_scoped3A_422 : memref<!tpu.dma_semaphore, #tpu.memory_space<semaphore_mem>>) src(%dma_wait3A_430 : memref<1000xi32, #tpu.memory_space<hbm>>) dst(%arg11 : memref<1000xi32, #tpu.memory_space<vmem>>)
        tpu.yield
      }) : () -> ()
      %dma_start3A_413 = arith.constant 0 : i32
      %dma_start3A_414 = arith.constant 0 : i32
      %dma_start3A_415 = tpu.memref_slice %arg5[%dma_start3A_413, %dma_start3A_414] : memref<10240x32xf32, #tpu.memory_space<hbm>> -> memref<10240x32xf32, #tpu.memory_space<hbm>>
      tpu.enqueue_indirect_dma source(%dma_start3A_415 : memref<10240x32xf32, #tpu.memory_space<hbm>>) target(%arg14 : memref<1000x32xf32, #tpu.memory_space<vmem>>) offsets(%arg9 : memref<1000xi32, #tpu.memory_space<vmem>>) semaphore(%arg22 : memref<!tpu.dma_semaphore, #tpu.memory_space<semaphore_mem>>)
      %dma_wait3A_416 = arith.constant 0 : i32
      %dma_wait3A_417 = arith.constant 0 : i32
      %dma_wait3A_418 = tpu.memref_slice %arg5[%dma_wait3A_416, %dma_wait3A_417] : memref<10240x32xf32, #tpu.memory_space<hbm>> -> memref<10240x32xf32, #tpu.memory_space<hbm>>
      tpu.wait_indirect_dma semaphore(%arg21 : memref<!tpu.dma_semaphore, #tpu.memory_space<semaphore_mem>>) src(%dma_wait3A_418 : memref<10240x32xf32, #tpu.memory_space<hbm>>) dst(%arg13 : memref<1000x32xf32, #tpu.memory_space<vmem>>)
      "tpu.region"() ({
        %run_scoped3A_422 = tpu.sem_alloc : memref<!tpu.dma_semaphore, #tpu.memory_space<semaphore_mem>>
        %dma_start3A_423 = arith.constant 0 : i32
        %dma_start3A_424 = arith.constant 0 : i32
        %dma_start3A_425 = tpu.memref_slice %arg18[%dma_start3A_423, %dma_start3A_424] : memref<10240x32xf32, #tpu.memory_space<vmem_shared>> -> memref<10240x32xf32, #tpu.memory_space<vmem_shared>>
        tpu.enqueue_indirect_dma source(%arg13 : memref<1000x32xf32, #tpu.memory_space<vmem>>) target(%dma_start3A_425 : memref<10240x32xf32, #tpu.memory_space<vmem_shared>>) offsets(%arg10 : memref<1000xi32, #tpu.memory_space<vmem>>) semaphore(%run_scoped3A_422 : memref<!tpu.dma_semaphore, #tpu.memory_space<semaphore_mem>>) {add = true}
        %dma_wait3A_426 = arith.constant 0 : i32
        %dma_wait3A_427 = arith.constant 0 : i32
        %dma_wait3A_428 = tpu.memref_slice %arg18[%dma_wait3A_426, %dma_wait3A_427] : memref<10240x32xf32, #tpu.memory_space<vmem_shared>> -> memref<10240x32xf32, #tpu.memory_space<vmem_shared>>
        tpu.wait_indirect_dma semaphore(%run_scoped3A_422 : memref<!tpu.dma_semaphore, #tpu.memory_space<semaphore_mem>>) src(%arg13 : memref<1000x32xf32, #tpu.memory_space<vmem>>) dst(%dma_wait3A_428 : memref<10240x32xf32, #tpu.memory_space<vmem_shared>>)
        tpu.yield
      }) : () -> ()
      %dma_wait3A_419 = arith.constant 0 : i32
      %dma_wait3A_420 = arith.constant 0 : i32
      %dma_wait3A_421 = tpu.memref_slice %arg5[%dma_wait3A_419, %dma_wait3A_420] : memref<10240x32xf32, #tpu.memory_space<hbm>> -> memref<10240x32xf32, #tpu.memory_space<hbm>>
      tpu.wait_indirect_dma semaphore(%arg22 : memref<!tpu.dma_semaphore, #tpu.memory_space<semaphore_mem>>) src(%dma_wait3A_421 : memref<10240x32xf32, #tpu.memory_space<hbm>>) dst(%arg14 : memref<1000x32xf32, #tpu.memory_space<vmem>>)
      "tpu.region"() ({
        %run_scoped3A_422 = tpu.sem_alloc : memref<!tpu.dma_semaphore, #tpu.memory_space<semaphore_mem>>
        %dma_start3A_423 = arith.constant 0 : i32
        %dma_start3A_424 = arith.constant 0 : i32
        %dma_start3A_425 = tpu.memref_slice %arg18[%dma_start3A_423, %dma_start3A_424] : memref<10240x32xf32, #tpu.memory_space<vmem_shared>> -> memref<10240x32xf32, #tpu.memory_space<vmem_shared>>
        tpu.enqueue_indirect_dma source(%arg14 : memref<1000x32xf32, #tpu.memory_space<vmem>>) target(%dma_start3A_425 : memref<10240x32xf32, #tpu.memory_space<vmem_shared>>) offsets(%arg11 : memref<1000xi32, #tpu.memory_space<vmem>>) semaphore(%run_scoped3A_422 : memref<!tpu.dma_semaphore, #tpu.memory_space<semaphore_mem>>) {add = true}
        %dma_wait3A_426 = arith.constant 0 : i32
        %dma_wait3A_427 = arith.constant 0 : i32
        %dma_wait3A_428 = tpu.memref_slice %arg18[%dma_wait3A_426, %dma_wait3A_427] : memref<10240x32xf32, #tpu.memory_space<vmem_shared>> -> memref<10240x32xf32, #tpu.memory_space<vmem_shared>>
        tpu.wait_indirect_dma semaphore(%run_scoped3A_422 : memref<!tpu.dma_semaphore, #tpu.memory_space<semaphore_mem>>) src(%arg14 : memref<1000x32xf32, #tpu.memory_space<vmem>>) dst(%dma_wait3A_428 : memref<10240x32xf32, #tpu.memory_space<vmem_shared>>)
        tpu.yield
      }) : () -> ()
    } else {
    }
    %eq3A_297 = arith.constant 1 : i32
    %eq3A_298 = arith.cmpi eq, %arg0, %eq3A_297 : i32
    %convert_element_type3A_299 = arith.extui %eq3A_298 : i1 to i32
    %cond3A_300 = arith.constant 0 : i32
    %cond3A_301 = arith.cmpi ne, %convert_element_type3A_299, %cond3A_300 : i32
    scf.if %cond3A_301 {
      %run_scoped3A = arith.constant 0 : i32
      "tpu.region"() ({
        %run_scoped3A_422 = tpu.sem_alloc : memref<!tpu.dma_semaphore, #tpu.memory_space<semaphore_mem>>
        %dma_start3A_423 = tpu.memref_slice %arg3[%run_scoped3A, %mul3A_291] : memref<2x320000xi32, #tpu.memory_space<hbm>> -> memref<1x1000xi32, #tpu.memory_space<hbm>>
        %dma_start3A_424 = tpu.memref_squeeze %dma_start3A_423 : memref<1x1000xi32, #tpu.memory_space<hbm>> -> memref<1000xi32, #tpu.memory_space<hbm>>
        %dma_start3A_425 = tpu.memref_slice %arg3[%run_scoped3A, %mul3A_291] : memref<2x320000xi32, #tpu.memory_space<hbm>> -> memref<1x1000xi32, #tpu.memory_space<hbm>>
        %dma_start3A_426 = tpu.memref_squeeze %dma_start3A_425 : memref<1x1000xi32, #tpu.memory_space<hbm>> -> memref<1000xi32, #tpu.memory_space<hbm>>
        tpu.enqueue_dma source(%dma_start3A_426 : memref<1000xi32, #tpu.memory_space<hbm>>) target(%arg8 : memref<1000xi32, #tpu.memory_space<vmem>>) target_semaphore(%run_scoped3A_422 : memref<!tpu.dma_semaphore, #tpu.memory_space<semaphore_mem>>)
        %dma_wait3A_427 = tpu.memref_slice %arg3[%run_scoped3A, %mul3A_291] : memref<2x320000xi32, #tpu.memory_space<hbm>> -> memref<1x1000xi32, #tpu.memory_space<hbm>>
        %dma_wait3A_428 = tpu.memref_squeeze %dma_wait3A_427 : memref<1x1000xi32, #tpu.memory_space<hbm>> -> memref<1000xi32, #tpu.memory_space<hbm>>
        %dma_wait3A_429 = tpu.memref_slice %arg3[%run_scoped3A, %mul3A_291] : memref<2x320000xi32, #tpu.memory_space<hbm>> -> memref<1x1000xi32, #tpu.memory_space<hbm>>
        %dma_wait3A_430 = tpu.memref_squeeze %dma_wait3A_429 : memref<1x1000xi32, #tpu.memory_space<hbm>> -> memref<1000xi32, #tpu.memory_space<hbm>>
        tpu.wait_dma2 semaphore(%run_scoped3A_422 : memref<!tpu.dma_semaphore, #tpu.memory_space<semaphore_mem>>) src(%dma_wait3A_430 : memref<1000xi32, #tpu.memory_space<hbm>>) dst(%arg8 : memref<1000xi32, #tpu.memory_space<vmem>>)
        tpu.yield
      }) : () -> ()
      %run_scoped3A_307 = arith.constant 1 : i32
      "tpu.region"() ({
        %run_scoped3A_422 = tpu.sem_alloc : memref<!tpu.dma_semaphore, #tpu.memory_space<semaphore_mem>>
        %dma_start3A_423 = tpu.memref_slice %arg3[%run_scoped3A_307, %mul3A_291] : memref<2x320000xi32, #tpu.memory_space<hbm>> -> memref<1x1000xi32, #tpu.memory_space<hbm>>
        %dma_start3A_424 = tpu.memref_squeeze %dma_start3A_423 : memref<1x1000xi32, #tpu.memory_space<hbm>> -> memref<1000xi32, #tpu.memory_space<hbm>>
        %dma_start3A_425 = tpu.memref_slice %arg3[%run_scoped3A_307, %mul3A_291] : memref<2x320000xi32, #tpu.memory_space<hbm>> -> memref<1x1000xi32, #tpu.memory_space<hbm>>
        %dma_start3A_426 = tpu.memref_squeeze %dma_start3A_425 : memref<1x1000xi32, #tpu.memory_space<hbm>> -> memref<1000xi32, #tpu.memory_space<hbm>>
        tpu.enqueue_dma source(%dma_start3A_426 : memref<1000xi32, #tpu.memory_space<hbm>>) target(%arg10 : memref<1000xi32, #tpu.memory_space<vmem>>) target_semaphore(%run_scoped3A_422 : memref<!tpu.dma_semaphore, #tpu.memory_space<semaphore_mem>>)
        %dma_wait3A_427 = tpu.memref_slice %arg3[%run_scoped3A_307, %mul3A_291] : memref<2x320000xi32, #tpu.memory_space<hbm>> -> memref<1x1000xi32, #tpu.memory_space<hbm>>
        %dma_wait3A_428 = tpu.memref_squeeze %dma_wait3A_427 : memref<1x1000xi32, #tpu.memory_space<hbm>> -> memref<1000xi32, #tpu.memory_space<hbm>>
        %dma_wait3A_429 = tpu.memref_slice %arg3[%run_scoped3A_307, %mul3A_291] : memref<2x320000xi32, #tpu.memory_space<hbm>> -> memref<1x1000xi32, #tpu.memory_space<hbm>>
        %dma_wait3A_430 = tpu.memref_squeeze %dma_wait3A_429 : memref<1x1000xi32, #tpu.memory_space<hbm>> -> memref<1000xi32, #tpu.memory_space<hbm>>
        tpu.wait_dma2 semaphore(%run_scoped3A_422 : memref<!tpu.dma_semaphore, #tpu.memory_space<semaphore_mem>>) src(%dma_wait3A_430 : memref<1000xi32, #tpu.memory_space<hbm>>) dst(%arg10 : memref<1000xi32, #tpu.memory_space<vmem>>)
        tpu.yield
      }) : () -> ()
      %dma_start3A_308 = arith.constant 0 : i32
      %dma_start3A_309 = arith.constant 0 : i32
      %dma_start3A_310 = tpu.memref_slice %arg6[%dma_start3A_308, %dma_start3A_309] : memref<10240x32xf32, #tpu.memory_space<hbm>> -> memref<10240x32xf32, #tpu.memory_space<hbm>>
      tpu.enqueue_indirect_dma source(%dma_start3A_310 : memref<10240x32xf32, #tpu.memory_space<hbm>>) target(%arg13 : memref<1000x32xf32, #tpu.memory_space<vmem>>) offsets(%arg8 : memref<1000xi32, #tpu.memory_space<vmem>>) semaphore(%arg21 : memref<!tpu.dma_semaphore, #tpu.memory_space<semaphore_mem>>)
      %add3A_311 = arith.constant 1000 : i32
      %add3A_312 = arith.addi %mul3A_291, %add3A_311 : i32
      %run_scoped3A_313 = arith.constant 0 : i32
      "tpu.region"() ({
        %run_scoped3A_422 = tpu.sem_alloc : memref<!tpu.dma_semaphore, #tpu.memory_space<semaphore_mem>>
        %dma_start3A_423 = tpu.memref_slice %arg3[%run_scoped3A_313, %add3A_312] : memref<2x320000xi32, #tpu.memory_space<hbm>> -> memref<1x1000xi32, #tpu.memory_space<hbm>>
        %dma_start3A_424 = tpu.memref_squeeze %dma_start3A_423 : memref<1x1000xi32, #tpu.memory_space<hbm>> -> memref<1000xi32, #tpu.memory_space<hbm>>
        %dma_start3A_425 = tpu.memref_slice %arg3[%run_scoped3A_313, %add3A_312] : memref<2x320000xi32, #tpu.memory_space<hbm>> -> memref<1x1000xi32, #tpu.memory_space<hbm>>
        %dma_start3A_426 = tpu.memref_squeeze %dma_start3A_425 : memref<1x1000xi32, #tpu.memory_space<hbm>> -> memref<1000xi32, #tpu.memory_space<hbm>>
        tpu.enqueue_dma source(%dma_start3A_426 : memref<1000xi32, #tpu.memory_space<hbm>>) target(%arg9 : memref<1000xi32, #tpu.memory_space<vmem>>) target_semaphore(%run_scoped3A_422 : memref<!tpu.dma_semaphore, #tpu.memory_space<semaphore_mem>>)
        %dma_wait3A_427 = tpu.memref_slice %arg3[%run_scoped3A_313, %add3A_312] : memref<2x320000xi32, #tpu.memory_space<hbm>> -> memref<1x1000xi32, #tpu.memory_space<hbm>>
        %dma_wait3A_428 = tpu.memref_squeeze %dma_wait3A_427 : memref<1x1000xi32, #tpu.memory_space<hbm>> -> memref<1000xi32, #tpu.memory_space<hbm>>
        %dma_wait3A_429 = tpu.memref_slice %arg3[%run_scoped3A_313, %add3A_312] : memref<2x320000xi32, #tpu.memory_space<hbm>> -> memref<1x1000xi32, #tpu.memory_space<hbm>>
        %dma_wait3A_430 = tpu.memref_squeeze %dma_wait3A_429 : memref<1x1000xi32, #tpu.memory_space<hbm>> -> memref<1000xi32, #tpu.memory_space<hbm>>
        tpu.wait_dma2 semaphore(%run_scoped3A_422 : memref<!tpu.dma_semaphore, #tpu.memory_space<semaphore_mem>>) src(%dma_wait3A_430 : memref<1000xi32, #tpu.memory_space<hbm>>) dst(%arg9 : memref<1000xi32, #tpu.memory_space<vmem>>)
        tpu.yield
      }) : () -> ()
      %add3A_314 = arith.constant 1000 : i32
      %add3A_315 = arith.addi %mul3A_291, %add3A_314 : i32
      %run_scoped3A_316 = arith.constant 1 : i32
      "tpu.region"() ({
        %run_scoped3A_422 = tpu.sem_alloc : memref<!tpu.dma_semaphore, #tpu.memory_space<semaphore_mem>>
        %dma_start3A_423 = tpu.memref_slice %arg3[%run_scoped3A_316, %add3A_315] : memref<2x320000xi32, #tpu.memory_space<hbm>> -> memref<1x1000xi32, #tpu.memory_space<hbm>>
        %dma_start3A_424 = tpu.memref_squeeze %dma_start3A_423 : memref<1x1000xi32, #tpu.memory_space<hbm>> -> memref<1000xi32, #tpu.memory_space<hbm>>
        %dma_start3A_425 = tpu.memref_slice %arg3[%run_scoped3A_316, %add3A_315] : memref<2x320000xi32, #tpu.memory_space<hbm>> -> memref<1x1000xi32, #tpu.memory_space<hbm>>
        %dma_start3A_426 = tpu.memref_squeeze %dma_start3A_425 : memref<1x1000xi32, #tpu.memory_space<hbm>> -> memref<1000xi32, #tpu.memory_space<hbm>>
        tpu.enqueue_dma source(%dma_start3A_426 : memref<1000xi32, #tpu.memory_space<hbm>>) target(%arg11 : memref<1000xi32, #tpu.memory_space<vmem>>) target_semaphore(%run_scoped3A_422 : memref<!tpu.dma_semaphore, #tpu.memory_space<semaphore_mem>>)
        %dma_wait3A_427 = tpu.memref_slice %arg3[%run_scoped3A_316, %add3A_315] : memref<2x320000xi32, #tpu.memory_space<hbm>> -> memref<1x1000xi32, #tpu.memory_space<hbm>>
        %dma_wait3A_428 = tpu.memref_squeeze %dma_wait3A_427 : memref<1x1000xi32, #tpu.memory_space<hbm>> -> memref<1000xi32, #tpu.memory_space<hbm>>
        %dma_wait3A_429 = tpu.memref_slice %arg3[%run_scoped3A_316, %add3A_315] : memref<2x320000xi32, #tpu.memory_space<hbm>> -> memref<1x1000xi32, #tpu.memory_space<hbm>>
        %dma_wait3A_430 = tpu.memref_squeeze %dma_wait3A_429 : memref<1x1000xi32, #tpu.memory_space<hbm>> -> memref<1000xi32, #tpu.memory_space<hbm>>
        tpu.wait_dma2 semaphore(%run_scoped3A_422 : memref<!tpu.dma_semaphore, #tpu.memory_space<semaphore_mem>>) src(%dma_wait3A_430 : memref<1000xi32, #tpu.memory_space<hbm>>) dst(%arg11 : memref<1000xi32, #tpu.memory_space<vmem>>)
        tpu.yield
      }) : () -> ()
      %dma_start3A_317 = arith.constant 0 : i32
      %dma_start3A_318 = arith.constant 0 : i32
      %dma_start3A_319 = tpu.memref_slice %arg6[%dma_start3A_317, %dma_start3A_318] : memref<10240x32xf32, #tpu.memory_space<hbm>> -> memref<10240x32xf32, #tpu.memory_space<hbm>>
      tpu.enqueue_indirect_dma source(%dma_start3A_319 : memref<10240x32xf32, #tpu.memory_space<hbm>>) target(%arg14 : memref<1000x32xf32, #tpu.memory_space<vmem>>) offsets(%arg9 : memref<1000xi32, #tpu.memory_space<vmem>>) semaphore(%arg22 : memref<!tpu.dma_semaphore, #tpu.memory_space<semaphore_mem>>)
      %dma_wait3A_320 = arith.constant 0 : i32
      %dma_wait3A_321 = arith.constant 0 : i32
      %dma_wait3A_322 = tpu.memref_slice %arg6[%dma_wait3A_320, %dma_wait3A_321] : memref<10240x32xf32, #tpu.memory_space<hbm>> -> memref<10240x32xf32, #tpu.memory_space<hbm>>
      tpu.wait_indirect_dma semaphore(%arg21 : memref<!tpu.dma_semaphore, #tpu.memory_space<semaphore_mem>>) src(%dma_wait3A_322 : memref<10240x32xf32, #tpu.memory_space<hbm>>) dst(%arg13 : memref<1000x32xf32, #tpu.memory_space<vmem>>)
      "tpu.region"() ({
        %run_scoped3A_422 = tpu.sem_alloc : memref<!tpu.dma_semaphore, #tpu.memory_space<semaphore_mem>>
        %dma_start3A_423 = arith.constant 0 : i32
        %dma_start3A_424 = arith.constant 0 : i32
        %dma_start3A_425 = tpu.memref_slice %arg18[%dma_start3A_423, %dma_start3A_424] : memref<10240x32xf32, #tpu.memory_space<vmem_shared>> -> memref<10240x32xf32, #tpu.memory_space<vmem_shared>>
        tpu.enqueue_indirect_dma source(%arg13 : memref<1000x32xf32, #tpu.memory_space<vmem>>) target(%dma_start3A_425 : memref<10240x32xf32, #tpu.memory_space<vmem_shared>>) offsets(%arg10 : memref<1000xi32, #tpu.memory_space<vmem>>) semaphore(%run_scoped3A_422 : memref<!tpu.dma_semaphore, #tpu.memory_space<semaphore_mem>>) {add = true}
        %dma_wait3A_426 = arith.constant 0 : i32
        %dma_wait3A_427 = arith.constant 0 : i32
        %dma_wait3A_428 = tpu.memref_slice %arg18[%dma_wait3A_426, %dma_wait3A_427] : memref<10240x32xf32, #tpu.memory_space<vmem_shared>> -> memref<10240x32xf32, #tpu.memory_space<vmem_shared>>
        tpu.wait_indirect_dma semaphore(%run_scoped3A_422 : memref<!tpu.dma_semaphore, #tpu.memory_space<semaphore_mem>>) src(%arg13 : memref<1000x32xf32, #tpu.memory_space<vmem>>) dst(%dma_wait3A_428 : memref<10240x32xf32, #tpu.memory_space<vmem_shared>>)
        tpu.yield
      }) : () -> ()
      %add3A_323 = arith.constant 2000 : i32
      %add3A_324 = arith.addi %mul3A_291, %add3A_323 : i32
      %run_scoped3A_325 = arith.constant 0 : i32
      "tpu.region"() ({
        %run_scoped3A_422 = tpu.sem_alloc : memref<!tpu.dma_semaphore, #tpu.memory_space<semaphore_mem>>
        %dma_start3A_423 = tpu.memref_slice %arg3[%run_scoped3A_325, %add3A_324] : memref<2x320000xi32, #tpu.memory_space<hbm>> -> memref<1x1000xi32, #tpu.memory_space<hbm>>
        %dma_start3A_424 = tpu.memref_squeeze %dma_start3A_423 : memref<1x1000xi32, #tpu.memory_space<hbm>> -> memref<1000xi32, #tpu.memory_space<hbm>>
        %dma_start3A_425 = tpu.memref_slice %arg3[%run_scoped3A_325, %add3A_324] : memref<2x320000xi32, #tpu.memory_space<hbm>> -> memref<1x1000xi32, #tpu.memory_space<hbm>>
        %dma_start3A_426 = tpu.memref_squeeze %dma_start3A_425 : memref<1x1000xi32, #tpu.memory_space<hbm>> -> memref<1000xi32, #tpu.memory_space<hbm>>
        tpu.enqueue_dma source(%dma_start3A_426 : memref<1000xi32, #tpu.memory_space<hbm>>) target(%arg8 : memref<1000xi32, #tpu.memory_space<vmem>>) target_semaphore(%run_scoped3A_422 : memref<!tpu.dma_semaphore, #tpu.memory_space<semaphore_mem>>)
        %dma_wait3A_427 = tpu.memref_slice %arg3[%run_scoped3A_325, %add3A_324] : memref<2x320000xi32, #tpu.memory_space<hbm>> -> memref<1x1000xi32, #tpu.memory_space<hbm>>
        %dma_wait3A_428 = tpu.memref_squeeze %dma_wait3A_427 : memref<1x1000xi32, #tpu.memory_space<hbm>> -> memref<1000xi32, #tpu.memory_space<hbm>>
        %dma_wait3A_429 = tpu.memref_slice %arg3[%run_scoped3A_325, %add3A_324] : memref<2x320000xi32, #tpu.memory_space<hbm>> -> memref<1x1000xi32, #tpu.memory_space<hbm>>
        %dma_wait3A_430 = tpu.memref_squeeze %dma_wait3A_429 : memref<1x1000xi32, #tpu.memory_space<hbm>> -> memref<1000xi32, #tpu.memory_space<hbm>>
        tpu.wait_dma2 semaphore(%run_scoped3A_422 : memref<!tpu.dma_semaphore, #tpu.memory_space<semaphore_mem>>) src(%dma_wait3A_430 : memref<1000xi32, #tpu.memory_space<hbm>>) dst(%arg8 : memref<1000xi32, #tpu.memory_space<vmem>>)
        tpu.yield
      }) : () -> ()
      %add3A_326 = arith.constant 2000 : i32
      %add3A_327 = arith.addi %mul3A_291, %add3A_326 : i32
      %run_scoped3A_328 = arith.constant 1 : i32
      "tpu.region"() ({
        %run_scoped3A_422 = tpu.sem_alloc : memref<!tpu.dma_semaphore, #tpu.memory_space<semaphore_mem>>
        %dma_start3A_423 = tpu.memref_slice %arg3[%run_scoped3A_328, %add3A_327] : memref<2x320000xi32, #tpu.memory_space<hbm>> -> memref<1x1000xi32, #tpu.memory_space<hbm>>
        %dma_start3A_424 = tpu.memref_squeeze %dma_start3A_423 : memref<1x1000xi32, #tpu.memory_space<hbm>> -> memref<1000xi32, #tpu.memory_space<hbm>>
        %dma_start3A_425 = tpu.memref_slice %arg3[%run_scoped3A_328, %add3A_327] : memref<2x320000xi32, #tpu.memory_space<hbm>> -> memref<1x1000xi32, #tpu.memory_space<hbm>>
        %dma_start3A_426 = tpu.memref_squeeze %dma_start3A_425 : memref<1x1000xi32, #tpu.memory_space<hbm>> -> memref<1000xi32, #tpu.memory_space<hbm>>
        tpu.enqueue_dma source(%dma_start3A_426 : memref<1000xi32, #tpu.memory_space<hbm>>) target(%arg10 : memref<1000xi32, #tpu.memory_space<vmem>>) target_semaphore(%run_scoped3A_422 : memref<!tpu.dma_semaphore, #tpu.memory_space<semaphore_mem>>)
        %dma_wait3A_427 = tpu.memref_slice %arg3[%run_scoped3A_328, %add3A_327] : memref<2x320000xi32, #tpu.memory_space<hbm>> -> memref<1x1000xi32, #tpu.memory_space<hbm>>
        %dma_wait3A_428 = tpu.memref_squeeze %dma_wait3A_427 : memref<1x1000xi32, #tpu.memory_space<hbm>> -> memref<1000xi32, #tpu.memory_space<hbm>>
        %dma_wait3A_429 = tpu.memref_slice %arg3[%run_scoped3A_328, %add3A_327] : memref<2x320000xi32, #tpu.memory_space<hbm>> -> memref<1x1000xi32, #tpu.memory_space<hbm>>
        %dma_wait3A_430 = tpu.memref_squeeze %dma_wait3A_429 : memref<1x1000xi32, #tpu.memory_space<hbm>> -> memref<1000xi32, #tpu.memory_space<hbm>>
        tpu.wait_dma2 semaphore(%run_scoped3A_422 : memref<!tpu.dma_semaphore, #tpu.memory_space<semaphore_mem>>) src(%dma_wait3A_430 : memref<1000xi32, #tpu.memory_space<hbm>>) dst(%arg10 : memref<1000xi32, #tpu.memory_space<vmem>>)
        tpu.yield
      }) : () -> ()
      %dma_start3A_329 = arith.constant 0 : i32
      %dma_start3A_330 = arith.constant 0 : i32
      %dma_start3A_331 = tpu.memref_slice %arg6[%dma_start3A_329, %dma_start3A_330] : memref<10240x32xf32, #tpu.memory_space<hbm>> -> memref<10240x32xf32, #tpu.memory_space<hbm>>
      tpu.enqueue_indirect_dma source(%dma_start3A_331 : memref<10240x32xf32, #tpu.memory_space<hbm>>) target(%arg13 : memref<1000x32xf32, #tpu.memory_space<vmem>>) offsets(%arg8 : memref<1000xi32, #tpu.memory_space<vmem>>) semaphore(%arg21 : memref<!tpu.dma_semaphore, #tpu.memory_space<semaphore_mem>>)
      %dma_wait3A_332 = arith.constant 0 : i32
      %dma_wait3A_333 = arith.constant 0 : i32
      %dma_wait3A_334 = tpu.memref_slice %arg6[%dma_wait3A_332, %dma_wait3A_333] : memref<10240x32xf32, #tpu.memory_space<hbm>> -> memref<10240x32xf32, #tpu.memory_space<hbm>>
      tpu.wait_indirect_dma semaphore(%arg22 : memref<!tpu.dma_semaphore, #tpu.memory_space<semaphore_mem>>) src(%dma_wait3A_334 : memref<10240x32xf32, #tpu.memory_space<hbm>>) dst(%arg14 : memref<1000x32xf32, #tpu.memory_space<vmem>>)
      "tpu.region"() ({
        %run_scoped3A_422 = tpu.sem_alloc : memref<!tpu.dma_semaphore, #tpu.memory_space<semaphore_mem>>
        %dma_start3A_423 = arith.constant 0 : i32
        %dma_start3A_424 = arith.constant 0 : i32
        %dma_start3A_425 = tpu.memref_slice %arg18[%dma_start3A_423, %dma_start3A_424] : memref<10240x32xf32, #tpu.memory_space<vmem_shared>> -> memref<10240x32xf32, #tpu.memory_space<vmem_shared>>
        tpu.enqueue_indirect_dma source(%arg14 : memref<1000x32xf32, #tpu.memory_space<vmem>>) target(%dma_start3A_425 : memref<10240x32xf32, #tpu.memory_space<vmem_shared>>) offsets(%arg11 : memref<1000xi32, #tpu.memory_space<vmem>>) semaphore(%run_scoped3A_422 : memref<!tpu.dma_semaphore, #tpu.memory_space<semaphore_mem>>) {add = true}
        %dma_wait3A_426 = arith.constant 0 : i32
        %dma_wait3A_427 = arith.constant 0 : i32
        %dma_wait3A_428 = tpu.memref_slice %arg18[%dma_wait3A_426, %dma_wait3A_427] : memref<10240x32xf32, #tpu.memory_space<vmem_shared>> -> memref<10240x32xf32, #tpu.memory_space<vmem_shared>>
        tpu.wait_indirect_dma semaphore(%run_scoped3A_422 : memref<!tpu.dma_semaphore, #tpu.memory_space<semaphore_mem>>) src(%arg14 : memref<1000x32xf32, #tpu.memory_space<vmem>>) dst(%dma_wait3A_428 : memref<10240x32xf32, #tpu.memory_space<vmem_shared>>)
        tpu.yield
      }) : () -> ()
      %add3A_335 = arith.constant 3000 : i32
      %add3A_336 = arith.addi %mul3A_291, %add3A_335 : i32
      %run_scoped3A_337 = arith.constant 0 : i32
      "tpu.region"() ({
        %run_scoped3A_422 = tpu.sem_alloc : memref<!tpu.dma_semaphore, #tpu.memory_space<semaphore_mem>>
        %dma_start3A_423 = tpu.memref_slice %arg3[%run_scoped3A_337, %add3A_336] : memref<2x320000xi32, #tpu.memory_space<hbm>> -> memref<1x1000xi32, #tpu.memory_space<hbm>>
        %dma_start3A_424 = tpu.memref_squeeze %dma_start3A_423 : memref<1x1000xi32, #tpu.memory_space<hbm>> -> memref<1000xi32, #tpu.memory_space<hbm>>
        %dma_start3A_425 = tpu.memref_slice %arg3[%run_scoped3A_337, %add3A_336] : memref<2x320000xi32, #tpu.memory_space<hbm>> -> memref<1x1000xi32, #tpu.memory_space<hbm>>
        %dma_start3A_426 = tpu.memref_squeeze %dma_start3A_425 : memref<1x1000xi32, #tpu.memory_space<hbm>> -> memref<1000xi32, #tpu.memory_space<hbm>>
        tpu.enqueue_dma source(%dma_start3A_426 : memref<1000xi32, #tpu.memory_space<hbm>>) target(%arg9 : memref<1000xi32, #tpu.memory_space<vmem>>) target_semaphore(%run_scoped3A_422 : memref<!tpu.dma_semaphore, #tpu.memory_space<semaphore_mem>>)
        %dma_wait3A_427 = tpu.memref_slice %arg3[%run_scoped3A_337, %add3A_336] : memref<2x320000xi32, #tpu.memory_space<hbm>> -> memref<1x1000xi32, #tpu.memory_space<hbm>>
        %dma_wait3A_428 = tpu.memref_squeeze %dma_wait3A_427 : memref<1x1000xi32, #tpu.memory_space<hbm>> -> memref<1000xi32, #tpu.memory_space<hbm>>
        %dma_wait3A_429 = tpu.memref_slice %arg3[%run_scoped3A_337, %add3A_336] : memref<2x320000xi32, #tpu.memory_space<hbm>> -> memref<1x1000xi32, #tpu.memory_space<hbm>>
        %dma_wait3A_430 = tpu.memref_squeeze %dma_wait3A_429 : memref<1x1000xi32, #tpu.memory_space<hbm>> -> memref<1000xi32, #tpu.memory_space<hbm>>
        tpu.wait_dma2 semaphore(%run_scoped3A_422 : memref<!tpu.dma_semaphore, #tpu.memory_space<semaphore_mem>>) src(%dma_wait3A_430 : memref<1000xi32, #tpu.memory_space<hbm>>) dst(%arg9 : memref<1000xi32, #tpu.memory_space<vmem>>)
        tpu.yield
      }) : () -> ()
      %add3A_338 = arith.constant 3000 : i32
      %add3A_339 = arith.addi %mul3A_291, %add3A_338 : i32
      %run_scoped3A_340 = arith.constant 1 : i32
      "tpu.region"() ({
        %run_scoped3A_422 = tpu.sem_alloc : memref<!tpu.dma_semaphore, #tpu.memory_space<semaphore_mem>>
        %dma_start3A_423 = tpu.memref_slice %arg3[%run_scoped3A_340, %add3A_339] : memref<2x320000xi32, #tpu.memory_space<hbm>> -> memref<1x1000xi32, #tpu.memory_space<hbm>>
        %dma_start3A_424 = tpu.memref_squeeze %dma_start3A_423 : memref<1x1000xi32, #tpu.memory_space<hbm>> -> memref<1000xi32, #tpu.memory_space<hbm>>
        %dma_start3A_425 = tpu.memref_slice %arg3[%run_scoped3A_340, %add3A_339] : memref<2x320000xi32, #tpu.memory_space<hbm>> -> memref<1x1000xi32, #tpu.memory_space<hbm>>
        %dma_start3A_426 = tpu.memref_squeeze %dma_start3A_425 : memref<1x1000xi32, #tpu.memory_space<hbm>> -> memref<1000xi32, #tpu.memory_space<hbm>>
        tpu.enqueue_dma source(%dma_start3A_426 : memref<1000xi32, #tpu.memory_space<hbm>>) target(%arg11 : memref<1000xi32, #tpu.memory_space<vmem>>) target_semaphore(%run_scoped3A_422 : memref<!tpu.dma_semaphore, #tpu.memory_space<semaphore_mem>>)
        %dma_wait3A_427 = tpu.memref_slice %arg3[%run_scoped3A_340, %add3A_339] : memref<2x320000xi32, #tpu.memory_space<hbm>> -> memref<1x1000xi32, #tpu.memory_space<hbm>>
        %dma_wait3A_428 = tpu.memref_squeeze %dma_wait3A_427 : memref<1x1000xi32, #tpu.memory_space<hbm>> -> memref<1000xi32, #tpu.memory_space<hbm>>
        %dma_wait3A_429 = tpu.memref_slice %arg3[%run_scoped3A_340, %add3A_339] : memref<2x320000xi32, #tpu.memory_space<hbm>> -> memref<1x1000xi32, #tpu.memory_space<hbm>>
        %dma_wait3A_430 = tpu.memref_squeeze %dma_wait3A_429 : memref<1x1000xi32, #tpu.memory_space<hbm>> -> memref<1000xi32, #tpu.memory_space<hbm>>
        tpu.wait_dma2 semaphore(%run_scoped3A_422 : memref<!tpu.dma_semaphore, #tpu.memory_space<semaphore_mem>>) src(%dma_wait3A_430 : memref<1000xi32, #tpu.memory_space<hbm>>) dst(%arg11 : memref<1000xi32, #tpu.memory_space<vmem>>)
        tpu.yield
      }) : () -> ()
      %dma_start3A_341 = arith.constant 0 : i32
      %dma_start3A_342 = arith.constant 0 : i32
      %dma_start3A_343 = tpu.memref_slice %arg6[%dma_start3A_341, %dma_start3A_342] : memref<10240x32xf32, #tpu.memory_space<hbm>> -> memref<10240x32xf32, #tpu.memory_space<hbm>>
      tpu.enqueue_indirect_dma source(%dma_start3A_343 : memref<10240x32xf32, #tpu.memory_space<hbm>>) target(%arg14 : memref<1000x32xf32, #tpu.memory_space<vmem>>) offsets(%arg9 : memref<1000xi32, #tpu.memory_space<vmem>>) semaphore(%arg22 : memref<!tpu.dma_semaphore, #tpu.memory_space<semaphore_mem>>)
      %dma_wait3A_344 = arith.constant 0 : i32
      %dma_wait3A_345 = arith.constant 0 : i32
      %dma_wait3A_346 = tpu.memref_slice %arg6[%dma_wait3A_344, %dma_wait3A_345] : memref<10240x32xf32, #tpu.memory_space<hbm>> -> memref<10240x32xf32, #tpu.memory_space<hbm>>
      tpu.wait_indirect_dma semaphore(%arg21 : memref<!tpu.dma_semaphore, #tpu.memory_space<semaphore_mem>>) src(%dma_wait3A_346 : memref<10240x32xf32, #tpu.memory_space<hbm>>) dst(%arg13 : memref<1000x32xf32, #tpu.memory_space<vmem>>)
      "tpu.region"() ({
        %run_scoped3A_422 = tpu.sem_alloc : memref<!tpu.dma_semaphore, #tpu.memory_space<semaphore_mem>>
        %dma_start3A_423 = arith.constant 0 : i32
        %dma_start3A_424 = arith.constant 0 : i32
        %dma_start3A_425 = tpu.memref_slice %arg18[%dma_start3A_423, %dma_start3A_424] : memref<10240x32xf32, #tpu.memory_space<vmem_shared>> -> memref<10240x32xf32, #tpu.memory_space<vmem_shared>>
        tpu.enqueue_indirect_dma source(%arg13 : memref<1000x32xf32, #tpu.memory_space<vmem>>) target(%dma_start3A_425 : memref<10240x32xf32, #tpu.memory_space<vmem_shared>>) offsets(%arg10 : memref<1000xi32, #tpu.memory_space<vmem>>) semaphore(%run_scoped3A_422 : memref<!tpu.dma_semaphore, #tpu.memory_space<semaphore_mem>>) {add = true}
        %dma_wait3A_426 = arith.constant 0 : i32
        %dma_wait3A_427 = arith.constant 0 : i32
        %dma_wait3A_428 = tpu.memref_slice %arg18[%dma_wait3A_426, %dma_wait3A_427] : memref<10240x32xf32, #tpu.memory_space<vmem_shared>> -> memref<10240x32xf32, #tpu.memory_space<vmem_shared>>
        tpu.wait_indirect_dma semaphore(%run_scoped3A_422 : memref<!tpu.dma_semaphore, #tpu.memory_space<semaphore_mem>>) src(%arg13 : memref<1000x32xf32, #tpu.memory_space<vmem>>) dst(%dma_wait3A_428 : memref<10240x32xf32, #tpu.memory_space<vmem_shared>>)
        tpu.yield
      }) : () -> ()
      %add3A_347 = arith.constant 4000 : i32
      %add3A_348 = arith.addi %mul3A_291, %add3A_347 : i32
      %run_scoped3A_349 = arith.constant 0 : i32
      "tpu.region"() ({
        %run_scoped3A_422 = tpu.sem_alloc : memref<!tpu.dma_semaphore, #tpu.memory_space<semaphore_mem>>
        %dma_start3A_423 = tpu.memref_slice %arg3[%run_scoped3A_349, %add3A_348] : memref<2x320000xi32, #tpu.memory_space<hbm>> -> memref<1x1000xi32, #tpu.memory_space<hbm>>
        %dma_start3A_424 = tpu.memref_squeeze %dma_start3A_423 : memref<1x1000xi32, #tpu.memory_space<hbm>> -> memref<1000xi32, #tpu.memory_space<hbm>>
        %dma_start3A_425 = tpu.memref_slice %arg3[%run_scoped3A_349, %add3A_348] : memref<2x320000xi32, #tpu.memory_space<hbm>> -> memref<1x1000xi32, #tpu.memory_space<hbm>>
        %dma_start3A_426 = tpu.memref_squeeze %dma_start3A_425 : memref<1x1000xi32, #tpu.memory_space<hbm>> -> memref<1000xi32, #tpu.memory_space<hbm>>
        tpu.enqueue_dma source(%dma_start3A_426 : memref<1000xi32, #tpu.memory_space<hbm>>) target(%arg8 : memref<1000xi32, #tpu.memory_space<vmem>>) target_semaphore(%run_scoped3A_422 : memref<!tpu.dma_semaphore, #tpu.memory_space<semaphore_mem>>)
        %dma_wait3A_427 = tpu.memref_slice %arg3[%run_scoped3A_349, %add3A_348] : memref<2x320000xi32, #tpu.memory_space<hbm>> -> memref<1x1000xi32, #tpu.memory_space<hbm>>
        %dma_wait3A_428 = tpu.memref_squeeze %dma_wait3A_427 : memref<1x1000xi32, #tpu.memory_space<hbm>> -> memref<1000xi32, #tpu.memory_space<hbm>>
        %dma_wait3A_429 = tpu.memref_slice %arg3[%run_scoped3A_349, %add3A_348] : memref<2x320000xi32, #tpu.memory_space<hbm>> -> memref<1x1000xi32, #tpu.memory_space<hbm>>
        %dma_wait3A_430 = tpu.memref_squeeze %dma_wait3A_429 : memref<1x1000xi32, #tpu.memory_space<hbm>> -> memref<1000xi32, #tpu.memory_space<hbm>>
        tpu.wait_dma2 semaphore(%run_scoped3A_422 : memref<!tpu.dma_semaphore, #tpu.memory_space<semaphore_mem>>) src(%dma_wait3A_430 : memref<1000xi32, #tpu.memory_space<hbm>>) dst(%arg8 : memref<1000xi32, #tpu.memory_space<vmem>>)
        tpu.yield
      }) : () -> ()
      %add3A_350 = arith.constant 4000 : i32
      %add3A_351 = arith.addi %mul3A_291, %add3A_350 : i32
      %run_scoped3A_352 = arith.constant 1 : i32
      "tpu.region"() ({
        %run_scoped3A_422 = tpu.sem_alloc : memref<!tpu.dma_semaphore, #tpu.memory_space<semaphore_mem>>
        %dma_start3A_423 = tpu.memref_slice %arg3[%run_scoped3A_352, %add3A_351] : memref<2x320000xi32, #tpu.memory_space<hbm>> -> memref<1x1000xi32, #tpu.memory_space<hbm>>
        %dma_start3A_424 = tpu.memref_squeeze %dma_start3A_423 : memref<1x1000xi32, #tpu.memory_space<hbm>> -> memref<1000xi32, #tpu.memory_space<hbm>>
        %dma_start3A_425 = tpu.memref_slice %arg3[%run_scoped3A_352, %add3A_351] : memref<2x320000xi32, #tpu.memory_space<hbm>> -> memref<1x1000xi32, #tpu.memory_space<hbm>>
        %dma_start3A_426 = tpu.memref_squeeze %dma_start3A_425 : memref<1x1000xi32, #tpu.memory_space<hbm>> -> memref<1000xi32, #tpu.memory_space<hbm>>
        tpu.enqueue_dma source(%dma_start3A_426 : memref<1000xi32, #tpu.memory_space<hbm>>) target(%arg10 : memref<1000xi32, #tpu.memory_space<vmem>>) target_semaphore(%run_scoped3A_422 : memref<!tpu.dma_semaphore, #tpu.memory_space<semaphore_mem>>)
        %dma_wait3A_427 = tpu.memref_slice %arg3[%run_scoped3A_352, %add3A_351] : memref<2x320000xi32, #tpu.memory_space<hbm>> -> memref<1x1000xi32, #tpu.memory_space<hbm>>
        %dma_wait3A_428 = tpu.memref_squeeze %dma_wait3A_427 : memref<1x1000xi32, #tpu.memory_space<hbm>> -> memref<1000xi32, #tpu.memory_space<hbm>>
        %dma_wait3A_429 = tpu.memref_slice %arg3[%run_scoped3A_352, %add3A_351] : memref<2x320000xi32, #tpu.memory_space<hbm>> -> memref<1x1000xi32, #tpu.memory_space<hbm>>
        %dma_wait3A_430 = tpu.memref_squeeze %dma_wait3A_429 : memref<1x1000xi32, #tpu.memory_space<hbm>> -> memref<1000xi32, #tpu.memory_space<hbm>>
        tpu.wait_dma2 semaphore(%run_scoped3A_422 : memref<!tpu.dma_semaphore, #tpu.memory_space<semaphore_mem>>) src(%dma_wait3A_430 : memref<1000xi32, #tpu.memory_space<hbm>>) dst(%arg10 : memref<1000xi32, #tpu.memory_space<vmem>>)
        tpu.yield
      }) : () -> ()
      %dma_start3A_353 = arith.constant 0 : i32
      %dma_start3A_354 = arith.constant 0 : i32
      %dma_start3A_355 = tpu.memref_slice %arg6[%dma_start3A_353, %dma_start3A_354] : memref<10240x32xf32, #tpu.memory_space<hbm>> -> memref<10240x32xf32, #tpu.memory_space<hbm>>
      tpu.enqueue_indirect_dma source(%dma_start3A_355 : memref<10240x32xf32, #tpu.memory_space<hbm>>) target(%arg13 : memref<1000x32xf32, #tpu.memory_space<vmem>>) offsets(%arg8 : memref<1000xi32, #tpu.memory_space<vmem>>) semaphore(%arg21 : memref<!tpu.dma_semaphore, #tpu.memory_space<semaphore_mem>>)
      %dma_wait3A_356 = arith.constant 0 : i32
      %dma_wait3A_357 = arith.constant 0 : i32
      %dma_wait3A_358 = tpu.memref_slice %arg6[%dma_wait3A_356, %dma_wait3A_357] : memref<10240x32xf32, #tpu.memory_space<hbm>> -> memref<10240x32xf32, #tpu.memory_space<hbm>>
      tpu.wait_indirect_dma semaphore(%arg22 : memref<!tpu.dma_semaphore, #tpu.memory_space<semaphore_mem>>) src(%dma_wait3A_358 : memref<10240x32xf32, #tpu.memory_space<hbm>>) dst(%arg14 : memref<1000x32xf32, #tpu.memory_space<vmem>>)
      "tpu.region"() ({
        %run_scoped3A_422 = tpu.sem_alloc : memref<!tpu.dma_semaphore, #tpu.memory_space<semaphore_mem>>
        %dma_start3A_423 = arith.constant 0 : i32
        %dma_start3A_424 = arith.constant 0 : i32
        %dma_start3A_425 = tpu.memref_slice %arg18[%dma_start3A_423, %dma_start3A_424] : memref<10240x32xf32, #tpu.memory_space<vmem_shared>> -> memref<10240x32xf32, #tpu.memory_space<vmem_shared>>
        tpu.enqueue_indirect_dma source(%arg14 : memref<1000x32xf32, #tpu.memory_space<vmem>>) target(%dma_start3A_425 : memref<10240x32xf32, #tpu.memory_space<vmem_shared>>) offsets(%arg11 : memref<1000xi32, #tpu.memory_space<vmem>>) semaphore(%run_scoped3A_422 : memref<!tpu.dma_semaphore, #tpu.memory_space<semaphore_mem>>) {add = true}
        %dma_wait3A_426 = arith.constant 0 : i32
        %dma_wait3A_427 = arith.constant 0 : i32
        %dma_wait3A_428 = tpu.memref_slice %arg18[%dma_wait3A_426, %dma_wait3A_427] : memref<10240x32xf32, #tpu.memory_space<vmem_shared>> -> memref<10240x32xf32, #tpu.memory_space<vmem_shared>>
        tpu.wait_indirect_dma semaphore(%run_scoped3A_422 : memref<!tpu.dma_semaphore, #tpu.memory_space<semaphore_mem>>) src(%arg14 : memref<1000x32xf32, #tpu.memory_space<vmem>>) dst(%dma_wait3A_428 : memref<10240x32xf32, #tpu.memory_space<vmem_shared>>)
        tpu.yield
      }) : () -> ()
      %add3A_359 = arith.constant 5000 : i32
      %add3A_360 = arith.addi %mul3A_291, %add3A_359 : i32
      %run_scoped3A_361 = arith.constant 0 : i32
      "tpu.region"() ({
        %run_scoped3A_422 = tpu.sem_alloc : memref<!tpu.dma_semaphore, #tpu.memory_space<semaphore_mem>>
        %dma_start3A_423 = tpu.memref_slice %arg3[%run_scoped3A_361, %add3A_360] : memref<2x320000xi32, #tpu.memory_space<hbm>> -> memref<1x1000xi32, #tpu.memory_space<hbm>>
        %dma_start3A_424 = tpu.memref_squeeze %dma_start3A_423 : memref<1x1000xi32, #tpu.memory_space<hbm>> -> memref<1000xi32, #tpu.memory_space<hbm>>
        %dma_start3A_425 = tpu.memref_slice %arg3[%run_scoped3A_361, %add3A_360] : memref<2x320000xi32, #tpu.memory_space<hbm>> -> memref<1x1000xi32, #tpu.memory_space<hbm>>
        %dma_start3A_426 = tpu.memref_squeeze %dma_start3A_425 : memref<1x1000xi32, #tpu.memory_space<hbm>> -> memref<1000xi32, #tpu.memory_space<hbm>>
        tpu.enqueue_dma source(%dma_start3A_426 : memref<1000xi32, #tpu.memory_space<hbm>>) target(%arg9 : memref<1000xi32, #tpu.memory_space<vmem>>) target_semaphore(%run_scoped3A_422 : memref<!tpu.dma_semaphore, #tpu.memory_space<semaphore_mem>>)
        %dma_wait3A_427 = tpu.memref_slice %arg3[%run_scoped3A_361, %add3A_360] : memref<2x320000xi32, #tpu.memory_space<hbm>> -> memref<1x1000xi32, #tpu.memory_space<hbm>>
        %dma_wait3A_428 = tpu.memref_squeeze %dma_wait3A_427 : memref<1x1000xi32, #tpu.memory_space<hbm>> -> memref<1000xi32, #tpu.memory_space<hbm>>
        %dma_wait3A_429 = tpu.memref_slice %arg3[%run_scoped3A_361, %add3A_360] : memref<2x320000xi32, #tpu.memory_space<hbm>> -> memref<1x1000xi32, #tpu.memory_space<hbm>>
        %dma_wait3A_430 = tpu.memref_squeeze %dma_wait3A_429 : memref<1x1000xi32, #tpu.memory_space<hbm>> -> memref<1000xi32, #tpu.memory_space<hbm>>
        tpu.wait_dma2 semaphore(%run_scoped3A_422 : memref<!tpu.dma_semaphore, #tpu.memory_space<semaphore_mem>>) src(%dma_wait3A_430 : memref<1000xi32, #tpu.memory_space<hbm>>) dst(%arg9 : memref<1000xi32, #tpu.memory_space<vmem>>)
        tpu.yield
      }) : () -> ()
      %add3A_362 = arith.constant 5000 : i32
      %add3A_363 = arith.addi %mul3A_291, %add3A_362 : i32
      %run_scoped3A_364 = arith.constant 1 : i32
      "tpu.region"() ({
        %run_scoped3A_422 = tpu.sem_alloc : memref<!tpu.dma_semaphore, #tpu.memory_space<semaphore_mem>>
        %dma_start3A_423 = tpu.memref_slice %arg3[%run_scoped3A_364, %add3A_363] : memref<2x320000xi32, #tpu.memory_space<hbm>> -> memref<1x1000xi32, #tpu.memory_space<hbm>>
        %dma_start3A_424 = tpu.memref_squeeze %dma_start3A_423 : memref<1x1000xi32, #tpu.memory_space<hbm>> -> memref<1000xi32, #tpu.memory_space<hbm>>
        %dma_start3A_425 = tpu.memref_slice %arg3[%run_scoped3A_364, %add3A_363] : memref<2x320000xi32, #tpu.memory_space<hbm>> -> memref<1x1000xi32, #tpu.memory_space<hbm>>
        %dma_start3A_426 = tpu.memref_squeeze %dma_start3A_425 : memref<1x1000xi32, #tpu.memory_space<hbm>> -> memref<1000xi32, #tpu.memory_space<hbm>>
        tpu.enqueue_dma source(%dma_start3A_426 : memref<1000xi32, #tpu.memory_space<hbm>>) target(%arg11 : memref<1000xi32, #tpu.memory_space<vmem>>) target_semaphore(%run_scoped3A_422 : memref<!tpu.dma_semaphore, #tpu.memory_space<semaphore_mem>>)
        %dma_wait3A_427 = tpu.memref_slice %arg3[%run_scoped3A_364, %add3A_363] : memref<2x320000xi32, #tpu.memory_space<hbm>> -> memref<1x1000xi32, #tpu.memory_space<hbm>>
        %dma_wait3A_428 = tpu.memref_squeeze %dma_wait3A_427 : memref<1x1000xi32, #tpu.memory_space<hbm>> -> memref<1000xi32, #tpu.memory_space<hbm>>
        %dma_wait3A_429 = tpu.memref_slice %arg3[%run_scoped3A_364, %add3A_363] : memref<2x320000xi32, #tpu.memory_space<hbm>> -> memref<1x1000xi32, #tpu.memory_space<hbm>>
        %dma_wait3A_430 = tpu.memref_squeeze %dma_wait3A_429 : memref<1x1000xi32, #tpu.memory_space<hbm>> -> memref<1000xi32, #tpu.memory_space<hbm>>
        tpu.wait_dma2 semaphore(%run_scoped3A_422 : memref<!tpu.dma_semaphore, #tpu.memory_space<semaphore_mem>>) src(%dma_wait3A_430 : memref<1000xi32, #tpu.memory_space<hbm>>) dst(%arg11 : memref<1000xi32, #tpu.memory_space<vmem>>)
        tpu.yield
      }) : () -> ()
      %dma_start3A_365 = arith.constant 0 : i32
      %dma_start3A_366 = arith.constant 0 : i32
      %dma_start3A_367 = tpu.memref_slice %arg6[%dma_start3A_365, %dma_start3A_366] : memref<10240x32xf32, #tpu.memory_space<hbm>> -> memref<10240x32xf32, #tpu.memory_space<hbm>>
      tpu.enqueue_indirect_dma source(%dma_start3A_367 : memref<10240x32xf32, #tpu.memory_space<hbm>>) target(%arg14 : memref<1000x32xf32, #tpu.memory_space<vmem>>) offsets(%arg9 : memref<1000xi32, #tpu.memory_space<vmem>>) semaphore(%arg22 : memref<!tpu.dma_semaphore, #tpu.memory_space<semaphore_mem>>)
      %dma_wait3A_368 = arith.constant 0 : i32
      %dma_wait3A_369 = arith.constant 0 : i32
      %dma_wait3A_370 = tpu.memref_slice %arg6[%dma_wait3A_368, %dma_wait3A_369] : memref<10240x32xf32, #tpu.memory_space<hbm>> -> memref<10240x32xf32, #tpu.memory_space<hbm>>
      tpu.wait_indirect_dma semaphore(%arg21 : memref<!tpu.dma_semaphore, #tpu.memory_space<semaphore_mem>>) src(%dma_wait3A_370 : memref<10240x32xf32, #tpu.memory_space<hbm>>) dst(%arg13 : memref<1000x32xf32, #tpu.memory_space<vmem>>)
      "tpu.region"() ({
        %run_scoped3A_422 = tpu.sem_alloc : memref<!tpu.dma_semaphore, #tpu.memory_space<semaphore_mem>>
        %dma_start3A_423 = arith.constant 0 : i32
        %dma_start3A_424 = arith.constant 0 : i32
        %dma_start3A_425 = tpu.memref_slice %arg18[%dma_start3A_423, %dma_start3A_424] : memref<10240x32xf32, #tpu.memory_space<vmem_shared>> -> memref<10240x32xf32, #tpu.memory_space<vmem_shared>>
        tpu.enqueue_indirect_dma source(%arg13 : memref<1000x32xf32, #tpu.memory_space<vmem>>) target(%dma_start3A_425 : memref<10240x32xf32, #tpu.memory_space<vmem_shared>>) offsets(%arg10 : memref<1000xi32, #tpu.memory_space<vmem>>) semaphore(%run_scoped3A_422 : memref<!tpu.dma_semaphore, #tpu.memory_space<semaphore_mem>>) {add = true}
        %dma_wait3A_426 = arith.constant 0 : i32
        %dma_wait3A_427 = arith.constant 0 : i32
        %dma_wait3A_428 = tpu.memref_slice %arg18[%dma_wait3A_426, %dma_wait3A_427] : memref<10240x32xf32, #tpu.memory_space<vmem_shared>> -> memref<10240x32xf32, #tpu.memory_space<vmem_shared>>
        tpu.wait_indirect_dma semaphore(%run_scoped3A_422 : memref<!tpu.dma_semaphore, #tpu.memory_space<semaphore_mem>>) src(%arg13 : memref<1000x32xf32, #tpu.memory_space<vmem>>) dst(%dma_wait3A_428 : memref<10240x32xf32, #tpu.memory_space<vmem_shared>>)
        tpu.yield
      }) : () -> ()
      %add3A_371 = arith.constant 6000 : i32
      %add3A_372 = arith.addi %mul3A_291, %add3A_371 : i32
      %run_scoped3A_373 = arith.constant 0 : i32
      "tpu.region"() ({
        %run_scoped3A_422 = tpu.sem_alloc : memref<!tpu.dma_semaphore, #tpu.memory_space<semaphore_mem>>
        %dma_start3A_423 = tpu.memref_slice %arg3[%run_scoped3A_373, %add3A_372] : memref<2x320000xi32, #tpu.memory_space<hbm>> -> memref<1x1000xi32, #tpu.memory_space<hbm>>
        %dma_start3A_424 = tpu.memref_squeeze %dma_start3A_423 : memref<1x1000xi32, #tpu.memory_space<hbm>> -> memref<1000xi32, #tpu.memory_space<hbm>>
        %dma_start3A_425 = tpu.memref_slice %arg3[%run_scoped3A_373, %add3A_372] : memref<2x320000xi32, #tpu.memory_space<hbm>> -> memref<1x1000xi32, #tpu.memory_space<hbm>>
        %dma_start3A_426 = tpu.memref_squeeze %dma_start3A_425 : memref<1x1000xi32, #tpu.memory_space<hbm>> -> memref<1000xi32, #tpu.memory_space<hbm>>
        tpu.enqueue_dma source(%dma_start3A_426 : memref<1000xi32, #tpu.memory_space<hbm>>) target(%arg8 : memref<1000xi32, #tpu.memory_space<vmem>>) target_semaphore(%run_scoped3A_422 : memref<!tpu.dma_semaphore, #tpu.memory_space<semaphore_mem>>)
        %dma_wait3A_427 = tpu.memref_slice %arg3[%run_scoped3A_373, %add3A_372] : memref<2x320000xi32, #tpu.memory_space<hbm>> -> memref<1x1000xi32, #tpu.memory_space<hbm>>
        %dma_wait3A_428 = tpu.memref_squeeze %dma_wait3A_427 : memref<1x1000xi32, #tpu.memory_space<hbm>> -> memref<1000xi32, #tpu.memory_space<hbm>>
        %dma_wait3A_429 = tpu.memref_slice %arg3[%run_scoped3A_373, %add3A_372] : memref<2x320000xi32, #tpu.memory_space<hbm>> -> memref<1x1000xi32, #tpu.memory_space<hbm>>
        %dma_wait3A_430 = tpu.memref_squeeze %dma_wait3A_429 : memref<1x1000xi32, #tpu.memory_space<hbm>> -> memref<1000xi32, #tpu.memory_space<hbm>>
        tpu.wait_dma2 semaphore(%run_scoped3A_422 : memref<!tpu.dma_semaphore, #tpu.memory_space<semaphore_mem>>) src(%dma_wait3A_430 : memref<1000xi32, #tpu.memory_space<hbm>>) dst(%arg8 : memref<1000xi32, #tpu.memory_space<vmem>>)
        tpu.yield
      }) : () -> ()
      %add3A_374 = arith.constant 6000 : i32
      %add3A_375 = arith.addi %mul3A_291, %add3A_374 : i32
      %run_scoped3A_376 = arith.constant 1 : i32
      "tpu.region"() ({
        %run_scoped3A_422 = tpu.sem_alloc : memref<!tpu.dma_semaphore, #tpu.memory_space<semaphore_mem>>
        %dma_start3A_423 = tpu.memref_slice %arg3[%run_scoped3A_376, %add3A_375] : memref<2x320000xi32, #tpu.memory_space<hbm>> -> memref<1x1000xi32, #tpu.memory_space<hbm>>
        %dma_start3A_424 = tpu.memref_squeeze %dma_start3A_423 : memref<1x1000xi32, #tpu.memory_space<hbm>> -> memref<1000xi32, #tpu.memory_space<hbm>>
        %dma_start3A_425 = tpu.memref_slice %arg3[%run_scoped3A_376, %add3A_375] : memref<2x320000xi32, #tpu.memory_space<hbm>> -> memref<1x1000xi32, #tpu.memory_space<hbm>>
        %dma_start3A_426 = tpu.memref_squeeze %dma_start3A_425 : memref<1x1000xi32, #tpu.memory_space<hbm>> -> memref<1000xi32, #tpu.memory_space<hbm>>
        tpu.enqueue_dma source(%dma_start3A_426 : memref<1000xi32, #tpu.memory_space<hbm>>) target(%arg10 : memref<1000xi32, #tpu.memory_space<vmem>>) target_semaphore(%run_scoped3A_422 : memref<!tpu.dma_semaphore, #tpu.memory_space<semaphore_mem>>)
        %dma_wait3A_427 = tpu.memref_slice %arg3[%run_scoped3A_376, %add3A_375] : memref<2x320000xi32, #tpu.memory_space<hbm>> -> memref<1x1000xi32, #tpu.memory_space<hbm>>
        %dma_wait3A_428 = tpu.memref_squeeze %dma_wait3A_427 : memref<1x1000xi32, #tpu.memory_space<hbm>> -> memref<1000xi32, #tpu.memory_space<hbm>>
        %dma_wait3A_429 = tpu.memref_slice %arg3[%run_scoped3A_376, %add3A_375] : memref<2x320000xi32, #tpu.memory_space<hbm>> -> memref<1x1000xi32, #tpu.memory_space<hbm>>
        %dma_wait3A_430 = tpu.memref_squeeze %dma_wait3A_429 : memref<1x1000xi32, #tpu.memory_space<hbm>> -> memref<1000xi32, #tpu.memory_space<hbm>>
        tpu.wait_dma2 semaphore(%run_scoped3A_422 : memref<!tpu.dma_semaphore, #tpu.memory_space<semaphore_mem>>) src(%dma_wait3A_430 : memref<1000xi32, #tpu.memory_space<hbm>>) dst(%arg10 : memref<1000xi32, #tpu.memory_space<vmem>>)
        tpu.yield
      }) : () -> ()
      %dma_start3A_377 = arith.constant 0 : i32
      %dma_start3A_378 = arith.constant 0 : i32
      %dma_start3A_379 = tpu.memref_slice %arg6[%dma_start3A_377, %dma_start3A_378] : memref<10240x32xf32, #tpu.memory_space<hbm>> -> memref<10240x32xf32, #tpu.memory_space<hbm>>
      tpu.enqueue_indirect_dma source(%dma_start3A_379 : memref<10240x32xf32, #tpu.memory_space<hbm>>) target(%arg13 : memref<1000x32xf32, #tpu.memory_space<vmem>>) offsets(%arg8 : memref<1000xi32, #tpu.memory_space<vmem>>) semaphore(%arg21 : memref<!tpu.dma_semaphore, #tpu.memory_space<semaphore_mem>>)
      %dma_wait3A_380 = arith.constant 0 : i32
      %dma_wait3A_381 = arith.constant 0 : i32
      %dma_wait3A_382 = tpu.memref_slice %arg6[%dma_wait3A_380, %dma_wait3A_381] : memref<10240x32xf32, #tpu.memory_space<hbm>> -> memref<10240x32xf32, #tpu.memory_space<hbm>>
      tpu.wait_indirect_dma semaphore(%arg22 : memref<!tpu.dma_semaphore, #tpu.memory_space<semaphore_mem>>) src(%dma_wait3A_382 : memref<10240x32xf32, #tpu.memory_space<hbm>>) dst(%arg14 : memref<1000x32xf32, #tpu.memory_space<vmem>>)
      "tpu.region"() ({
        %run_scoped3A_422 = tpu.sem_alloc : memref<!tpu.dma_semaphore, #tpu.memory_space<semaphore_mem>>
        %dma_start3A_423 = arith.constant 0 : i32
        %dma_start3A_424 = arith.constant 0 : i32
        %dma_start3A_425 = tpu.memref_slice %arg18[%dma_start3A_423, %dma_start3A_424] : memref<10240x32xf32, #tpu.memory_space<vmem_shared>> -> memref<10240x32xf32, #tpu.memory_space<vmem_shared>>
        tpu.enqueue_indirect_dma source(%arg14 : memref<1000x32xf32, #tpu.memory_space<vmem>>) target(%dma_start3A_425 : memref<10240x32xf32, #tpu.memory_space<vmem_shared>>) offsets(%arg11 : memref<1000xi32, #tpu.memory_space<vmem>>) semaphore(%run_scoped3A_422 : memref<!tpu.dma_semaphore, #tpu.memory_space<semaphore_mem>>) {add = true}
        %dma_wait3A_426 = arith.constant 0 : i32
        %dma_wait3A_427 = arith.constant 0 : i32
        %dma_wait3A_428 = tpu.memref_slice %arg18[%dma_wait3A_426, %dma_wait3A_427] : memref<10240x32xf32, #tpu.memory_space<vmem_shared>> -> memref<10240x32xf32, #tpu.memory_space<vmem_shared>>
        tpu.wait_indirect_dma semaphore(%run_scoped3A_422 : memref<!tpu.dma_semaphore, #tpu.memory_space<semaphore_mem>>) src(%arg14 : memref<1000x32xf32, #tpu.memory_space<vmem>>) dst(%dma_wait3A_428 : memref<10240x32xf32, #tpu.memory_space<vmem_shared>>)
        tpu.yield
      }) : () -> ()
      %add3A_383 = arith.constant 7000 : i32
      %add3A_384 = arith.addi %mul3A_291, %add3A_383 : i32
      %run_scoped3A_385 = arith.constant 0 : i32
      "tpu.region"() ({
        %run_scoped3A_422 = tpu.sem_alloc : memref<!tpu.dma_semaphore, #tpu.memory_space<semaphore_mem>>
        %dma_start3A_423 = tpu.memref_slice %arg3[%run_scoped3A_385, %add3A_384] : memref<2x320000xi32, #tpu.memory_space<hbm>> -> memref<1x1000xi32, #tpu.memory_space<hbm>>
        %dma_start3A_424 = tpu.memref_squeeze %dma_start3A_423 : memref<1x1000xi32, #tpu.memory_space<hbm>> -> memref<1000xi32, #tpu.memory_space<hbm>>
        %dma_start3A_425 = tpu.memref_slice %arg3[%run_scoped3A_385, %add3A_384] : memref<2x320000xi32, #tpu.memory_space<hbm>> -> memref<1x1000xi32, #tpu.memory_space<hbm>>
        %dma_start3A_426 = tpu.memref_squeeze %dma_start3A_425 : memref<1x1000xi32, #tpu.memory_space<hbm>> -> memref<1000xi32, #tpu.memory_space<hbm>>
        tpu.enqueue_dma source(%dma_start3A_426 : memref<1000xi32, #tpu.memory_space<hbm>>) target(%arg9 : memref<1000xi32, #tpu.memory_space<vmem>>) target_semaphore(%run_scoped3A_422 : memref<!tpu.dma_semaphore, #tpu.memory_space<semaphore_mem>>)
        %dma_wait3A_427 = tpu.memref_slice %arg3[%run_scoped3A_385, %add3A_384] : memref<2x320000xi32, #tpu.memory_space<hbm>> -> memref<1x1000xi32, #tpu.memory_space<hbm>>
        %dma_wait3A_428 = tpu.memref_squeeze %dma_wait3A_427 : memref<1x1000xi32, #tpu.memory_space<hbm>> -> memref<1000xi32, #tpu.memory_space<hbm>>
        %dma_wait3A_429 = tpu.memref_slice %arg3[%run_scoped3A_385, %add3A_384] : memref<2x320000xi32, #tpu.memory_space<hbm>> -> memref<1x1000xi32, #tpu.memory_space<hbm>>
        %dma_wait3A_430 = tpu.memref_squeeze %dma_wait3A_429 : memref<1x1000xi32, #tpu.memory_space<hbm>> -> memref<1000xi32, #tpu.memory_space<hbm>>
        tpu.wait_dma2 semaphore(%run_scoped3A_422 : memref<!tpu.dma_semaphore, #tpu.memory_space<semaphore_mem>>) src(%dma_wait3A_430 : memref<1000xi32, #tpu.memory_space<hbm>>) dst(%arg9 : memref<1000xi32, #tpu.memory_space<vmem>>)
        tpu.yield
      }) : () -> ()
      %add3A_386 = arith.constant 7000 : i32
      %add3A_387 = arith.addi %mul3A_291, %add3A_386 : i32
      %run_scoped3A_388 = arith.constant 1 : i32
      "tpu.region"() ({
        %run_scoped3A_422 = tpu.sem_alloc : memref<!tpu.dma_semaphore, #tpu.memory_space<semaphore_mem>>
        %dma_start3A_423 = tpu.memref_slice %arg3[%run_scoped3A_388, %add3A_387] : memref<2x320000xi32, #tpu.memory_space<hbm>> -> memref<1x1000xi32, #tpu.memory_space<hbm>>
        %dma_start3A_424 = tpu.memref_squeeze %dma_start3A_423 : memref<1x1000xi32, #tpu.memory_space<hbm>> -> memref<1000xi32, #tpu.memory_space<hbm>>
        %dma_start3A_425 = tpu.memref_slice %arg3[%run_scoped3A_388, %add3A_387] : memref<2x320000xi32, #tpu.memory_space<hbm>> -> memref<1x1000xi32, #tpu.memory_space<hbm>>
        %dma_start3A_426 = tpu.memref_squeeze %dma_start3A_425 : memref<1x1000xi32, #tpu.memory_space<hbm>> -> memref<1000xi32, #tpu.memory_space<hbm>>
        tpu.enqueue_dma source(%dma_start3A_426 : memref<1000xi32, #tpu.memory_space<hbm>>) target(%arg11 : memref<1000xi32, #tpu.memory_space<vmem>>) target_semaphore(%run_scoped3A_422 : memref<!tpu.dma_semaphore, #tpu.memory_space<semaphore_mem>>)
        %dma_wait3A_427 = tpu.memref_slice %arg3[%run_scoped3A_388, %add3A_387] : memref<2x320000xi32, #tpu.memory_space<hbm>> -> memref<1x1000xi32, #tpu.memory_space<hbm>>
        %dma_wait3A_428 = tpu.memref_squeeze %dma_wait3A_427 : memref<1x1000xi32, #tpu.memory_space<hbm>> -> memref<1000xi32, #tpu.memory_space<hbm>>
        %dma_wait3A_429 = tpu.memref_slice %arg3[%run_scoped3A_388, %add3A_387] : memref<2x320000xi32, #tpu.memory_space<hbm>> -> memref<1x1000xi32, #tpu.memory_space<hbm>>
        %dma_wait3A_430 = tpu.memref_squeeze %dma_wait3A_429 : memref<1x1000xi32, #tpu.memory_space<hbm>> -> memref<1000xi32, #tpu.memory_space<hbm>>
        tpu.wait_dma2 semaphore(%run_scoped3A_422 : memref<!tpu.dma_semaphore, #tpu.memory_space<semaphore_mem>>) src(%dma_wait3A_430 : memref<1000xi32, #tpu.memory_space<hbm>>) dst(%arg11 : memref<1000xi32, #tpu.memory_space<vmem>>)
        tpu.yield
      }) : () -> ()
      %dma_start3A_389 = arith.constant 0 : i32
      %dma_start3A_390 = arith.constant 0 : i32
      %dma_start3A_391 = tpu.memref_slice %arg6[%dma_start3A_389, %dma_start3A_390] : memref<10240x32xf32, #tpu.memory_space<hbm>> -> memref<10240x32xf32, #tpu.memory_space<hbm>>
      tpu.enqueue_indirect_dma source(%dma_start3A_391 : memref<10240x32xf32, #tpu.memory_space<hbm>>) target(%arg14 : memref<1000x32xf32, #tpu.memory_space<vmem>>) offsets(%arg9 : memref<1000xi32, #tpu.memory_space<vmem>>) semaphore(%arg22 : memref<!tpu.dma_semaphore, #tpu.memory_space<semaphore_mem>>)
      %dma_wait3A_392 = arith.constant 0 : i32
      %dma_wait3A_393 = arith.constant 0 : i32
      %dma_wait3A_394 = tpu.memref_slice %arg6[%dma_wait3A_392, %dma_wait3A_393] : memref<10240x32xf32, #tpu.memory_space<hbm>> -> memref<10240x32xf32, #tpu.memory_space<hbm>>
      tpu.wait_indirect_dma semaphore(%arg21 : memref<!tpu.dma_semaphore, #tpu.memory_space<semaphore_mem>>) src(%dma_wait3A_394 : memref<10240x32xf32, #tpu.memory_space<hbm>>) dst(%arg13 : memref<1000x32xf32, #tpu.memory_space<vmem>>)
      "tpu.region"() ({
        %run_scoped3A_422 = tpu.sem_alloc : memref<!tpu.dma_semaphore, #tpu.memory_space<semaphore_mem>>
        %dma_start3A_423 = arith.constant 0 : i32
        %dma_start3A_424 = arith.constant 0 : i32
        %dma_start3A_425 = tpu.memref_slice %arg18[%dma_start3A_423, %dma_start3A_424] : memref<10240x32xf32, #tpu.memory_space<vmem_shared>> -> memref<10240x32xf32, #tpu.memory_space<vmem_shared>>
        tpu.enqueue_indirect_dma source(%arg13 : memref<1000x32xf32, #tpu.memory_space<vmem>>) target(%dma_start3A_425 : memref<10240x32xf32, #tpu.memory_space<vmem_shared>>) offsets(%arg10 : memref<1000xi32, #tpu.memory_space<vmem>>) semaphore(%run_scoped3A_422 : memref<!tpu.dma_semaphore, #tpu.memory_space<semaphore_mem>>) {add = true}
        %dma_wait3A_426 = arith.constant 0 : i32
        %dma_wait3A_427 = arith.constant 0 : i32
        %dma_wait3A_428 = tpu.memref_slice %arg18[%dma_wait3A_426, %dma_wait3A_427] : memref<10240x32xf32, #tpu.memory_space<vmem_shared>> -> memref<10240x32xf32, #tpu.memory_space<vmem_shared>>
        tpu.wait_indirect_dma semaphore(%run_scoped3A_422 : memref<!tpu.dma_semaphore, #tpu.memory_space<semaphore_mem>>) src(%arg13 : memref<1000x32xf32, #tpu.memory_space<vmem>>) dst(%dma_wait3A_428 : memref<10240x32xf32, #tpu.memory_space<vmem_shared>>)
        tpu.yield
      }) : () -> ()
      %add3A_395 = arith.constant 8000 : i32
      %add3A_396 = arith.addi %mul3A_291, %add3A_395 : i32
      %run_scoped3A_397 = arith.constant 0 : i32
      "tpu.region"() ({
        %run_scoped3A_422 = tpu.sem_alloc : memref<!tpu.dma_semaphore, #tpu.memory_space<semaphore_mem>>
        %dma_start3A_423 = tpu.memref_slice %arg3[%run_scoped3A_397, %add3A_396] : memref<2x320000xi32, #tpu.memory_space<hbm>> -> memref<1x1000xi32, #tpu.memory_space<hbm>>
        %dma_start3A_424 = tpu.memref_squeeze %dma_start3A_423 : memref<1x1000xi32, #tpu.memory_space<hbm>> -> memref<1000xi32, #tpu.memory_space<hbm>>
        %dma_start3A_425 = tpu.memref_slice %arg3[%run_scoped3A_397, %add3A_396] : memref<2x320000xi32, #tpu.memory_space<hbm>> -> memref<1x1000xi32, #tpu.memory_space<hbm>>
        %dma_start3A_426 = tpu.memref_squeeze %dma_start3A_425 : memref<1x1000xi32, #tpu.memory_space<hbm>> -> memref<1000xi32, #tpu.memory_space<hbm>>
        tpu.enqueue_dma source(%dma_start3A_426 : memref<1000xi32, #tpu.memory_space<hbm>>) target(%arg8 : memref<1000xi32, #tpu.memory_space<vmem>>) target_semaphore(%run_scoped3A_422 : memref<!tpu.dma_semaphore, #tpu.memory_space<semaphore_mem>>)
        %dma_wait3A_427 = tpu.memref_slice %arg3[%run_scoped3A_397, %add3A_396] : memref<2x320000xi32, #tpu.memory_space<hbm>> -> memref<1x1000xi32, #tpu.memory_space<hbm>>
        %dma_wait3A_428 = tpu.memref_squeeze %dma_wait3A_427 : memref<1x1000xi32, #tpu.memory_space<hbm>> -> memref<1000xi32, #tpu.memory_space<hbm>>
        %dma_wait3A_429 = tpu.memref_slice %arg3[%run_scoped3A_397, %add3A_396] : memref<2x320000xi32, #tpu.memory_space<hbm>> -> memref<1x1000xi32, #tpu.memory_space<hbm>>
        %dma_wait3A_430 = tpu.memref_squeeze %dma_wait3A_429 : memref<1x1000xi32, #tpu.memory_space<hbm>> -> memref<1000xi32, #tpu.memory_space<hbm>>
        tpu.wait_dma2 semaphore(%run_scoped3A_422 : memref<!tpu.dma_semaphore, #tpu.memory_space<semaphore_mem>>) src(%dma_wait3A_430 : memref<1000xi32, #tpu.memory_space<hbm>>) dst(%arg8 : memref<1000xi32, #tpu.memory_space<vmem>>)
        tpu.yield
      }) : () -> ()
      %add3A_398 = arith.constant 8000 : i32
      %add3A_399 = arith.addi %mul3A_291, %add3A_398 : i32
      %run_scoped3A_400 = arith.constant 1 : i32
      "tpu.region"() ({
        %run_scoped3A_422 = tpu.sem_alloc : memref<!tpu.dma_semaphore, #tpu.memory_space<semaphore_mem>>
        %dma_start3A_423 = tpu.memref_slice %arg3[%run_scoped3A_400, %add3A_399] : memref<2x320000xi32, #tpu.memory_space<hbm>> -> memref<1x1000xi32, #tpu.memory_space<hbm>>
        %dma_start3A_424 = tpu.memref_squeeze %dma_start3A_423 : memref<1x1000xi32, #tpu.memory_space<hbm>> -> memref<1000xi32, #tpu.memory_space<hbm>>
        %dma_start3A_425 = tpu.memref_slice %arg3[%run_scoped3A_400, %add3A_399] : memref<2x320000xi32, #tpu.memory_space<hbm>> -> memref<1x1000xi32, #tpu.memory_space<hbm>>
        %dma_start3A_426 = tpu.memref_squeeze %dma_start3A_425 : memref<1x1000xi32, #tpu.memory_space<hbm>> -> memref<1000xi32, #tpu.memory_space<hbm>>
        tpu.enqueue_dma source(%dma_start3A_426 : memref<1000xi32, #tpu.memory_space<hbm>>) target(%arg10 : memref<1000xi32, #tpu.memory_space<vmem>>) target_semaphore(%run_scoped3A_422 : memref<!tpu.dma_semaphore, #tpu.memory_space<semaphore_mem>>)
        %dma_wait3A_427 = tpu.memref_slice %arg3[%run_scoped3A_400, %add3A_399] : memref<2x320000xi32, #tpu.memory_space<hbm>> -> memref<1x1000xi32, #tpu.memory_space<hbm>>
        %dma_wait3A_428 = tpu.memref_squeeze %dma_wait3A_427 : memref<1x1000xi32, #tpu.memory_space<hbm>> -> memref<1000xi32, #tpu.memory_space<hbm>>
        %dma_wait3A_429 = tpu.memref_slice %arg3[%run_scoped3A_400, %add3A_399] : memref<2x320000xi32, #tpu.memory_space<hbm>> -> memref<1x1000xi32, #tpu.memory_space<hbm>>
        %dma_wait3A_430 = tpu.memref_squeeze %dma_wait3A_429 : memref<1x1000xi32, #tpu.memory_space<hbm>> -> memref<1000xi32, #tpu.memory_space<hbm>>
        tpu.wait_dma2 semaphore(%run_scoped3A_422 : memref<!tpu.dma_semaphore, #tpu.memory_space<semaphore_mem>>) src(%dma_wait3A_430 : memref<1000xi32, #tpu.memory_space<hbm>>) dst(%arg10 : memref<1000xi32, #tpu.memory_space<vmem>>)
        tpu.yield
      }) : () -> ()
      %dma_start3A_401 = arith.constant 0 : i32
      %dma_start3A_402 = arith.constant 0 : i32
      %dma_start3A_403 = tpu.memref_slice %arg6[%dma_start3A_401, %dma_start3A_402] : memref<10240x32xf32, #tpu.memory_space<hbm>> -> memref<10240x32xf32, #tpu.memory_space<hbm>>
      tpu.enqueue_indirect_dma source(%dma_start3A_403 : memref<10240x32xf32, #tpu.memory_space<hbm>>) target(%arg13 : memref<1000x32xf32, #tpu.memory_space<vmem>>) offsets(%arg8 : memref<1000xi32, #tpu.memory_space<vmem>>) semaphore(%arg21 : memref<!tpu.dma_semaphore, #tpu.memory_space<semaphore_mem>>)
      %dma_wait3A_404 = arith.constant 0 : i32
      %dma_wait3A_405 = arith.constant 0 : i32
      %dma_wait3A_406 = tpu.memref_slice %arg6[%dma_wait3A_404, %dma_wait3A_405] : memref<10240x32xf32, #tpu.memory_space<hbm>> -> memref<10240x32xf32, #tpu.memory_space<hbm>>
      tpu.wait_indirect_dma semaphore(%arg22 : memref<!tpu.dma_semaphore, #tpu.memory_space<semaphore_mem>>) src(%dma_wait3A_406 : memref<10240x32xf32, #tpu.memory_space<hbm>>) dst(%arg14 : memref<1000x32xf32, #tpu.memory_space<vmem>>)
      "tpu.region"() ({
        %run_scoped3A_422 = tpu.sem_alloc : memref<!tpu.dma_semaphore, #tpu.memory_space<semaphore_mem>>
        %dma_start3A_423 = arith.constant 0 : i32
        %dma_start3A_424 = arith.constant 0 : i32
        %dma_start3A_425 = tpu.memref_slice %arg18[%dma_start3A_423, %dma_start3A_424] : memref<10240x32xf32, #tpu.memory_space<vmem_shared>> -> memref<10240x32xf32, #tpu.memory_space<vmem_shared>>
        tpu.enqueue_indirect_dma source(%arg14 : memref<1000x32xf32, #tpu.memory_space<vmem>>) target(%dma_start3A_425 : memref<10240x32xf32, #tpu.memory_space<vmem_shared>>) offsets(%arg11 : memref<1000xi32, #tpu.memory_space<vmem>>) semaphore(%run_scoped3A_422 : memref<!tpu.dma_semaphore, #tpu.memory_space<semaphore_mem>>) {add = true}
        %dma_wait3A_426 = arith.constant 0 : i32
        %dma_wait3A_427 = arith.constant 0 : i32
        %dma_wait3A_428 = tpu.memref_slice %arg18[%dma_wait3A_426, %dma_wait3A_427] : memref<10240x32xf32, #tpu.memory_space<vmem_shared>> -> memref<10240x32xf32, #tpu.memory_space<vmem_shared>>
        tpu.wait_indirect_dma semaphore(%run_scoped3A_422 : memref<!tpu.dma_semaphore, #tpu.memory_space<semaphore_mem>>) src(%arg14 : memref<1000x32xf32, #tpu.memory_space<vmem>>) dst(%dma_wait3A_428 : memref<10240x32xf32, #tpu.memory_space<vmem_shared>>)
        tpu.yield
      }) : () -> ()
      %add3A_407 = arith.constant 9000 : i32
      %add3A_408 = arith.addi %mul3A_291, %add3A_407 : i32
      %run_scoped3A_409 = arith.constant 0 : i32
      "tpu.region"() ({
        %run_scoped3A_422 = tpu.sem_alloc : memref<!tpu.dma_semaphore, #tpu.memory_space<semaphore_mem>>
        %dma_start3A_423 = tpu.memref_slice %arg3[%run_scoped3A_409, %add3A_408] : memref<2x320000xi32, #tpu.memory_space<hbm>> -> memref<1x1000xi32, #tpu.memory_space<hbm>>
        %dma_start3A_424 = tpu.memref_squeeze %dma_start3A_423 : memref<1x1000xi32, #tpu.memory_space<hbm>> -> memref<1000xi32, #tpu.memory_space<hbm>>
        %dma_start3A_425 = tpu.memref_slice %arg3[%run_scoped3A_409, %add3A_408] : memref<2x320000xi32, #tpu.memory_space<hbm>> -> memref<1x1000xi32, #tpu.memory_space<hbm>>
        %dma_start3A_426 = tpu.memref_squeeze %dma_start3A_425 : memref<1x1000xi32, #tpu.memory_space<hbm>> -> memref<1000xi32, #tpu.memory_space<hbm>>
        tpu.enqueue_dma source(%dma_start3A_426 : memref<1000xi32, #tpu.memory_space<hbm>>) target(%arg9 : memref<1000xi32, #tpu.memory_space<vmem>>) target_semaphore(%run_scoped3A_422 : memref<!tpu.dma_semaphore, #tpu.memory_space<semaphore_mem>>)
        %dma_wait3A_427 = tpu.memref_slice %arg3[%run_scoped3A_409, %add3A_408] : memref<2x320000xi32, #tpu.memory_space<hbm>> -> memref<1x1000xi32, #tpu.memory_space<hbm>>
        %dma_wait3A_428 = tpu.memref_squeeze %dma_wait3A_427 : memref<1x1000xi32, #tpu.memory_space<hbm>> -> memref<1000xi32, #tpu.memory_space<hbm>>
        %dma_wait3A_429 = tpu.memref_slice %arg3[%run_scoped3A_409, %add3A_408] : memref<2x320000xi32, #tpu.memory_space<hbm>> -> memref<1x1000xi32, #tpu.memory_space<hbm>>
        %dma_wait3A_430 = tpu.memref_squeeze %dma_wait3A_429 : memref<1x1000xi32, #tpu.memory_space<hbm>> -> memref<1000xi32, #tpu.memory_space<hbm>>
        tpu.wait_dma2 semaphore(%run_scoped3A_422 : memref<!tpu.dma_semaphore, #tpu.memory_space<semaphore_mem>>) src(%dma_wait3A_430 : memref<1000xi32, #tpu.memory_space<hbm>>) dst(%arg9 : memref<1000xi32, #tpu.memory_space<vmem>>)
        tpu.yield
      }) : () -> ()
      %add3A_410 = arith.constant 9000 : i32
      %add3A_411 = arith.addi %mul3A_291, %add3A_410 : i32
      %run_scoped3A_412 = arith.constant 1 : i32
      "tpu.region"() ({
        %run_scoped3A_422 = tpu.sem_alloc : memref<!tpu.dma_semaphore, #tpu.memory_space<semaphore_mem>>
        %dma_start3A_423 = tpu.memref_slice %arg3[%run_scoped3A_412, %add3A_411] : memref<2x320000xi32, #tpu.memory_space<hbm>> -> memref<1x1000xi32, #tpu.memory_space<hbm>>
        %dma_start3A_424 = tpu.memref_squeeze %dma_start3A_423 : memref<1x1000xi32, #tpu.memory_space<hbm>> -> memref<1000xi32, #tpu.memory_space<hbm>>
        %dma_start3A_425 = tpu.memref_slice %arg3[%run_scoped3A_412, %add3A_411] : memref<2x320000xi32, #tpu.memory_space<hbm>> -> memref<1x1000xi32, #tpu.memory_space<hbm>>
        %dma_start3A_426 = tpu.memref_squeeze %dma_start3A_425 : memref<1x1000xi32, #tpu.memory_space<hbm>> -> memref<1000xi32, #tpu.memory_space<hbm>>
        tpu.enqueue_dma source(%dma_start3A_426 : memref<1000xi32, #tpu.memory_space<hbm>>) target(%arg11 : memref<1000xi32, #tpu.memory_space<vmem>>) target_semaphore(%run_scoped3A_422 : memref<!tpu.dma_semaphore, #tpu.memory_space<semaphore_mem>>)
        %dma_wait3A_427 = tpu.memref_slice %arg3[%run_scoped3A_412, %add3A_411] : memref<2x320000xi32, #tpu.memory_space<hbm>> -> memref<1x1000xi32, #tpu.memory_space<hbm>>
        %dma_wait3A_428 = tpu.memref_squeeze %dma_wait3A_427 : memref<1x1000xi32, #tpu.memory_space<hbm>> -> memref<1000xi32, #tpu.memory_space<hbm>>
        %dma_wait3A_429 = tpu.memref_slice %arg3[%run_scoped3A_412, %add3A_411] : memref<2x320000xi32, #tpu.memory_space<hbm>> -> memref<1x1000xi32, #tpu.memory_space<hbm>>
        %dma_wait3A_430 = tpu.memref_squeeze %dma_wait3A_429 : memref<1x1000xi32, #tpu.memory_space<hbm>> -> memref<1000xi32, #tpu.memory_space<hbm>>
        tpu.wait_dma2 semaphore(%run_scoped3A_422 : memref<!tpu.dma_semaphore, #tpu.memory_space<semaphore_mem>>) src(%dma_wait3A_430 : memref<1000xi32, #tpu.memory_space<hbm>>) dst(%arg11 : memref<1000xi32, #tpu.memory_space<vmem>>)
        tpu.yield
      }) : () -> ()
      %dma_start3A_413 = arith.constant 0 : i32
      %dma_start3A_414 = arith.constant 0 : i32
      %dma_start3A_415 = tpu.memref_slice %arg6[%dma_start3A_413, %dma_start3A_414] : memref<10240x32xf32, #tpu.memory_space<hbm>> -> memref<10240x32xf32, #tpu.memory_space<hbm>>
      tpu.enqueue_indirect_dma source(%dma_start3A_415 : memref<10240x32xf32, #tpu.memory_space<hbm>>) target(%arg14 : memref<1000x32xf32, #tpu.memory_space<vmem>>) offsets(%arg9 : memref<1000xi32, #tpu.memory_space<vmem>>) semaphore(%arg22 : memref<!tpu.dma_semaphore, #tpu.memory_space<semaphore_mem>>)
      %dma_wait3A_416 = arith.constant 0 : i32
      %dma_wait3A_417 = arith.constant 0 : i32
      %dma_wait3A_418 = tpu.memref_slice %arg6[%dma_wait3A_416, %dma_wait3A_417] : memref<10240x32xf32, #tpu.memory_space<hbm>> -> memref<10240x32xf32, #tpu.memory_space<hbm>>
      tpu.wait_indirect_dma semaphore(%arg21 : memref<!tpu.dma_semaphore, #tpu.memory_space<semaphore_mem>>) src(%dma_wait3A_418 : memref<10240x32xf32, #tpu.memory_space<hbm>>) dst(%arg13 : memref<1000x32xf32, #tpu.memory_space<vmem>>)
      "tpu.region"() ({
        %run_scoped3A_422 = tpu.sem_alloc : memref<!tpu.dma_semaphore, #tpu.memory_space<semaphore_mem>>
        %dma_start3A_423 = arith.constant 0 : i32
        %dma_start3A_424 = arith.constant 0 : i32
        %dma_start3A_425 = tpu.memref_slice %arg18[%dma_start3A_423, %dma_start3A_424] : memref<10240x32xf32, #tpu.memory_space<vmem_shared>> -> memref<10240x32xf32, #tpu.memory_space<vmem_shared>>
        tpu.enqueue_indirect_dma source(%arg13 : memref<1000x32xf32, #tpu.memory_space<vmem>>) target(%dma_start3A_425 : memref<10240x32xf32, #tpu.memory_space<vmem_shared>>) offsets(%arg10 : memref<1000xi32, #tpu.memory_space<vmem>>) semaphore(%run_scoped3A_422 : memref<!tpu.dma_semaphore, #tpu.memory_space<semaphore_mem>>) {add = true}
        %dma_wait3A_426 = arith.constant 0 : i32
        %dma_wait3A_427 = arith.constant 0 : i32
        %dma_wait3A_428 = tpu.memref_slice %arg18[%dma_wait3A_426, %dma_wait3A_427] : memref<10240x32xf32, #tpu.memory_space<vmem_shared>> -> memref<10240x32xf32, #tpu.memory_space<vmem_shared>>
        tpu.wait_indirect_dma semaphore(%run_scoped3A_422 : memref<!tpu.dma_semaphore, #tpu.memory_space<semaphore_mem>>) src(%arg13 : memref<1000x32xf32, #tpu.memory_space<vmem>>) dst(%dma_wait3A_428 : memref<10240x32xf32, #tpu.memory_space<vmem_shared>>)
        tpu.yield
      }) : () -> ()
      %dma_wait3A_419 = arith.constant 0 : i32
      %dma_wait3A_420 = arith.constant 0 : i32
      %dma_wait3A_421 = tpu.memref_slice %arg6[%dma_wait3A_419, %dma_wait3A_420] : memref<10240x32xf32, #tpu.memory_space<hbm>> -> memref<10240x32xf32, #tpu.memory_space<hbm>>
      tpu.wait_indirect_dma semaphore(%arg22 : memref<!tpu.dma_semaphore, #tpu.memory_space<semaphore_mem>>) src(%dma_wait3A_421 : memref<10240x32xf32, #tpu.memory_space<hbm>>) dst(%arg14 : memref<1000x32xf32, #tpu.memory_space<vmem>>)
      "tpu.region"() ({
        %run_scoped3A_422 = tpu.sem_alloc : memref<!tpu.dma_semaphore, #tpu.memory_space<semaphore_mem>>
        %dma_start3A_423 = arith.constant 0 : i32
        %dma_start3A_424 = arith.constant 0 : i32
        %dma_start3A_425 = tpu.memref_slice %arg18[%dma_start3A_423, %dma_start3A_424] : memref<10240x32xf32, #tpu.memory_space<vmem_shared>> -> memref<10240x32xf32, #tpu.memory_space<vmem_shared>>
        tpu.enqueue_indirect_dma source(%arg14 : memref<1000x32xf32, #tpu.memory_space<vmem>>) target(%dma_start3A_425 : memref<10240x32xf32, #tpu.memory_space<vmem_shared>>) offsets(%arg11 : memref<1000xi32, #tpu.memory_space<vmem>>) semaphore(%run_scoped3A_422 : memref<!tpu.dma_semaphore, #tpu.memory_space<semaphore_mem>>) {add = true}
        %dma_wait3A_426 = arith.constant 0 : i32
        %dma_wait3A_427 = arith.constant 0 : i32
        %dma_wait3A_428 = tpu.memref_slice %arg18[%dma_wait3A_426, %dma_wait3A_427] : memref<10240x32xf32, #tpu.memory_space<vmem_shared>> -> memref<10240x32xf32, #tpu.memory_space<vmem_shared>>
        tpu.wait_indirect_dma semaphore(%run_scoped3A_422 : memref<!tpu.dma_semaphore, #tpu.memory_space<semaphore_mem>>) src(%arg14 : memref<1000x32xf32, #tpu.memory_space<vmem>>) dst(%dma_wait3A_428 : memref<10240x32xf32, #tpu.memory_space<vmem_shared>>)
        tpu.yield
      }) : () -> ()
    } else {
    }
    %barrier3A_302 = arith.constant 0 : index
    tpu.barrier barrier_id(%barrier3A_302)
    %mul3A_303 = arith.constant 640 : i32
    %mul3A_304 = arith.muli %arg1, %mul3A_303 : i32
    "tpu.region"() ({
      %run_scoped3A = tpu.sem_alloc : memref<!tpu.dma_semaphore, #tpu.memory_space<semaphore_mem>>
      %dma_start3A_307 = arith.constant 0 : i32
      %dma_start3A_308 = tpu.memref_slice %arg18[%mul3A_304, %dma_start3A_307] : memref<10240x32xf32, #tpu.memory_space<vmem_shared>> -> memref<640x32xf32, #tpu.memory_space<vmem_shared>>
      %dma_start3A_309 = arith.constant 0 : i32
      %dma_start3A_310 = tpu.memref_slice %arg18[%mul3A_304, %dma_start3A_309] : memref<10240x32xf32, #tpu.memory_space<vmem_shared>> -> memref<640x32xf32, #tpu.memory_space<vmem_shared>>
      tpu.enqueue_dma source(%dma_start3A_310 : memref<640x32xf32, #tpu.memory_space<vmem_shared>>) target(%arg16 : memref<640x32xf32, #tpu.memory_space<vmem>>) target_semaphore(%run_scoped3A : memref<!tpu.dma_semaphore, #tpu.memory_space<semaphore_mem>>)
      %dma_wait3A_311 = arith.constant 0 : i32
      %dma_wait3A_312 = tpu.memref_slice %arg18[%mul3A_304, %dma_wait3A_311] : memref<10240x32xf32, #tpu.memory_space<vmem_shared>> -> memref<640x32xf32, #tpu.memory_space<vmem_shared>>
      %dma_wait3A_313 = arith.constant 0 : i32
      %dma_wait3A_314 = tpu.memref_slice %arg18[%mul3A_304, %dma_wait3A_313] : memref<10240x32xf32, #tpu.memory_space<vmem_shared>> -> memref<640x32xf32, #tpu.memory_space<vmem_shared>>
      tpu.wait_dma2 semaphore(%run_scoped3A : memref<!tpu.dma_semaphore, #tpu.memory_space<semaphore_mem>>) src(%dma_wait3A_314 : memref<640x32xf32, #tpu.memory_space<vmem_shared>>) dst(%arg16 : memref<640x32xf32, #tpu.memory_space<vmem>>)
      tpu.yield
    }) : () -> ()
    %mul3A_305 = arith.constant 640 : i32
    %mul3A_306 = arith.muli %arg1, %mul3A_305 : i32
    "tpu.region"() ({
      %run_scoped3A = tpu.sem_alloc : memref<!tpu.dma_semaphore, #tpu.memory_space<semaphore_mem>>
      %dma_start3A_307 = arith.constant 0 : i32
      %dma_start3A_308 = tpu.memref_slice %arg4[%arg0, %mul3A_306, %dma_start3A_307] : memref<2x10240x32xf32, #tpu.memory_space<hbm>> -> memref<1x640x32xf32, #tpu.memory_space<hbm>>
      %dma_start3A_309 = tpu.memref_squeeze %dma_start3A_308 : memref<1x640x32xf32, #tpu.memory_space<hbm>> -> memref<640x32xf32, #tpu.memory_space<hbm>>
      %dma_start3A_310 = arith.constant 0 : i32
      %dma_start3A_311 = tpu.memref_slice %arg4[%arg0, %mul3A_306, %dma_start3A_310] : memref<2x10240x32xf32, #tpu.memory_space<hbm>> -> memref<1x640x32xf32, #tpu.memory_space<hbm>>
      %dma_start3A_312 = tpu.memref_squeeze %dma_start3A_311 : memref<1x640x32xf32, #tpu.memory_space<hbm>> -> memref<640x32xf32, #tpu.memory_space<hbm>>
      tpu.enqueue_dma source(%arg16 : memref<640x32xf32, #tpu.memory_space<vmem>>) target(%dma_start3A_312 : memref<640x32xf32, #tpu.memory_space<hbm>>) target_semaphore(%run_scoped3A : memref<!tpu.dma_semaphore, #tpu.memory_space<semaphore_mem>>)
      %dma_wait3A_313 = arith.constant 0 : i32
      %dma_wait3A_314 = tpu.memref_slice %arg4[%arg0, %mul3A_306, %dma_wait3A_313] : memref<2x10240x32xf32, #tpu.memory_space<hbm>> -> memref<1x640x32xf32, #tpu.memory_space<hbm>>
      %dma_wait3A_315 = tpu.memref_squeeze %dma_wait3A_314 : memref<1x640x32xf32, #tpu.memory_space<hbm>> -> memref<640x32xf32, #tpu.memory_space<hbm>>
      %dma_wait3A_316 = arith.constant 0 : i32
      %dma_wait3A_317 = tpu.memref_slice %arg4[%arg0, %mul3A_306, %dma_wait3A_316] : memref<2x10240x32xf32, #tpu.memory_space<hbm>> -> memref<1x640x32xf32, #tpu.memory_space<hbm>>
      %dma_wait3A_318 = tpu.memref_squeeze %dma_wait3A_317 : memref<1x640x32xf32, #tpu.memory_space<hbm>> -> memref<640x32xf32, #tpu.memory_space<hbm>>
      tpu.wait_dma2 semaphore(%run_scoped3A : memref<!tpu.dma_semaphore, #tpu.memory_space<semaphore_mem>>) src(%arg16 : memref<640x32xf32, #tpu.memory_space<vmem>>) dst(%dma_wait3A_318 : memref<640x32xf32, #tpu.memory_space<hbm>>)
      tpu.yield
    }) : () -> ()
    return
  }
}

#map = affine_map<(d0, d1) -> (0)>
#map1 = affine_map<(d0, d1) -> (0, 0)>
module attributes {stable_mosaic.version = 14 : i64} {
  func.func @_edgeout_sc(%arg0: i32, %arg1: i32, %arg2: memref<10240xf32, #tpu.memory_space<hbm>>, %arg3: memref<10240xf32, #tpu.memory_space<hbm>>, %arg4: memref<320000xf32, #tpu.memory_space<hbm>>, %arg5: memref<2x320000xi32, #tpu.memory_space<hbm>>, %arg6: memref<320000xf32, #tpu.memory_space<hbm>>, %arg7: memref<10240xf32, #tpu.memory_space<vmem>>, %arg8: memref<10240xf32, #tpu.memory_space<vmem>>, %arg9: memref<2000xi32, #tpu.memory_space<vmem>>, %arg10: memref<2000xi32, #tpu.memory_space<vmem>>, %arg11: memref<2000xi32, #tpu.memory_space<vmem>>, %arg12: memref<2000xi32, #tpu.memory_space<vmem>>, %arg13: memref<2000xf32, #tpu.memory_space<vmem>>, %arg14: memref<2000xf32, #tpu.memory_space<vmem>>, %arg15: memref<2000xf32, #tpu.memory_space<vmem>>, %arg16: memref<2000xf32, #tpu.memory_space<vmem>>, %arg17: memref<!tpu.dma_semaphore, #tpu.memory_space<semaphore_mem>>, %arg18: memref<!tpu.dma_semaphore, #tpu.memory_space<semaphore_mem>>, %arg19: memref<!tpu.dma_semaphore, #tpu.memory_space<semaphore_mem>>, %arg20: memref<!tpu.dma_semaphore, #tpu.memory_space<semaphore_mem>>, %arg21: memref<!tpu.dma_semaphore, #tpu.memory_space<semaphore_mem>>, %arg22: memref<!tpu.dma_semaphore, #tpu.memory_space<semaphore_mem>>, %arg23: memref<!tpu.dma_semaphore, #tpu.memory_space<semaphore_mem>>, %arg24: memref<!tpu.dma_semaphore, #tpu.memory_space<semaphore_mem>>, %arg25: memref<!tpu.dma_semaphore, #tpu.memory_space<semaphore_mem>>, %arg26: memref<!tpu.dma_semaphore, #tpu.memory_space<semaphore_mem>>) attributes {dimension_semantics = [#tpu.dimension_semantics<core_parallel>, #tpu.dimension_semantics<subcore_parallel>], iteration_bounds = array<i64: 2, 16>, scalar_prefetch = 0 : i64, scratch_operands = 20 : i64, tpu.core_type = #tpu.core_type<sc_vector_subcore>, window_params = [{transform_indices = #map}, {transform_indices = #map}, {transform_indices = #map}, {transform_indices = #map1}, {transform_indices = #map}]} {
    %mul3A = arith.constant 2 : i32
    %mul3A_0 = arith.muli %arg1, %mul3A : i32
    %add3A = arith.addi %mul3A_0, %arg0 : i32
    tpu.enqueue_dma source(%arg2 : memref<10240xf32, #tpu.memory_space<hbm>>) target(%arg7 : memref<10240xf32, #tpu.memory_space<vmem>>) target_semaphore(%arg17 : memref<!tpu.dma_semaphore, #tpu.memory_space<semaphore_mem>>)
    tpu.enqueue_dma source(%arg3 : memref<10240xf32, #tpu.memory_space<hbm>>) target(%arg8 : memref<10240xf32, #tpu.memory_space<vmem>>) target_semaphore(%arg18 : memref<!tpu.dma_semaphore, #tpu.memory_space<semaphore_mem>>)
    %mul3A_1 = arith.constant 10000 : i32
    %mul3A_2 = arith.muli %add3A, %mul3A_1 : i32
    %add3A_3 = arith.constant 0 : i32
    %add3A_4 = arith.addi %mul3A_2, %add3A_3 : i32
    %dma_start3A = arith.constant 0 : i32
    %dma_start3A_5 = tpu.memref_slice %arg5[%dma_start3A, %add3A_4] : memref<2x320000xi32, #tpu.memory_space<hbm>> -> memref<1x2000xi32, #tpu.memory_space<hbm>>
    %dma_start3A_6 = tpu.memref_squeeze %dma_start3A_5 : memref<1x2000xi32, #tpu.memory_space<hbm>> -> memref<2000xi32, #tpu.memory_space<hbm>>
    %dma_start3A_7 = tpu.memref_slice %arg5[%dma_start3A, %add3A_4] : memref<2x320000xi32, #tpu.memory_space<hbm>> -> memref<1x2000xi32, #tpu.memory_space<hbm>>
    %dma_start3A_8 = tpu.memref_squeeze %dma_start3A_7 : memref<1x2000xi32, #tpu.memory_space<hbm>> -> memref<2000xi32, #tpu.memory_space<hbm>>
    tpu.enqueue_dma source(%dma_start3A_8 : memref<2000xi32, #tpu.memory_space<hbm>>) target(%arg9 : memref<2000xi32, #tpu.memory_space<vmem>>) target_semaphore(%arg19 : memref<!tpu.dma_semaphore, #tpu.memory_space<semaphore_mem>>)
    %dma_start3A_9 = arith.constant 1 : i32
    %dma_start3A_10 = tpu.memref_slice %arg5[%dma_start3A_9, %add3A_4] : memref<2x320000xi32, #tpu.memory_space<hbm>> -> memref<1x2000xi32, #tpu.memory_space<hbm>>
    %dma_start3A_11 = tpu.memref_squeeze %dma_start3A_10 : memref<1x2000xi32, #tpu.memory_space<hbm>> -> memref<2000xi32, #tpu.memory_space<hbm>>
    %dma_start3A_12 = tpu.memref_slice %arg5[%dma_start3A_9, %add3A_4] : memref<2x320000xi32, #tpu.memory_space<hbm>> -> memref<1x2000xi32, #tpu.memory_space<hbm>>
    %dma_start3A_13 = tpu.memref_squeeze %dma_start3A_12 : memref<1x2000xi32, #tpu.memory_space<hbm>> -> memref<2000xi32, #tpu.memory_space<hbm>>
    tpu.enqueue_dma source(%dma_start3A_13 : memref<2000xi32, #tpu.memory_space<hbm>>) target(%arg11 : memref<2000xi32, #tpu.memory_space<vmem>>) target_semaphore(%arg21 : memref<!tpu.dma_semaphore, #tpu.memory_space<semaphore_mem>>)
    %dma_start3A_14 = tpu.memref_slice %arg4[%add3A_4] : memref<320000xf32, #tpu.memory_space<hbm>> -> memref<2000xf32, #tpu.memory_space<hbm>>
    %dma_start3A_15 = tpu.memref_slice %arg4[%add3A_4] : memref<320000xf32, #tpu.memory_space<hbm>> -> memref<2000xf32, #tpu.memory_space<hbm>>
    tpu.enqueue_dma source(%dma_start3A_15 : memref<2000xf32, #tpu.memory_space<hbm>>) target(%arg13 : memref<2000xf32, #tpu.memory_space<vmem>>) target_semaphore(%arg23 : memref<!tpu.dma_semaphore, #tpu.memory_space<semaphore_mem>>)
    tpu.wait_dma2 semaphore(%arg17 : memref<!tpu.dma_semaphore, #tpu.memory_space<semaphore_mem>>) src(%arg2 : memref<10240xf32, #tpu.memory_space<hbm>>) dst(%arg7 : memref<10240xf32, #tpu.memory_space<vmem>>)
    tpu.wait_dma2 semaphore(%arg18 : memref<!tpu.dma_semaphore, #tpu.memory_space<semaphore_mem>>) src(%arg3 : memref<10240xf32, #tpu.memory_space<hbm>>) dst(%arg8 : memref<10240xf32, #tpu.memory_space<vmem>>)
    %mul3A_16 = arith.constant 10000 : i32
    %mul3A_17 = arith.muli %add3A, %mul3A_16 : i32
    %add3A_18 = arith.constant 2000 : i32
    %add3A_19 = arith.addi %mul3A_17, %add3A_18 : i32
    %dma_start3A_20 = arith.constant 0 : i32
    %dma_start3A_21 = tpu.memref_slice %arg5[%dma_start3A_20, %add3A_19] : memref<2x320000xi32, #tpu.memory_space<hbm>> -> memref<1x2000xi32, #tpu.memory_space<hbm>>
    %dma_start3A_22 = tpu.memref_squeeze %dma_start3A_21 : memref<1x2000xi32, #tpu.memory_space<hbm>> -> memref<2000xi32, #tpu.memory_space<hbm>>
    %dma_start3A_23 = tpu.memref_slice %arg5[%dma_start3A_20, %add3A_19] : memref<2x320000xi32, #tpu.memory_space<hbm>> -> memref<1x2000xi32, #tpu.memory_space<hbm>>
    %dma_start3A_24 = tpu.memref_squeeze %dma_start3A_23 : memref<1x2000xi32, #tpu.memory_space<hbm>> -> memref<2000xi32, #tpu.memory_space<hbm>>
    tpu.enqueue_dma source(%dma_start3A_24 : memref<2000xi32, #tpu.memory_space<hbm>>) target(%arg10 : memref<2000xi32, #tpu.memory_space<vmem>>) target_semaphore(%arg20 : memref<!tpu.dma_semaphore, #tpu.memory_space<semaphore_mem>>)
    %dma_start3A_25 = arith.constant 1 : i32
    %dma_start3A_26 = tpu.memref_slice %arg5[%dma_start3A_25, %add3A_19] : memref<2x320000xi32, #tpu.memory_space<hbm>> -> memref<1x2000xi32, #tpu.memory_space<hbm>>
    %dma_start3A_27 = tpu.memref_squeeze %dma_start3A_26 : memref<1x2000xi32, #tpu.memory_space<hbm>> -> memref<2000xi32, #tpu.memory_space<hbm>>
    %dma_start3A_28 = tpu.memref_slice %arg5[%dma_start3A_25, %add3A_19] : memref<2x320000xi32, #tpu.memory_space<hbm>> -> memref<1x2000xi32, #tpu.memory_space<hbm>>
    %dma_start3A_29 = tpu.memref_squeeze %dma_start3A_28 : memref<1x2000xi32, #tpu.memory_space<hbm>> -> memref<2000xi32, #tpu.memory_space<hbm>>
    tpu.enqueue_dma source(%dma_start3A_29 : memref<2000xi32, #tpu.memory_space<hbm>>) target(%arg12 : memref<2000xi32, #tpu.memory_space<vmem>>) target_semaphore(%arg22 : memref<!tpu.dma_semaphore, #tpu.memory_space<semaphore_mem>>)
    %dma_start3A_30 = tpu.memref_slice %arg4[%add3A_19] : memref<320000xf32, #tpu.memory_space<hbm>> -> memref<2000xf32, #tpu.memory_space<hbm>>
    %dma_start3A_31 = tpu.memref_slice %arg4[%add3A_19] : memref<320000xf32, #tpu.memory_space<hbm>> -> memref<2000xf32, #tpu.memory_space<hbm>>
    tpu.enqueue_dma source(%dma_start3A_31 : memref<2000xf32, #tpu.memory_space<hbm>>) target(%arg14 : memref<2000xf32, #tpu.memory_space<vmem>>) target_semaphore(%arg24 : memref<!tpu.dma_semaphore, #tpu.memory_space<semaphore_mem>>)
    %dma_wait3A = arith.constant 0 : i32
    %dma_wait3A_32 = tpu.memref_slice %arg5[%dma_wait3A, %add3A_4] : memref<2x320000xi32, #tpu.memory_space<hbm>> -> memref<1x2000xi32, #tpu.memory_space<hbm>>
    %dma_wait3A_33 = tpu.memref_squeeze %dma_wait3A_32 : memref<1x2000xi32, #tpu.memory_space<hbm>> -> memref<2000xi32, #tpu.memory_space<hbm>>
    %dma_wait3A_34 = tpu.memref_slice %arg5[%dma_wait3A, %add3A_4] : memref<2x320000xi32, #tpu.memory_space<hbm>> -> memref<1x2000xi32, #tpu.memory_space<hbm>>
    %dma_wait3A_35 = tpu.memref_squeeze %dma_wait3A_34 : memref<1x2000xi32, #tpu.memory_space<hbm>> -> memref<2000xi32, #tpu.memory_space<hbm>>
    tpu.wait_dma2 semaphore(%arg19 : memref<!tpu.dma_semaphore, #tpu.memory_space<semaphore_mem>>) src(%dma_wait3A_35 : memref<2000xi32, #tpu.memory_space<hbm>>) dst(%arg9 : memref<2000xi32, #tpu.memory_space<vmem>>)
    %dma_wait3A_36 = arith.constant 1 : i32
    %dma_wait3A_37 = tpu.memref_slice %arg5[%dma_wait3A_36, %add3A_4] : memref<2x320000xi32, #tpu.memory_space<hbm>> -> memref<1x2000xi32, #tpu.memory_space<hbm>>
    %dma_wait3A_38 = tpu.memref_squeeze %dma_wait3A_37 : memref<1x2000xi32, #tpu.memory_space<hbm>> -> memref<2000xi32, #tpu.memory_space<hbm>>
    %dma_wait3A_39 = tpu.memref_slice %arg5[%dma_wait3A_36, %add3A_4] : memref<2x320000xi32, #tpu.memory_space<hbm>> -> memref<1x2000xi32, #tpu.memory_space<hbm>>
    %dma_wait3A_40 = tpu.memref_squeeze %dma_wait3A_39 : memref<1x2000xi32, #tpu.memory_space<hbm>> -> memref<2000xi32, #tpu.memory_space<hbm>>
    tpu.wait_dma2 semaphore(%arg21 : memref<!tpu.dma_semaphore, #tpu.memory_space<semaphore_mem>>) src(%dma_wait3A_40 : memref<2000xi32, #tpu.memory_space<hbm>>) dst(%arg11 : memref<2000xi32, #tpu.memory_space<vmem>>)
    %dma_wait3A_41 = tpu.memref_slice %arg4[%add3A_4] : memref<320000xf32, #tpu.memory_space<hbm>> -> memref<2000xf32, #tpu.memory_space<hbm>>
    %dma_wait3A_42 = tpu.memref_slice %arg4[%add3A_4] : memref<320000xf32, #tpu.memory_space<hbm>> -> memref<2000xf32, #tpu.memory_space<hbm>>
    tpu.wait_dma2 semaphore(%arg23 : memref<!tpu.dma_semaphore, #tpu.memory_space<semaphore_mem>>) src(%dma_wait3A_42 : memref<2000xf32, #tpu.memory_space<hbm>>) dst(%arg13 : memref<2000xf32, #tpu.memory_space<vmem>>)
    %scan3A = arith.constant 0 : i32
    %scan3A_43 = arith.constant 0 : i32
    %scan3A_44 = arith.constant 125 : i32
    %scan3A_45 = arith.addi %scan3A_43, %scan3A_44 : i32
    %scan3A_46 = arith.constant 1 : i32
    scf.for %scan3A_208 = %scan3A_43 to %scan3A_45 step %scan3A_46  : i32 {
      %mul3A_209 = arith.constant 16 : i32
      %mul3A_210 = arith.muli %scan3A_208, %mul3A_209 : i32
      %get3A = arith.index_cast %mul3A_210 : i32 to index
      %get3A_211 = tpu.vector_load %arg9[%get3A] {strides = array<i32>} : memref<2000xi32, #tpu.memory_space<vmem>>, vector<16xi32>,
      %mul3A_212 = arith.constant 16 : i32
      %mul3A_213 = arith.muli %scan3A_208, %mul3A_212 : i32
      %get3A_214 = arith.index_cast %mul3A_213 : i32 to index
      %get3A_215 = tpu.vector_load %arg11[%get3A_214] {strides = array<i32>} : memref<2000xi32, #tpu.memory_space<vmem>>, vector<16xi32>,
      %gather3A = tpu.vector_load_idx %arg7[%get3A_211] : memref<10240xf32, #tpu.memory_space<vmem>>[vector<16xi32>], vector<16xf32>,
      %gather3A_216 = tpu.vector_load_idx %arg8[%get3A_215] : memref<10240xf32, #tpu.memory_space<vmem>>[vector<16xi32>], vector<16xf32>,
      %add3A_217 = arith.addf %gather3A, %gather3A_216 : vector<16xf32>
      %mul3A_218 = arith.constant 16 : i32
      %mul3A_219 = arith.muli %scan3A_208, %mul3A_218 : i32
      %get3A_220 = arith.index_cast %mul3A_219 : i32 to index
      %get3A_221 = tpu.vector_load %arg13[%get3A_220] {strides = array<i32>} : memref<2000xf32, #tpu.memory_space<vmem>>, vector<16xf32>,
      %add3A_222 = arith.addf %add3A_217, %get3A_221 : vector<16xf32>
      %mul3A_223 = arith.constant 16 : i32
      %mul3A_224 = arith.muli %scan3A_208, %mul3A_223 : i32
      %swap3A = arith.index_cast %mul3A_224 : i32 to index
      %swap3A_225 = tpu.vector_load %arg15[%swap3A] {strides = array<i32>} : memref<2000xf32, #tpu.memory_space<vmem>>, vector<16xf32>,
      tpu.vector_store %arg15[%swap3A], %add3A_222 {strides = array<i32>} : memref<2000xf32, #tpu.memory_space<vmem>>, vector<16xf32>,
    }
    %scan3A_47 = arith.constant 125 : i32
    %mul3A_48 = arith.constant 10000 : i32
    %mul3A_49 = arith.muli %add3A, %mul3A_48 : i32
    %add3A_50 = arith.constant 0 : i32
    %add3A_51 = arith.addi %mul3A_49, %add3A_50 : i32
    %dma_start3A_52 = tpu.memref_slice %arg6[%add3A_51] : memref<320000xf32, #tpu.memory_space<hbm>> -> memref<2000xf32, #tpu.memory_space<hbm>>
    %dma_start3A_53 = tpu.memref_slice %arg6[%add3A_51] : memref<320000xf32, #tpu.memory_space<hbm>> -> memref<2000xf32, #tpu.memory_space<hbm>>
    tpu.enqueue_dma source(%arg15 : memref<2000xf32, #tpu.memory_space<vmem>>) target(%dma_start3A_53 : memref<2000xf32, #tpu.memory_space<hbm>>) target_semaphore(%arg25 : memref<!tpu.dma_semaphore, #tpu.memory_space<semaphore_mem>>)
    %mul3A_54 = arith.constant 10000 : i32
    %mul3A_55 = arith.muli %add3A, %mul3A_54 : i32
    %add3A_56 = arith.constant 4000 : i32
    %add3A_57 = arith.addi %mul3A_55, %add3A_56 : i32
    %dma_start3A_58 = arith.constant 0 : i32
    %dma_start3A_59 = tpu.memref_slice %arg5[%dma_start3A_58, %add3A_57] : memref<2x320000xi32, #tpu.memory_space<hbm>> -> memref<1x2000xi32, #tpu.memory_space<hbm>>
    %dma_start3A_60 = tpu.memref_squeeze %dma_start3A_59 : memref<1x2000xi32, #tpu.memory_space<hbm>> -> memref<2000xi32, #tpu.memory_space<hbm>>
    %dma_start3A_61 = tpu.memref_slice %arg5[%dma_start3A_58, %add3A_57] : memref<2x320000xi32, #tpu.memory_space<hbm>> -> memref<1x2000xi32, #tpu.memory_space<hbm>>
    %dma_start3A_62 = tpu.memref_squeeze %dma_start3A_61 : memref<1x2000xi32, #tpu.memory_space<hbm>> -> memref<2000xi32, #tpu.memory_space<hbm>>
    tpu.enqueue_dma source(%dma_start3A_62 : memref<2000xi32, #tpu.memory_space<hbm>>) target(%arg9 : memref<2000xi32, #tpu.memory_space<vmem>>) target_semaphore(%arg19 : memref<!tpu.dma_semaphore, #tpu.memory_space<semaphore_mem>>)
    %dma_start3A_63 = arith.constant 1 : i32
    %dma_start3A_64 = tpu.memref_slice %arg5[%dma_start3A_63, %add3A_57] : memref<2x320000xi32, #tpu.memory_space<hbm>> -> memref<1x2000xi32, #tpu.memory_space<hbm>>
    %dma_start3A_65 = tpu.memref_squeeze %dma_start3A_64 : memref<1x2000xi32, #tpu.memory_space<hbm>> -> memref<2000xi32, #tpu.memory_space<hbm>>
    %dma_start3A_66 = tpu.memref_slice %arg5[%dma_start3A_63, %add3A_57] : memref<2x320000xi32, #tpu.memory_space<hbm>> -> memref<1x2000xi32, #tpu.memory_space<hbm>>
    %dma_start3A_67 = tpu.memref_squeeze %dma_start3A_66 : memref<1x2000xi32, #tpu.memory_space<hbm>> -> memref<2000xi32, #tpu.memory_space<hbm>>
    tpu.enqueue_dma source(%dma_start3A_67 : memref<2000xi32, #tpu.memory_space<hbm>>) target(%arg11 : memref<2000xi32, #tpu.memory_space<vmem>>) target_semaphore(%arg21 : memref<!tpu.dma_semaphore, #tpu.memory_space<semaphore_mem>>)
    %dma_start3A_68 = tpu.memref_slice %arg4[%add3A_57] : memref<320000xf32, #tpu.memory_space<hbm>> -> memref<2000xf32, #tpu.memory_space<hbm>>
    %dma_start3A_69 = tpu.memref_slice %arg4[%add3A_57] : memref<320000xf32, #tpu.memory_space<hbm>> -> memref<2000xf32, #tpu.memory_space<hbm>>
    tpu.enqueue_dma source(%dma_start3A_69 : memref<2000xf32, #tpu.memory_space<hbm>>) target(%arg13 : memref<2000xf32, #tpu.memory_space<vmem>>) target_semaphore(%arg23 : memref<!tpu.dma_semaphore, #tpu.memory_space<semaphore_mem>>)
    %dma_wait3A_70 = arith.constant 0 : i32
    %dma_wait3A_71 = tpu.memref_slice %arg5[%dma_wait3A_70, %add3A_19] : memref<2x320000xi32, #tpu.memory_space<hbm>> -> memref<1x2000xi32, #tpu.memory_space<hbm>>
    %dma_wait3A_72 = tpu.memref_squeeze %dma_wait3A_71 : memref<1x2000xi32, #tpu.memory_space<hbm>> -> memref<2000xi32, #tpu.memory_space<hbm>>
    %dma_wait3A_73 = tpu.memref_slice %arg5[%dma_wait3A_70, %add3A_19] : memref<2x320000xi32, #tpu.memory_space<hbm>> -> memref<1x2000xi32, #tpu.memory_space<hbm>>
    %dma_wait3A_74 = tpu.memref_squeeze %dma_wait3A_73 : memref<1x2000xi32, #tpu.memory_space<hbm>> -> memref<2000xi32, #tpu.memory_space<hbm>>
    tpu.wait_dma2 semaphore(%arg20 : memref<!tpu.dma_semaphore, #tpu.memory_space<semaphore_mem>>) src(%dma_wait3A_74 : memref<2000xi32, #tpu.memory_space<hbm>>) dst(%arg10 : memref<2000xi32, #tpu.memory_space<vmem>>)
    %dma_wait3A_75 = arith.constant 1 : i32
    %dma_wait3A_76 = tpu.memref_slice %arg5[%dma_wait3A_75, %add3A_19] : memref<2x320000xi32, #tpu.memory_space<hbm>> -> memref<1x2000xi32, #tpu.memory_space<hbm>>
    %dma_wait3A_77 = tpu.memref_squeeze %dma_wait3A_76 : memref<1x2000xi32, #tpu.memory_space<hbm>> -> memref<2000xi32, #tpu.memory_space<hbm>>
    %dma_wait3A_78 = tpu.memref_slice %arg5[%dma_wait3A_75, %add3A_19] : memref<2x320000xi32, #tpu.memory_space<hbm>> -> memref<1x2000xi32, #tpu.memory_space<hbm>>
    %dma_wait3A_79 = tpu.memref_squeeze %dma_wait3A_78 : memref<1x2000xi32, #tpu.memory_space<hbm>> -> memref<2000xi32, #tpu.memory_space<hbm>>
    tpu.wait_dma2 semaphore(%arg22 : memref<!tpu.dma_semaphore, #tpu.memory_space<semaphore_mem>>) src(%dma_wait3A_79 : memref<2000xi32, #tpu.memory_space<hbm>>) dst(%arg12 : memref<2000xi32, #tpu.memory_space<vmem>>)
    %dma_wait3A_80 = tpu.memref_slice %arg4[%add3A_19] : memref<320000xf32, #tpu.memory_space<hbm>> -> memref<2000xf32, #tpu.memory_space<hbm>>
    %dma_wait3A_81 = tpu.memref_slice %arg4[%add3A_19] : memref<320000xf32, #tpu.memory_space<hbm>> -> memref<2000xf32, #tpu.memory_space<hbm>>
    tpu.wait_dma2 semaphore(%arg24 : memref<!tpu.dma_semaphore, #tpu.memory_space<semaphore_mem>>) src(%dma_wait3A_81 : memref<2000xf32, #tpu.memory_space<hbm>>) dst(%arg14 : memref<2000xf32, #tpu.memory_space<vmem>>)
    %scan3A_82 = arith.constant 0 : i32
    %scan3A_83 = arith.constant 0 : i32
    %scan3A_84 = arith.constant 125 : i32
    %scan3A_85 = arith.addi %scan3A_83, %scan3A_84 : i32
    %scan3A_86 = arith.constant 1 : i32
    scf.for %scan3A_208 = %scan3A_83 to %scan3A_85 step %scan3A_86  : i32 {
      %mul3A_209 = arith.constant 16 : i32
      %mul3A_210 = arith.muli %scan3A_208, %mul3A_209 : i32
      %get3A = arith.index_cast %mul3A_210 : i32 to index
      %get3A_211 = tpu.vector_load %arg10[%get3A] {strides = array<i32>} : memref<2000xi32, #tpu.memory_space<vmem>>, vector<16xi32>,
      %mul3A_212 = arith.constant 16 : i32
      %mul3A_213 = arith.muli %scan3A_208, %mul3A_212 : i32
      %get3A_214 = arith.index_cast %mul3A_213 : i32 to index
      %get3A_215 = tpu.vector_load %arg12[%get3A_214] {strides = array<i32>} : memref<2000xi32, #tpu.memory_space<vmem>>, vector<16xi32>,
      %gather3A = tpu.vector_load_idx %arg7[%get3A_211] : memref<10240xf32, #tpu.memory_space<vmem>>[vector<16xi32>], vector<16xf32>,
      %gather3A_216 = tpu.vector_load_idx %arg8[%get3A_215] : memref<10240xf32, #tpu.memory_space<vmem>>[vector<16xi32>], vector<16xf32>,
      %add3A_217 = arith.addf %gather3A, %gather3A_216 : vector<16xf32>
      %mul3A_218 = arith.constant 16 : i32
      %mul3A_219 = arith.muli %scan3A_208, %mul3A_218 : i32
      %get3A_220 = arith.index_cast %mul3A_219 : i32 to index
      %get3A_221 = tpu.vector_load %arg14[%get3A_220] {strides = array<i32>} : memref<2000xf32, #tpu.memory_space<vmem>>, vector<16xf32>,
      %add3A_222 = arith.addf %add3A_217, %get3A_221 : vector<16xf32>
      %mul3A_223 = arith.constant 16 : i32
      %mul3A_224 = arith.muli %scan3A_208, %mul3A_223 : i32
      %swap3A = arith.index_cast %mul3A_224 : i32 to index
      %swap3A_225 = tpu.vector_load %arg16[%swap3A] {strides = array<i32>} : memref<2000xf32, #tpu.memory_space<vmem>>, vector<16xf32>,
      tpu.vector_store %arg16[%swap3A], %add3A_222 {strides = array<i32>} : memref<2000xf32, #tpu.memory_space<vmem>>, vector<16xf32>,
    }
    %scan3A_87 = arith.constant 125 : i32
    %mul3A_88 = arith.constant 10000 : i32
    %mul3A_89 = arith.muli %add3A, %mul3A_88 : i32
    %add3A_90 = arith.constant 2000 : i32
    %add3A_91 = arith.addi %mul3A_89, %add3A_90 : i32
    %dma_start3A_92 = tpu.memref_slice %arg6[%add3A_91] : memref<320000xf32, #tpu.memory_space<hbm>> -> memref<2000xf32, #tpu.memory_space<hbm>>
    %dma_start3A_93 = tpu.memref_slice %arg6[%add3A_91] : memref<320000xf32, #tpu.memory_space<hbm>> -> memref<2000xf32, #tpu.memory_space<hbm>>
    tpu.enqueue_dma source(%arg16 : memref<2000xf32, #tpu.memory_space<vmem>>) target(%dma_start3A_93 : memref<2000xf32, #tpu.memory_space<hbm>>) target_semaphore(%arg26 : memref<!tpu.dma_semaphore, #tpu.memory_space<semaphore_mem>>)
    %mul3A_94 = arith.constant 10000 : i32
    %mul3A_95 = arith.muli %add3A, %mul3A_94 : i32
    %add3A_96 = arith.constant 6000 : i32
    %add3A_97 = arith.addi %mul3A_95, %add3A_96 : i32
    %dma_start3A_98 = arith.constant 0 : i32
    %dma_start3A_99 = tpu.memref_slice %arg5[%dma_start3A_98, %add3A_97] : memref<2x320000xi32, #tpu.memory_space<hbm>> -> memref<1x2000xi32, #tpu.memory_space<hbm>>
    %dma_start3A_100 = tpu.memref_squeeze %dma_start3A_99 : memref<1x2000xi32, #tpu.memory_space<hbm>> -> memref<2000xi32, #tpu.memory_space<hbm>>
    %dma_start3A_101 = tpu.memref_slice %arg5[%dma_start3A_98, %add3A_97] : memref<2x320000xi32, #tpu.memory_space<hbm>> -> memref<1x2000xi32, #tpu.memory_space<hbm>>
    %dma_start3A_102 = tpu.memref_squeeze %dma_start3A_101 : memref<1x2000xi32, #tpu.memory_space<hbm>> -> memref<2000xi32, #tpu.memory_space<hbm>>
    tpu.enqueue_dma source(%dma_start3A_102 : memref<2000xi32, #tpu.memory_space<hbm>>) target(%arg10 : memref<2000xi32, #tpu.memory_space<vmem>>) target_semaphore(%arg20 : memref<!tpu.dma_semaphore, #tpu.memory_space<semaphore_mem>>)
    %dma_start3A_103 = arith.constant 1 : i32
    %dma_start3A_104 = tpu.memref_slice %arg5[%dma_start3A_103, %add3A_97] : memref<2x320000xi32, #tpu.memory_space<hbm>> -> memref<1x2000xi32, #tpu.memory_space<hbm>>
    %dma_start3A_105 = tpu.memref_squeeze %dma_start3A_104 : memref<1x2000xi32, #tpu.memory_space<hbm>> -> memref<2000xi32, #tpu.memory_space<hbm>>
    %dma_start3A_106 = tpu.memref_slice %arg5[%dma_start3A_103, %add3A_97] : memref<2x320000xi32, #tpu.memory_space<hbm>> -> memref<1x2000xi32, #tpu.memory_space<hbm>>
    %dma_start3A_107 = tpu.memref_squeeze %dma_start3A_106 : memref<1x2000xi32, #tpu.memory_space<hbm>> -> memref<2000xi32, #tpu.memory_space<hbm>>
    tpu.enqueue_dma source(%dma_start3A_107 : memref<2000xi32, #tpu.memory_space<hbm>>) target(%arg12 : memref<2000xi32, #tpu.memory_space<vmem>>) target_semaphore(%arg22 : memref<!tpu.dma_semaphore, #tpu.memory_space<semaphore_mem>>)
    %dma_start3A_108 = tpu.memref_slice %arg4[%add3A_97] : memref<320000xf32, #tpu.memory_space<hbm>> -> memref<2000xf32, #tpu.memory_space<hbm>>
    %dma_start3A_109 = tpu.memref_slice %arg4[%add3A_97] : memref<320000xf32, #tpu.memory_space<hbm>> -> memref<2000xf32, #tpu.memory_space<hbm>>
    tpu.enqueue_dma source(%dma_start3A_109 : memref<2000xf32, #tpu.memory_space<hbm>>) target(%arg14 : memref<2000xf32, #tpu.memory_space<vmem>>) target_semaphore(%arg24 : memref<!tpu.dma_semaphore, #tpu.memory_space<semaphore_mem>>)
    %dma_wait3A_110 = arith.constant 0 : i32
    %dma_wait3A_111 = tpu.memref_slice %arg5[%dma_wait3A_110, %add3A_57] : memref<2x320000xi32, #tpu.memory_space<hbm>> -> memref<1x2000xi32, #tpu.memory_space<hbm>>
    %dma_wait3A_112 = tpu.memref_squeeze %dma_wait3A_111 : memref<1x2000xi32, #tpu.memory_space<hbm>> -> memref<2000xi32, #tpu.memory_space<hbm>>
    %dma_wait3A_113 = tpu.memref_slice %arg5[%dma_wait3A_110, %add3A_57] : memref<2x320000xi32, #tpu.memory_space<hbm>> -> memref<1x2000xi32, #tpu.memory_space<hbm>>
    %dma_wait3A_114 = tpu.memref_squeeze %dma_wait3A_113 : memref<1x2000xi32, #tpu.memory_space<hbm>> -> memref<2000xi32, #tpu.memory_space<hbm>>
    tpu.wait_dma2 semaphore(%arg19 : memref<!tpu.dma_semaphore, #tpu.memory_space<semaphore_mem>>) src(%dma_wait3A_114 : memref<2000xi32, #tpu.memory_space<hbm>>) dst(%arg9 : memref<2000xi32, #tpu.memory_space<vmem>>)
    %dma_wait3A_115 = arith.constant 1 : i32
    %dma_wait3A_116 = tpu.memref_slice %arg5[%dma_wait3A_115, %add3A_57] : memref<2x320000xi32, #tpu.memory_space<hbm>> -> memref<1x2000xi32, #tpu.memory_space<hbm>>
    %dma_wait3A_117 = tpu.memref_squeeze %dma_wait3A_116 : memref<1x2000xi32, #tpu.memory_space<hbm>> -> memref<2000xi32, #tpu.memory_space<hbm>>
    %dma_wait3A_118 = tpu.memref_slice %arg5[%dma_wait3A_115, %add3A_57] : memref<2x320000xi32, #tpu.memory_space<hbm>> -> memref<1x2000xi32, #tpu.memory_space<hbm>>
    %dma_wait3A_119 = tpu.memref_squeeze %dma_wait3A_118 : memref<1x2000xi32, #tpu.memory_space<hbm>> -> memref<2000xi32, #tpu.memory_space<hbm>>
    tpu.wait_dma2 semaphore(%arg21 : memref<!tpu.dma_semaphore, #tpu.memory_space<semaphore_mem>>) src(%dma_wait3A_119 : memref<2000xi32, #tpu.memory_space<hbm>>) dst(%arg11 : memref<2000xi32, #tpu.memory_space<vmem>>)
    %dma_wait3A_120 = tpu.memref_slice %arg4[%add3A_57] : memref<320000xf32, #tpu.memory_space<hbm>> -> memref<2000xf32, #tpu.memory_space<hbm>>
    %dma_wait3A_121 = tpu.memref_slice %arg4[%add3A_57] : memref<320000xf32, #tpu.memory_space<hbm>> -> memref<2000xf32, #tpu.memory_space<hbm>>
    tpu.wait_dma2 semaphore(%arg23 : memref<!tpu.dma_semaphore, #tpu.memory_space<semaphore_mem>>) src(%dma_wait3A_121 : memref<2000xf32, #tpu.memory_space<hbm>>) dst(%arg13 : memref<2000xf32, #tpu.memory_space<vmem>>)
    %dma_wait3A_122 = tpu.memref_slice %arg6[%add3A_51] : memref<320000xf32, #tpu.memory_space<hbm>> -> memref<2000xf32, #tpu.memory_space<hbm>>
    %dma_wait3A_123 = tpu.memref_slice %arg6[%add3A_51] : memref<320000xf32, #tpu.memory_space<hbm>> -> memref<2000xf32, #tpu.memory_space<hbm>>
    tpu.wait_dma2 semaphore(%arg25 : memref<!tpu.dma_semaphore, #tpu.memory_space<semaphore_mem>>) src(%arg15 : memref<2000xf32, #tpu.memory_space<vmem>>) dst(%dma_wait3A_123 : memref<2000xf32, #tpu.memory_space<hbm>>)
    %scan3A_124 = arith.constant 0 : i32
    %scan3A_125 = arith.constant 0 : i32
    %scan3A_126 = arith.constant 125 : i32
    %scan3A_127 = arith.addi %scan3A_125, %scan3A_126 : i32
    %scan3A_128 = arith.constant 1 : i32
    scf.for %scan3A_208 = %scan3A_125 to %scan3A_127 step %scan3A_128  : i32 {
      %mul3A_209 = arith.constant 16 : i32
      %mul3A_210 = arith.muli %scan3A_208, %mul3A_209 : i32
      %get3A = arith.index_cast %mul3A_210 : i32 to index
      %get3A_211 = tpu.vector_load %arg9[%get3A] {strides = array<i32>} : memref<2000xi32, #tpu.memory_space<vmem>>, vector<16xi32>,
      %mul3A_212 = arith.constant 16 : i32
      %mul3A_213 = arith.muli %scan3A_208, %mul3A_212 : i32
      %get3A_214 = arith.index_cast %mul3A_213 : i32 to index
      %get3A_215 = tpu.vector_load %arg11[%get3A_214] {strides = array<i32>} : memref<2000xi32, #tpu.memory_space<vmem>>, vector<16xi32>,
      %gather3A = tpu.vector_load_idx %arg7[%get3A_211] : memref<10240xf32, #tpu.memory_space<vmem>>[vector<16xi32>], vector<16xf32>,
      %gather3A_216 = tpu.vector_load_idx %arg8[%get3A_215] : memref<10240xf32, #tpu.memory_space<vmem>>[vector<16xi32>], vector<16xf32>,
      %add3A_217 = arith.addf %gather3A, %gather3A_216 : vector<16xf32>
      %mul3A_218 = arith.constant 16 : i32
      %mul3A_219 = arith.muli %scan3A_208, %mul3A_218 : i32
      %get3A_220 = arith.index_cast %mul3A_219 : i32 to index
      %get3A_221 = tpu.vector_load %arg13[%get3A_220] {strides = array<i32>} : memref<2000xf32, #tpu.memory_space<vmem>>, vector<16xf32>,
      %add3A_222 = arith.addf %add3A_217, %get3A_221 : vector<16xf32>
      %mul3A_223 = arith.constant 16 : i32
      %mul3A_224 = arith.muli %scan3A_208, %mul3A_223 : i32
      %swap3A = arith.index_cast %mul3A_224 : i32 to index
      %swap3A_225 = tpu.vector_load %arg15[%swap3A] {strides = array<i32>} : memref<2000xf32, #tpu.memory_space<vmem>>, vector<16xf32>,
      tpu.vector_store %arg15[%swap3A], %add3A_222 {strides = array<i32>} : memref<2000xf32, #tpu.memory_space<vmem>>, vector<16xf32>,
    }
    %scan3A_129 = arith.constant 125 : i32
    %mul3A_130 = arith.constant 10000 : i32
    %mul3A_131 = arith.muli %add3A, %mul3A_130 : i32
    %add3A_132 = arith.constant 4000 : i32
    %add3A_133 = arith.addi %mul3A_131, %add3A_132 : i32
    %dma_start3A_134 = tpu.memref_slice %arg6[%add3A_133] : memref<320000xf32, #tpu.memory_space<hbm>> -> memref<2000xf32, #tpu.memory_space<hbm>>
    %dma_start3A_135 = tpu.memref_slice %arg6[%add3A_133] : memref<320000xf32, #tpu.memory_space<hbm>> -> memref<2000xf32, #tpu.memory_space<hbm>>
    tpu.enqueue_dma source(%arg15 : memref<2000xf32, #tpu.memory_space<vmem>>) target(%dma_start3A_135 : memref<2000xf32, #tpu.memory_space<hbm>>) target_semaphore(%arg25 : memref<!tpu.dma_semaphore, #tpu.memory_space<semaphore_mem>>)
    %mul3A_136 = arith.constant 10000 : i32
    %mul3A_137 = arith.muli %add3A, %mul3A_136 : i32
    %add3A_138 = arith.constant 8000 : i32
    %add3A_139 = arith.addi %mul3A_137, %add3A_138 : i32
    %dma_start3A_140 = arith.constant 0 : i32
    %dma_start3A_141 = tpu.memref_slice %arg5[%dma_start3A_140, %add3A_139] : memref<2x320000xi32, #tpu.memory_space<hbm>> -> memref<1x2000xi32, #tpu.memory_space<hbm>>
    %dma_start3A_142 = tpu.memref_squeeze %dma_start3A_141 : memref<1x2000xi32, #tpu.memory_space<hbm>> -> memref<2000xi32, #tpu.memory_space<hbm>>
    %dma_start3A_143 = tpu.memref_slice %arg5[%dma_start3A_140, %add3A_139] : memref<2x320000xi32, #tpu.memory_space<hbm>> -> memref<1x2000xi32, #tpu.memory_space<hbm>>
    %dma_start3A_144 = tpu.memref_squeeze %dma_start3A_143 : memref<1x2000xi32, #tpu.memory_space<hbm>> -> memref<2000xi32, #tpu.memory_space<hbm>>
    tpu.enqueue_dma source(%dma_start3A_144 : memref<2000xi32, #tpu.memory_space<hbm>>) target(%arg9 : memref<2000xi32, #tpu.memory_space<vmem>>) target_semaphore(%arg19 : memref<!tpu.dma_semaphore, #tpu.memory_space<semaphore_mem>>)
    %dma_start3A_145 = arith.constant 1 : i32
    %dma_start3A_146 = tpu.memref_slice %arg5[%dma_start3A_145, %add3A_139] : memref<2x320000xi32, #tpu.memory_space<hbm>> -> memref<1x2000xi32, #tpu.memory_space<hbm>>
    %dma_start3A_147 = tpu.memref_squeeze %dma_start3A_146 : memref<1x2000xi32, #tpu.memory_space<hbm>> -> memref<2000xi32, #tpu.memory_space<hbm>>
    %dma_start3A_148 = tpu.memref_slice %arg5[%dma_start3A_145, %add3A_139] : memref<2x320000xi32, #tpu.memory_space<hbm>> -> memref<1x2000xi32, #tpu.memory_space<hbm>>
    %dma_start3A_149 = tpu.memref_squeeze %dma_start3A_148 : memref<1x2000xi32, #tpu.memory_space<hbm>> -> memref<2000xi32, #tpu.memory_space<hbm>>
    tpu.enqueue_dma source(%dma_start3A_149 : memref<2000xi32, #tpu.memory_space<hbm>>) target(%arg11 : memref<2000xi32, #tpu.memory_space<vmem>>) target_semaphore(%arg21 : memref<!tpu.dma_semaphore, #tpu.memory_space<semaphore_mem>>)
    %dma_start3A_150 = tpu.memref_slice %arg4[%add3A_139] : memref<320000xf32, #tpu.memory_space<hbm>> -> memref<2000xf32, #tpu.memory_space<hbm>>
    %dma_start3A_151 = tpu.memref_slice %arg4[%add3A_139] : memref<320000xf32, #tpu.memory_space<hbm>> -> memref<2000xf32, #tpu.memory_space<hbm>>
    tpu.enqueue_dma source(%dma_start3A_151 : memref<2000xf32, #tpu.memory_space<hbm>>) target(%arg13 : memref<2000xf32, #tpu.memory_space<vmem>>) target_semaphore(%arg23 : memref<!tpu.dma_semaphore, #tpu.memory_space<semaphore_mem>>)
    %dma_wait3A_152 = arith.constant 0 : i32
    %dma_wait3A_153 = tpu.memref_slice %arg5[%dma_wait3A_152, %add3A_97] : memref<2x320000xi32, #tpu.memory_space<hbm>> -> memref<1x2000xi32, #tpu.memory_space<hbm>>
    %dma_wait3A_154 = tpu.memref_squeeze %dma_wait3A_153 : memref<1x2000xi32, #tpu.memory_space<hbm>> -> memref<2000xi32, #tpu.memory_space<hbm>>
    %dma_wait3A_155 = tpu.memref_slice %arg5[%dma_wait3A_152, %add3A_97] : memref<2x320000xi32, #tpu.memory_space<hbm>> -> memref<1x2000xi32, #tpu.memory_space<hbm>>
    %dma_wait3A_156 = tpu.memref_squeeze %dma_wait3A_155 : memref<1x2000xi32, #tpu.memory_space<hbm>> -> memref<2000xi32, #tpu.memory_space<hbm>>
    tpu.wait_dma2 semaphore(%arg20 : memref<!tpu.dma_semaphore, #tpu.memory_space<semaphore_mem>>) src(%dma_wait3A_156 : memref<2000xi32, #tpu.memory_space<hbm>>) dst(%arg10 : memref<2000xi32, #tpu.memory_space<vmem>>)
    %dma_wait3A_157 = arith.constant 1 : i32
    %dma_wait3A_158 = tpu.memref_slice %arg5[%dma_wait3A_157, %add3A_97] : memref<2x320000xi32, #tpu.memory_space<hbm>> -> memref<1x2000xi32, #tpu.memory_space<hbm>>
    %dma_wait3A_159 = tpu.memref_squeeze %dma_wait3A_158 : memref<1x2000xi32, #tpu.memory_space<hbm>> -> memref<2000xi32, #tpu.memory_space<hbm>>
    %dma_wait3A_160 = tpu.memref_slice %arg5[%dma_wait3A_157, %add3A_97] : memref<2x320000xi32, #tpu.memory_space<hbm>> -> memref<1x2000xi32, #tpu.memory_space<hbm>>
    %dma_wait3A_161 = tpu.memref_squeeze %dma_wait3A_160 : memref<1x2000xi32, #tpu.memory_space<hbm>> -> memref<2000xi32, #tpu.memory_space<hbm>>
    tpu.wait_dma2 semaphore(%arg22 : memref<!tpu.dma_semaphore, #tpu.memory_space<semaphore_mem>>) src(%dma_wait3A_161 : memref<2000xi32, #tpu.memory_space<hbm>>) dst(%arg12 : memref<2000xi32, #tpu.memory_space<vmem>>)
    %dma_wait3A_162 = tpu.memref_slice %arg4[%add3A_97] : memref<320000xf32, #tpu.memory_space<hbm>> -> memref<2000xf32, #tpu.memory_space<hbm>>
    %dma_wait3A_163 = tpu.memref_slice %arg4[%add3A_97] : memref<320000xf32, #tpu.memory_space<hbm>> -> memref<2000xf32, #tpu.memory_space<hbm>>
    tpu.wait_dma2 semaphore(%arg24 : memref<!tpu.dma_semaphore, #tpu.memory_space<semaphore_mem>>) src(%dma_wait3A_163 : memref<2000xf32, #tpu.memory_space<hbm>>) dst(%arg14 : memref<2000xf32, #tpu.memory_space<vmem>>)
    %dma_wait3A_164 = tpu.memref_slice %arg6[%add3A_91] : memref<320000xf32, #tpu.memory_space<hbm>> -> memref<2000xf32, #tpu.memory_space<hbm>>
    %dma_wait3A_165 = tpu.memref_slice %arg6[%add3A_91] : memref<320000xf32, #tpu.memory_space<hbm>> -> memref<2000xf32, #tpu.memory_space<hbm>>
    tpu.wait_dma2 semaphore(%arg26 : memref<!tpu.dma_semaphore, #tpu.memory_space<semaphore_mem>>) src(%arg16 : memref<2000xf32, #tpu.memory_space<vmem>>) dst(%dma_wait3A_165 : memref<2000xf32, #tpu.memory_space<hbm>>)
    %scan3A_166 = arith.constant 0 : i32
    %scan3A_167 = arith.constant 0 : i32
    %scan3A_168 = arith.constant 125 : i32
    %scan3A_169 = arith.addi %scan3A_167, %scan3A_168 : i32
    %scan3A_170 = arith.constant 1 : i32
    scf.for %scan3A_208 = %scan3A_167 to %scan3A_169 step %scan3A_170  : i32 {
      %mul3A_209 = arith.constant 16 : i32
      %mul3A_210 = arith.muli %scan3A_208, %mul3A_209 : i32
      %get3A = arith.index_cast %mul3A_210 : i32 to index
      %get3A_211 = tpu.vector_load %arg10[%get3A] {strides = array<i32>} : memref<2000xi32, #tpu.memory_space<vmem>>, vector<16xi32>,
      %mul3A_212 = arith.constant 16 : i32
      %mul3A_213 = arith.muli %scan3A_208, %mul3A_212 : i32
      %get3A_214 = arith.index_cast %mul3A_213 : i32 to index
      %get3A_215 = tpu.vector_load %arg12[%get3A_214] {strides = array<i32>} : memref<2000xi32, #tpu.memory_space<vmem>>, vector<16xi32>,
      %gather3A = tpu.vector_load_idx %arg7[%get3A_211] : memref<10240xf32, #tpu.memory_space<vmem>>[vector<16xi32>], vector<16xf32>,
      %gather3A_216 = tpu.vector_load_idx %arg8[%get3A_215] : memref<10240xf32, #tpu.memory_space<vmem>>[vector<16xi32>], vector<16xf32>,
      %add3A_217 = arith.addf %gather3A, %gather3A_216 : vector<16xf32>
      %mul3A_218 = arith.constant 16 : i32
      %mul3A_219 = arith.muli %scan3A_208, %mul3A_218 : i32
      %get3A_220 = arith.index_cast %mul3A_219 : i32 to index
      %get3A_221 = tpu.vector_load %arg14[%get3A_220] {strides = array<i32>} : memref<2000xf32, #tpu.memory_space<vmem>>, vector<16xf32>,
      %add3A_222 = arith.addf %add3A_217, %get3A_221 : vector<16xf32>
      %mul3A_223 = arith.constant 16 : i32
      %mul3A_224 = arith.muli %scan3A_208, %mul3A_223 : i32
      %swap3A = arith.index_cast %mul3A_224 : i32 to index
      %swap3A_225 = tpu.vector_load %arg16[%swap3A] {strides = array<i32>} : memref<2000xf32, #tpu.memory_space<vmem>>, vector<16xf32>,
      tpu.vector_store %arg16[%swap3A], %add3A_222 {strides = array<i32>} : memref<2000xf32, #tpu.memory_space<vmem>>, vector<16xf32>,
    }
    %scan3A_171 = arith.constant 125 : i32
    %mul3A_172 = arith.constant 10000 : i32
    %mul3A_173 = arith.muli %add3A, %mul3A_172 : i32
    %add3A_174 = arith.constant 6000 : i32
    %add3A_175 = arith.addi %mul3A_173, %add3A_174 : i32
    %dma_start3A_176 = tpu.memref_slice %arg6[%add3A_175] : memref<320000xf32, #tpu.memory_space<hbm>> -> memref<2000xf32, #tpu.memory_space<hbm>>
    %dma_start3A_177 = tpu.memref_slice %arg6[%add3A_175] : memref<320000xf32, #tpu.memory_space<hbm>> -> memref<2000xf32, #tpu.memory_space<hbm>>
    tpu.enqueue_dma source(%arg16 : memref<2000xf32, #tpu.memory_space<vmem>>) target(%dma_start3A_177 : memref<2000xf32, #tpu.memory_space<hbm>>) target_semaphore(%arg26 : memref<!tpu.dma_semaphore, #tpu.memory_space<semaphore_mem>>)
    %dma_wait3A_178 = arith.constant 0 : i32
    %dma_wait3A_179 = tpu.memref_slice %arg5[%dma_wait3A_178, %add3A_139] : memref<2x320000xi32, #tpu.memory_space<hbm>> -> memref<1x2000xi32, #tpu.memory_space<hbm>>
    %dma_wait3A_180 = tpu.memref_squeeze %dma_wait3A_179 : memref<1x2000xi32, #tpu.memory_space<hbm>> -> memref<2000xi32, #tpu.memory_space<hbm>>
    %dma_wait3A_181 = tpu.memref_slice %arg5[%dma_wait3A_178, %add3A_139] : memref<2x320000xi32, #tpu.memory_space<hbm>> -> memref<1x2000xi32, #tpu.memory_space<hbm>>
    %dma_wait3A_182 = tpu.memref_squeeze %dma_wait3A_181 : memref<1x2000xi32, #tpu.memory_space<hbm>> -> memref<2000xi32, #tpu.memory_space<hbm>>
    tpu.wait_dma2 semaphore(%arg19 : memref<!tpu.dma_semaphore, #tpu.memory_space<semaphore_mem>>) src(%dma_wait3A_182 : memref<2000xi32, #tpu.memory_space<hbm>>) dst(%arg9 : memref<2000xi32, #tpu.memory_space<vmem>>)
    %dma_wait3A_183 = arith.constant 1 : i32
    %dma_wait3A_184 = tpu.memref_slice %arg5[%dma_wait3A_183, %add3A_139] : memref<2x320000xi32, #tpu.memory_space<hbm>> -> memref<1x2000xi32, #tpu.memory_space<hbm>>
    %dma_wait3A_185 = tpu.memref_squeeze %dma_wait3A_184 : memref<1x2000xi32, #tpu.memory_space<hbm>> -> memref<2000xi32, #tpu.memory_space<hbm>>
    %dma_wait3A_186 = tpu.memref_slice %arg5[%dma_wait3A_183, %add3A_139] : memref<2x320000xi32, #tpu.memory_space<hbm>> -> memref<1x2000xi32, #tpu.memory_space<hbm>>
    %dma_wait3A_187 = tpu.memref_squeeze %dma_wait3A_186 : memref<1x2000xi32, #tpu.memory_space<hbm>> -> memref<2000xi32, #tpu.memory_space<hbm>>
    tpu.wait_dma2 semaphore(%arg21 : memref<!tpu.dma_semaphore, #tpu.memory_space<semaphore_mem>>) src(%dma_wait3A_187 : memref<2000xi32, #tpu.memory_space<hbm>>) dst(%arg11 : memref<2000xi32, #tpu.memory_space<vmem>>)
    %dma_wait3A_188 = tpu.memref_slice %arg4[%add3A_139] : memref<320000xf32, #tpu.memory_space<hbm>> -> memref<2000xf32, #tpu.memory_space<hbm>>
    %dma_wait3A_189 = tpu.memref_slice %arg4[%add3A_139] : memref<320000xf32, #tpu.memory_space<hbm>> -> memref<2000xf32, #tpu.memory_space<hbm>>
    tpu.wait_dma2 semaphore(%arg23 : memref<!tpu.dma_semaphore, #tpu.memory_space<semaphore_mem>>) src(%dma_wait3A_189 : memref<2000xf32, #tpu.memory_space<hbm>>) dst(%arg13 : memref<2000xf32, #tpu.memory_space<vmem>>)
    %dma_wait3A_190 = tpu.memref_slice %arg6[%add3A_133] : memref<320000xf32, #tpu.memory_space<hbm>> -> memref<2000xf32, #tpu.memory_space<hbm>>
    %dma_wait3A_191 = tpu.memref_slice %arg6[%add3A_133] : memref<320000xf32, #tpu.memory_space<hbm>> -> memref<2000xf32, #tpu.memory_space<hbm>>
    tpu.wait_dma2 semaphore(%arg25 : memref<!tpu.dma_semaphore, #tpu.memory_space<semaphore_mem>>) src(%arg15 : memref<2000xf32, #tpu.memory_space<vmem>>) dst(%dma_wait3A_191 : memref<2000xf32, #tpu.memory_space<hbm>>)
    %scan3A_192 = arith.constant 0 : i32
    %scan3A_193 = arith.constant 0 : i32
    %scan3A_194 = arith.constant 125 : i32
    %scan3A_195 = arith.addi %scan3A_193, %scan3A_194 : i32
    %scan3A_196 = arith.constant 1 : i32
    scf.for %scan3A_208 = %scan3A_193 to %scan3A_195 step %scan3A_196  : i32 {
      %mul3A_209 = arith.constant 16 : i32
      %mul3A_210 = arith.muli %scan3A_208, %mul3A_209 : i32
      %get3A = arith.index_cast %mul3A_210 : i32 to index
      %get3A_211 = tpu.vector_load %arg9[%get3A] {strides = array<i32>} : memref<2000xi32, #tpu.memory_space<vmem>>, vector<16xi32>,
      %mul3A_212 = arith.constant 16 : i32
      %mul3A_213 = arith.muli %scan3A_208, %mul3A_212 : i32
      %get3A_214 = arith.index_cast %mul3A_213 : i32 to index
      %get3A_215 = tpu.vector_load %arg11[%get3A_214] {strides = array<i32>} : memref<2000xi32, #tpu.memory_space<vmem>>, vector<16xi32>,
      %gather3A = tpu.vector_load_idx %arg7[%get3A_211] : memref<10240xf32, #tpu.memory_space<vmem>>[vector<16xi32>], vector<16xf32>,
      %gather3A_216 = tpu.vector_load_idx %arg8[%get3A_215] : memref<10240xf32, #tpu.memory_space<vmem>>[vector<16xi32>], vector<16xf32>,
      %add3A_217 = arith.addf %gather3A, %gather3A_216 : vector<16xf32>
      %mul3A_218 = arith.constant 16 : i32
      %mul3A_219 = arith.muli %scan3A_208, %mul3A_218 : i32
      %get3A_220 = arith.index_cast %mul3A_219 : i32 to index
      %get3A_221 = tpu.vector_load %arg13[%get3A_220] {strides = array<i32>} : memref<2000xf32, #tpu.memory_space<vmem>>, vector<16xf32>,
      %add3A_222 = arith.addf %add3A_217, %get3A_221 : vector<16xf32>
      %mul3A_223 = arith.constant 16 : i32
      %mul3A_224 = arith.muli %scan3A_208, %mul3A_223 : i32
      %swap3A = arith.index_cast %mul3A_224 : i32 to index
      %swap3A_225 = tpu.vector_load %arg15[%swap3A] {strides = array<i32>} : memref<2000xf32, #tpu.memory_space<vmem>>, vector<16xf32>,
      tpu.vector_store %arg15[%swap3A], %add3A_222 {strides = array<i32>} : memref<2000xf32, #tpu.memory_space<vmem>>, vector<16xf32>,
    }
    %scan3A_197 = arith.constant 125 : i32
    %mul3A_198 = arith.constant 10000 : i32
    %mul3A_199 = arith.muli %add3A, %mul3A_198 : i32
    %add3A_200 = arith.constant 8000 : i32
    %add3A_201 = arith.addi %mul3A_199, %add3A_200 : i32
    %dma_start3A_202 = tpu.memref_slice %arg6[%add3A_201] : memref<320000xf32, #tpu.memory_space<hbm>> -> memref<2000xf32, #tpu.memory_space<hbm>>
    %dma_start3A_203 = tpu.memref_slice %arg6[%add3A_201] : memref<320000xf32, #tpu.memory_space<hbm>> -> memref<2000xf32, #tpu.memory_space<hbm>>
    tpu.enqueue_dma source(%arg15 : memref<2000xf32, #tpu.memory_space<vmem>>) target(%dma_start3A_203 : memref<2000xf32, #tpu.memory_space<hbm>>) target_semaphore(%arg25 : memref<!tpu.dma_semaphore, #tpu.memory_space<semaphore_mem>>)
    %dma_wait3A_204 = tpu.memref_slice %arg6[%add3A_201] : memref<320000xf32, #tpu.memory_space<hbm>> -> memref<2000xf32, #tpu.memory_space<hbm>>
    %dma_wait3A_205 = tpu.memref_slice %arg6[%add3A_201] : memref<320000xf32, #tpu.memory_space<hbm>> -> memref<2000xf32, #tpu.memory_space<hbm>>
    tpu.wait_dma2 semaphore(%arg25 : memref<!tpu.dma_semaphore, #tpu.memory_space<semaphore_mem>>) src(%arg15 : memref<2000xf32, #tpu.memory_space<vmem>>) dst(%dma_wait3A_205 : memref<2000xf32, #tpu.memory_space<hbm>>)
    %dma_wait3A_206 = tpu.memref_slice %arg6[%add3A_175] : memref<320000xf32, #tpu.memory_space<hbm>> -> memref<2000xf32, #tpu.memory_space<hbm>>
    %dma_wait3A_207 = tpu.memref_slice %arg6[%add3A_175] : memref<320000xf32, #tpu.memory_space<hbm>> -> memref<2000xf32, #tpu.memory_space<hbm>>
    tpu.wait_dma2 semaphore(%arg26 : memref<!tpu.dma_semaphore, #tpu.memory_space<semaphore_mem>>) src(%arg16 : memref<2000xf32, #tpu.memory_space<vmem>>) dst(%dma_wait3A_207 : memref<2000xf32, #tpu.memory_space<hbm>>)
    return
  }
}

module attributes {stable_mosaic.version = 14 : i64} {
  func.func @_xenc_body(%arg0: memref<10240x128xf32, #tpu.memory_space<vmem>>, %arg1: memref<128x32xf32, #tpu.memory_space<vmem>>, %arg2: memref<1x32xf32, #tpu.memory_space<vmem>>, %arg3: memref<10240x32xf32, #tpu.memory_space<vmem>>) attributes {dimension_semantics = [], scalar_prefetch = 0 : i64, scratch_operands = 0 : i64, tpu.core_type = #tpu.core_type<tc>} {
    %get3A = arith.constant 0 : index
    %get3A_0 = arith.constant 0 : index
    %get3A_1 = vector.load %arg0[%get3A, %get3A_0] : memref<10240x128xf32, #tpu.memory_space<vmem>>, vector<10240x128xf32>
    %get3A_2 = arith.constant 0 : index
    %get3A_3 = arith.constant 0 : index
    %get3A_4 = vector.load %arg1[%get3A_2, %get3A_3] : memref<128x32xf32, #tpu.memory_space<vmem>>, vector<128x32xf32>
    %dot_general3A = arith.constant dense<0.000000e+00> : vector<10240x32xf32>
    %dot_general3A_5 = tpu.matmul %get3A_1, %get3A_4, %dot_general3A {dimension_numbers = #tpu.dot_dimension_numbers<[1], [0], [0], [1], [0, 0, 1, 1], [], []>, transpose_lhs_hint = false} : vector<10240x128xf32>, vector<128x32xf32>, vector<10240x32xf32> -> vector<10240x32xf32>
    %get3A_6 = arith.constant 0 : index
    %get3A_7 = arith.constant 0 : index
    %get3A_8 = vector.load %arg2[%get3A_6, %get3A_7] : memref<1x32xf32, #tpu.memory_space<vmem>>, vector<1x32xf32>
    %add3A = vector.broadcast %get3A_8 : vector<1x32xf32> to vector<10240x32xf32>
    %add3A_9 = arith.addf %dot_general3A_5, %add3A : vector<10240x32xf32>
    %max3A = arith.constant 0.000000e+00 : f32
    %max3A_10 = vector.broadcast %max3A : f32 to vector<10240x32xf32>
    %max3A_11 = arith.maximumf %add3A_9, %max3A_10 : vector<10240x32xf32>
    %swap3A = arith.constant 0 : index
    %swap3A_12 = arith.constant 0 : index
    %swap3A_13 = vector.load %arg3[%swap3A, %swap3A_12] : memref<10240x32xf32, #tpu.memory_space<vmem>>, vector<10240x32xf32>
    tpu.vector_store %arg3[%swap3A, %swap3A_12], %max3A_11 {strides = array<i32>} : memref<10240x32xf32, #tpu.memory_space<vmem>>, vector<10240x32xf32>,
    return
  }
}

module attributes {stable_mosaic.version = 14 : i64} {
  func.func @_eb_body(%arg0: i32, %arg1: memref<16x6400xf32, #tpu.memory_space<vmem>>, %arg2: memref<16x32xf32, #tpu.memory_space<vmem>>, %arg3: memref<32x1xf32, #tpu.memory_space<vmem>>, %arg4: memref<96x1xf32, #tpu.memory_space<vmem>>, %arg5: memref<1x1xf32, #tpu.memory_space<vmem>>, %arg6: memref<320000xf32, #tpu.memory_space<vmem>>) attributes {dimension_semantics = [#tpu.dimension_semantics<arbitrary>], iteration_bounds = array<i64: 50>, scalar_prefetch = 0 : i64, scratch_operands = 0 : i64, tpu.core_type = #tpu.core_type<tc>, window_params = [{transform_indices = @transform_0, window_bounds = array<i64: 16, 6400>}, {pipeline_mode = #tpu.pipeline_mode<synchronous>, transform_indices = @transform_1, window_bounds = array<i64: 16, 32>}, {pipeline_mode = #tpu.pipeline_mode<synchronous>, transform_indices = @transform_2, window_bounds = array<i64: 32, 1>}, {pipeline_mode = #tpu.pipeline_mode<synchronous>, transform_indices = @transform_3, window_bounds = array<i64: 96, 1>}, {pipeline_mode = #tpu.pipeline_mode<synchronous>, transform_indices = @transform_4, window_bounds = array<i64: 1, 1>}, {pipeline_mode = #tpu.pipeline_mode<synchronous>, transform_indices = @transform_5, window_bounds = array<i64: 320000>}]} {
    %get3A = arith.constant 0 : index
    %get3A_0 = arith.constant 0 : index
    %get3A_1 = vector.load %arg2[%get3A, %get3A_0] : memref<16x32xf32, #tpu.memory_space<vmem>>, vector<16x32xf32>
    %get3A_2 = arith.constant 0 : index
    %get3A_3 = arith.constant 0 : index
    %get3A_4 = vector.load %arg1[%get3A_2, %get3A_3] : memref<16x6400xf32, #tpu.memory_space<vmem>>, vector<16x6400xf32>
    %dot_general3A = arith.constant dense<0.000000e+00> : vector<32x6400xf32>
    %dot_general3A_5 = tpu.matmul %get3A_1, %get3A_4, %dot_general3A {dimension_numbers = #tpu.dot_dimension_numbers<[0], [0], [1], [1], [0, 1, 1, 1], [], []>, transpose_lhs_hint = false} : vector<16x32xf32>, vector<16x6400xf32>, vector<32x6400xf32> -> vector<32x6400xf32>
    %get3A_6 = arith.constant 0 : index
    %get3A_7 = arith.constant 0 : index
    %get3A_8 = vector.load %arg3[%get3A_6, %get3A_7] : memref<32x1xf32, #tpu.memory_space<vmem>>, vector<32x1xf32>
    %add3A = vector.broadcast %get3A_8 : vector<32x1xf32> to vector<32x6400xf32>
    %add3A_9 = arith.addf %dot_general3A_5, %add3A : vector<32x6400xf32>
    %max3A = arith.constant 0.000000e+00 : f32
    %max3A_10 = vector.broadcast %max3A : f32 to vector<32x6400xf32>
    %max3A_11 = arith.maximumf %add3A_9, %max3A_10 : vector<32x6400xf32>
    %get3A_12 = arith.constant 64 : index
    %get3A_13 = arith.constant 0 : index
    %get3A_14 = vector.load %arg4[%get3A_12, %get3A_13] : memref<96x1xf32, #tpu.memory_space<vmem>>, vector<32x1xf32>
    %dot_general3A_15 = arith.constant dense<0.000000e+00> : vector<1x6400xf32>
    %dot_general3A_16 = tpu.matmul %get3A_14, %max3A_11, %dot_general3A_15 {dimension_numbers = #tpu.dot_dimension_numbers<[0], [0], [1], [1], [0, 1, 1, 1], [], []>, transpose_lhs_hint = false} : vector<32x1xf32>, vector<32x6400xf32>, vector<1x6400xf32> -> vector<1x6400xf32>
    %get3A_17 = arith.constant 0 : index
    %get3A_18 = arith.constant 0 : index
    %get3A_19 = vector.load %arg5[%get3A_17, %get3A_18] : memref<1x1xf32, #tpu.memory_space<vmem>>, vector<1x1xf32>
    %add3A_20 = vector.broadcast %get3A_19 : vector<1x1xf32> to vector<1x6400xf32>
    %add3A_21 = arith.addf %dot_general3A_16, %add3A_20 : vector<1x6400xf32>
    %reshape3A = vector.shape_cast %add3A_21 : vector<1x6400xf32> to vector<6400xf32>
    %mul3A = arith.constant 6400 : i32
    %mul3A_22 = arith.muli %arg0, %mul3A : i32
    %swap3A = arith.index_cast %mul3A_22 : i32 to index
    %swap3A_23 = vector.load %arg6[%swap3A] : memref<320000xf32, #tpu.memory_space<vmem>>, vector<6400xf32>
    tpu.vector_store %arg6[%swap3A], %reshape3A {strides = array<i32>} : memref<320000xf32, #tpu.memory_space<vmem>>, vector<6400xf32>,
    return
  }
  func.func @transform_0(%arg0: i32) -> (i32, i32) {
    %c0_i32 = arith.constant 0 : i32
    %c0_i32_0 = arith.constant 0 : i32
    return %c0_i32, %arg0 : i32, i32
  }
  func.func @transform_1(%arg0: i32) -> (i32, i32) {
    %c0_i32 = arith.constant 0 : i32
    %c0_i32_0 = arith.constant 0 : i32
    %c0_i32_1 = arith.constant 0 : i32
    return %c0_i32, %c0_i32_0 : i32, i32
  }
  func.func @transform_2(%arg0: i32) -> (i32, i32) {
    %c0_i32 = arith.constant 0 : i32
    %c0_i32_0 = arith.constant 0 : i32
    %c0_i32_1 = arith.constant 0 : i32
    return %c0_i32, %c0_i32_0 : i32, i32
  }
  func.func @transform_3(%arg0: i32) -> (i32, i32) {
    %c0_i32 = arith.constant 0 : i32
    %c0_i32_0 = arith.constant 0 : i32
    %c0_i32_1 = arith.constant 0 : i32
    return %c0_i32, %c0_i32_0 : i32, i32
  }
  func.func @transform_4(%arg0: i32) -> (i32, i32) {
    %c0_i32 = arith.constant 0 : i32
    %c0_i32_0 = arith.constant 0 : i32
    %c0_i32_1 = arith.constant 0 : i32
    return %c0_i32, %c0_i32_0 : i32, i32
  }
  func.func @transform_5(%arg0: i32) -> i32 {
    %c0_i32 = arith.constant 0 : i32
    %c0_i32_0 = arith.constant 0 : i32
    return %c0_i32 : i32
  }
}

module attributes {stable_mosaic.version = 14 : i64} {
  func.func @_huv_body(%arg0: memref<2x10240x32xf32, #tpu.memory_space<vmem>>, %arg1: memref<10240x32xf32, #tpu.memory_space<vmem>>, %arg2: memref<10240x1xf32, #tpu.memory_space<vmem>>, %arg3: memref<32x32xf32, #tpu.memory_space<vmem>>, %arg4: memref<64x32xf32, #tpu.memory_space<vmem>>, %arg5: memref<1x32xf32, #tpu.memory_space<vmem>>, %arg6: memref<1x32xf32, #tpu.memory_space<vmem>>, %arg7: memref<32x32xf32, #tpu.memory_space<vmem>>, %arg8: memref<64x32xf32, #tpu.memory_space<vmem>>, %arg9: memref<1x32xf32, #tpu.memory_space<vmem>>, %arg10: memref<1x32xf32, #tpu.memory_space<vmem>>, %arg11: memref<96x1xf32, #tpu.memory_space<vmem>>, %arg12: memref<10240xf32, #tpu.memory_space<vmem>>, %arg13: memref<10240xf32, #tpu.memory_space<vmem>>) attributes {dimension_semantics = [], scalar_prefetch = 0 : i64, scratch_operands = 0 : i64, tpu.core_type = #tpu.core_type<tc>} {
    %get3A = arith.constant 0 : index
    %get3A_0 = arith.constant 0 : index
    %get3A_1 = arith.constant 0 : index
    %get3A_2 = vector.load %arg0[%get3A, %get3A_0, %get3A_1] : memref<2x10240x32xf32, #tpu.memory_space<vmem>>, vector<1x10240x32xf32>
    %get3A_3 = vector.shape_cast %get3A_2 : vector<1x10240x32xf32> to vector<10240x32xf32>
    %get3A_4 = arith.constant 1 : index
    %get3A_5 = arith.constant 0 : index
    %get3A_6 = arith.constant 0 : index
    %get3A_7 = vector.load %arg0[%get3A_4, %get3A_5, %get3A_6] : memref<2x10240x32xf32, #tpu.memory_space<vmem>>, vector<1x10240x32xf32>
    %get3A_8 = vector.shape_cast %get3A_7 : vector<1x10240x32xf32> to vector<10240x32xf32>
    %add3A = arith.addf %get3A_3, %get3A_8 : vector<10240x32xf32>
    %get3A_9 = arith.constant 0 : index
    %get3A_10 = arith.constant 0 : index
    %get3A_11 = vector.load %arg1[%get3A_9, %get3A_10] : memref<10240x32xf32, #tpu.memory_space<vmem>>, vector<10240x32xf32>
    %add3A_12 = arith.addf %add3A, %get3A_11 : vector<10240x32xf32>
    %get3A_13 = arith.constant 0 : index
    %get3A_14 = arith.constant 0 : index
    %get3A_15 = vector.load %arg2[%get3A_13, %get3A_14] : memref<10240x1xf32, #tpu.memory_space<vmem>>, vector<10240x1xf32>
    %mul3A = vector.broadcast %get3A_15 : vector<10240x1xf32> to vector<10240x32xf32>
    %mul3A_16 = arith.mulf %add3A_12, %mul3A : vector<10240x32xf32>
    %get3A_17 = arith.constant 0 : index
    %get3A_18 = arith.constant 0 : index
    %get3A_19 = vector.load %arg4[%get3A_17, %get3A_18] : memref<64x32xf32, #tpu.memory_space<vmem>>, vector<32x32xf32>
    %get3A_20 = arith.constant 0 : index
    %get3A_21 = arith.constant 0 : index
    %get3A_22 = vector.load %arg8[%get3A_20, %get3A_21] : memref<64x32xf32, #tpu.memory_space<vmem>>, vector<32x32xf32>
    %get3A_23 = arith.constant 0 : index
    %get3A_24 = arith.constant 0 : index
    %get3A_25 = vector.load %arg3[%get3A_23, %get3A_24] : memref<32x32xf32, #tpu.memory_space<vmem>>, vector<32x32xf32>
    %dot_general3A = arith.constant dense<0.000000e+00> : vector<32x32xf32>
    %dot_general3A_26 = tpu.matmul %get3A_25, %get3A_19, %dot_general3A {dimension_numbers = #tpu.dot_dimension_numbers<[1], [0], [0], [1], [0, 0, 1, 1], [], []>, transpose_lhs_hint = false} : vector<32x32xf32>, vector<32x32xf32>, vector<32x32xf32> -> vector<32x32xf32>
    %get3A_27 = arith.constant 0 : index
    %get3A_28 = arith.constant 0 : index
    %get3A_29 = vector.load %arg6[%get3A_27, %get3A_28] : memref<1x32xf32, #tpu.memory_space<vmem>>, vector<1x32xf32>
    %dot_general3A_30 = arith.constant dense<0.000000e+00> : vector<1x32xf32>
    %dot_general3A_31 = tpu.matmul %get3A_29, %get3A_19, %dot_general3A_30 {dimension_numbers = #tpu.dot_dimension_numbers<[1], [0], [0], [1], [0, 0, 1, 1], [], []>, transpose_lhs_hint = false} : vector<1x32xf32>, vector<32x32xf32>, vector<1x32xf32> -> vector<1x32xf32>
    %get3A_32 = arith.constant 0 : index
    %get3A_33 = arith.constant 0 : index
    %get3A_34 = vector.load %arg5[%get3A_32, %get3A_33] : memref<1x32xf32, #tpu.memory_space<vmem>>, vector<1x32xf32>
    %add3A_35 = arith.addf %dot_general3A_31, %get3A_34 : vector<1x32xf32>
    %get3A_36 = arith.constant 0 : index
    %get3A_37 = arith.constant 0 : index
    %get3A_38 = vector.load %arg7[%get3A_36, %get3A_37] : memref<32x32xf32, #tpu.memory_space<vmem>>, vector<32x32xf32>
    %dot_general3A_39 = arith.constant dense<0.000000e+00> : vector<32x32xf32>
    %dot_general3A_40 = tpu.matmul %get3A_38, %get3A_22, %dot_general3A_39 {dimension_numbers = #tpu.dot_dimension_numbers<[1], [0], [0], [1], [0, 0, 1, 1], [], []>, transpose_lhs_hint = false} : vector<32x32xf32>, vector<32x32xf32>, vector<32x32xf32> -> vector<32x32xf32>
    %get3A_41 = arith.constant 0 : index
    %get3A_42 = arith.constant 0 : index
    %get3A_43 = vector.load %arg10[%get3A_41, %get3A_42] : memref<1x32xf32, #tpu.memory_space<vmem>>, vector<1x32xf32>
    %dot_general3A_44 = arith.constant dense<0.000000e+00> : vector<1x32xf32>
    %dot_general3A_45 = tpu.matmul %get3A_43, %get3A_22, %dot_general3A_44 {dimension_numbers = #tpu.dot_dimension_numbers<[1], [0], [0], [1], [0, 0, 1, 1], [], []>, transpose_lhs_hint = false} : vector<1x32xf32>, vector<32x32xf32>, vector<1x32xf32> -> vector<1x32xf32>
    %get3A_46 = arith.constant 0 : index
    %get3A_47 = arith.constant 0 : index
    %get3A_48 = vector.load %arg9[%get3A_46, %get3A_47] : memref<1x32xf32, #tpu.memory_space<vmem>>, vector<1x32xf32>
    %add3A_49 = arith.addf %dot_general3A_45, %get3A_48 : vector<1x32xf32>
    %dot_general3A_50 = arith.constant dense<0.000000e+00> : vector<10240x32xf32>
    %dot_general3A_51 = tpu.matmul %mul3A_16, %dot_general3A_26, %dot_general3A_50 {dimension_numbers = #tpu.dot_dimension_numbers<[1], [0], [0], [1], [0, 0, 1, 1], [], []>, transpose_lhs_hint = false} : vector<10240x32xf32>, vector<32x32xf32>, vector<10240x32xf32> -> vector<10240x32xf32>
    %add3A_52 = vector.broadcast %add3A_35 : vector<1x32xf32> to vector<10240x32xf32>
    %add3A_53 = arith.addf %dot_general3A_51, %add3A_52 : vector<10240x32xf32>
    %logistic3A = arith.negf %add3A_53 : vector<10240x32xf32>
    %logistic3A_54 = math.exp %logistic3A : vector<10240x32xf32>
    %logistic3A_55 = arith.constant 1.000000e+00 : f32
    %logistic3A_56 = vector.broadcast %logistic3A_55 : f32 to vector<10240x32xf32>
    %logistic3A_57 = arith.addf %logistic3A_56, %logistic3A_54 : vector<10240x32xf32>
    %logistic3A_58 = arith.divf %logistic3A_56, %logistic3A_57 : vector<10240x32xf32>
    %dot_general3A_59 = arith.constant dense<0.000000e+00> : vector<10240x32xf32>
    %dot_general3A_60 = tpu.matmul %mul3A_16, %dot_general3A_40, %dot_general3A_59 {dimension_numbers = #tpu.dot_dimension_numbers<[1], [0], [0], [1], [0, 0, 1, 1], [], []>, transpose_lhs_hint = false} : vector<10240x32xf32>, vector<32x32xf32>, vector<10240x32xf32> -> vector<10240x32xf32>
    %add3A_61 = vector.broadcast %add3A_49 : vector<1x32xf32> to vector<10240x32xf32>
    %add3A_62 = arith.addf %dot_general3A_60, %add3A_61 : vector<10240x32xf32>
    %tanh3A = math.tanh %add3A_62 : vector<10240x32xf32>
    %sub3A = arith.constant 1.000000e+00 : f32
    %sub3A_63 = vector.broadcast %sub3A : f32 to vector<10240x32xf32>
    %sub3A_64 = arith.subf %sub3A_63, %logistic3A_58 : vector<10240x32xf32>
    %mul3A_65 = arith.mulf %sub3A_64, %tanh3A : vector<10240x32xf32>
    %get3A_66 = arith.constant 0 : index
    %get3A_67 = arith.constant 0 : index
    %get3A_68 = vector.load %arg11[%get3A_66, %get3A_67] : memref<96x1xf32, #tpu.memory_space<vmem>>, vector<32x1xf32>
    %dot_general3A_69 = arith.constant dense<0.000000e+00> : vector<10240x1xf32>
    %dot_general3A_70 = tpu.matmul %mul3A_65, %get3A_68, %dot_general3A_69 {dimension_numbers = #tpu.dot_dimension_numbers<[1], [0], [0], [1], [0, 0, 1, 1], [], []>, transpose_lhs_hint = false} : vector<10240x32xf32>, vector<32x1xf32>, vector<10240x1xf32> -> vector<10240x1xf32>
    %reshape3A = vector.shape_cast %dot_general3A_70 : vector<10240x1xf32> to vector<10240xf32>
    %swap3A = arith.constant 0 : index
    %swap3A_71 = vector.load %arg12[%swap3A] : memref<10240xf32, #tpu.memory_space<vmem>>, vector<10240xf32>
    tpu.vector_store %arg12[%swap3A], %reshape3A {strides = array<i32>} : memref<10240xf32, #tpu.memory_space<vmem>>, vector<10240xf32>,
    %get3A_72 = arith.constant 32 : index
    %get3A_73 = arith.constant 0 : index
    %get3A_74 = vector.load %arg11[%get3A_72, %get3A_73] : memref<96x1xf32, #tpu.memory_space<vmem>>, vector<32x1xf32>
    %dot_general3A_75 = arith.constant dense<0.000000e+00> : vector<10240x1xf32>
    %dot_general3A_76 = tpu.matmul %mul3A_65, %get3A_74, %dot_general3A_75 {dimension_numbers = #tpu.dot_dimension_numbers<[1], [0], [0], [1], [0, 0, 1, 1], [], []>, transpose_lhs_hint = false} : vector<10240x32xf32>, vector<32x1xf32>, vector<10240x1xf32> -> vector<10240x1xf32>
    %reshape3A_77 = vector.shape_cast %dot_general3A_76 : vector<10240x1xf32> to vector<10240xf32>
    %swap3A_78 = arith.constant 0 : index
    %swap3A_79 = vector.load %arg13[%swap3A_78] : memref<10240xf32, #tpu.memory_space<vmem>>, vector<10240xf32>
    tpu.vector_store %arg13[%swap3A_78], %reshape3A_77 {strides = array<i32>} : memref<10240xf32, #tpu.memory_space<vmem>>, vector<10240xf32>,
    return
  }
}

</mosaic_0001>

<sc_bundles>
// kernel: kernel.10.cloned.1.call-start
scs
__scs_entry_jumppad:
0x0: {  	(pc) =	sbr.rel $0x88, $3  }
0x1: {  	(tag) =	ssettag $0x0;
	lr =	simm.s32 $0x1  }
0x2: {  	[smem:$0x3F90] =	sst lr;
	_ =	strace $0xD0000000  }
0x3: {  	_ = 	snop  }
0x4: {  	_ = 	snop  }
0x5: {  	_ = 	snop  }
0x6: {  	_ = 	snop  }
0x7: {  	_ = 	snop  }
__scs_overlays_trampoline_lowered:
0x8: {  	[smem:$0x3F9F] =	sst s0  }
0x9: {  	[smem:$0x3FA0] =	sst s1  }
0xa: {  	[smem:$0x3FA1] =	sst s2  }
0xb: {  	[smem:$0x3FA2] =	sst s3  }
0xc: {  	[smem:$0x3FA3] =	sst s4  }
0xd: {  	[smem:$0x3FA4] =	sst s5  }
0xe: {  	[smem:$0x3FA5] =	sst s6  }
0xf: {  	[smem:$0x3FA6] =	sst s7  }
0x10: {  	[smem:$0x3FA7] =	sst s8  }
0x11: {  	[smem:$0x3FA8] =	sst s9;
	s0 =	simm.s32 @!p0 $0x0  }
0x12: {  	s1 =	sld [smem:$0x3F8E];
	s0 =	simm.s32 @p0 $0x1  }
0x13: {  	[smem:$0x3FA9] =	sst s0;
	s0 =	simm.s32 @!p1 $0x0  }
0x14: {  	s2 =	sld [smem:$0x3F8D];
	s0 =	simm.s32 @p1 $0x1  }
0x15: {  	[smem:$0x3FAA] =	sst s0;
	s0 =	simm.s32 @!p2 $0x0  }
0x16: {  	s3 =	sld [smem:$0x3FDB];
	s0 =	simm.s32 @p2 $0x1  }
0x17: {  	s4 =	simm.s32 $0x1BF5;
	[smem:$0x3FAC] =	sst s0  }
0x18: {  	s0 =	sld [smem:$0x3F8F];
	_ =	swait.ge [sflag:s4], $0x0  }
0x19: {  	s7 =	sld [smem:$0x3F90]  }
0x1a: {  	s8 =	sadd.s32 $0xFFFFE003, lr  }
0x1b: {  	s9 =	sadd.s32 $0xFFFFFEF7, lr;
	s5 =	simm.s32 $0xFFFFFFFF;
	p2 =	slt.u32 s8, $0xFFFFF086  }
0x1c: {  	p1 =	slt.u32 s9, $0xF7A;
	s5 =	simm.s32 @!p2 $0x0  }
0x1d: {  	s5 =	simm.s32 @p1 $0x1;
	p0 =	seq.s32 s7, s2  }
0x1e: {  	s7 =	smul.u32 @!p0 $0xF7A, s2;
	p2 =	seq.s32 @!p0 s5, $0x0  }
0x1f: {  	s9 =	smul.u32 $0xF7A, s1;
	s8 =	simm.s32 @!p0 $0x1BF5;
	p2 =	por !p2, p0  }
0x20: {  	[sflag:s8] =	ssyncset.s32 @!p0 $0xFFFFF086;
	s6 =	sadd.s32 @!p0 s3, s7;
	s7 =	simm.s32 @!p0 $0x108  }
0x21: {  	s3 =	sadd.s32 s3, s9;
	s6 =	sadd.s32 @!p0 $0x88, s6;
	s7 =	simm.s32 @p2 $0x1082  }
0x22: {  	[simem:s7], [sflag:s8] =	dma.local @!p0 [hbm:s6], $0xF7A  }
0x23: {  	s9 =	sor.u32 $0xD0000000, s2;
	s6 =	simm.s32 $0x108;
	_ =	swait.ge @!p0 [sflag:s8], $0x0  }
0x24: {  	s3 =	sadd.s32 $0x88, s3;
	s6 =	simm.s32 @!p1 $0x1082;
	[sflag:s4] =	ssyncset.s32 $0xFFFFF086  }
0x25: {  	[simem:s6], [sflag:s4] =	dma.local [hbm:s3], $0xF7A  }
0x26: {  	[smem:$0x3F90] =	sst s1;
	(tag) =	ssettag s2;
	_ =	strace s9  }
0x27: {  	s1 =	sld [smem:$0x3FA0]  }
0x28: {  	s2 =	sld [smem:$0x3FA1]  }
0x29: {  	s4 =	sld [smem:$0x3FA3]  }
0x2a: {  	p0 =	seq.s32 s5, $0x0;
	s5 =	sld [smem:$0x3FA4]  }
0x2b: {  	s6 =	sld [smem:$0x3FA5]  }
0x2c: {  	s7 =	sld [smem:$0x3FA6]  }
0x2d: {  	s3 =	simm.s32 $0x108;
	s8 =	sld [smem:$0x3FA7]  }
0x2e: {  	s3 =	simm.s32 @!p0 $0x1082;
	s9 =	sld [smem:$0x3FA8]  }
0x2f: {  	lr =	sadd.s32 s0, s3;
	s0 =	sld [smem:$0x3F9F]  }
0x30: {  	s3 =	sld [smem:$0x3FA2]  }
0x31: {  	[smem:$0x3FAB] =	sst s10  }
0x32: {  	s10 =	sld [smem:$0x3FA9];
	_ =	sdelay $0x3  }
0x33: {  	p0 =	seq.s32 s10, $0x1;
	s10 =	sld [smem:$0x3FAB];
	_ =	sdelay $0x3  }
0x34: {  	[smem:$0x3FAB] =	sst s10  }
0x35: {  	s10 =	sld [smem:$0x3FAA];
	_ =	sdelay $0x3  }
0x36: {  	p1 =	seq.s32 s10, $0x1;
	s10 =	sld [smem:$0x3FAB];
	_ =	sdelay $0x3  }
0x37: {  	[smem:$0x3FAB] =	sst s10  }
0x38: {  	s10 =	sld [smem:$0x3FAC]  }
0x39: {  	_ = 	snop;
	(pc) =	sbr.ind lr, $3  }
0x3a: {  	_ = 	snop  }
0x3b: {  	_ = 	snop  }
0x3c: {  	p2 =	seq.s32 s10, $0x1;
	s10 =	sld [smem:$0x3FAB]  }
0x3d: {  	_ =	shalt  }
0x3e: {  	_ =	shalt  }
0x3f: {  	_ =	shalt  }
0x40: {  	_ =	shalt  }
0x41: {  	_ =	shalt  }
0x42: {  	_ =	shalt  }
0x43: {  	_ =	shalt  }
0x44: {  	_ =	shalt  }
0x45: {  	_ =	shalt  }
0x46: {  	_ =	shalt  }
0x47: {  	_ =	shalt  }
0x48: {  	_ =	shalt  }
0x49: {  	_ =	shalt  }
0x4a: {  	_ =	shalt  }
0x4b: {  	_ =	shalt  }
0x4c: {  	_ =	shalt  }
0x4d: {  	_ =	shalt  }
0x4e: {  	_ =	shalt  }
0x4f: {  	_ =	shalt  }
0x50: {  	_ =	shalt  }
0x51: {  	_ =	shalt  }
0x52: {  	_ =	shalt  }
0x53: {  	_ =	shalt  }
0x54: {  	_ =	shalt  }
0x55: {  	_ =	shalt  }
0x56: {  	_ =	shalt  }
0x57: {  	_ =	shalt  }
0x58: {  	_ =	shalt  }
0x59: {  	_ =	shalt  }
0x5a: {  	_ =	shalt  }
0x5b: {  	_ =	shalt  }
0x5c: {  	_ =	shalt  }
0x5d: {  	_ =	shalt  }
0x5e: {  	_ =	shalt  }
0x5f: {  	_ =	shalt  }
0x60: {  	_ =	shalt  }
0x61: {  	_ =	shalt  }
0x62: {  	_ =	shalt  }
0x63: {  	_ =	shalt  }
0x64: {  	_ =	shalt  }
0x65: {  	_ =	shalt  }
0x66: {  	_ =	shalt  }
0x67: {  	_ =	shalt  }
0x68: {  	_ =	shalt  }
0x69: {  	_ =	shalt  }
0x6a: {  	_ =	shalt  }
0x6b: {  	_ =	shalt  }
0x6c: {  	_ =	shalt  }
0x6d: {  	_ =	shalt  }
0x6e: {  	_ =	shalt  }
0x6f: {  	_ =	shalt  }
0x70: {  	_ =	shalt  }
0x71: {  	_ =	shalt  }
0x72: {  	_ =	shalt  }
0x73: {  	_ =	shalt  }
0x74: {  	_ =	shalt  }
0x75: {  	_ =	shalt  }
0x76: {  	_ =	shalt  }
0x77: {  	_ =	shalt  }
0x78: {  	_ =	shalt  }
0x79: {  	_ =	shalt  }
0x7a: {  	_ =	shalt  }
0x7b: {  	_ =	shalt  }
0x7c: {  	_ =	shalt  }
0x7d: {  	_ =	shalt  }
0x7e: {  	_ =	shalt  }
0x7f: {  	_ =	shalt  }
0x80: {  	_ =	shalt  }
0x81: {  	_ =	shalt  }
0x82: {  	_ =	shalt  }
0x83: {  	_ =	shalt  }
0x84: {  	_ =	shalt  }
0x85: {  	_ =	shalt  }
0x86: {  	_ =	shalt  }
0x87: {  	_ =	shalt  }
.Lfunc_end0:
.L_simem_size_0:
called_computation.1_lowered:
.L_overlay_start_0:
0x88: {  	s2 =	sld [smem:$0x3FD9]  }
0x89: {  	s3 =	sld [smem:$0x3FFE];
	_ =	sdelay $0x1  }
0x8a: {  	s1 =	srdreg.scid  }
0x8b: {  	s0 =	sand.u32 $0x1, s1  }
0x8c: {  	s17 =	sshll.u32 s0, $0xA;
	s2 =	sadd.s32 s3, s2  }
0x8d: {  	s2 =	sadd.s32 s2, s17  }
0x8e: {  	[smem:$0x3FB7] =	sst s2  }
0x8f: {  	_ = 	snop  }
0x90: {  	s2 =	sld [smem:$0x3FD0];
	(tm) =	ssettm $0x1  }
0x91: {  	s18 =	sld [smem:$0x3FFB];
	_ =	sdelay $0x3  }
0x92: {  	_ =	strace s18  }
0x93: {  	s3 =	sld [smem:$0x3FFC];
	_ =	sdelay $0x3  }
0x94: {  	_ =	strace s3  }
0x95: {  	s3 =	sld [smem:$0x3FFD];
	_ =	sdelay $0x3  }
0x96: {  	_ =	strace s3  }
0x97: {  	_ =	strace $0x8FFFFFFF  }
0x98: {  	s19 =	sld [smem:$0x3FDB];
	_ =	sdelay $0x1  }
0x99: {  	s4 =	simm.s32 $_scs_section_size  }
0x9a: {  	s5 =	simm.s32 $_size__tile_overlayer_lowered;
	s6 =	simm.s32 $_tile_overlayer_lowered  }
0x9b: {  	s22 =	simm.s32 $0x1BFF;
	s21 =	sshll.u32 s6, $0x1;
	s3 =	sadd.s32 s4, s19  }
0x9c: {  	s7 =	simm.s32 $0x0;
	s20 =	sshll.u32 s5, $0x1;
	s5 =	sadd.s32 s21, s3  }
0x9d: {  	[timem:s7], [sflag:s22] =	dma.local [hbm:s5], s20  }
0x9e: {  	_ =	swait.ge [sflag:s22], s20  }
0x9f: {  	s4 =	ssub.s32 $0x0, s20;
	[sflag:s22] =	ssyncset.done $0x0  }
0xa0: {  	[sflag:s22] =	ssyncadd.s32 s4;
	_ =	sdelay $0x1  }
0xa1: {  	s23 =	simm.s32 $0x1B8B  }
0xa2: {  	_ =	swait.ge [sflag:s23], $0x1  }
0xa3: {  	[sflag:s23] =	ssyncset.done $0x0  }
0xa4: {  	s25 =	simm.s32 $0x1B8E;
	s24 =	sld [smem:$0x3FFE];
	[sflag:s23] =	ssyncadd.s32 $0xFFFFFFFF  }
0xa5: {  	s26 =	simm.s32 $execute0_lowered;
	[smem:$0x3FD2] =	sst s25  }
0xa6: {  	s5 =	sshll.u32 s26, $0x1;
	_ =	strace $0x80000049;
	[dreg:$0x1] =	wrdreg $0xFFFFFFFF  }
0xa7: {  	s28 =	simm.s32 $_size_execute0_lowered;
	s3 =	sadd.s32 s3, s5;
	[dreg:$0x0] =	wrdreg $0x0  }
0xa8: {  	s5 =	sshll.u32 s28, $0x1;
	[dreg:$0x2] =	wrdreg s3  }
0xa9: {  	[dreg:$0x3] =	wrdreg s5  }
0xaa: {  	[dreg:$0x4] =	wrdreg $0xC0  }
0xab: {  	_ =	task [dreg:s7], $0x5FFFF  }
0xac: {  	[dreg:$0x1] =	wrdreg $0xFFFFFFFF  }
0xad: {  	[dreg:$0x0] =	wrdreg $0x60  }
0xae: {  	[dreg:$0x2] =	wrdreg s2  }
0xaf: {  	[dreg:$0x3] =	wrdreg s24  }
0xb0: {  	[dreg:$0x4] =	wrdreg $0x9  }
0xb1: {  	_ =	task.clear_ibuf [dreg:s7], $0x5FFFF;
	_ =	strace $0x90000049  }
0xb2: {  	s29 =	simm.s32 $0x9;
	_ =	strace $0x8000004B  }
0xb3: {  	_ =	swait.ge [sflag:s29], $0x1  }
0xb4: {  	[sflag:s29] =	ssyncadd.s32 $0xFFFFFFFF  }
0xb5: {  	_ =	strace $0x9000004B  }
0xb6: {  	_ =	sfence  }
0xb7: {  	s30 =	sld [smem:$0x0];
	_ =	sdelay $0x2  }
0xb8: {  	s31 =	sshll.u32 s1, $0xD;
	s1 =	sshrl.u32 s1, $0x2  }
0xb9: {  	s3 =	sand.u32 $0x4000, s31;
	s1 =	sadd.s32 s1, s30  }
0xba: {  	s0 =	sor.u32 s3, s0;
	s1 =	sshll.u32 s1, $0x11  }
0xbb: {  	s0 =	sor.u32 s1, s0  }
0xbc: {  	s0 =	sadd.s32 $0x8F2B, s0  }
0xbd: {  	[sflag:s0] =	ssyncadd.remote.s32 $0x1  }
0xbe: {  	_ =	sfence.sel $0xFFFF  }
0xbf: {  	[dreg:$0x0] =	wrdreg $0xFFFFFFFF;
	(pc) =	sbr.abs _section_cstart, $3  }
0xc0: {  	[dreg:$0x1] =	wrdreg $0xFFFFFFFF  }
0xc1: {  	_ =	task.clear_ibuf [dreg:s7], $0x2FFFF;
	_ =	strace $0x9FFFFFFF  }
0xc2: {  	(tm) =	ssettm $0x7FFFFFFF  }
0xc3: {  	_ =	shalt  }
tec
execute0_lowered:
.L_overlay_start_1:
0x0: {  	(tag) =	ssettag $0x1  }
0x1: {  	s0 =	srdreg.scid  }
0x2: {  	s2 =	stileid.u32;
	s1 =	rddreg [dreg:$0x1]  }
0x3: {  	s3 =	simm.s32 $0x0;
	s28 =	simm.s32 $0x5000;
	s29 =	simm.s32 $0x5FA0  }
0x4: {  	s30 =	simm.s32 $0x6F40;
	s0 =	sand.u32 $0x1, s0;
	s2 =	sshll.u32 s2, $0x1  }
0x5: {  	s31 =	simm.s32 $0x1;
	s11 =	simm.s32 $0x6;
	s2 =	sor.u32 s0, s2  }
0x6: {  	s12 =	simm.s32 $0x8;
	[smem:$0x7FF] =	sst s3;
	s2 =	smul.u32 $0x2710, s2  }
0x7: {  	s4 =	sadd.s32 $0x3400, s1;
	s13 =	sadd.s32 $0x48E00, s1;
	s6 =	sadd.s32 $0xD400, s1  }
0x8: {  	s1 =	sadd.s32 $0x20E00, s1;
	_ =	strace $0x8000004A;
	s2 =	sshrl.u32 s2, $0x3  }
0x9: {  	[dreg:$0x3] =	wrdreg s4;
	s0 =	ssub.s32 $0x2, s0;
	s8 =	sadd.s32 s13, s2  }
0xa: {  	s5 =	sadd.s32 s6, s2;
	s19 =	sadd.s32 s1, s2;
	[dreg:$0x5] =	wrdreg s8  }
0xb: {  	s15 =	sadd.s32 $0xFA, s2;
	s14 =	sadd.s32 $0x9C40, s5;
	[dreg:$0x9] =	wrdreg s19  }
0xc: {  	s4 =	simm.s32 $0x7710;
	s16 =	sadd.s32 s6, s15;
	[dreg:$0x4] =	wrdreg s14  }
0xd: {  	s7 =	sshrl.u32 s0, $0x1;
	s17 =	sadd.s32 $0x9D3A, s5;
	[dreg:$0x6] =	wrdreg s16  }
0xe: {  	s20 =	sadd.s32 $0x1F4, s2;
	s18 =	sadd.s32 s13, s15;
	[dreg:$0x7] =	wrdreg s17  }
0xf: {  	s0 =	ssub.s32 s0, s7;
	s9 =	sadd.s32 s6, s20;
	[dreg:$0x8] =	wrdreg s18  }
0x10: {  	s22 =	sadd.s32 $0x2EE, s2;
	s21 =	sadd.s32 $0x9E34, s5;
	[dreg:$0xa] =	wrdreg s9  }
0x11: {  	s2 =	sadd.s32 $0x3E8, s2;
	s10 =	sadd.s32 s13, s20;
	[dreg:$0xb] =	wrdreg s21  }
0x12: {  	s7 =	sadd.s32 s1, s15;
	s23 =	sadd.s32 s6, s22;
	[dreg:$0xc] =	wrdreg s10  }
0x13: {  	s24 =	sadd.s32 $0x9F2E, s5;
	s25 =	sadd.s32 s13, s22;
	[dreg:$0xd] =	wrdreg s7  }
0x14: {  	s26 =	sadd.s32 s1, s20;
	s20 =	sadd.s32 s6, s2;
	[dreg:$0xe] =	wrdreg s23  }
0x15: {  	s22 =	sadd.s32 s1, s22;
	s6 =	simm.s32 $0x3;
	[dreg:$0xf] =	wrdreg s24  }
0x16: {  	s8 =	simm.s32 $0x7;
	s15 =	simm.s32 $0xA;
	[dreg:$0x10] =	wrdreg s25  }
0x17: {  	[dreg:$0x11] =	wrdreg s26;
	s21 =	sadd.s32 s13, s2;
	s23 =	sadd.s32 s1, s2  }
0x18: {  	s24 =	sadd.s32 $0xA028, s5;
	s25 =	smax.u32 s0, $0x1;
	s26 =	simm.s32 $0x2800  }
0x19: {  	s1 =	simm.s32 $0x2;
	s0 =	simm.s32 $0x57D0;
	s2 =	simm.s32 $0x6770  }
0x1a: {  	s7 =	simm.s32 $0x5;
	s9 =	simm.s32 $0x7EE0;
	s10 =	simm.s32 $0x4  }
0x1b: {  	s13 =	simm.s32 $0x86B0;
	s14 =	simm.s32 $0x9;
	s16 =	simm.s32 $0x0  }
.LBB2_1:
0x1c: {  	s17 =	rddreg [dreg:$0x0]  }
0x1d: {  	[tilespmem:s3], [sflag:$0x1] =	stream.linear.gather [hbm4b:s17+s3], $0x2800, $0x38;
	[tilespmem:$0x8E80] =	vst v63  }
0x1e: {  	s18 =	rddreg [dreg:$0x3]  }
0x1f: {  	[tilespmem:s26], [sflag:$0x2] =	stream.linear.gather [hbm4b:s18+s3], $0x2800, $0x38;
	[tilespmem:$0x8E80] =	vst v63  }
0x20: {  	_ = 	snop  }
0x21: {  	[tilespmem:s28], [sflag:$0x3] =	stream.linear.gather [hbm4b:s5+s3], $0x7D0, $0x38;
	[tilespmem:$0x8E80] =	vst v63  }
0x22: {  	s19 =	rddreg [dreg:$0x4]  }
0x23: {  	[tilespmem:s29], [sflag:$0x5] =	stream.linear.gather [hbm4b:s19+s3], $0x7D0, $0x38;
	[tilespmem:$0x8E80] =	vst v63  }
0x24: {  	s18 =	rddreg [dreg:$0x5]  }
0x25: {  	[tilespmem:s30], [sflag:$0x7] =	stream.linear.gather [hbm4b:s18+s3], $0x7D0, $0x38;
	[tilespmem:$0x8E80] =	vst v63  }
0x26: {  	_ =	swait.ge [sflag:s31], $0x2800  }
0x27: {  	[sflag:s31] =	ssyncset.done $0x0  }
0x28: {  	[sflag:s31] =	ssyncadd.s32 $0xFFFFD800  }
0x29: {  	_ =	swait.ge [sflag:s1], $0x2800  }
0x2a: {  	[sflag:s1] =	ssyncset.done $0x0  }
0x2b: {  	s19 =	rddreg [dreg:$0x6];
	[sflag:s1] =	ssyncadd.s32 $0xFFFFD800  }
0x2c: {  	[tilespmem:s0], [sflag:$0x4] =	stream.linear.gather [hbm4b:s19+s3], $0x7D0, $0x38;
	[tilespmem:$0x8E80] =	vst v63  }
0x2d: {  	s18 =	rddreg [dreg:$0x7]  }
0x2e: {  	[tilespmem:s2], [sflag:$0x6] =	stream.linear.gather [hbm4b:s18+s3], $0x7D0, $0x38;
	[tilespmem:$0x8E80] =	vst v63  }
0x2f: {  	s19 =	rddreg [dreg:$0x8]  }
0x30: {  	[tilespmem:s4], [sflag:$0x8] =	stream.linear.gather [hbm4b:s19+s3], $0x7D0, $0x38;
	[tilespmem:$0x8E80] =	vst v63  }
0x31: {  	_ =	swait.ge [sflag:s6], $0x7D0  }
0x32: {  	[sflag:s6] =	ssyncset.done $0x0  }
0x33: {  	[sflag:s6] =	ssyncadd.s32 $0xFFFFF830  }
0x34: {  	_ =	swait.ge [sflag:s7], $0x7D0  }
0x35: {  	[sflag:s7] =	ssyncset.done $0x0  }
0x36: {  	[sflag:s7] =	ssyncadd.s32 $0xFFFFF830  }
0x37: {  	_ =	swait.ge [sflag:s8], $0x7D0  }
0x38: {  	[sflag:s8] =	ssyncset.done $0x0  }
0x39: {  	s17 =	simm.s32 $0x0;
	[sflag:s8] =	ssyncadd.s32 $0xFFFFF830  }
0x3a: {  	v0 =	vld [tilespmem:s17+$0x5FA0]  }
0x3b: {  	v1 =	vld [tilespmem:s17+$0x5000];
	_ =	sdelay $0x6  }
0x3c: {  	v0 =	vld.idx.msk [tilespmem:v0+s26+$0x0], $0xffff  }
0x3d: {  	v2 =	vld.idx.msk [tilespmem:v1+s3+$0x0], $0xffff  }
0x3e: {  	s18 =	simm.s32 $0x10;
	v3 =	vld [tilespmem:s17+$0x6F40]  }
0x3f: {  	s19 =	simm.s32 $0x80;
	v1 =	vld [tilespmem:s18+$0x5FA0]  }
.LBB2_2:
0x40: {  	p0 =	sne.s32 s19, $0x1F00;
	v4 =	vld [tilespmem:s18+$0x5000];
	_ =	sdelay $0x1  }
0x41: {  	v0 =	vadd.f32 v0, v2;
	_ =	sdelay $0x1  }
0x42: {  	v0 =	vadd.f32 v3, v0;
	_ =	sdelay $0x1  }
0x43: {  	[tilespmem:s17+$0x7EE0] =	vst v0;
	s17 =	smov.u32 s18  }
.Ltmp0:
0x44: {  	v0 =	vld.idx.msk [tilespmem:v1+s26+$0x0], $0xffff;
	(pc) =	sbr.rel @p0 .LBB2_2-.Ltmp0, $3  }
0x45: {  	v2 =	vld.idx.msk [tilespmem:v4+s3+$0x0], $0xffff;
	_ =	sdelay $0x1  }
0x46: {  	s18 =	sshra.s32 s19, $0x2;
	v3 =	vld [tilespmem:s17+$0x6F40]  }
0x47: {  	s19 =	sadd.s32 $0x40, s19;
	v1 =	vld [tilespmem:s18+$0x5FA0]  }
0x48: {  	_ = 	snop  }
0x49: {  	v4 =	vld [tilespmem:s18+$0x5000];
	_ =	sdelay $0x1  }
0x4a: {  	v0 =	vadd.f32 v0, v2;
	_ =	sdelay $0x1  }
0x4b: {  	v0 =	vadd.f32 v3, v0;
	_ =	sdelay $0x1  }
0x4c: {  	[tilespmem:s17+$0x7EE0] =	vst v0  }
0x4d: {  	v0 =	vld.idx.msk [tilespmem:v1+s26+$0x0], $0xffff  }
0x4e: {  	v1 =	vld.idx.msk [tilespmem:v4+s3+$0x0], $0xffff;
	_ =	sdelay $0x1  }
0x4f: {  	v2 =	vld [tilespmem:s18+$0x6F40];
	_ =	sdelay $0x2  }
0x50: {  	v0 =	vadd.f32 v0, v1;
	_ =	sdelay $0x1  }
0x51: {  	v0 =	vadd.f32 v2, v0;
	_ =	sdelay $0x1  }
0x52: {  	s19 =	rddreg [dreg:$0x9];
	s17 =	simm.s32 $0x0;
	[tilespmem:s18+$0x7EE0] =	vst v0  }
0x53: {  	[hbm4b:s19+s17] =	stream.linear.scatter [tilespmem:s9], [sflag:$0x9], $0x7D0, $0x38;
	[tilespmem:$0x8E80] =	vst v63  }
0x54: {  	s19 =	rddreg [dreg:$0xa]  }
0x55: {  	[tilespmem:s28], [sflag:$0x3] =	stream.linear.gather [hbm4b:s19+s17], $0x7D0, $0x38;
	[tilespmem:$0x8E80] =	vst v63  }
0x56: {  	s19 =	rddreg [dreg:$0xb]  }
0x57: {  	[tilespmem:s29], [sflag:$0x5] =	stream.linear.gather [hbm4b:s19+s17], $0x7D0, $0x38;
	[tilespmem:$0x8E80] =	vst v63  }
0x58: {  	s19 =	rddreg [dreg:$0xc]  }
0x59: {  	[tilespmem:s30], [sflag:$0x7] =	stream.linear.gather [hbm4b:s19+s17], $0x7D0, $0x38;
	[tilespmem:$0x8E80] =	vst v63  }
0x5a: {  	_ =	swait.ge [sflag:s10], $0x7D0  }
0x5b: {  	[sflag:s10] =	ssyncset.done $0x0  }
0x5c: {  	[sflag:s10] =	ssyncadd.s32 $0xFFFFF830  }
0x5d: {  	_ =	swait.ge [sflag:s11], $0x7D0  }
0x5e: {  	[sflag:s11] =	ssyncset.done $0x0  }
0x5f: {  	[sflag:s11] =	ssyncadd.s32 $0xFFFFF830  }
0x60: {  	_ =	swait.ge [sflag:s12], $0x7D0  }
0x61: {  	[sflag:s12] =	ssyncset.done $0x0  }
0x62: {  	s17 =	simm.s32 $0x0;
	[sflag:s12] =	ssyncadd.s32 $0xFFFFF830  }
0x63: {  	v0 =	vld [tilespmem:s17+$0x6770]  }
0x64: {  	v1 =	vld [tilespmem:s17+$0x57D0];
	_ =	sdelay $0x6  }
0x65: {  	v0 =	vld.idx.msk [tilespmem:v0+s26+$0x0], $0xffff  }
0x66: {  	v2 =	vld.idx.msk [tilespmem:v1+s3+$0x0], $0xffff  }
0x67: {  	s18 =	simm.s32 $0x10;
	v3 =	vld [tilespmem:s17+$0x7710]  }
0x68: {  	s19 =	simm.s32 $0x80;
	v1 =	vld [tilespmem:s18+$0x6770]  }
.LBB2_4:
0x69: {  	p0 =	sne.s32 s19, $0x1F00;
	v4 =	vld [tilespmem:s18+$0x57D0];
	_ =	sdelay $0x1  }
0x6a: {  	v0 =	vadd.f32 v0, v2;
	_ =	sdelay $0x1  }
0x6b: {  	v0 =	vadd.f32 v3, v0;
	_ =	sdelay $0x1  }
0x6c: {  	[tilespmem:s17+$0x86B0] =	vst v0;
	s17 =	smov.u32 s18  }
.Ltmp1:
0x6d: {  	v0 =	vld.idx.msk [tilespmem:v1+s26+$0x0], $0xffff;
	(pc) =	sbr.rel @p0 .LBB2_4-.Ltmp1, $3  }
0x6e: {  	v2 =	vld.idx.msk [tilespmem:v4+s3+$0x0], $0xffff;
	_ =	sdelay $0x1  }
0x6f: {  	s18 =	sshra.s32 s19, $0x2;
	v3 =	vld [tilespmem:s17+$0x7710]  }
0x70: {  	s19 =	sadd.s32 $0x40, s19;
	v1 =	vld [tilespmem:s18+$0x6770]  }
0x71: {  	_ = 	snop  }
0x72: {  	v4 =	vld [tilespmem:s18+$0x57D0];
	_ =	sdelay $0x1  }
0x73: {  	v0 =	vadd.f32 v0, v2;
	_ =	sdelay $0x1  }
0x74: {  	v0 =	vadd.f32 v3, v0;
	_ =	sdelay $0x1  }
0x75: {  	[tilespmem:s17+$0x86B0] =	vst v0  }
0x76: {  	v0 =	vld.idx.msk [tilespmem:v1+s26+$0x0], $0xffff  }
0x77: {  	v1 =	vld.idx.msk [tilespmem:v4+s3+$0x0], $0xffff;
	_ =	sdelay $0x1  }
0x78: {  	v2 =	vld [tilespmem:s18+$0x7710];
	_ =	sdelay $0x2  }
0x79: {  	v0 =	vadd.f32 v0, v1;
	_ =	sdelay $0x1  }
0x7a: {  	v0 =	vadd.f32 v2, v0;
	_ =	sdelay $0x1  }
0x7b: {  	s19 =	rddreg [dreg:$0xd];
	s17 =	simm.s32 $0x0;
	[tilespmem:s18+$0x86B0] =	vst v0  }
0x7c: {  	[hbm4b:s19+s17] =	stream.linear.scatter [tilespmem:s13], [sflag:$0xA], $0x7D0, $0x38;
	[tilespmem:$0x8E80] =	vst v63  }
0x7d: {  	s19 =	rddreg [dreg:$0xe]  }
0x7e: {  	[tilespmem:s0], [sflag:$0x4] =	stream.linear.gather [hbm4b:s19+s17], $0x7D0, $0x38;
	[tilespmem:$0x8E80] =	vst v63  }
0x7f: {  	s19 =	rddreg [dreg:$0xf]  }
0x80: {  	[tilespmem:s2], [sflag:$0x6] =	stream.linear.gather [hbm4b:s19+s17], $0x7D0, $0x38;
	[tilespmem:$0x8E80] =	vst v63  }
0x81: {  	s19 =	rddreg [dreg:$0x10]  }
0x82: {  	[tilespmem:s4], [sflag:$0x8] =	stream.linear.gather [hbm4b:s19+s17], $0x7D0, $0x38;
	[tilespmem:$0x8E80] =	vst v63  }
0x83: {  	_ =	swait.ge [sflag:s6], $0x7D0  }
0x84: {  	[sflag:s6] =	ssyncset.done $0x0  }
0x85: {  	[sflag:s6] =	ssyncadd.s32 $0xFFFFF830  }
0x86: {  	_ =	swait.ge [sflag:s7], $0x7D0  }
0x87: {  	[sflag:s7] =	ssyncset.done $0x0  }
0x88: {  	[sflag:s7] =	ssyncadd.s32 $0xFFFFF830  }
0x89: {  	_ =	swait.ge [sflag:s8], $0x7D0  }
0x8a: {  	[sflag:s8] =	ssyncset.done $0x0  }
0x8b: {  	[sflag:s8] =	ssyncadd.s32 $0xFFFFF830  }
0x8c: {  	_ =	swait.ge [sflag:s14], $0x7D0  }
0x8d: {  	[sflag:s14] =	ssyncset.done $0x0  }
0x8e: {  	s17 =	simm.s32 $0x0;
	[sflag:s14] =	ssyncadd.s32 $0xFFFFF830  }
0x8f: {  	v0 =	vld [tilespmem:s17+$0x5FA0]  }
0x90: {  	v1 =	vld [tilespmem:s17+$0x5000];
	_ =	sdelay $0x6  }
0x91: {  	v0 =	vld.idx.msk [tilespmem:v0+s26+$0x0], $0xffff  }
0x92: {  	v2 =	vld.idx.msk [tilespmem:v1+s3+$0x0], $0xffff  }
0x93: {  	s18 =	simm.s32 $0x10;
	v3 =	vld [tilespmem:s17+$0x6F40]  }
0x94: {  	s19 =	simm.s32 $0x80;
	v1 =	vld [tilespmem:s18+$0x5FA0]  }
.LBB2_6:
0x95: {  	p0 =	sne.s32 s19, $0x1F00;
	v4 =	vld [tilespmem:s18+$0x5000];
	_ =	sdelay $0x1  }
0x96: {  	v0 =	vadd.f32 v0, v2;
	_ =	sdelay $0x1  }
0x97: {  	v0 =	vadd.f32 v3, v0;
	_ =	sdelay $0x1  }
0x98: {  	[tilespmem:s17+$0x7EE0] =	vst v0;
	s17 =	smov.u32 s18  }
.Ltmp2:
0x99: {  	v0 =	vld.idx.msk [tilespmem:v1+s26+$0x0], $0xffff;
	(pc) =	sbr.rel @p0 .LBB2_6-.Ltmp2, $3  }
0x9a: {  	v2 =	vld.idx.msk [tilespmem:v4+s3+$0x0], $0xffff;
	_ =	sdelay $0x1  }
0x9b: {  	s18 =	sshra.s32 s19, $0x2;
	v3 =	vld [tilespmem:s17+$0x6F40]  }
0x9c: {  	s19 =	sadd.s32 $0x40, s19;
	v1 =	vld [tilespmem:s18+$0x5FA0]  }
0x9d: {  	_ = 	snop  }
0x9e: {  	v4 =	vld [tilespmem:s18+$0x5000];
	_ =	sdelay $0x1  }
0x9f: {  	v0 =	vadd.f32 v0, v2;
	_ =	sdelay $0x1  }
0xa0: {  	v0 =	vadd.f32 v3, v0;
	_ =	sdelay $0x1  }
0xa1: {  	[tilespmem:s17+$0x7EE0] =	vst v0  }
0xa2: {  	v0 =	vld.idx.msk [tilespmem:v1+s26+$0x0], $0xffff  }
0xa3: {  	v1 =	vld.idx.msk [tilespmem:v4+s3+$0x0], $0xffff;
	_ =	sdelay $0x1  }
0xa4: {  	v2 =	vld [tilespmem:s18+$0x6F40];
	_ =	sdelay $0x2  }
0xa5: {  	v0 =	vadd.f32 v0, v1;
	_ =	sdelay $0x1  }
0xa6: {  	v0 =	vadd.f32 v2, v0;
	_ =	sdelay $0x1  }
0xa7: {  	s19 =	rddreg [dreg:$0x11];
	s17 =	simm.s32 $0x0;
	[tilespmem:s18+$0x7EE0] =	vst v0  }
0xa8: {  	[hbm4b:s19+s17] =	stream.linear.scatter [tilespmem:s9], [sflag:$0x9], $0x7D0, $0x38;
	[tilespmem:$0x8E80] =	vst v63  }
0xa9: {  	_ = 	snop  }
0xaa: {  	[tilespmem:s28], [sflag:$0x3] =	stream.linear.gather [hbm4b:s20+s17], $0x7D0, $0x38;
	[tilespmem:$0x8E80] =	vst v63  }
0xab: {  	_ = 	snop  }
0xac: {  	[tilespmem:s29], [sflag:$0x5] =	stream.linear.gather [hbm4b:s24+s17], $0x7D0, $0x38;
	[tilespmem:$0x8E80] =	vst v63  }
0xad: {  	_ = 	snop  }
0xae: {  	[tilespmem:s30], [sflag:$0x7] =	stream.linear.gather [hbm4b:s21+s17], $0x7D0, $0x38;
	[tilespmem:$0x8E80] =	vst v63  }
0xaf: {  	_ =	swait.ge [sflag:s10], $0x7D0  }
0xb0: {  	[sflag:s10] =	ssyncset.done $0x0  }
0xb1: {  	[sflag:s10] =	ssyncadd.s32 $0xFFFFF830  }
0xb2: {  	_ =	swait.ge [sflag:s11], $0x7D0  }
0xb3: {  	[sflag:s11] =	ssyncset.done $0x0  }
0xb4: {  	[sflag:s11] =	ssyncadd.s32 $0xFFFFF830  }
0xb5: {  	_ =	swait.ge [sflag:s12], $0x7D0  }
0xb6: {  	[sflag:s12] =	ssyncset.done $0x0  }
0xb7: {  	[sflag:s12] =	ssyncadd.s32 $0xFFFFF830  }
0xb8: {  	_ =	swait.ge [sflag:s15], $0x7D0  }
0xb9: {  	[sflag:s15] =	ssyncset.done $0x0  }
0xba: {  	s17 =	simm.s32 $0x0;
	[sflag:s15] =	ssyncadd.s32 $0xFFFFF830  }
0xbb: {  	v0 =	vld [tilespmem:s17+$0x6770]  }
0xbc: {  	v1 =	vld [tilespmem:s17+$0x57D0];
	_ =	sdelay $0x6  }
0xbd: {  	v0 =	vld.idx.msk [tilespmem:v0+s26+$0x0], $0xffff  }
0xbe: {  	v2 =	vld.idx.msk [tilespmem:v1+s3+$0x0], $0xffff  }
0xbf: {  	s18 =	simm.s32 $0x10;
	v3 =	vld [tilespmem:s17+$0x7710]  }
0xc0: {  	s19 =	simm.s32 $0x80;
	v1 =	vld [tilespmem:s18+$0x6770]  }
.LBB2_8:
0xc1: {  	p0 =	sne.s32 s19, $0x1F00;
	v4 =	vld [tilespmem:s18+$0x57D0];
	_ =	sdelay $0x1  }
0xc2: {  	v0 =	vadd.f32 v0, v2;
	_ =	sdelay $0x1  }
0xc3: {  	v0 =	vadd.f32 v3, v0;
	_ =	sdelay $0x1  }
0xc4: {  	[tilespmem:s17+$0x86B0] =	vst v0;
	s17 =	smov.u32 s18  }
.Ltmp3:
0xc5: {  	v0 =	vld.idx.msk [tilespmem:v1+s26+$0x0], $0xffff;
	(pc) =	sbr.rel @p0 .LBB2_8-.Ltmp3, $3  }
0xc6: {  	v2 =	vld.idx.msk [tilespmem:v4+s3+$0x0], $0xffff;
	_ =	sdelay $0x1  }
0xc7: {  	s18 =	sshra.s32 s19, $0x2;
	v3 =	vld [tilespmem:s17+$0x7710]  }
0xc8: {  	s19 =	sadd.s32 $0x40, s19;
	v1 =	vld [tilespmem:s18+$0x6770]  }
0xc9: {  	_ = 	snop  }
0xca: {  	v4 =	vld [tilespmem:s18+$0x57D0];
	_ =	sdelay $0x1  }
0xcb: {  	v0 =	vadd.f32 v0, v2;
	_ =	sdelay $0x1  }
0xcc: {  	v0 =	vadd.f32 v3, v0;
	_ =	sdelay $0x1  }
0xcd: {  	[tilespmem:s17+$0x86B0] =	vst v0  }
0xce: {  	v0 =	vld.idx.msk [tilespmem:v1+s26+$0x0], $0xffff  }
0xcf: {  	v1 =	vld.idx.msk [tilespmem:v4+s3+$0x0], $0xffff;
	_ =	sdelay $0x1  }
0xd0: {  	v2 =	vld [tilespmem:s18+$0x7710];
	_ =	sdelay $0x2  }
0xd1: {  	v0 =	vadd.f32 v0, v1;
	_ =	sdelay $0x1  }
0xd2: {  	v0 =	vadd.f32 v2, v0;
	_ =	sdelay $0x1  }
0xd3: {  	s19 =	simm.s32 $0x0;
	[tilespmem:s18+$0x86B0] =	vst v0  }
0xd4: {  	[hbm4b:s22+s19] =	stream.linear.scatter [tilespmem:s13], [sflag:$0xA], $0x7D0, $0x38;
	[tilespmem:$0x8E80] =	vst v63  }
0xd5: {  	_ =	swait.ge [sflag:s6], $0x7D0  }
0xd6: {  	[sflag:s6] =	ssyncset.done $0x0  }
0xd7: {  	[sflag:s6] =	ssyncadd.s32 $0xFFFFF830  }
0xd8: {  	_ =	swait.ge [sflag:s7], $0x7D0  }
0xd9: {  	[sflag:s7] =	ssyncset.done $0x0  }
0xda: {  	[sflag:s7] =	ssyncadd.s32 $0xFFFFF830  }
0xdb: {  	_ =	swait.ge [sflag:s8], $0x7D0  }
0xdc: {  	[sflag:s8] =	ssyncset.done $0x0  }
0xdd: {  	[sflag:s8] =	ssyncadd.s32 $0xFFFFF830  }
0xde: {  	_ =	swait.ge [sflag:s14], $0x7D0  }
0xdf: {  	[sflag:s14] =	ssyncset.done $0x0  }
0xe0: {  	s17 =	simm.s32 $0x0;
	[sflag:s14] =	ssyncadd.s32 $0xFFFFF830  }
0xe1: {  	v0 =	vld [tilespmem:s17+$0x5FA0]  }
0xe2: {  	v1 =	vld [tilespmem:s17+$0x5000];
	_ =	sdelay $0x6  }
0xe3: {  	v0 =	vld.idx.msk [tilespmem:v0+s26+$0x0], $0xffff  }
0xe4: {  	v2 =	vld.idx.msk [tilespmem:v1+s3+$0x0], $0xffff  }
0xe5: {  	s18 =	simm.s32 $0x10;
	v3 =	vld [tilespmem:s17+$0x6F40]  }
0xe6: {  	s19 =	simm.s32 $0x80;
	v1 =	vld [tilespmem:s18+$0x5FA0]  }
.LBB2_10:
0xe7: {  	p0 =	sne.s32 s19, $0x1F00;
	v4 =	vld [tilespmem:s18+$0x5000];
	_ =	sdelay $0x1  }
0xe8: {  	v0 =	vadd.f32 v0, v2;
	_ =	sdelay $0x1  }
0xe9: {  	v0 =	vadd.f32 v3, v0;
	_ =	sdelay $0x1  }
0xea: {  	[tilespmem:s17+$0x7EE0] =	vst v0;
	s17 =	smov.u32 s18  }
.Ltmp4:
0xeb: {  	v0 =	vld.idx.msk [tilespmem:v1+s26+$0x0], $0xffff;
	(pc) =	sbr.rel @p0 .LBB2_10-.Ltmp4, $3  }
0xec: {  	v2 =	vld.idx.msk [tilespmem:v4+s3+$0x0], $0xffff;
	_ =	sdelay $0x1  }
0xed: {  	s18 =	sshra.s32 s19, $0x2;
	v3 =	vld [tilespmem:s17+$0x6F40]  }
0xee: {  	s19 =	sadd.s32 $0x40, s19;
	v1 =	vld [tilespmem:s18+$0x5FA0]  }
0xef: {  	_ = 	snop  }
0xf0: {  	v4 =	vld [tilespmem:s18+$0x5000];
	_ =	sdelay $0x1  }
0xf1: {  	v0 =	vadd.f32 v0, v2;
	_ =	sdelay $0x1  }
0xf2: {  	v0 =	vadd.f32 v3, v0;
	_ =	sdelay $0x1  }
0xf3: {  	[tilespmem:s17+$0x7EE0] =	vst v0  }
0xf4: {  	v0 =	vld.idx.msk [tilespmem:v1+s26+$0x0], $0xffff  }
0xf5: {  	v62 =	vld.idx.msk [tilespmem:v4+s3+$0x0], $0xffff;
	_ =	sdelay $0x1  }
0xf6: {  	v63 =	vld [tilespmem:s18+$0x6F40];
	_ =	sdelay $0x2  }
0xf7: {  	v0 =	vadd.f32 v0, v62;
	_ =	sdelay $0x1  }
0xf8: {  	v0 =	vadd.f32 v63, v0;
	_ =	sdelay $0x1  }
0xf9: {  	s16 =	sadd.s32 $0x1, s16;
	[tilespmem:s18+$0x7EE0] =	vst v0  }
0xfa: {  	[hbm4b:s23+s3] =	stream.linear.scatter [tilespmem:s9], [sflag:$0x9], $0x7D0, $0x38;
	[tilespmem:$0x8E80] =	vst v63  }
0xfb: {  	p0 =	sne.s32 s16, s25;
	_ =	swait.ge [sflag:s14], $0x7D0  }
.Ltmp5:
0xfc: {  	[sflag:s14] =	ssyncset.done $0x0;
	(pc) =	sbr.rel @p0 .LBB2_1-.Ltmp5, $4  }
0xfd: {  	[sflag:s14] =	ssyncadd.s32 $0xFFFFF830  }
0xfe: {  	_ =	swait.ge [sflag:s15], $0x7D0  }
0xff: {  	[sflag:s15] =	ssyncset.done $0x0  }
0x100: {  	[sflag:s15] =	ssyncadd.s32 $0xFFFFF830  }
0x101: {  	_ =	sfence.sel $0x180000  }
0x102: {  	[bflag:$0x0] =	sbarrier.arrive $0xFFFF  }
0x103: {  	_ =	strace $0x9000004A  }
0x104: {  	s0 =	stileid.u32;
	[bflag:$0x2] =	sbarrier.arrive $0xFFFF  }
0x105: {  	p0 =	sne.s32 s0, $0x0;
	s0 =	rddreg [dreg:$0x2]  }
0x106: {  	s0 =	sadd.s32 @!p0 $0x100000, s0  }
0x107: {  	[sflag:s0] =	ssyncadd.tile.s32 @!p0 $0x1;
	_ =	shalt  }
.Lfunc_end2:
_tile_overlayer_lowered:
.L_overlay_start_2:
0x108: {  	(tag) =	ssettag $0x2  }
0x109: {  	s0 =	rddreg [dreg:$0x0];
	s2 =	stileid.u32  }
0x10a: {  	s1 =	rddreg [dreg:$0x1];
	p0 =	sne.s32 s2, $0x0  }
0x10b: {  	s3 =	rddreg [dreg:$0x2];
	[bflag:$0x3] =	sbarrier.arrive $0xFFFF;
	s2 =	simm.s32 @!p0 $0x1C0B  }
0x10c: {  	[timem:s3], [sflag:s2] =	dma.local @!p0 [hbm:s0], s1  }
0x10d: {  	s0 =	simm.s32 @!p0 $0xB  }
0x10e: {  	_ =	swait.ge @!p0 [sflag:s0], s1  }
0x10f: {  	s1 =	ssub.s32 @!p0 $0x0, s1;
	[sflag:s0] =	ssyncset.done @!p0 $0x0  }
0x110: {  	[sflag:s0] =	ssyncadd.s32 @!p0 s1  }
0x111: {  	[bflag:$0x3] =	sbarrier.arrive $0xFFFF  }
0x112: {  	_ =	shalt  }

// kernel: kernel.7.cloned.1.call-start
scs
__scs_entry_jumppad:
0x0: {  	(pc) =	sbr.rel $0x88, $3  }
0x1: {  	(tag) =	ssettag $0x0;
	lr =	simm.s32 $0x1  }
0x2: {  	[smem:$0x3F90] =	sst lr;
	_ =	strace $0xD0000000  }
0x3: {  	_ = 	snop  }
0x4: {  	_ = 	snop  }
0x5: {  	_ = 	snop  }
0x6: {  	_ = 	snop  }
0x7: {  	_ = 	snop  }
__scs_overlays_trampoline_lowered:
0x8: {  	[smem:$0x3F9F] =	sst s0  }
0x9: {  	[smem:$0x3FA0] =	sst s1  }
0xa: {  	[smem:$0x3FA1] =	sst s2  }
0xb: {  	[smem:$0x3FA2] =	sst s3  }
0xc: {  	[smem:$0x3FA3] =	sst s4  }
0xd: {  	[smem:$0x3FA4] =	sst s5  }
0xe: {  	[smem:$0x3FA5] =	sst s6  }
0xf: {  	[smem:$0x3FA6] =	sst s7  }
0x10: {  	[smem:$0x3FA7] =	sst s8  }
0x11: {  	[smem:$0x3FA8] =	sst s9;
	s0 =	simm.s32 @!p0 $0x0  }
0x12: {  	s1 =	sld [smem:$0x3F8E];
	s0 =	simm.s32 @p0 $0x1  }
0x13: {  	[smem:$0x3FA9] =	sst s0;
	s0 =	simm.s32 @!p1 $0x0  }
0x14: {  	s2 =	sld [smem:$0x3F8D];
	s0 =	simm.s32 @p1 $0x1  }
0x15: {  	[smem:$0x3FAA] =	sst s0;
	s0 =	simm.s32 @!p2 $0x0  }
0x16: {  	s3 =	sld [smem:$0x3FDB];
	s0 =	simm.s32 @p2 $0x1  }
0x17: {  	s4 =	simm.s32 $0x1BF5;
	[smem:$0x3FAC] =	sst s0  }
0x18: {  	s0 =	sld [smem:$0x3F8F];
	_ =	swait.ge [sflag:s4], $0x0  }
0x19: {  	s7 =	sld [smem:$0x3F90]  }
0x1a: {  	s8 =	sadd.s32 $0xFFFFE003, lr  }
0x1b: {  	s9 =	sadd.s32 $0xFFFFFEF7, lr;
	s5 =	simm.s32 $0xFFFFFFFF;
	p2 =	slt.u32 s8, $0xFFFFF086  }
0x1c: {  	p1 =	slt.u32 s9, $0xF7A;
	s5 =	simm.s32 @!p2 $0x0  }
0x1d: {  	s5 =	simm.s32 @p1 $0x1;
	p0 =	seq.s32 s7, s2  }
0x1e: {  	s7 =	smul.u32 @!p0 $0xF7A, s2;
	p2 =	seq.s32 @!p0 s5, $0x0  }
0x1f: {  	s9 =	smul.u32 $0xF7A, s1;
	s8 =	simm.s32 @!p0 $0x1BF5;
	p2 =	por !p2, p0  }
0x20: {  	[sflag:s8] =	ssyncset.s32 @!p0 $0xFFFFF086;
	s6 =	sadd.s32 @!p0 s3, s7;
	s7 =	simm.s32 @!p0 $0x108  }
0x21: {  	s3 =	sadd.s32 s3, s9;
	s6 =	sadd.s32 @!p0 $0x88, s6;
	s7 =	simm.s32 @p2 $0x1082  }
0x22: {  	[simem:s7], [sflag:s8] =	dma.local @!p0 [hbm:s6], $0xF7A  }
0x23: {  	s9 =	sor.u32 $0xD0000000, s2;
	s6 =	simm.s32 $0x108;
	_ =	swait.ge @!p0 [sflag:s8], $0x0  }
0x24: {  	s3 =	sadd.s32 $0x88, s3;
	s6 =	simm.s32 @!p1 $0x1082;
	[sflag:s4] =	ssyncset.s32 $0xFFFFF086  }
0x25: {  	[simem:s6], [sflag:s4] =	dma.local [hbm:s3], $0xF7A  }
0x26: {  	[smem:$0x3F90] =	sst s1;
	(tag) =	ssettag s2;
	_ =	strace s9  }
0x27: {  	s1 =	sld [smem:$0x3FA0]  }
0x28: {  	s2 =	sld [smem:$0x3FA1]  }
0x29: {  	s4 =	sld [smem:$0x3FA3]  }
0x2a: {  	p0 =	seq.s32 s5, $0x0;
	s5 =	sld [smem:$0x3FA4]  }
0x2b: {  	s6 =	sld [smem:$0x3FA5]  }
0x2c: {  	s7 =	sld [smem:$0x3FA6]  }
0x2d: {  	s3 =	simm.s32 $0x108;
	s8 =	sld [smem:$0x3FA7]  }
0x2e: {  	s3 =	simm.s32 @!p0 $0x1082;
	s9 =	sld [smem:$0x3FA8]  }
0x2f: {  	lr =	sadd.s32 s0, s3;
	s0 =	sld [smem:$0x3F9F]  }
0x30: {  	s3 =	sld [smem:$0x3FA2]  }
0x31: {  	[smem:$0x3FAB] =	sst s10  }
0x32: {  	s10 =	sld [smem:$0x3FA9];
	_ =	sdelay $0x3  }
0x33: {  	p0 =	seq.s32 s10, $0x1;
	s10 =	sld [smem:$0x3FAB];
	_ =	sdelay $0x3  }
0x34: {  	[smem:$0x3FAB] =	sst s10  }
0x35: {  	s10 =	sld [smem:$0x3FAA];
	_ =	sdelay $0x3  }
0x36: {  	p1 =	seq.s32 s10, $0x1;
	s10 =	sld [smem:$0x3FAB];
	_ =	sdelay $0x3  }
0x37: {  	[smem:$0x3FAB] =	sst s10  }
0x38: {  	s10 =	sld [smem:$0x3FAC]  }
0x39: {  	_ = 	snop;
	(pc) =	sbr.ind lr, $3  }
0x3a: {  	_ = 	snop  }
0x3b: {  	_ = 	snop  }
0x3c: {  	p2 =	seq.s32 s10, $0x1;
	s10 =	sld [smem:$0x3FAB]  }
0x3d: {  	_ =	shalt  }
0x3e: {  	_ =	shalt  }
0x3f: {  	_ =	shalt  }
0x40: {  	_ =	shalt  }
0x41: {  	_ =	shalt  }
0x42: {  	_ =	shalt  }
0x43: {  	_ =	shalt  }
0x44: {  	_ =	shalt  }
0x45: {  	_ =	shalt  }
0x46: {  	_ =	shalt  }
0x47: {  	_ =	shalt  }
0x48: {  	_ =	shalt  }
0x49: {  	_ =	shalt  }
0x4a: {  	_ =	shalt  }
0x4b: {  	_ =	shalt  }
0x4c: {  	_ =	shalt  }
0x4d: {  	_ =	shalt  }
0x4e: {  	_ =	shalt  }
0x4f: {  	_ =	shalt  }
0x50: {  	_ =	shalt  }
0x51: {  	_ =	shalt  }
0x52: {  	_ =	shalt  }
0x53: {  	_ =	shalt  }
0x54: {  	_ =	shalt  }
0x55: {  	_ =	shalt  }
0x56: {  	_ =	shalt  }
0x57: {  	_ =	shalt  }
0x58: {  	_ =	shalt  }
0x59: {  	_ =	shalt  }
0x5a: {  	_ =	shalt  }
0x5b: {  	_ =	shalt  }
0x5c: {  	_ =	shalt  }
0x5d: {  	_ =	shalt  }
0x5e: {  	_ =	shalt  }
0x5f: {  	_ =	shalt  }
0x60: {  	_ =	shalt  }
0x61: {  	_ =	shalt  }
0x62: {  	_ =	shalt  }
0x63: {  	_ =	shalt  }
0x64: {  	_ =	shalt  }
0x65: {  	_ =	shalt  }
0x66: {  	_ =	shalt  }
0x67: {  	_ =	shalt  }
0x68: {  	_ =	shalt  }
0x69: {  	_ =	shalt  }
0x6a: {  	_ =	shalt  }
0x6b: {  	_ =	shalt  }
0x6c: {  	_ =	shalt  }
0x6d: {  	_ =	shalt  }
0x6e: {  	_ =	shalt  }
0x6f: {  	_ =	shalt  }
0x70: {  	_ =	shalt  }
0x71: {  	_ =	shalt  }
0x72: {  	_ =	shalt  }
0x73: {  	_ =	shalt  }
0x74: {  	_ =	shalt  }
0x75: {  	_ =	shalt  }
0x76: {  	_ =	shalt  }
0x77: {  	_ =	shalt  }
0x78: {  	_ =	shalt  }
0x79: {  	_ =	shalt  }
0x7a: {  	_ =	shalt  }
0x7b: {  	_ =	shalt  }
0x7c: {  	_ =	shalt  }
0x7d: {  	_ =	shalt  }
0x7e: {  	_ =	shalt  }
0x7f: {  	_ =	shalt  }
0x80: {  	_ =	shalt  }
0x81: {  	_ =	shalt  }
0x82: {  	_ =	shalt  }
0x83: {  	_ =	shalt  }
0x84: {  	_ =	shalt  }
0x85: {  	_ =	shalt  }
0x86: {  	_ =	shalt  }
0x87: {  	_ =	shalt  }
.Lfunc_end0:
.L_simem_size_0:
called_computation_lowered:
.L_overlay_start_0:
0x88: {  	s2 =	sld [smem:$0x3FD9]  }
0x89: {  	s3 =	sld [smem:$0x3FFE];
	_ =	sdelay $0x1  }
0x8a: {  	s1 =	srdreg.scid  }
0x8b: {  	s0 =	sand.u32 $0x1, s1  }
0x8c: {  	s17 =	sshll.u32 s0, $0xA;
	s2 =	sadd.s32 s3, s2  }
0x8d: {  	s2 =	sadd.s32 s2, s17  }
0x8e: {  	[smem:$0x3FB7] =	sst s2  }
0x8f: {  	_ = 	snop  }
0x90: {  	s2 =	sld [smem:$0x3FD0];
	(tm) =	ssettm $0x1  }
0x91: {  	s18 =	sld [smem:$0x3FFB];
	_ =	sdelay $0x3  }
0x92: {  	_ =	strace s18  }
0x93: {  	s3 =	sld [smem:$0x3FFC];
	_ =	sdelay $0x3  }
0x94: {  	_ =	strace s3  }
0x95: {  	s3 =	sld [smem:$0x3FFD];
	_ =	sdelay $0x3  }
0x96: {  	_ =	strace s3  }
0x97: {  	_ =	strace $0x8FFFFFFF  }
0x98: {  	s19 =	sld [smem:$0x3FDB];
	_ =	sdelay $0x1  }
0x99: {  	s4 =	simm.s32 $_scs_section_size  }
0x9a: {  	s5 =	simm.s32 $_size__tile_overlayer_lowered;
	s6 =	simm.s32 $_tile_overlayer_lowered  }
0x9b: {  	s22 =	simm.s32 $0x1BFF;
	s21 =	sshll.u32 s6, $0x1;
	s3 =	sadd.s32 s4, s19  }
0x9c: {  	s7 =	simm.s32 $0x0;
	s20 =	sshll.u32 s5, $0x1;
	s5 =	sadd.s32 s21, s3  }
0x9d: {  	[timem:s7], [sflag:s22] =	dma.local [hbm:s5], s20  }
0x9e: {  	_ =	swait.ge [sflag:s22], s20  }
0x9f: {  	s4 =	ssub.s32 $0x0, s20;
	[sflag:s22] =	ssyncset.done $0x0  }
0xa0: {  	[sflag:s22] =	ssyncadd.s32 s4;
	_ =	sdelay $0x1  }
0xa1: {  	s23 =	simm.s32 $0x1B8B  }
0xa2: {  	_ =	swait.ge [sflag:s23], $0x1  }
0xa3: {  	[sflag:s23] =	ssyncset.done $0x0  }
0xa4: {  	s25 =	simm.s32 $0x1B8E;
	s24 =	sld [smem:$0x3FFE];
	[sflag:s23] =	ssyncadd.s32 $0xFFFFFFFF  }
0xa5: {  	s26 =	simm.s32 $execute0_lowered;
	[smem:$0x3FD2] =	sst s25  }
0xa6: {  	s5 =	sshll.u32 s26, $0x1;
	_ =	strace $0x80000046;
	[dreg:$0x1] =	wrdreg $0xFFFFFFFF  }
0xa7: {  	s28 =	simm.s32 $_size_execute0_lowered;
	s3 =	sadd.s32 s3, s5;
	[dreg:$0x0] =	wrdreg $0x0  }
0xa8: {  	s5 =	sshll.u32 s28, $0x1;
	[dreg:$0x2] =	wrdreg s3  }
0xa9: {  	[dreg:$0x3] =	wrdreg s5  }
0xaa: {  	[dreg:$0x4] =	wrdreg $0xC0  }
0xab: {  	_ =	task [dreg:s7], $0x5FFFF  }
0xac: {  	[dreg:$0x1] =	wrdreg $0xFFFFFFFF  }
0xad: {  	[dreg:$0x0] =	wrdreg $0x60  }
0xae: {  	[dreg:$0x2] =	wrdreg s24  }
0xaf: {  	[dreg:$0x3] =	wrdreg s2  }
0xb0: {  	[dreg:$0x4] =	wrdreg $0x160080  }
0xb1: {  	[dreg:$0x5] =	wrdreg $0x162880  }
0xb2: {  	[dreg:$0x6] =	wrdreg $0x9  }
0xb3: {  	_ =	task.clear_ibuf [dreg:s7], $0x7FFFF;
	_ =	strace $0x90000046  }
0xb4: {  	s29 =	simm.s32 $0x9;
	_ =	strace $0x80000048  }
0xb5: {  	_ =	swait.ge [sflag:s29], $0x1  }
0xb6: {  	[sflag:s29] =	ssyncadd.s32 $0xFFFFFFFF  }
0xb7: {  	_ =	strace $0x90000048  }
0xb8: {  	_ =	sfence  }
0xb9: {  	s30 =	sld [smem:$0x0];
	_ =	sdelay $0x2  }
0xba: {  	s31 =	sshll.u32 s1, $0xD;
	s1 =	sshrl.u32 s1, $0x2  }
0xbb: {  	s3 =	sand.u32 $0x4000, s31;
	s1 =	sadd.s32 s1, s30  }
0xbc: {  	s0 =	sor.u32 s3, s0;
	s1 =	sshll.u32 s1, $0x11  }
0xbd: {  	s0 =	sor.u32 s1, s0  }
0xbe: {  	s0 =	sadd.s32 $0x8F2B, s0  }
0xbf: {  	[sflag:s0] =	ssyncadd.remote.s32 $0x1  }
0xc0: {  	_ =	sfence.sel $0xFFFF  }
0xc1: {  	[dreg:$0x0] =	wrdreg $0xFFFFFFFF;
	(pc) =	sbr.abs _section_cstart, $3  }
0xc2: {  	[dreg:$0x1] =	wrdreg $0xFFFFFFFF  }
0xc3: {  	_ =	task.clear_ibuf [dreg:s7], $0x2FFFF;
	_ =	strace $0x9FFFFFFF  }
0xc4: {  	(tm) =	ssettm $0x7FFFFFFF  }
0xc5: {  	_ =	shalt  }
tec
execute0_lowered:
.L_overlay_start_1:
0x0: {  	(tag) =	ssettag $0x1  }
0x1: {  	s0 =	srdreg.scid;
	s1 =	rddreg [dreg:$0x0]  }
0x2: {  	s13 =	stileid.u32;
	s6 =	rddreg [dreg:$0x1];
	s4 =	sand.u32 $0x1, s0  }
0x3: {  	s7 =	smul.u32 $0x4E20, s13;
	s5 =	sadd.s32 $0xD400, s1;
	s23 =	sshll.u32 s13, $0x1  }
0x4: {  	s3 =	smul.u32 $0x280, s13;
	s0 =	ssub.s32 $0x2, s4;
	s8 =	sor.u32 s4, s23  }
0x5: {  	s2 =	sshrl.u32 s0, $0x1;
	s24 =	sadd.s32 $0x4E5E8, s7;
	s9 =	sshrl.u32 s7, $0x3  }
0x6: {  	s11 =	sadd.s32 $0x4EDB8, s7;
	s12 =	sadd.s32 $0x50528, s7;
	s16 =	sadd.s32 $0x50CF8, s7  }
0x7: {  	s17 =	sadd.s32 $0x514C8, s7;
	s18 =	sadd.s32 $0x51C98, s7;
	s21 =	sadd.s32 $0x52468, s7  }
0x8: {  	s8 =	smul.u32 $0x2710, s8;
	s22 =	sshrl.u32 s3, $0x3;
	s0 =	ssub.s32 s0, s2  }
0x9: {  	s10 =	sshrl.u32 s24, $0x3;
	s2 =	sadd.s32 s5, s9;
	s26 =	sshrl.u32 s11, $0x3  }
0xa: {  	s11 =	sadd.s32 $0x4FD58, s7;
	s15 =	sshrl.u32 s12, $0x3;
	s20 =	sshrl.u32 s18, $0x3  }
0xb: {  	s6 =	sadd.s32 s6, s22;
	s25 =	sadd.s32 s5, s10;
	s9 =	sadd.s32 s5, s26  }
0xc: {  	s10 =	sadd.s32 $0x4F588, s7;
	s7 =	sadd.s32 $0x52C38, s7;
	[dreg:$0xf] =	wrdreg s6  }
0xd: {  	s23 =	sshrl.u32 s8, $0x3;
	s24 =	sadd.s32 $0x3E8, s8;
	[dreg:$0x5] =	wrdreg s25  }
0xe: {  	s26 =	sadd.s32 $0x4E5E8, s8;
	[dreg:$0x6] =	wrdreg s9;
	s9 =	sshrl.u32 s10, $0x3  }
0xf: {  	s10 =	sshrl.u32 s11, $0x3;
	s7 =	sshrl.u32 s7, $0x3;
	s9 =	sadd.s32 s5, s9  }
0x10: {  	s25 =	sshrl.u32 s24, $0x3;
	s14 =	sadd.s32 s5, s10;
	[dreg:$0x7] =	wrdreg s9  }
0x11: {  	s11 =	sadd.s32 $0x4EDB8, s8;
	s7 =	sadd.s32 s5, s7;
	[dreg:$0x8] =	wrdreg s14  }
0x12: {  	s10 =	sshrl.u32 s17, $0x3;
	s9 =	sadd.s32 s5, s15;
	[dreg:$0xe] =	wrdreg s7  }
0x13: {  	s6 =	sadd.s32 s5, s25;
	[dreg:$0x9] =	wrdreg s9;
	s9 =	sshrl.u32 s16, $0x3  }
0x14: {  	s17 =	sadd.s32 $0x4F588, s8;
	[dreg:$0x10] =	wrdreg s6;
	s9 =	sadd.s32 s5, s9  }
0x15: {  	s19 =	sadd.s32 s5, s10;
	[dreg:$0xa] =	wrdreg s9;
	s9 =	sadd.s32 s5, s20  }
0x16: {  	s7 =	sshrl.u32 s26, $0x3;
	[dreg:$0xc] =	wrdreg s9;
	s9 =	sshrl.u32 s21, $0x3  }
0x17: {  	s14 =	sshrl.u32 s11, $0x3;
	s15 =	sadd.s32 $0x1388, s8;
	s9 =	sadd.s32 s5, s9  }
0x18: {  	s18 =	sshrl.u32 s17, $0x3;
	[dreg:$0xd] =	wrdreg s9;
	s9 =	sadd.s32 $0xBB8, s8  }
0x19: {  	[dreg:$0xb] =	wrdreg s19;
	s6 =	sadd.s32 s5, s7;
	s10 =	sshrl.u32 s9, $0x3  }
0x1a: {  	s16 =	sshrl.u32 s15, $0x3;
	[dreg:$0x11] =	wrdreg s6;
	s6 =	sadd.s32 s5, s10  }
0x1b: {  	s19 =	sadd.s32 $0x1B58, s8;
	[dreg:$0x12] =	wrdreg s6;
	s6 =	sadd.s32 s5, s14  }
0x1c: {  	s20 =	sshrl.u32 s19, $0x3;
	[dreg:$0x13] =	wrdreg s6;
	s6 =	sadd.s32 s5, s16  }
0x1d: {  	s21 =	sadd.s32 $0x4FD58, s8;
	[dreg:$0x14] =	wrdreg s6;
	s6 =	sadd.s32 s5, s18  }
0x1e: {  	s22 =	sshrl.u32 s21, $0x3;
	[dreg:$0x15] =	wrdreg s6;
	s6 =	sadd.s32 s5, s20  }
0x1f: {  	s12 =	sadd.s32 s5, s23;
	[dreg:$0x16] =	wrdreg s6;
	s6 =	sadd.s32 s5, s22  }
0x20: {  	s23 =	sadd.s32 $0x2328, s8;
	s22 =	simm.s32 $0x0;
	[dreg:$0x17] =	wrdreg s6  }
0x21: {  	s24 =	sshrl.u32 s23, $0x3;
	s25 =	sadd.s32 $0x50528, s8;
	[smem:$0x7FF] =	sst s22  }
0x22: {  	s26 =	sshrl.u32 s25, $0x3;
	s6 =	sadd.s32 s5, s24;
	s24 =	rddreg [dreg:$0x2]  }
0x23: {  	s31 =	simm.s32 $0x5;
	s5 =	sadd.s32 s5, s26;
	s26 =	rddreg [dreg:$0x3]  }
0x24: {  	p1 =	seq.s32 s4, $0x0;
	p0 =	sne.s32 s4, $0x0;
	[dreg:$0x18] =	wrdreg s6  }
0x25: {  	s0 =	smax.u32 s0, $0x1;
	s10 =	sadd.s32 $0x9C40, s2;
	[dreg:$0x19] =	wrdreg s5  }
0x26: {  	s11 =	sadd.s32 $0x9D3A, s2;
	_ =	strace $0x80000047;
	[dreg:$0x1a] =	wrdreg s10  }
0x27: {  	s7 =	smul.u32 $0x5000, s13;
	s13 =	sadd.s32 $0x9E34, s2;
	[dreg:$0x1b] =	wrdreg s11  }
0x28: {  	s23 =	sadd.s32 $0x9C40, s12;
	s14 =	sadd.s32 $0x9F2E, s2;
	[dreg:$0x1c] =	wrdreg s13  }
0x29: {  	s17 =	sadd.s32 $0xA21C, s2;
	s15 =	sadd.s32 $0xA028, s2;
	[dreg:$0x1d] =	wrdreg s14  }
0x2a: {  	s25 =	sadd.s32 $0xFA, s12;
	s16 =	sadd.s32 $0xA122, s2;
	[dreg:$0x1e] =	wrdreg s15  }
0x2b: {  	s19 =	sadd.s32 $0xA410, s2;
	s8 =	smul.u32 $0x50000, s4;
	[dreg:$0x1f] =	wrdreg s16  }
0x2c: {  	s4 =	simm.s32 $0x3EE00;
	s18 =	sadd.s32 $0xA316, s2;
	[smem:$0x7F4] =	sst s17  }
0x2d: {  	s4 =	simm.s32 @!p1 $0x20E00;
	s9 =	sshrl.u32 s7, $0x3;
	[smem:$0x7F5] =	sst s18  }
0x2e: {  	s28 =	sadd.s32 s4, s1;
	s2 =	sadd.s32 $0xA50A, s2;
	[smem:$0x7F6] =	sst s19  }
0x2f: {  	s4 =	simm.s32 $0xFA0;
	s21 =	sadd.s32 s28, s9;
	[smem:$0x7F7] =	sst s2  }
0x30: {  	s6 =	sadd.s32 s7, s8;
	s29 =	sadd.s32 s3, s24;
	[smem:$0x7FA] =	sst s0  }
0x31: {  	s30 =	sadd.s32 s7, s26;
	s3 =	simm.s32 $0x3E8;
	[smem:$0x7FB] =	sst s21  }
0x32: {  	s5 =	simm.s32 $0x2;
	s7 =	simm.s32 $0x9088;
	[smem:$0x7FC] =	sst s23  }
0x33: {  	s8 =	simm.s32 $0x3;
	s6 =	sshrl.u32 s6, $0x3;
	[smem:$0x7FD] =	sst s25  }
0x34: {  	s15 =	sadd.s32 $0x9D3A, s12;
	s16 =	sadd.s32 $0x1F4, s12;
	s17 =	sadd.s32 $0x9E34, s12  }
0x35: {  	s18 =	sadd.s32 $0x2EE, s12;
	s19 =	sadd.s32 $0x9F2E, s12;
	s21 =	sadd.s32 $0xA028, s12  }
0x36: {  	s23 =	simm.s32 $0x10D88;
	s25 =	simm.s32 $0x11008;
	s0 =	simm.s32 $0x7D0  }
0x37: {  	s2 =	simm.s32 $0x1;
	s6 =	sadd.s32 s6, s1;
	s1 =	sadd.s32 s9, s1  }
0x38: {  	s10 =	simm.s32 $0x0;
	s9 =	simm.s32 $0x4;
	s1 =	sadd.s32 $0x3400, s1  }
0x39: {  	s20 =	sadd.s32 $0x2AE00, s6;
	s6 =	simm.s32 $0x1388;
	[smem:$0x7F8] =	sst s1  }
0x3a: {  	v0 =	vimm.f32 $1.000000000e+00;
	v1 =	vimm.f32 $0.0e+00;
	[smem:$0x7F9] =	sst s20;
	s20 =	sadd.s32 $0x3E8, s12;
	s1 =	simm.s32 $0xBB8  }
.LBB2_1:
0x3b: {  	s11 =	simm.s32 $0x40;
	s13 =	simm.s32 $0x0  }
.LBB2_2:
0x3c: {  	p1 =	sne.s32 s11, $0xF40;
	[tilespmem:s13+$0xFA0] =	vst v0;
	s13 =	smov.u32 s11;
	s11 =	sadd.s32 $0x40, s11  }
.Ltmp0:
0x3d: {  	(pc) =	sbr.rel @p1 .LBB2_2-.Ltmp0, $2  }
0x3e: {  	_ =	sdelay $0x2  }
0x3f: {  	s13 =	sshra.s32 s13, $0x2  }
0x40: {  	[tilespmem:s13+$0xFA0] =	vst v0  }
0x41: {  	[tilespmem:$0x10D88] =	vst v1  }
0x42: {  	[tilespmem:$0x10D98] =	vst v1  }
0x43: {  	[tilespmem:$0x10DA8] =	vst v1  }
0x44: {  	[tilespmem:$0x10DB8] =	vst v1  }
0x45: {  	[tilespmem:$0x10DC8] =	vst v1  }
0x46: {  	[tilespmem:$0x10DD8] =	vst v1  }
0x47: {  	[tilespmem:$0x10DE8] =	vst v1  }
0x48: {  	[tilespmem:$0x10DF8] =	vst v1  }
0x49: {  	[tilespmem:$0x10E08] =	vst v1  }
0x4a: {  	[tilespmem:$0x10E18] =	vst v1  }
0x4b: {  	[tilespmem:$0x10E28] =	vst v1  }
0x4c: {  	[tilespmem:$0x10E38] =	vst v1  }
0x4d: {  	[tilespmem:$0x10E48] =	vst v1  }
0x4e: {  	[tilespmem:$0x10E58] =	vst v1  }
0x4f: {  	[tilespmem:$0x10E68] =	vst v1  }
0x50: {  	[tilespmem:$0x10E78] =	vst v1  }
0x51: {  	[tilespmem:$0x10E88] =	vst v1  }
0x52: {  	[tilespmem:$0x10E98] =	vst v1  }
0x53: {  	[tilespmem:$0x10EA8] =	vst v1  }
0x54: {  	[tilespmem:$0x10EB8] =	vst v1  }
0x55: {  	[tilespmem:$0x10EC8] =	vst v1  }
0x56: {  	[tilespmem:$0x10ED8] =	vst v1  }
0x57: {  	[tilespmem:$0x10EE8] =	vst v1  }
0x58: {  	[tilespmem:$0x10EF8] =	vst v1  }
0x59: {  	[tilespmem:$0x10F08] =	vst v1  }
0x5a: {  	[tilespmem:$0x10F18] =	vst v1  }
0x5b: {  	[tilespmem:$0x10F28] =	vst v1  }
0x5c: {  	[tilespmem:$0x10F38] =	vst v1  }
0x5d: {  	[tilespmem:$0x10F48] =	vst v1  }
0x5e: {  	[tilespmem:$0x10F58] =	vst v1  }
0x5f: {  	[tilespmem:$0x10F68] =	vst v1  }
0x60: {  	[tilespmem:$0x10F78] =	vst v1  }
0x61: {  	[tilespmem:$0x10F88] =	vst v1  }
0x62: {  	[tilespmem:$0x10F98] =	vst v1  }
0x63: {  	[tilespmem:$0x10FA8] =	vst v1  }
0x64: {  	[tilespmem:$0x10FB8] =	vst v1  }
0x65: {  	[tilespmem:$0x10FC8] =	vst v1  }
0x66: {  	[tilespmem:$0x10FD8] =	vst v1  }
0x67: {  	[tilespmem:$0x10FE8] =	vst v1  }
0x68: {  	s11 =	simm.s32 $0x80;
	s13 =	simm.s32 $0x0;
	[tilespmem:$0x10FF8] =	vst v1  }
.LBB2_4:
0x69: {  	p1 =	sne.s32 s11, $0x13F80;
	[tilespmem:s13+$0x11008] =	vst v1;
	s14 =	smov.u32 s11;
	s11 =	sadd.s32 $0x80, s11  }
.Ltmp1:
0x6a: {  	[tilespmem:s13+$0x11018] =	vst v1;
	(pc) =	sbr.rel @p1 .LBB2_4-.Ltmp1, $2  }
0x6b: {  	_ =	sdelay $0x2  }
0x6c: {  	s13 =	sshra.s32 s14, $0x2  }
0x6d: {  	[tilespmem:s13+$0x11008] =	vst v1  }
0x6e: {  	[tilespmem:s13+$0x11018] =	vst v1  }
0x6f: {  	[spmem:s29] =	stream.linear.scatter [tilespmem:s23], [sflag:$0x5], $0x280, $0x38;
	[tilespmem:$0x1B288] =	vst v63  }
0x70: {  	_ =	swait.ge [sflag:s31], $0x280  }
0x71: {  	[sflag:s31] =	ssyncset.done $0x0  }
0x72: {  	[sflag:s31] =	ssyncadd.s32 $0xFFFFFD80  }
0x73: {  	[spmem:s30] =	stream.linear.scatter [tilespmem:s25], [sflag:$0x5], $0x5000, $0x38;
	[tilespmem:$0x1B288] =	vst v63  }
0x74: {  	_ =	swait.ge [sflag:s31], $0x5000  }
0x75: {  	[sflag:s31] =	ssyncset.done $0x0  }
0x76: {  	[sflag:s31] =	ssyncadd.s32 $0xFFFFB000  }
0x77: {  	[bflag:$0x0] =	sbarrier.arrive $0xFFFF  }
0x78: {  	s11 =	simm.s32 $0x0;
	s14 =	rddreg [dreg:$0x1a]  }
0x79: {  	[tilespmem:s0], [sflag:$0x1] =	stream.linear.gather [hbm4b:s14+s11], $0x3E8, $0x38;
	[tilespmem:$0x1B288] =	vst v63  }
0x7a: {  	s14 =	rddreg [dreg:$0x5]  }
0x7b: {  	[tilespmem:s1], [sflag:$0x2] =	stream.linear.gather [hbm4b:s14+s11], $0x3E8, $0x38;
	[tilespmem:$0x1B288] =	vst v63  }
0x7c: {  	_ =	swait.ge [sflag:s2], $0x3E8  }
0x7d: {  	[sflag:s2] =	ssyncset.done $0x0  }
0x7e: {  	[sflag:s2] =	ssyncadd.s32 $0xFFFFFC18  }
0x7f: {  	[spmem:s24] =	stream.indirect.scatter.add.f32 [tilespmem:s4], [sflag:$0x5], $0x1, s0, s3, $0xb8;
	[tilespmem:$0x1B288] =	vst v63  }
0x80: {  	_ =	swait.ge [sflag:s31], $0x3E8  }
0x81: {  	[sflag:s31] =	ssyncset.done $0x0  }
0x82: {  	s14 =	rddreg [dreg:$0x1b];
	[sflag:s31] =	ssyncadd.s32 $0xFFFFFC18  }
0x83: {  	[tilespmem:s0], [sflag:$0x1] =	stream.linear.gather [hbm4b:s14+s11], $0x3E8, $0x38;
	[tilespmem:$0x1B288] =	vst v63  }
0x84: {  	_ =	swait.ge [sflag:s5], $0x3E8  }
0x85: {  	[sflag:s5] =	ssyncset.done $0x0  }
0x86: {  	[sflag:s5] =	ssyncadd.s32 $0xFFFFFC18  }
0x87: {  	[spmem:s24] =	stream.indirect.scatter.add.f32 [tilespmem:s4], [sflag:$0x5], $0x1, s1, s3, $0xb8;
	[tilespmem:$0x1B288] =	vst v63  }
0x88: {  	_ =	swait.ge [sflag:s31], $0x3E8  }
0x89: {  	[sflag:s31] =	ssyncset.done $0x0  }
0x8a: {  	s14 =	rddreg [dreg:$0x6];
	[sflag:s31] =	ssyncadd.s32 $0xFFFFFC18  }
0x8b: {  	[tilespmem:s1], [sflag:$0x2] =	stream.linear.gather [hbm4b:s14+s11], $0x3E8, $0x38;
	[tilespmem:$0x1B288] =	vst v63  }
0x8c: {  	_ =	swait.ge [sflag:s2], $0x3E8  }
0x8d: {  	[sflag:s2] =	ssyncset.done $0x0  }
0x8e: {  	[sflag:s2] =	ssyncadd.s32 $0xFFFFFC18  }
0x8f: {  	[spmem:s24] =	stream.indirect.scatter.add.f32 [tilespmem:s4], [sflag:$0x5], $0x1, s0, s3, $0xb8;
	[tilespmem:$0x1B288] =	vst v63  }
0x90: {  	_ =	swait.ge [sflag:s31], $0x3E8  }
0x91: {  	[sflag:s31] =	ssyncset.done $0x0  }
0x92: {  	s14 =	rddreg [dreg:$0x1c];
	[sflag:s31] =	ssyncadd.s32 $0xFFFFFC18  }
0x93: {  	[tilespmem:s0], [sflag:$0x1] =	stream.linear.gather [hbm4b:s14+s11], $0x3E8, $0x38;
	[tilespmem:$0x1B288] =	vst v63  }
0x94: {  	_ =	swait.ge [sflag:s5], $0x3E8  }
0x95: {  	[sflag:s5] =	ssyncset.done $0x0  }
0x96: {  	[sflag:s5] =	ssyncadd.s32 $0xFFFFFC18  }
0x97: {  	[spmem:s24] =	stream.indirect.scatter.add.f32 [tilespmem:s4], [sflag:$0x5], $0x1, s1, s3, $0xb8;
	[tilespmem:$0x1B288] =	vst v63  }
0x98: {  	_ =	swait.ge [sflag:s31], $0x3E8  }
0x99: {  	[sflag:s31] =	ssyncset.done $0x0  }
0x9a: {  	s14 =	rddreg [dreg:$0x7];
	[sflag:s31] =	ssyncadd.s32 $0xFFFFFC18  }
0x9b: {  	[tilespmem:s1], [sflag:$0x2] =	stream.linear.gather [hbm4b:s14+s11], $0x3E8, $0x38;
	[tilespmem:$0x1B288] =	vst v63  }
0x9c: {  	_ =	swait.ge [sflag:s2], $0x3E8  }
0x9d: {  	[sflag:s2] =	ssyncset.done $0x0  }
0x9e: {  	[sflag:s2] =	ssyncadd.s32 $0xFFFFFC18  }
0x9f: {  	[spmem:s24] =	stream.indirect.scatter.add.f32 [tilespmem:s4], [sflag:$0x5], $0x1, s0, s3, $0xb8;
	[tilespmem:$0x1B288] =	vst v63  }
0xa0: {  	_ =	swait.ge [sflag:s31], $0x3E8  }
0xa1: {  	[sflag:s31] =	ssyncset.done $0x0  }
0xa2: {  	s14 =	rddreg [dreg:$0x1d];
	[sflag:s31] =	ssyncadd.s32 $0xFFFFFC18  }
0xa3: {  	[tilespmem:s0], [sflag:$0x1] =	stream.linear.gather [hbm4b:s14+s11], $0x3E8, $0x38;
	[tilespmem:$0x1B288] =	vst v63  }
0xa4: {  	_ =	swait.ge [sflag:s5], $0x3E8  }
0xa5: {  	[sflag:s5] =	ssyncset.done $0x0  }
0xa6: {  	[sflag:s5] =	ssyncadd.s32 $0xFFFFFC18  }
0xa7: {  	[spmem:s24] =	stream.indirect.scatter.add.f32 [tilespmem:s4], [sflag:$0x5], $0x1, s1, s3, $0xb8;
	[tilespmem:$0x1B288] =	vst v63  }
0xa8: {  	_ =	swait.ge [sflag:s31], $0x3E8  }
0xa9: {  	[sflag:s31] =	ssyncset.done $0x0  }
0xaa: {  	s14 =	rddreg [dreg:$0x8];
	[sflag:s31] =	ssyncadd.s32 $0xFFFFFC18  }
0xab: {  	[tilespmem:s1], [sflag:$0x2] =	stream.linear.gather [hbm4b:s14+s11], $0x3E8, $0x38;
	[tilespmem:$0x1B288] =	vst v63  }
0xac: {  	_ =	swait.ge [sflag:s2], $0x3E8  }
0xad: {  	[sflag:s2] =	ssyncset.done $0x0  }
0xae: {  	[sflag:s2] =	ssyncadd.s32 $0xFFFFFC18  }
0xaf: {  	[spmem:s24] =	stream.indirect.scatter.add.f32 [tilespmem:s4], [sflag:$0x5], $0x1, s0, s3, $0xb8;
	[tilespmem:$0x1B288] =	vst v63  }
0xb0: {  	_ =	swait.ge [sflag:s31], $0x3E8  }
0xb1: {  	[sflag:s31] =	ssyncset.done $0x0  }
0xb2: {  	s14 =	rddreg [dreg:$0x1e];
	[sflag:s31] =	ssyncadd.s32 $0xFFFFFC18  }
0xb3: {  	[tilespmem:s0], [sflag:$0x1] =	stream.linear.gather [hbm4b:s14+s11], $0x3E8, $0x38;
	[tilespmem:$0x1B288] =	vst v63  }
0xb4: {  	_ =	swait.ge [sflag:s5], $0x3E8  }
0xb5: {  	[sflag:s5] =	ssyncset.done $0x0  }
0xb6: {  	[sflag:s5] =	ssyncadd.s32 $0xFFFFFC18  }
0xb7: {  	[spmem:s24] =	stream.indirect.scatter.add.f32 [tilespmem:s4], [sflag:$0x5], $0x1, s1, s3, $0xb8;
	[tilespmem:$0x1B288] =	vst v63  }
0xb8: {  	_ =	swait.ge [sflag:s31], $0x3E8  }
0xb9: {  	[sflag:s31] =	ssyncset.done $0x0  }
0xba: {  	s14 =	rddreg [dreg:$0x9];
	[sflag:s31] =	ssyncadd.s32 $0xFFFFFC18  }
0xbb: {  	[tilespmem:s1], [sflag:$0x2] =	stream.linear.gather [hbm4b:s14+s11], $0x3E8, $0x38;
	[tilespmem:$0x1B288] =	vst v63  }
0xbc: {  	_ =	swait.ge [sflag:s2], $0x3E8  }
0xbd: {  	[sflag:s2] =	ssyncset.done $0x0  }
0xbe: {  	[sflag:s2] =	ssyncadd.s32 $0xFFFFFC18  }
0xbf: {  	[spmem:s24] =	stream.indirect.scatter.add.f32 [tilespmem:s4], [sflag:$0x5], $0x1, s0, s3, $0xb8;
	[tilespmem:$0x1B288] =	vst v63  }
0xc0: {  	_ =	swait.ge [sflag:s31], $0x3E8  }
0xc1: {  	[sflag:s31] =	ssyncset.done $0x0  }
0xc2: {  	s14 =	rddreg [dreg:$0x1f];
	[sflag:s31] =	ssyncadd.s32 $0xFFFFFC18  }
0xc3: {  	[tilespmem:s0], [sflag:$0x1] =	stream.linear.gather [hbm4b:s14+s11], $0x3E8, $0x38;
	[tilespmem:$0x1B288] =	vst v63  }
0xc4: {  	_ =	swait.ge [sflag:s5], $0x3E8  }
0xc5: {  	[sflag:s5] =	ssyncset.done $0x0  }
0xc6: {  	[sflag:s5] =	ssyncadd.s32 $0xFFFFFC18  }
0xc7: {  	[spmem:s24] =	stream.indirect.scatter.add.f32 [tilespmem:s4], [sflag:$0x5], $0x1, s1, s3, $0xb8;
	[tilespmem:$0x1B288] =	vst v63  }
0xc8: {  	_ =	swait.ge [sflag:s31], $0x3E8  }
0xc9: {  	[sflag:s31] =	ssyncset.done $0x0  }
0xca: {  	s14 =	rddreg [dreg:$0xa];
	[sflag:s31] =	ssyncadd.s32 $0xFFFFFC18  }
0xcb: {  	[tilespmem:s1], [sflag:$0x2] =	stream.linear.gather [hbm4b:s14+s11], $0x3E8, $0x38;
	[tilespmem:$0x1B288] =	vst v63  }
0xcc: {  	_ =	swait.ge [sflag:s2], $0x3E8  }
0xcd: {  	[sflag:s2] =	ssyncset.done $0x0  }
0xce: {  	[sflag:s2] =	ssyncadd.s32 $0xFFFFFC18  }
0xcf: {  	[spmem:s24] =	stream.indirect.scatter.add.f32 [tilespmem:s4], [sflag:$0x5], $0x1, s0, s3, $0xb8;
	[tilespmem:$0x1B288] =	vst v63  }
0xd0: {  	_ =	swait.ge [sflag:s31], $0x3E8  }
0xd1: {  	s14 =	sld [smem:$0x7F4]  }
0xd2: {  	[sflag:s31] =	ssyncset.done $0x0  }
0xd3: {  	[sflag:s31] =	ssyncadd.s32 $0xFFFFFC18  }
0xd4: {  	[tilespmem:s0], [sflag:$0x1] =	stream.linear.gather [hbm4b:s14+s11], $0x3E8, $0x38;
	[tilespmem:$0x1B288] =	vst v63  }
0xd5: {  	_ =	swait.ge [sflag:s5], $0x3E8  }
0xd6: {  	[sflag:s5] =	ssyncset.done $0x0  }
0xd7: {  	[sflag:s5] =	ssyncadd.s32 $0xFFFFFC18  }
0xd8: {  	[spmem:s24] =	stream.indirect.scatter.add.f32 [tilespmem:s4], [sflag:$0x5], $0x1, s1, s3, $0xb8;
	[tilespmem:$0x1B288] =	vst v63  }
0xd9: {  	_ =	swait.ge [sflag:s31], $0x3E8  }
0xda: {  	[sflag:s31] =	ssyncset.done $0x0  }
0xdb: {  	s14 =	rddreg [dreg:$0xb];
	[sflag:s31] =	ssyncadd.s32 $0xFFFFFC18  }
0xdc: {  	[tilespmem:s1], [sflag:$0x2] =	stream.linear.gather [hbm4b:s14+s11], $0x3E8, $0x38;
	[tilespmem:$0x1B288] =	vst v63  }
0xdd: {  	_ =	swait.ge [sflag:s2], $0x3E8  }
0xde: {  	[sflag:s2] =	ssyncset.done $0x0  }
0xdf: {  	[sflag:s2] =	ssyncadd.s32 $0xFFFFFC18  }
0xe0: {  	[spmem:s24] =	stream.indirect.scatter.add.f32 [tilespmem:s4], [sflag:$0x5], $0x1, s0, s3, $0xb8;
	[tilespmem:$0x1B288] =	vst v63  }
0xe1: {  	_ =	swait.ge [sflag:s31], $0x3E8  }
0xe2: {  	s14 =	sld [smem:$0x7F5]  }
0xe3: {  	[sflag:s31] =	ssyncset.done $0x0  }
0xe4: {  	[sflag:s31] =	ssyncadd.s32 $0xFFFFFC18  }
0xe5: {  	[tilespmem:s0], [sflag:$0x1] =	stream.linear.gather [hbm4b:s14+s11], $0x3E8, $0x38;
	[tilespmem:$0x1B288] =	vst v63  }
0xe6: {  	_ =	swait.ge [sflag:s5], $0x3E8  }
0xe7: {  	[sflag:s5] =	ssyncset.done $0x0  }
0xe8: {  	[sflag:s5] =	ssyncadd.s32 $0xFFFFFC18  }
0xe9: {  	[spmem:s24] =	stream.indirect.scatter.add.f32 [tilespmem:s4], [sflag:$0x5], $0x1, s1, s3, $0xb8;
	[tilespmem:$0x1B288] =	vst v63  }
0xea: {  	_ =	swait.ge [sflag:s31], $0x3E8  }
0xeb: {  	[sflag:s31] =	ssyncset.done $0x0  }
0xec: {  	s14 =	rddreg [dreg:$0xc];
	[sflag:s31] =	ssyncadd.s32 $0xFFFFFC18  }
0xed: {  	[tilespmem:s1], [sflag:$0x2] =	stream.linear.gather [hbm4b:s14+s11], $0x3E8, $0x38;
	[tilespmem:$0x1B288] =	vst v63  }
0xee: {  	_ =	swait.ge [sflag:s2], $0x3E8  }
0xef: {  	[sflag:s2] =	ssyncset.done $0x0  }
0xf0: {  	[sflag:s2] =	ssyncadd.s32 $0xFFFFFC18  }
0xf1: {  	[spmem:s24] =	stream.indirect.scatter.add.f32 [tilespmem:s4], [sflag:$0x5], $0x1, s0, s3, $0xb8;
	[tilespmem:$0x1B288] =	vst v63  }
0xf2: {  	_ =	swait.ge [sflag:s31], $0x3E8  }
0xf3: {  	s14 =	sld [smem:$0x7F6]  }
0xf4: {  	[sflag:s31] =	ssyncset.done $0x0  }
0xf5: {  	[sflag:s31] =	ssyncadd.s32 $0xFFFFFC18  }
0xf6: {  	[tilespmem:s0], [sflag:$0x1] =	stream.linear.gather [hbm4b:s14+s11], $0x3E8, $0x38;
	[tilespmem:$0x1B288] =	vst v63  }
0xf7: {  	_ =	swait.ge [sflag:s5], $0x3E8  }
0xf8: {  	[sflag:s5] =	ssyncset.done $0x0  }
0xf9: {  	[sflag:s5] =	ssyncadd.s32 $0xFFFFFC18  }
0xfa: {  	[spmem:s24] =	stream.indirect.scatter.add.f32 [tilespmem:s4], [sflag:$0x5], $0x1, s1, s3, $0xb8;
	[tilespmem:$0x1B288] =	vst v63  }
0xfb: {  	_ =	swait.ge [sflag:s31], $0x3E8  }
0xfc: {  	[sflag:s31] =	ssyncset.done $0x0  }
0xfd: {  	s14 =	rddreg [dreg:$0xd];
	[sflag:s31] =	ssyncadd.s32 $0xFFFFFC18  }
0xfe: {  	[tilespmem:s1], [sflag:$0x2] =	stream.linear.gather [hbm4b:s14+s11], $0x3E8, $0x38;
	[tilespmem:$0x1B288] =	vst v63  }
0xff: {  	_ =	swait.ge [sflag:s2], $0x3E8  }
0x100: {  	[sflag:s2] =	ssyncset.done $0x0  }
0x101: {  	[sflag:s2] =	ssyncadd.s32 $0xFFFFFC18  }
0x102: {  	[spmem:s24] =	stream.indirect.scatter.add.f32 [tilespmem:s4], [sflag:$0x5], $0x1, s0, s3, $0xb8;
	[tilespmem:$0x1B288] =	vst v63  }
0x103: {  	_ =	swait.ge [sflag:s31], $0x3E8  }
0x104: {  	s14 =	sld [smem:$0x7F7]  }
0x105: {  	[sflag:s31] =	ssyncset.done $0x0  }
0x106: {  	[sflag:s31] =	ssyncadd.s32 $0xFFFFFC18  }
0x107: {  	[tilespmem:s0], [sflag:$0x1] =	stream.linear.gather [hbm4b:s14+s11], $0x3E8, $0x38;
	[tilespmem:$0x1B288] =	vst v63  }
0x108: {  	_ =	swait.ge [sflag:s5], $0x3E8  }
0x109: {  	[sflag:s5] =	ssyncset.done $0x0  }
0x10a: {  	[sflag:s5] =	ssyncadd.s32 $0xFFFFFC18  }
0x10b: {  	[spmem:s24] =	stream.indirect.scatter.add.f32 [tilespmem:s4], [sflag:$0x5], $0x1, s1, s3, $0xb8;
	[tilespmem:$0x1B288] =	vst v63  }
0x10c: {  	_ =	swait.ge [sflag:s31], $0x3E8  }
0x10d: {  	[sflag:s31] =	ssyncset.done $0x0  }
0x10e: {  	s14 =	rddreg [dreg:$0xe];
	[sflag:s31] =	ssyncadd.s32 $0xFFFFFC18  }
0x10f: {  	[tilespmem:s1], [sflag:$0x2] =	stream.linear.gather [hbm4b:s14+s11], $0x3E8, $0x38;
	[tilespmem:$0x1B288] =	vst v63  }
0x110: {  	_ =	swait.ge [sflag:s2], $0x3E8  }
0x111: {  	[sflag:s2] =	ssyncset.done $0x0  }
0x112: {  	[sflag:s2] =	ssyncadd.s32 $0xFFFFFC18  }
0x113: {  	[spmem:s24] =	stream.indirect.scatter.add.f32 [tilespmem:s4], [sflag:$0x5], $0x1, s0, s3, $0xb8;
	[tilespmem:$0x1B288] =	vst v63  }
0x114: {  	_ =	swait.ge [sflag:s31], $0x3E8  }
0x115: {  	[sflag:s31] =	ssyncset.done $0x0  }
0x116: {  	[sflag:s31] =	ssyncadd.s32 $0xFFFFFC18  }
0x117: {  	_ =	swait.ge [sflag:s5], $0x3E8  }
0x118: {  	[sflag:s5] =	ssyncset.done $0x0  }
0x119: {  	[sflag:s5] =	ssyncadd.s32 $0xFFFFFC18  }
0x11a: {  	[spmem:s24] =	stream.indirect.scatter.add.f32 [tilespmem:s4], [sflag:$0x5], $0x1, s1, s3, $0xb8;
	[tilespmem:$0x1B288] =	vst v63  }
0x11b: {  	_ =	swait.ge [sflag:s31], $0x3E8  }
0x11c: {  	[sflag:s31] =	ssyncset.done $0x0  }
0x11d: {  	[sflag:s31] =	ssyncadd.s32 $0xFFFFFC18  }
0x11e: {  	[bflag:$0x0] =	sbarrier.arrive $0xFFFF  }
0x11f: {  	[tilespmem:s23], [sflag:$0x5] =	stream.linear.gather [spmem:s29], $0x280, $0x38;
	[tilespmem:$0x1B288] =	vst v63  }
0x120: {  	_ =	swait.ge [sflag:s31], $0x280  }
0x121: {  	[sflag:s31] =	ssyncset.done $0x0  }
0x122: {  	s13 =	simm.s32 $0x40;
	s11 =	simm.s32 $0x0;
	[sflag:s31] =	ssyncadd.s32 $0xFFFFFD80  }
.LBB2_6:
0x123: {  	p1 =	sne.s32 s13, $0x9C0;
	v2 =	vld [tilespmem:s11+$0x10D88];
	_ =	sdelay $0x4  }
0x124: {  	v2 =	vadd.f32 $1.000000000e+00, v2;
	_ =	sdelay $0x1  }
0x125: {  	v3 =	vshrl.u32 v2, $0x1;
	v2 =	vmul.f32 $5.000000000e-01, v2  }
0x126: {  	v3 =	vsub.s32 $0x5F3759DF, v3  }
0x127: {  	v4 =	vmul.f32 v3, v2;
	_ =	sdelay $0x1  }
0x128: {  	v4 =	vmul.f32 v3, v4;
	_ =	sdelay $0x1  }
0x129: {  	v4 =	vsub.f32 $1.500000000e+00, v4;
	_ =	sdelay $0x1  }
0x12a: {  	v3 =	vmul.f32 v3, v4;
	_ =	sdelay $0x1  }
0x12b: {  	v4 =	vmul.f32 v3, v2;
	_ =	sdelay $0x1  }
0x12c: {  	v4 =	vmul.f32 v4, v3;
	_ =	sdelay $0x1  }
0x12d: {  	v4 =	vsub.f32 $1.500000000e+00, v4;
	_ =	sdelay $0x1  }
0x12e: {  	v3 =	vmul.f32 v4, v3;
	_ =	sdelay $0x1  }
0x12f: {  	v4 =	vmul.f32 v3, v2;
	_ =	sdelay $0x1  }
0x130: {  	v4 =	vmul.f32 v4, v3;
	_ =	sdelay $0x1  }
0x131: {  	v4 =	vsub.f32 $1.500000000e+00, v4;
	_ =	sdelay $0x1  }
0x132: {  	v3 =	vmul.f32 v4, v3;
	_ =	sdelay $0x1  }
0x133: {  	v2 =	vmul.f32 v3, v2;
	_ =	sdelay $0x1  }
0x134: {  	v2 =	vmul.f32 v2, v3;
	_ =	sdelay $0x1  }
.Ltmp2:
0x135: {  	v2 =	vsub.f32 $1.500000000e+00, v2;
	(pc) =	sbr.rel @p1 .LBB2_6-.Ltmp2, $3  }
0x136: {  	_ = 	snop  }
0x137: {  	v2 =	vmul.f32 v2, v3;
	_ =	sdelay $0x1  }
0x138: {  	[tilespmem:s11+$0x10D88] =	vst v2;
	s11 =	sshra.s32 s13, $0x2;
	s13 =	sadd.s32 $0x40, s13  }
0x139: {  	v2 =	vld [tilespmem:s11+$0x10D88];
	_ =	sdelay $0x4  }
0x13a: {  	v2 =	vadd.f32 $1.000000000e+00, v2;
	_ =	sdelay $0x1  }
0x13b: {  	v3 =	vshrl.u32 v2, $0x1;
	v2 =	vmul.f32 $5.000000000e-01, v2  }
0x13c: {  	v3 =	vsub.s32 $0x5F3759DF, v3  }
0x13d: {  	v4 =	vmul.f32 v3, v2;
	_ =	sdelay $0x1  }
0x13e: {  	v4 =	vmul.f32 v3, v4;
	_ =	sdelay $0x1  }
0x13f: {  	v4 =	vsub.f32 $1.500000000e+00, v4;
	_ =	sdelay $0x1  }
0x140: {  	v3 =	vmul.f32 v3, v4;
	_ =	sdelay $0x1  }
0x141: {  	v4 =	vmul.f32 v3, v2;
	_ =	sdelay $0x1  }
0x142: {  	v4 =	vmul.f32 v4, v3;
	_ =	sdelay $0x1  }
0x143: {  	v4 =	vsub.f32 $1.500000000e+00, v4;
	_ =	sdelay $0x1  }
0x144: {  	v3 =	vmul.f32 v4, v3;
	_ =	sdelay $0x1  }
0x145: {  	v4 =	vmul.f32 v3, v2;
	_ =	sdelay $0x1  }
0x146: {  	v4 =	vmul.f32 v4, v3;
	_ =	sdelay $0x1  }
0x147: {  	v4 =	vsub.f32 $1.500000000e+00, v4;
	_ =	sdelay $0x1  }
0x148: {  	v3 =	vmul.f32 v4, v3;
	_ =	sdelay $0x1  }
0x149: {  	v2 =	vmul.f32 v3, v2;
	_ =	sdelay $0x1  }
0x14a: {  	v2 =	vmul.f32 v2, v3;
	_ =	sdelay $0x1  }
0x14b: {  	v2 =	vsub.f32 $1.500000000e+00, v2;
	_ =	sdelay $0x1  }
0x14c: {  	v2 =	vmul.f32 v2, v3;
	_ =	sdelay $0x1  }
0x14d: {  	s13 =	simm.s32 @!p0 $0x10D88;
	s14 =	rddreg [dreg:$0xf];
	[tilespmem:s11+$0x10D88] =	vst v2;
	s11 =	simm.s32 @!p0 $0x0  }
0x14e: {  	[hbm4b:s14+s11] =	stream.linear.scatter @!p0 [tilespmem:s13], [sflag:$0x5], $0x280, $0x38;
	[tilespmem:$0x1B288] =	vst v63  }
0x14f: {  	s11 =	simm.s32 @!p0 $0x5  }
0x150: {  	_ =	swait.ge @!p0 [sflag:s11], $0x280  }
0x151: {  	s14 =	sld [smem:$0x7F8]  }
0x152: {  	[sflag:s11] =	ssyncset.done @!p0 $0x0  }
0x153: {  	[sflag:s11] =	ssyncadd.s32 @!p0 $0xFFFFFD80;
	s11 =	simm.s32 $0x0  }
0x154: {  	v2 =	vmov s11;
	[tilespmem:s25], [sflag:$0x5] =	stream.linear.gather [hbm4b:s14+s11], $0x5000, $0x38;
	[tilespmem:$0x1B288] =	vst v63  }
0x155: {  	_ =	swait.ge [sflag:s31], $0x5000  }
0x156: {  	[sflag:s31] =	ssyncset.done $0x0  }
0x157: {  	s11 =	simm.s32 $0x11018;
	[sflag:s31] =	ssyncadd.s32 $0xFFFFB000  }
0x158: {  	v3 =	vld [tilespmem:s11+$0xFFFFFFF0]  }
0x159: {  	v4 =	vld.idx.msk [tilespmem:v2+s23+$0x0], $0xffff  }
0x15a: {  	v5 =	vld [tilespmem:s11+$0x0];
	_ =	sdelay $0x2  }
0x15b: {  	s14 =	simm.s32 $0x1  }
0x15c: {  	s13 =	simm.s32 $0x11018;
	v2 =	vmov s14;
	s14 =	simm.s32 $0x2  }
.LBB2_8:
0x15d: {  	p1 =	sne.s32 s14, $0x27F;
	v3 =	vmul.f32 v3, v4;
	v4 =	vmul.f32 v5, v4;
	_ =	sdelay $0x1  }
0x15e: {  	s13 =	sadd.s32 $0x20, s13;
	[tilespmem:s11+$0xFFFFFFF0] =	vst v3  }
0x15f: {  	v3 =	vld [tilespmem:s13+$0xFFFFFFF0];
	[tilespmem:s11+$0x0] =	vst v4;
	s11 =	smov.u32 s13  }
0x160: {  	v4 =	vld.idx.msk [tilespmem:v2+s23+$0x0], $0xffff  }
.Ltmp3:
0x161: {  	v5 =	vld [tilespmem:s13+$0x0];
	(pc) =	sbr.rel @p1 .LBB2_8-.Ltmp3, $2  }
0x162: {  	_ =	sdelay $0x2  }
0x163: {  	v2 =	vmov s14;
	s14 =	sadd.s32 $0x1, s14  }
0x164: {  	v3 =	vmul.f32 v3, v4  }
0x165: {  	v63 =	vmul.f32 v5, v4  }
0x166: {  	s13 =	sadd.s32 $0x20, s13;
	[tilespmem:s11+$0xFFFFFFF0] =	vst v3  }
0x167: {  	v3 =	vld [tilespmem:s13+$0xFFFFFFF0];
	[tilespmem:s11+$0x0] =	vst v63  }
0x168: {  	v2 =	vld.idx.msk [tilespmem:v2+s23+$0x0], $0xffff  }
0x169: {  	v4 =	vld [tilespmem:s13+$0x0];
	_ =	sdelay $0x3  }
0x16a: {  	v3 =	vmul.f32 v3, v2  }
0x16b: {  	s14 =	sld [smem:$0x7FB];
	v2 =	vmul.f32 v4, v2  }
0x16c: {  	[tilespmem:s13+$0xFFFFFFF0] =	vst v3  }
0x16d: {  	[tilespmem:s13+$0x0] =	vst v2  }
0x16e: {  	[hbm4b:s14+s22] =	stream.linear.scatter [tilespmem:s25], [sflag:$0x5], $0x5000, $0x38;
	[tilespmem:$0x1B288] =	vst v63  }
0x16f: {  	_ =	swait.ge [sflag:s31], $0x5000  }
0x170: {  	[sflag:s31] =	ssyncset.done $0x0  }
0x171: {  	[sflag:s31] =	ssyncadd.s32 $0xFFFFB000  }
0x172: {  	[bflag:$0x0] =	sbarrier.arrive $0xFFFF  }
0x173: {  	[tilespmem:s22], [sflag:$0x5] =	stream.linear.gather [hbm4b:s12+s22], $0x3E8, $0x38;
	[tilespmem:$0x1B288] =	vst v63  }
0x174: {  	_ =	swait.ge [sflag:s31], $0x3E8  }
0x175: {  	s13 =	sld [smem:$0x7FC]  }
0x176: {  	[sflag:s31] =	ssyncset.done $0x0  }
0x177: {  	[sflag:s31] =	ssyncadd.s32 $0xFFFFFC18  }
0x178: {  	[tilespmem:s0], [sflag:$0x5] =	stream.linear.gather [hbm4b:s13+s22], $0x3E8, $0x38;
	[tilespmem:$0x1B288] =	vst v63  }
0x179: {  	_ =	swait.ge [sflag:s31], $0x3E8  }
0x17a: {  	[sflag:s31] =	ssyncset.done $0x0  }
0x17b: {  	[sflag:s31] =	ssyncadd.s32 $0xFFFFFC18  }
0x17c: {  	[tilespmem:s6], [sflag:$0x3] =	stream.indirect.gather [hbm4b:s28+s3], $0x20, s22, s3, $0xb8;
	[tilespmem:$0x1B288] =	vst v63  }
0x17d: {  	s14 =	rddreg [dreg:$0x10]  }
0x17e: {  	[tilespmem:s3], [sflag:$0x5] =	stream.linear.gather [hbm4b:s14+s22], $0x3E8, $0x38;
	[tilespmem:$0x1B288] =	vst v63  }
0x17f: {  	_ =	swait.ge [sflag:s31], $0x3E8  }
0x180: {  	[sflag:s31] =	ssyncset.done $0x0  }
0x181: {  	s13 =	rddreg [dreg:$0x11];
	[sflag:s31] =	ssyncadd.s32 $0xFFFFFC18  }
0x182: {  	[tilespmem:s1], [sflag:$0x5] =	stream.linear.gather [hbm4b:s13+s22], $0x3E8, $0x38;
	[tilespmem:$0x1B288] =	vst v63  }
0x183: {  	_ =	swait.ge [sflag:s31], $0x3E8  }
0x184: {  	[sflag:s31] =	ssyncset.done $0x0  }
0x185: {  	[sflag:s31] =	ssyncadd.s32 $0xFFFFFC18  }
0x186: {  	[tilespmem:s7], [sflag:$0x4] =	stream.indirect.gather [hbm4b:s28+s3], $0x20, s3, s3, $0xb8;
	[tilespmem:$0x1B288] =	vst v63  }
0x187: {  	_ =	swait.ge [sflag:s8], $0x7D00  }
0x188: {  	[sflag:s8] =	ssyncset.done $0x0  }
0x189: {  	[sflag:s8] =	ssyncadd.s32 $0xFFFF8300  }
0x18a: {  	[spmem:s26] =	stream.indirect.scatter.add.f32 [tilespmem:s6], [sflag:$0x5], $0x20, s0, s3, $0xb8;
	[tilespmem:$0x1B288] =	vst v63  }
0x18b: {  	_ =	swait.ge [sflag:s31], $0x7D00  }
0x18c: {  	s14 =	sld [smem:$0x7FD]  }
0x18d: {  	[sflag:s31] =	ssyncset.done $0x0  }
0x18e: {  	[sflag:s31] =	ssyncadd.s32 $0xFFFF8300  }
0x18f: {  	[tilespmem:s22], [sflag:$0x5] =	stream.linear.gather [hbm4b:s14+s22], $0x3E8, $0x38;
	[tilespmem:$0x1B288] =	vst v63  }
0x190: {  	_ =	swait.ge [sflag:s31], $0x3E8  }
0x191: {  	[sflag:s31] =	ssyncset.done $0x0  }
0x192: {  	[sflag:s31] =	ssyncadd.s32 $0xFFFFFC18  }
0x193: {  	[tilespmem:s0], [sflag:$0x5] =	stream.linear.gather [hbm4b:s15+s22], $0x3E8, $0x38;
	[tilespmem:$0x1B288] =	vst v63  }
0x194: {  	_ =	swait.ge [sflag:s31], $0x3E8  }
0x195: {  	[sflag:s31] =	ssyncset.done $0x0  }
0x196: {  	[sflag:s31] =	ssyncadd.s32 $0xFFFFFC18  }
0x197: {  	[tilespmem:s6], [sflag:$0x3] =	stream.indirect.gather [hbm4b:s28+s3], $0x20, s22, s3, $0xb8;
	[tilespmem:$0x1B288] =	vst v63  }
0x198: {  	_ =	swait.ge [sflag:s9], $0x7D00  }
0x199: {  	[sflag:s9] =	ssyncset.done $0x0  }
0x19a: {  	[sflag:s9] =	ssyncadd.s32 $0xFFFF8300  }
0x19b: {  	[spmem:s26] =	stream.indirect.scatter.add.f32 [tilespmem:s7], [sflag:$0x5], $0x20, s1, s3, $0xb8;
	[tilespmem:$0x1B288] =	vst v63  }
0x19c: {  	_ =	swait.ge [sflag:s31], $0x7D00  }
0x19d: {  	[sflag:s31] =	ssyncset.done $0x0  }
0x19e: {  	s13 =	rddreg [dreg:$0x12];
	[sflag:s31] =	ssyncadd.s32 $0xFFFF8300  }
0x19f: {  	[tilespmem:s3], [sflag:$0x5] =	stream.linear.gather [hbm4b:s13+s22], $0x3E8, $0x38;
	[tilespmem:$0x1B288] =	vst v63  }
0x1a0: {  	_ =	swait.ge [sflag:s31], $0x3E8  }
0x1a1: {  	[sflag:s31] =	ssyncset.done $0x0  }
0x1a2: {  	s14 =	rddreg [dreg:$0x13];
	[sflag:s31] =	ssyncadd.s32 $0xFFFFFC18  }
0x1a3: {  	[tilespmem:s1], [sflag:$0x5] =	stream.linear.gather [hbm4b:s14+s22], $0x3E8, $0x38;
	[tilespmem:$0x1B288] =	vst v63  }
0x1a4: {  	_ =	swait.ge [sflag:s31], $0x3E8  }
0x1a5: {  	[sflag:s31] =	ssyncset.done $0x0  }
0x1a6: {  	[sflag:s31] =	ssyncadd.s32 $0xFFFFFC18  }
0x1a7: {  	[tilespmem:s7], [sflag:$0x4] =	stream.indirect.gather [hbm4b:s28+s3], $0x20, s3, s3, $0xb8;
	[tilespmem:$0x1B288] =	vst v63  }
0x1a8: {  	_ =	swait.ge [sflag:s8], $0x7D00  }
0x1a9: {  	[sflag:s8] =	ssyncset.done $0x0  }
0x1aa: {  	[sflag:s8] =	ssyncadd.s32 $0xFFFF8300  }
0x1ab: {  	[spmem:s26] =	stream.indirect.scatter.add.f32 [tilespmem:s6], [sflag:$0x5], $0x20, s0, s3, $0xb8;
	[tilespmem:$0x1B288] =	vst v63  }
0x1ac: {  	_ =	swait.ge [sflag:s31], $0x7D00  }
0x1ad: {  	[sflag:s31] =	ssyncset.done $0x0  }
0x1ae: {  	[sflag:s31] =	ssyncadd.s32 $0xFFFF8300  }
0x1af: {  	[tilespmem:s22], [sflag:$0x5] =	stream.linear.gather [hbm4b:s16+s22], $0x3E8, $0x38;
	[tilespmem:$0x1B288] =	vst v63  }
0x1b0: {  	_ =	swait.ge [sflag:s31], $0x3E8  }
0x1b1: {  	[sflag:s31] =	ssyncset.done $0x0  }
0x1b2: {  	[sflag:s31] =	ssyncadd.s32 $0xFFFFFC18  }
0x1b3: {  	[tilespmem:s0], [sflag:$0x5] =	stream.linear.gather [hbm4b:s17+s22], $0x3E8, $0x38;
	[tilespmem:$0x1B288] =	vst v63  }
0x1b4: {  	_ =	swait.ge [sflag:s31], $0x3E8  }
0x1b5: {  	[sflag:s31] =	ssyncset.done $0x0  }
0x1b6: {  	[sflag:s31] =	ssyncadd.s32 $0xFFFFFC18  }
0x1b7: {  	[tilespmem:s6], [sflag:$0x3] =	stream.indirect.gather [hbm4b:s28+s3], $0x20, s22, s3, $0xb8;
	[tilespmem:$0x1B288] =	vst v63  }
0x1b8: {  	_ =	swait.ge [sflag:s9], $0x7D00  }
0x1b9: {  	[sflag:s9] =	ssyncset.done $0x0  }
0x1ba: {  	[sflag:s9] =	ssyncadd.s32 $0xFFFF8300  }
0x1bb: {  	[spmem:s26] =	stream.indirect.scatter.add.f32 [tilespmem:s7], [sflag:$0x5], $0x20, s1, s3, $0xb8;
	[tilespmem:$0x1B288] =	vst v63  }
0x1bc: {  	_ =	swait.ge [sflag:s31], $0x7D00  }
0x1bd: {  	[sflag:s31] =	ssyncset.done $0x0  }
0x1be: {  	s13 =	rddreg [dreg:$0x14];
	[sflag:s31] =	ssyncadd.s32 $0xFFFF8300  }
0x1bf: {  	[tilespmem:s3], [sflag:$0x5] =	stream.linear.gather [hbm4b:s13+s22], $0x3E8, $0x38;
	[tilespmem:$0x1B288] =	vst v63  }
0x1c0: {  	_ =	swait.ge [sflag:s31], $0x3E8  }
0x1c1: {  	[sflag:s31] =	ssyncset.done $0x0  }
0x1c2: {  	s14 =	rddreg [dreg:$0x15];
	[sflag:s31] =	ssyncadd.s32 $0xFFFFFC18  }
0x1c3: {  	[tilespmem:s1], [sflag:$0x5] =	stream.linear.gather [hbm4b:s14+s22], $0x3E8, $0x38;
	[tilespmem:$0x1B288] =	vst v63  }
0x1c4: {  	_ =	swait.ge [sflag:s31], $0x3E8  }
0x1c5: {  	[sflag:s31] =	ssyncset.done $0x0  }
0x1c6: {  	[sflag:s31] =	ssyncadd.s32 $0xFFFFFC18  }
0x1c7: {  	[tilespmem:s7], [sflag:$0x4] =	stream.indirect.gather [hbm4b:s28+s3], $0x20, s3, s3, $0xb8;
	[tilespmem:$0x1B288] =	vst v63  }
0x1c8: {  	_ =	swait.ge [sflag:s8], $0x7D00  }
0x1c9: {  	[sflag:s8] =	ssyncset.done $0x0  }
0x1ca: {  	[sflag:s8] =	ssyncadd.s32 $0xFFFF8300  }
0x1cb: {  	[spmem:s26] =	stream.indirect.scatter.add.f32 [tilespmem:s6], [sflag:$0x5], $0x20, s0, s3, $0xb8;
	[tilespmem:$0x1B288] =	vst v63  }
0x1cc: {  	_ =	swait.ge [sflag:s31], $0x7D00  }
0x1cd: {  	[sflag:s31] =	ssyncset.done $0x0  }
0x1ce: {  	[sflag:s31] =	ssyncadd.s32 $0xFFFF8300  }
0x1cf: {  	[tilespmem:s22], [sflag:$0x5] =	stream.linear.gather [hbm4b:s18+s22], $0x3E8, $0x38;
	[tilespmem:$0x1B288] =	vst v63  }
0x1d0: {  	_ =	swait.ge [sflag:s31], $0x3E8  }
0x1d1: {  	[sflag:s31] =	ssyncset.done $0x0  }
0x1d2: {  	[sflag:s31] =	ssyncadd.s32 $0xFFFFFC18  }
0x1d3: {  	[tilespmem:s0], [sflag:$0x5] =	stream.linear.gather [hbm4b:s19+s22], $0x3E8, $0x38;
	[tilespmem:$0x1B288] =	vst v63  }
0x1d4: {  	_ =	swait.ge [sflag:s31], $0x3E8  }
0x1d5: {  	[sflag:s31] =	ssyncset.done $0x0  }
0x1d6: {  	[sflag:s31] =	ssyncadd.s32 $0xFFFFFC18  }
0x1d7: {  	[tilespmem:s6], [sflag:$0x3] =	stream.indirect.gather [hbm4b:s28+s3], $0x20, s22, s3, $0xb8;
	[tilespmem:$0x1B288] =	vst v63  }
0x1d8: {  	_ =	swait.ge [sflag:s9], $0x7D00  }
0x1d9: {  	[sflag:s9] =	ssyncset.done $0x0  }
0x1da: {  	[sflag:s9] =	ssyncadd.s32 $0xFFFF8300  }
0x1db: {  	[spmem:s26] =	stream.indirect.scatter.add.f32 [tilespmem:s7], [sflag:$0x5], $0x20, s1, s3, $0xb8;
	[tilespmem:$0x1B288] =	vst v63  }
0x1dc: {  	_ =	swait.ge [sflag:s31], $0x7D00  }
0x1dd: {  	[sflag:s31] =	ssyncset.done $0x0  }
0x1de: {  	s13 =	rddreg [dreg:$0x16];
	[sflag:s31] =	ssyncadd.s32 $0xFFFF8300  }
0x1df: {  	[tilespmem:s3], [sflag:$0x5] =	stream.linear.gather [hbm4b:s13+s22], $0x3E8, $0x38;
	[tilespmem:$0x1B288] =	vst v63  }
0x1e0: {  	_ =	swait.ge [sflag:s31], $0x3E8  }
0x1e1: {  	[sflag:s31] =	ssyncset.done $0x0  }
0x1e2: {  	s14 =	rddreg [dreg:$0x17];
	[sflag:s31] =	ssyncadd.s32 $0xFFFFFC18  }
0x1e3: {  	[tilespmem:s1], [sflag:$0x5] =	stream.linear.gather [hbm4b:s14+s22], $0x3E8, $0x38;
	[tilespmem:$0x1B288] =	vst v63  }
0x1e4: {  	_ =	swait.ge [sflag:s31], $0x3E8  }
0x1e5: {  	[sflag:s31] =	ssyncset.done $0x0  }
0x1e6: {  	[sflag:s31] =	ssyncadd.s32 $0xFFFFFC18  }
0x1e7: {  	[tilespmem:s7], [sflag:$0x4] =	stream.indirect.gather [hbm4b:s28+s3], $0x20, s3, s3, $0xb8;
	[tilespmem:$0x1B288] =	vst v63  }
0x1e8: {  	_ =	swait.ge [sflag:s8], $0x7D00  }
0x1e9: {  	[sflag:s8] =	ssyncset.done $0x0  }
0x1ea: {  	[sflag:s8] =	ssyncadd.s32 $0xFFFF8300  }
0x1eb: {  	[spmem:s26] =	stream.indirect.scatter.add.f32 [tilespmem:s6], [sflag:$0x5], $0x20, s0, s3, $0xb8;
	[tilespmem:$0x1B288] =	vst v63  }
0x1ec: {  	_ =	swait.ge [sflag:s31], $0x7D00  }
0x1ed: {  	[sflag:s31] =	ssyncset.done $0x0  }
0x1ee: {  	[sflag:s31] =	ssyncadd.s32 $0xFFFF8300  }
0x1ef: {  	[tilespmem:s22], [sflag:$0x5] =	stream.linear.gather [hbm4b:s20+s22], $0x3E8, $0x38;
	[tilespmem:$0x1B288] =	vst v63  }
0x1f0: {  	_ =	swait.ge [sflag:s31], $0x3E8  }
0x1f1: {  	[sflag:s31] =	ssyncset.done $0x0  }
0x1f2: {  	[sflag:s31] =	ssyncadd.s32 $0xFFFFFC18  }
0x1f3: {  	[tilespmem:s0], [sflag:$0x5] =	stream.linear.gather [hbm4b:s21+s22], $0x3E8, $0x38;
	[tilespmem:$0x1B288] =	vst v63  }
0x1f4: {  	_ =	swait.ge [sflag:s31], $0x3E8  }
0x1f5: {  	[sflag:s31] =	ssyncset.done $0x0  }
0x1f6: {  	[sflag:s31] =	ssyncadd.s32 $0xFFFFFC18  }
0x1f7: {  	[tilespmem:s6], [sflag:$0x3] =	stream.indirect.gather [hbm4b:s28+s3], $0x20, s22, s3, $0xb8;
	[tilespmem:$0x1B288] =	vst v63  }
0x1f8: {  	_ =	swait.ge [sflag:s9], $0x7D00  }
0x1f9: {  	[sflag:s9] =	ssyncset.done $0x0  }
0x1fa: {  	[sflag:s9] =	ssyncadd.s32 $0xFFFF8300  }
0x1fb: {  	[spmem:s26] =	stream.indirect.scatter.add.f32 [tilespmem:s7], [sflag:$0x5], $0x20, s1, s3, $0xb8;
	[tilespmem:$0x1B288] =	vst v63  }
0x1fc: {  	_ =	swait.ge [sflag:s31], $0x7D00  }
0x1fd: {  	[sflag:s31] =	ssyncset.done $0x0  }
0x1fe: {  	s13 =	rddreg [dreg:$0x18];
	[sflag:s31] =	ssyncadd.s32 $0xFFFF8300  }
0x1ff: {  	[tilespmem:s3], [sflag:$0x5] =	stream.linear.gather [hbm4b:s13+s22], $0x3E8, $0x38;
	[tilespmem:$0x1B288] =	vst v63  }
0x200: {  	_ =	swait.ge [sflag:s31], $0x3E8  }
0x201: {  	[sflag:s31] =	ssyncset.done $0x0  }
0x202: {  	s14 =	rddreg [dreg:$0x19];
	[sflag:s31] =	ssyncadd.s32 $0xFFFFFC18  }
0x203: {  	[tilespmem:s1], [sflag:$0x5] =	stream.linear.gather [hbm4b:s14+s22], $0x3E8, $0x38;
	[tilespmem:$0x1B288] =	vst v63  }
0x204: {  	_ =	swait.ge [sflag:s31], $0x3E8  }
0x205: {  	[sflag:s31] =	ssyncset.done $0x0  }
0x206: {  	[sflag:s31] =	ssyncadd.s32 $0xFFFFFC18  }
0x207: {  	[tilespmem:s7], [sflag:$0x4] =	stream.indirect.gather [hbm4b:s28+s3], $0x20, s3, s3, $0xb8;
	[tilespmem:$0x1B288] =	vst v63  }
0x208: {  	_ =	swait.ge [sflag:s8], $0x7D00  }
0x209: {  	[sflag:s8] =	ssyncset.done $0x0  }
0x20a: {  	[sflag:s8] =	ssyncadd.s32 $0xFFFF8300  }
0x20b: {  	[spmem:s26] =	stream.indirect.scatter.add.f32 [tilespmem:s6], [sflag:$0x5], $0x20, s0, s3, $0xb8;
	[tilespmem:$0x1B288] =	vst v63  }
0x20c: {  	_ =	swait.ge [sflag:s31], $0x7D00  }
0x20d: {  	[sflag:s31] =	ssyncset.done $0x0  }
0x20e: {  	[sflag:s31] =	ssyncadd.s32 $0xFFFF8300  }
0x20f: {  	_ =	swait.ge [sflag:s9], $0x7D00  }
0x210: {  	[sflag:s9] =	ssyncset.done $0x0  }
0x211: {  	[sflag:s9] =	ssyncadd.s32 $0xFFFF8300  }
0x212: {  	[spmem:s26] =	stream.indirect.scatter.add.f32 [tilespmem:s7], [sflag:$0x5], $0x20, s1, s3, $0xb8;
	[tilespmem:$0x1B288] =	vst v63  }
0x213: {  	_ =	swait.ge [sflag:s31], $0x7D00  }
0x214: {  	[sflag:s31] =	ssyncset.done $0x0  }
0x215: {  	[sflag:s31] =	ssyncadd.s32 $0xFFFF8300  }
0x216: {  	[bflag:$0x0] =	sbarrier.arrive $0xFFFF  }
0x217: {  	[tilespmem:s25], [sflag:$0x5] =	stream.linear.gather [spmem:s30], $0x5000, $0x38;
	[tilespmem:$0x1B288] =	vst v63  }
0x218: {  	_ =	swait.ge [sflag:s31], $0x5000  }
0x219: {  	s13 =	sld [smem:$0x7F9]  }
0x21a: {  	[sflag:s31] =	ssyncset.done $0x0  }
0x21b: {  	[sflag:s31] =	ssyncadd.s32 $0xFFFFB000  }
0x21c: {  	[hbm4b:s13+s22] =	stream.linear.scatter [tilespmem:s25], [sflag:$0x5], $0x5000, $0x38;
	[tilespmem:$0x1B288] =	vst v63  }
0x21d: {  	_ =	swait.ge [sflag:s31], $0x5000  }
0x21e: {  	s14 =	sld [smem:$0x7FA];
	_ =	sdelay $0x1  }
0x21f: {  	s10 =	sadd.s32 $0x1, s10  }
0x220: {  	p1 =	sne.s32 s10, s14  }
.Ltmp4:
0x221: {  	_ = 	snop;
	(pc) =	sbr.rel @p1 .LBB2_1-.Ltmp4, $3  }
0x222: {  	_ =	sdelay $0x1  }
0x223: {  	[sflag:s31] =	ssyncset.done $0x0  }
0x224: {  	[sflag:s31] =	ssyncadd.s32 $0xFFFFB000  }
0x225: {  	_ =	sfence.sel $0x180000  }
0x226: {  	[bflag:$0x0] =	sbarrier.arrive $0xFFFF  }
0x227: {  	_ =	strace $0x90000047  }
0x228: {  	s0 =	stileid.u32;
	[bflag:$0x2] =	sbarrier.arrive $0xFFFF  }
0x229: {  	p0 =	sne.s32 s0, $0x0;
	s0 =	rddreg [dreg:$0x4]  }
0x22a: {  	s0 =	sadd.s32 @!p0 $0x100000, s0  }
0x22b: {  	[sflag:s0] =	ssyncadd.tile.s32 @!p0 $0x1;
	_ =	shalt  }
.Lfunc_end2:
_tile_overlayer_lowered:
.L_overlay_start_2:
0x22c: {  	(tag) =	ssettag $0x2  }
0x22d: {  	s0 =	rddreg [dreg:$0x0];
	s2 =	stileid.u32  }
0x22e: {  	s1 =	rddreg [dreg:$0x1];
	p0 =	sne.s32 s2, $0x0  }
0x22f: {  	s3 =	rddreg [dreg:$0x2];
	[bflag:$0x3] =	sbarrier.arrive $0xFFFF;
	s2 =	simm.s32 @!p0 $0x1C05  }
0x230: {  	[timem:s3], [sflag:s2] =	dma.local @!p0 [hbm:s0], s1  }
0x231: {  	s0 =	simm.s32 @!p0 $0x5  }
0x232: {  	_ =	swait.ge @!p0 [sflag:s0], s1  }
0x233: {  	s1 =	ssub.s32 @!p0 $0x0, s1;
	[sflag:s0] =	ssyncset.done @!p0 $0x0  }
0x234: {  	[sflag:s0] =	ssyncadd.s32 @!p0 s1  }
0x235: {  	[bflag:$0x3] =	sbarrier.arrive $0xFFFF  }
0x236: {  	_ =	shalt  }

</sc_bundles>
